<compile_context>
chip_gen: v7x
topology: tpu7x:2x2x1
jax: 0.10.2.dev20260603
libtpu: 0.0.44.dev20260713+nightly
codegen_flags: <defaults>
</compile_context>

<pallas_src>
import functools

import jax
import jax.numpy as jnp
from jax import lax
from jax.experimental import pallas as pl
from jax.experimental.pallas import tpu as pltpu
from jax.experimental.pallas import tpu_sc as plsc

HID = 256
N_NODES = 10000
NP = 10240
BR = 256
F32 = jnp.float32

NSUB = 16
NE2P = 327680
EPW = NE2P // NSUB
NCH = EPW // 128
RPW = NP // NSUB


def _leaky(x):
    return jnp.where(x >= 0, x, 0.01 * x)


def _dot(x, w):
    return jax.lax.dot_general(x, w, (((1,), (0,)), ((), ())),
                               preferred_element_type=F32)



def _mlp1_body(v_ref, w1, b1, w2, b2, w3, b3, w4, b4, feat_ref):
    x = v_ref[...]
    h = _leaky(_dot(x, w1[...]) + b1[...])
    h = _leaky(_dot(h, w2[...]) + b2[...])
    h = _leaky(_dot(h, w3[...]) + b3[...])
    h = _leaky(_dot(h, w4[...]) + b4[...])
    feat_ref[:, :HID] = h
    feat_ref[:, HID:] = x


def _mlp1_call(verts_p, ws):
    n = verts_p.shape[0]
    grid = (n // BR,)
    row = lambda i: (i, 0)
    zero = lambda i: (0, 0)
    in_specs = [pl.BlockSpec((BR, 128), row)]
    for (w, b) in ws:
        in_specs.append(pl.BlockSpec(w.shape, zero))
        in_specs.append(pl.BlockSpec(b.shape, zero))
    args = [verts_p]
    for (w, b) in ws:
        args += [w, b]
    return pl.pallas_call(
        _mlp1_body,
        grid=grid,
        in_specs=in_specs,
        out_specs=pl.BlockSpec((BR, HID + 128), row),
        out_shape=jax.ShapeDtypeStruct((n, HID + 128), F32),
    )(*args)



def _gconv_a_body(fin_ref, agg_ref, w1, b1, feat_ref, v1s_ref):
    agg = jnp.concatenate([agg_ref[0], agg_ref[1]], axis=-1)
    feat = jax.nn.relu(fin_ref[...] + agg)
    feat_ref[...] = feat
    v1 = _dot(feat, w1[...]) + b1[...]
    v1s_ref[0] = v1[:, :128]
    v1s_ref[1] = v1[:, 128:]


def _gconv_a_call(fin, agg_s, w1, b1):
    n = fin.shape[0]
    grid = (n // BR,)
    row = lambda i: (i, 0)
    row3 = lambda i: (0, i, 0)
    zero = lambda i: (0, 0)
    return pl.pallas_call(
        _gconv_a_body,
        grid=grid,
        in_specs=[pl.BlockSpec((BR, HID), row),
                  pl.BlockSpec((2, BR, 128), row3),
                  pl.BlockSpec(w1.shape, zero),
                  pl.BlockSpec(b1.shape, zero)],
        out_specs=[pl.BlockSpec((BR, HID), row),
                   pl.BlockSpec((2, BR, 128), row3)],
        out_shape=[jax.ShapeDtypeStruct((n, HID), F32),
                   jax.ShapeDtypeStruct((2, n, 128), F32)],
    )(fin, agg_s, w1, b1)


def _gconv_first_body(fin_ref, w1, b1, v1s_ref):
    v1 = _dot(fin_ref[...], w1[...]) + b1[...]
    v1s_ref[0] = v1[:, :128]
    v1s_ref[1] = v1[:, 128:]


def _gconv_first_call(featp, w1, b1):
    n = featp.shape[0]
    grid = (n // BR,)
    row = lambda i: (i, 0)
    row3 = lambda i: (0, i, 0)
    zero = lambda i: (0, 0)
    return pl.pallas_call(
        _gconv_first_body,
        grid=grid,
        in_specs=[pl.BlockSpec((BR, featp.shape[1]), row),
                  pl.BlockSpec(w1.shape, zero),
                  pl.BlockSpec(b1.shape, zero)],
        out_specs=pl.BlockSpec((2, BR, 128), row3),
        out_shape=jax.ShapeDtypeStruct((2, n, 128), F32),
    )(featp, w1, b1)


def _matmul_body(x_ref, w, b, o_ref):
    o_ref[...] = _dot(x_ref[...], w[...]) + b[...]


def _matmul_call(x, w, b):
    n = x.shape[0]
    grid = (n // BR,)
    row = lambda i: (i, 0)
    zero = lambda i: (0, 0)
    return pl.pallas_call(
        _matmul_body,
        grid=grid,
        in_specs=[pl.BlockSpec((BR, x.shape[1]), row),
                  pl.BlockSpec(w.shape, zero),
                  pl.BlockSpec(b.shape, zero)],
        out_specs=pl.BlockSpec((BR, w.shape[1]), row),
        out_shape=jax.ShapeDtypeStruct((n, w.shape[1]), F32),
    )(x, w, b)



def _mlp3_body(v0_ref, agg_ref, w1, b1, w2, b2, w3, b3, w4, b4, out_ref):
    agg = jnp.concatenate([agg_ref[0], agg_ref[1]], axis=-1)
    h = jax.nn.relu(v0_ref[...] + agg)
    h = _leaky(_dot(h, w1[...]) + b1[...])
    h = _leaky(_dot(h, w2[...]) + b2[...])
    h = _leaky(_dot(h, w3[...]) + b3[...])
    h = _dot(h, w4[...]) + b4[...]
    out_ref[...] = h


def _mlp3_call(v0, agg_s, ws):
    n = v0.shape[0]
    grid = (n // BR,)
    row = lambda i: (i, 0)
    row3 = lambda i: (0, i, 0)
    zero = lambda i: (0, 0)
    in_specs = [pl.BlockSpec((BR, HID), row),
                pl.BlockSpec((2, BR, 128), row3)]
    args = [v0, agg_s]
    for (w, b) in ws:
        in_specs.append(pl.BlockSpec(w.shape, zero))
        in_specs.append(pl.BlockSpec(b.shape, zero))
        args += [w, b]
    return pl.pallas_call(
        _mlp3_body,
        grid=grid,
        in_specs=in_specs,
        out_specs=pl.BlockSpec((BR, 128), row),
        out_shape=jax.ShapeDtypeStruct((n, 128), F32),
    )(*args)



NCHB = 32
NBLK = NCH // NCHB


def _agg_body(v1_hbm, g_hbm, s_hbm, z_hbm, out_hbm,
              gidx_v, sidx_v, rows_a, rows_b, acc_sh,
              sem_a, sem_b, sem_sa, sem_sb):
    c = lax.axis_index("c")
    s = lax.axis_index("s")
    pltpu.sync_copy(z_hbm, acc_sh.at[pl.ds(s * RPW, RPW)])
    plsc.subcore_barrier()

    def blk(b, _):
        pltpu.sync_copy(g_hbm.at[c, s, pl.ds(b * NCHB, NCHB)], gidx_v)
        pltpu.sync_copy(s_hbm.at[s, pl.ds(b * NCHB, NCHB)], sidx_v)
        pltpu.async_copy(v1_hbm.at[gidx_v.at[0]], rows_a, sem_a)

        def pair(i, _):
            j = 2 * i
            pltpu.async_copy(v1_hbm.at[gidx_v.at[j + 1]], rows_b, sem_b)
            pltpu.make_async_copy(v1_hbm.at[gidx_v.at[j]], rows_a,
                                  sem_a).wait()
            pltpu.sync_copy(rows_a, acc_sh.at[sidx_v.at[j]], add=True)
            pltpu.async_copy(v1_hbm.at[gidx_v.at[(j + 2) % NCHB]],
                             rows_a, sem_a)
            pltpu.make_async_copy(v1_hbm.at[gidx_v.at[j + 1]], rows_b,
                                  sem_b).wait()
            pltpu.sync_copy(rows_b, acc_sh.at[sidx_v.at[j + 1]], add=True)
            return 0

        lax.fori_loop(0, NCHB // 2, pair, 0)
        pltpu.make_async_copy(v1_hbm.at[gidx_v.at[0]], rows_a, sem_a).wait()
        return 0

    lax.fori_loop(0, NBLK, blk, 0)
    plsc.subcore_barrier()
    pltpu.sync_copy(acc_sh.at[pl.ds(s * RPW, RPW)],
                    out_hbm.at[c, pl.ds(s * RPW, RPW)])


_AGG_CALL = pl.kernel(
    _agg_body,
    out_type=jax.ShapeDtypeStruct((2, NP, 128), F32),
    mesh=plsc.VectorSubcoreMesh(core_axis_name="c", subcore_axis_name="s"),
    scratch_types=[
        pltpu.VMEM((NCHB, 128), jnp.int32),
        pltpu.VMEM((NCHB, 128), jnp.int32),
        pltpu.VMEM((128, 128), F32),
        pltpu.VMEM((128, 128), F32),
        pltpu.VMEM_SHARED((NP, 128), F32),
        pltpu.SemaphoreType.DMA,
        pltpu.SemaphoreType.DMA,
        pltpu.SemaphoreType.DMA,
        pltpu.SemaphoreType.DMA,
    ],
)


def _edge_indices(edges):
    src = edges[:, 0]
    dst = edges[:, 1]
    gidx = jnp.concatenate([dst, src])
    sidx = jnp.concatenate([src, dst])
    npad = NE2P - gidx.shape[0]
    padi = N_NODES + (jnp.arange(npad, dtype=jnp.int32) % (NP - N_NODES))
    gidx = jnp.concatenate([gidx, padi])
    sidx = jnp.concatenate([sidx, padi])
    g2 = jnp.stack([gidx, gidx + NP]).reshape(2, NSUB, NCH, 128)
    s2 = sidx.reshape(NSUB, NCH, 128)
    return g2, s2



def _pad2(w, r, c):
    return jnp.pad(w, ((0, r - w.shape[0]), (0, c - w.shape[1])))


def _prep(params):
    mlp1 = []
    for (w, b) in params["mlp1"]:
        mlp1.append((_pad2(w, max(128, w.shape[0]), w.shape[1]),
                     b[None, :]))
    gconv = []
    for i, (w0, b0, w1, b1) in enumerate(params["gconv"]):
        if i == 0:
            w0 = _pad2(w0, 384, HID)
            w1 = _pad2(w1, 384, HID)
        gconv.append((w0, b0[None, :], w1, b1[None, :]))
    mlp3 = []
    for (w, b) in params["mlp3"]:
        mlp3.append((_pad2(w, max(128, w.shape[0]), 128),
                     _pad2(b[None, :], 1, 128)))
    return mlp1, gconv, mlp3



def kernel(verts, edges, params):
    mlp1, gconv, mlp3 = _prep(params)
    v3 = verts.reshape(-1, 3)
    verts_p = jnp.pad(v3, ((0, NP - N_NODES), (0, 128 - 3)))

    featp = _mlp1_call(verts_p, mlp1)

    g2, s2 = _edge_indices(edges)
    zeros_blk = jnp.zeros((RPW, 128), F32)

    fin = featp
    agg_s = None
    for li, (w0, b0, w1, b1) in enumerate(gconv):
        if li == 0:
            feat = featp
            v1s = _gconv_first_call(featp, w1, b1)
        else:
            feat, v1s = _gconv_a_call(fin, agg_s, w1, b1)
        agg_s = _AGG_CALL(v1s.reshape(2 * NP, 128), g2, s2, zeros_blk)
        fin = _matmul_call(feat, w0, b0)

    out = _mlp3_call(fin, agg_s, mlp3)
    return out[:N_NODES, :3]

# --- scband reference (transcript-rebuilt; emitter-appended) ---
"""Pipeline reference for scband-deformation-network-gcn-hybrid-36335423324702 (READ-ONLY COPY).

The authoritative reference and input builder live on the scoring server;
editing this copy changes nothing except your own understanding.
"""

import jax, jax.numpy as jnp
import numpy as np

HID = 256
N_NODES = 10000
N_EDGES = 160000

def _linear(key, din, dout):
    k1, k2 = jax.random.split(key)
    lim = 1.0 / np.sqrt(din)
    w = jax.random.uniform(k1, (din, dout), minval=-lim, maxval=lim, dtype=jnp.float32)
    b = jax.random.uniform(k2, (dout,), minval=-lim, maxval=lim, dtype=jnp.float32)
    return (w, b)

def setup_inputs(seed: int = 0):
    key = jax.random.key(seed)
    keys = jax.random.split(key, 40)
    verts = jax.random.normal(keys[0], (1, N_NODES, 3), dtype=jnp.float32)
    edges = jax.random.randint(keys[1], (N_EDGES, 2), 0, N_NODES, dtype=jnp.int32)
    ki = 2
    mlp1 = []
    dims1 = [3, 512, 512, HID, HID]
    for i in range(4):
        mlp1.append(_linear(keys[ki], dims1[i], dims1[i + 1]))
        ki += 1
    gconv = []
    gin = [3 + HID] + [HID] * 9
    for i in range(10):
        w0, b0 = _linear(keys[ki], gin[i], HID)
        ki += 1
        w1, b1 = _linear(keys[ki], gin[i], HID)
        ki += 1
        gconv.append((w0, b0, w1, b1))
    mlp3 = []
    dims3 = [HID, 128, 64, 32, 3]
    for i in range(4):
        mlp3.append(_linear(keys[ki], dims3[i], dims3[i + 1]))
        ki += 1
    params = {"mlp1": mlp1, "gconv": gconv, "mlp3": mlp3}
    return {"verts": verts, "edges": edges, "params": params}

def _leaky(x):
    return jnp.where(x >= 0, x, 0.01 * x)

def _forward(verts, edges, params):
    B = verts.shape[0]
    h = verts
    for (w, b) in params["mlp1"]:
        h = _leaky(h @ w + b)
    feat = jnp.concatenate([h.reshape(-1, HID), verts.reshape(-1, 3)], axis=1)
    src = edges[:, 0]
    dst = edges[:, 1]
    for (w0, b0, w1, b1) in params["gconv"]:
        v0 = feat @ w0 + b0
        v1 = feat @ w1 + b1
        agg = jnp.zeros_like(v0).at[src].add(v1[dst]).at[dst].add(v1[src])
        feat = jax.nn.relu(v0 + agg)
    h = feat.reshape(B, -1, HID)
    n3 = len(params["mlp3"])
    for i, (w, b) in enumerate(params["mlp3"]):
        h = h @ w + b
        if i < n3 - 1:
            h = _leaky(h)
    return h.reshape(-1, 3)

def reference(verts, edges, params):
    return _forward(verts, edges, params)

if __name__ == "__main__":
    import jax
    _d = setup_inputs()
    print(jax.jit(kernel)(*tuple(_d.values())))

</pallas_src>

<mosaic_0001>
#map = affine_map<(d0, d1) -> (0, 0)>
#map1 = affine_map<(d0, d1) -> (0, 0, 0, 0)>
#map2 = affine_map<(d0, d1) -> (0, 0, 0)>
module attributes {stable_mosaic.version = 14 : i64} {
  func.func @_agg_body(%arg0: i32, %arg1: i32, %arg2: memref<20480x128xf32, #tpu.memory_space<hbm>>, %arg3: memref<2x16x160x128xi32, #tpu.memory_space<hbm>>, %arg4: memref<16x160x128xi32, #tpu.memory_space<hbm>>, %arg5: memref<640x128xf32, #tpu.memory_space<hbm>>, %arg6: memref<2x10240x128xf32, #tpu.memory_space<hbm>>, %arg7: memref<32x128xi32, #tpu.memory_space<vmem>>, %arg8: memref<32x128xi32, #tpu.memory_space<vmem>>, %arg9: memref<128x128xf32, #tpu.memory_space<vmem>>, %arg10: memref<128x128xf32, #tpu.memory_space<vmem>>, %arg11: memref<10240x128xf32, #tpu.memory_space<vmem_shared>>, %arg12: memref<!tpu.dma_semaphore, #tpu.memory_space<semaphore_mem>>, %arg13: memref<!tpu.dma_semaphore, #tpu.memory_space<semaphore_mem>>, %arg14: memref<!tpu.dma_semaphore, #tpu.memory_space<semaphore_mem>>, %arg15: memref<!tpu.dma_semaphore, #tpu.memory_space<semaphore_mem>>) attributes {dimension_semantics = [#tpu.dimension_semantics<core_parallel>, #tpu.dimension_semantics<subcore_parallel>], iteration_bounds = array<i64: 2, 16>, scalar_prefetch = 0 : i64, scratch_operands = 9 : i64, tpu.core_type = #tpu.core_type<sc_vector_subcore>, window_params = [{transform_indices = #map}, {transform_indices = #map1}, {transform_indices = #map2}, {transform_indices = #map}, {transform_indices = #map2}]} {
    %mul3A = arith.constant 640 : i32
    %mul3A_0 = arith.muli %arg1, %mul3A : i32
    "tpu.region"() ({
      %run_scoped3A = tpu.sem_alloc : memref<!tpu.dma_semaphore, #tpu.memory_space<semaphore_mem>>
      %dma_start3A = arith.constant 0 : i32
      %dma_start3A_12 = tpu.memref_slice %arg11[%mul3A_0, %dma_start3A] : memref<10240x128xf32, #tpu.memory_space<vmem_shared>> -> memref<640x128xf32, #tpu.memory_space<vmem_shared>>
      tpu.enqueue_dma source(%arg5 : memref<640x128xf32, #tpu.memory_space<hbm>>) target(%dma_start3A_12 : memref<640x128xf32, #tpu.memory_space<vmem_shared>>) target_semaphore(%run_scoped3A : memref<!tpu.dma_semaphore, #tpu.memory_space<semaphore_mem>>)
      %dma_wait3A = arith.constant 0 : i32
      %dma_wait3A_13 = tpu.memref_slice %arg11[%mul3A_0, %dma_wait3A] : memref<10240x128xf32, #tpu.memory_space<vmem_shared>> -> memref<640x128xf32, #tpu.memory_space<vmem_shared>>
      tpu.wait_dma2 semaphore(%run_scoped3A : memref<!tpu.dma_semaphore, #tpu.memory_space<semaphore_mem>>) src(%arg5 : memref<640x128xf32, #tpu.memory_space<hbm>>) dst(%dma_wait3A_13 : memref<640x128xf32, #tpu.memory_space<vmem_shared>>)
      tpu.yield
    }) : () -> ()
    %barrier3A = arith.constant 0 : index
    tpu.barrier barrier_id(%barrier3A)
    %scan3A = arith.constant 0 : i32
    %scan3A_1 = arith.constant 0 : i32
    %scan3A_2 = arith.constant 5 : i32
    %scan3A_3 = arith.addi %scan3A_1, %scan3A_2 : i32
    %scan3A_4 = arith.constant 1 : i32
    %scan3A_5 = scf.for %scan3A_12 = %scan3A_1 to %scan3A_3 step %scan3A_4 iter_args(%scan3A_13 = %scan3A) -> (i32)  : i32 {
      %mul3A_14 = arith.constant 32 : i32
      %mul3A_15 = arith.muli %scan3A_12, %mul3A_14 : i32
      "tpu.region"() ({
        %run_scoped3A = tpu.sem_alloc : memref<!tpu.dma_semaphore, #tpu.memory_space<semaphore_mem>>
        %dma_start3A_38 = arith.constant 0 : i32
        %dma_start3A_39 = tpu.memref_slice %arg3[%arg0, %arg1, %mul3A_15, %dma_start3A_38] : memref<2x16x160x128xi32, #tpu.memory_space<hbm>> -> memref<1x1x32x128xi32, #tpu.memory_space<hbm>>
        %dma_start3A_40 = tpu.memref_squeeze %dma_start3A_39 : memref<1x1x32x128xi32, #tpu.memory_space<hbm>> -> memref<32x128xi32, #tpu.memory_space<hbm>>
        %dma_start3A_41 = arith.constant 0 : i32
        %dma_start3A_42 = tpu.memref_slice %arg3[%arg0, %arg1, %mul3A_15, %dma_start3A_41] : memref<2x16x160x128xi32, #tpu.memory_space<hbm>> -> memref<1x1x32x128xi32, #tpu.memory_space<hbm>>
        %dma_start3A_43 = tpu.memref_squeeze %dma_start3A_42 : memref<1x1x32x128xi32, #tpu.memory_space<hbm>> -> memref<32x128xi32, #tpu.memory_space<hbm>>
        tpu.enqueue_dma source(%dma_start3A_43 : memref<32x128xi32, #tpu.memory_space<hbm>>) target(%arg7 : memref<32x128xi32, #tpu.memory_space<vmem>>) target_semaphore(%run_scoped3A : memref<!tpu.dma_semaphore, #tpu.memory_space<semaphore_mem>>)
        %dma_wait3A_44 = arith.constant 0 : i32
        %dma_wait3A_45 = tpu.memref_slice %arg3[%arg0, %arg1, %mul3A_15, %dma_wait3A_44] : memref<2x16x160x128xi32, #tpu.memory_space<hbm>> -> memref<1x1x32x128xi32, #tpu.memory_space<hbm>>
        %dma_wait3A_46 = tpu.memref_squeeze %dma_wait3A_45 : memref<1x1x32x128xi32, #tpu.memory_space<hbm>> -> memref<32x128xi32, #tpu.memory_space<hbm>>
        %dma_wait3A_47 = arith.constant 0 : i32
        %dma_wait3A_48 = tpu.memref_slice %arg3[%arg0, %arg1, %mul3A_15, %dma_wait3A_47] : memref<2x16x160x128xi32, #tpu.memory_space<hbm>> -> memref<1x1x32x128xi32, #tpu.memory_space<hbm>>
        %dma_wait3A_49 = tpu.memref_squeeze %dma_wait3A_48 : memref<1x1x32x128xi32, #tpu.memory_space<hbm>> -> memref<32x128xi32, #tpu.memory_space<hbm>>
        tpu.wait_dma2 semaphore(%run_scoped3A : memref<!tpu.dma_semaphore, #tpu.memory_space<semaphore_mem>>) src(%dma_wait3A_49 : memref<32x128xi32, #tpu.memory_space<hbm>>) dst(%arg7 : memref<32x128xi32, #tpu.memory_space<vmem>>)
        tpu.yield
      }) : () -> ()
      %mul3A_16 = arith.constant 32 : i32
      %mul3A_17 = arith.muli %scan3A_12, %mul3A_16 : i32
      "tpu.region"() ({
        %run_scoped3A = tpu.sem_alloc : memref<!tpu.dma_semaphore, #tpu.memory_space<semaphore_mem>>
        %dma_start3A_38 = arith.constant 0 : i32
        %dma_start3A_39 = tpu.memref_slice %arg4[%arg1, %mul3A_17, %dma_start3A_38] : memref<16x160x128xi32, #tpu.memory_space<hbm>> -> memref<1x32x128xi32, #tpu.memory_space<hbm>>
        %dma_start3A_40 = tpu.memref_squeeze %dma_start3A_39 : memref<1x32x128xi32, #tpu.memory_space<hbm>> -> memref<32x128xi32, #tpu.memory_space<hbm>>
        %dma_start3A_41 = arith.constant 0 : i32
        %dma_start3A_42 = tpu.memref_slice %arg4[%arg1, %mul3A_17, %dma_start3A_41] : memref<16x160x128xi32, #tpu.memory_space<hbm>> -> memref<1x32x128xi32, #tpu.memory_space<hbm>>
        %dma_start3A_43 = tpu.memref_squeeze %dma_start3A_42 : memref<1x32x128xi32, #tpu.memory_space<hbm>> -> memref<32x128xi32, #tpu.memory_space<hbm>>
        tpu.enqueue_dma source(%dma_start3A_43 : memref<32x128xi32, #tpu.memory_space<hbm>>) target(%arg8 : memref<32x128xi32, #tpu.memory_space<vmem>>) target_semaphore(%run_scoped3A : memref<!tpu.dma_semaphore, #tpu.memory_space<semaphore_mem>>)
        %dma_wait3A_44 = arith.constant 0 : i32
        %dma_wait3A_45 = tpu.memref_slice %arg4[%arg1, %mul3A_17, %dma_wait3A_44] : memref<16x160x128xi32, #tpu.memory_space<hbm>> -> memref<1x32x128xi32, #tpu.memory_space<hbm>>
        %dma_wait3A_46 = tpu.memref_squeeze %dma_wait3A_45 : memref<1x32x128xi32, #tpu.memory_space<hbm>> -> memref<32x128xi32, #tpu.memory_space<hbm>>
        %dma_wait3A_47 = arith.constant 0 : i32
        %dma_wait3A_48 = tpu.memref_slice %arg4[%arg1, %mul3A_17, %dma_wait3A_47] : memref<16x160x128xi32, #tpu.memory_space<hbm>> -> memref<1x32x128xi32, #tpu.memory_space<hbm>>
        %dma_wait3A_49 = tpu.memref_squeeze %dma_wait3A_48 : memref<1x32x128xi32, #tpu.memory_space<hbm>> -> memref<32x128xi32, #tpu.memory_space<hbm>>
        tpu.wait_dma2 semaphore(%run_scoped3A : memref<!tpu.dma_semaphore, #tpu.memory_space<semaphore_mem>>) src(%dma_wait3A_49 : memref<32x128xi32, #tpu.memory_space<hbm>>) dst(%arg8 : memref<32x128xi32, #tpu.memory_space<vmem>>)
        tpu.yield
      }) : () -> ()
      %dma_start3A = arith.constant 0 : i32
      %dma_start3A_18 = arith.constant 0 : i32
      %dma_start3A_19 = tpu.memref_slice %arg7[%dma_start3A, %dma_start3A_18] : memref<32x128xi32, #tpu.memory_space<vmem>> -> memref<1x128xi32, #tpu.memory_space<vmem>>
      %dma_start3A_20 = tpu.memref_squeeze %dma_start3A_19 : memref<1x128xi32, #tpu.memory_space<vmem>> -> memref<128xi32, #tpu.memory_space<vmem>>
      %dma_start3A_21 = arith.constant 0 : i32
      %dma_start3A_22 = arith.constant 0 : i32
      %dma_start3A_23 = tpu.memref_slice %arg2[%dma_start3A_21, %dma_start3A_22] : memref<20480x128xf32, #tpu.memory_space<hbm>> -> memref<20480x128xf32, #tpu.memory_space<hbm>>
      tpu.enqueue_indirect_dma source(%dma_start3A_23 : memref<20480x128xf32, #tpu.memory_space<hbm>>) target(%arg9 : memref<128x128xf32, #tpu.memory_space<vmem>>) offsets(%dma_start3A_20 : memref<128xi32, #tpu.memory_space<vmem>>) semaphore(%arg12 : memref<!tpu.dma_semaphore, #tpu.memory_space<semaphore_mem>>)
      %scan3A_24 = arith.constant 0 : i32
      %scan3A_25 = arith.constant 0 : i32
      %scan3A_26 = arith.constant 16 : i32
      %scan3A_27 = arith.addi %scan3A_25, %scan3A_26 : i32
      %scan3A_28 = arith.constant 1 : i32
      %scan3A_29 = scf.for %scan3A_38 = %scan3A_25 to %scan3A_27 step %scan3A_28 iter_args(%scan3A_39 = %scan3A_24) -> (i32)  : i32 {
        %mul3A_40 = arith.constant 2 : i32
        %mul3A_41 = arith.muli %mul3A_40, %scan3A_38 : i32
        %add3A = arith.constant 1 : i32
        %add3A_42 = arith.addi %mul3A_41, %add3A : i32
        %dma_start3A_43 = arith.constant 0 : i32
        %dma_start3A_44 = tpu.memref_slice %arg7[%add3A_42, %dma_start3A_43] : memref<32x128xi32, #tpu.memory_space<vmem>> -> memref<1x128xi32, #tpu.memory_space<vmem>>
        %dma_start3A_45 = tpu.memref_squeeze %dma_start3A_44 : memref<1x128xi32, #tpu.memory_space<vmem>> -> memref<128xi32, #tpu.memory_space<vmem>>
        %dma_start3A_46 = arith.constant 0 : i32
        %dma_start3A_47 = arith.constant 0 : i32
        %dma_start3A_48 = tpu.memref_slice %arg2[%dma_start3A_46, %dma_start3A_47] : memref<20480x128xf32, #tpu.memory_space<hbm>> -> memref<20480x128xf32, #tpu.memory_space<hbm>>
        tpu.enqueue_indirect_dma source(%dma_start3A_48 : memref<20480x128xf32, #tpu.memory_space<hbm>>) target(%arg10 : memref<128x128xf32, #tpu.memory_space<vmem>>) offsets(%dma_start3A_45 : memref<128xi32, #tpu.memory_space<vmem>>) semaphore(%arg13 : memref<!tpu.dma_semaphore, #tpu.memory_space<semaphore_mem>>)
        %dma_wait3A_49 = arith.constant 0 : i32
        %dma_wait3A_50 = tpu.memref_slice %arg7[%mul3A_41, %dma_wait3A_49] : memref<32x128xi32, #tpu.memory_space<vmem>> -> memref<1x128xi32, #tpu.memory_space<vmem>>
        %dma_wait3A_51 = tpu.memref_squeeze %dma_wait3A_50 : memref<1x128xi32, #tpu.memory_space<vmem>> -> memref<128xi32, #tpu.memory_space<vmem>>
        %dma_wait3A_52 = arith.constant 0 : i32
        %dma_wait3A_53 = arith.constant 0 : i32
        %dma_wait3A_54 = tpu.memref_slice %arg2[%dma_wait3A_52, %dma_wait3A_53] : memref<20480x128xf32, #tpu.memory_space<hbm>> -> memref<20480x128xf32, #tpu.memory_space<hbm>>
        tpu.wait_indirect_dma semaphore(%arg12 : memref<!tpu.dma_semaphore, #tpu.memory_space<semaphore_mem>>) src(%dma_wait3A_54 : memref<20480x128xf32, #tpu.memory_space<hbm>>) dst(%arg9 : memref<128x128xf32, #tpu.memory_space<vmem>>)
        "tpu.region"() ({
          %run_scoped3A = tpu.sem_alloc : memref<!tpu.dma_semaphore, #tpu.memory_space<semaphore_mem>>
          %dma_start3A_83 = arith.constant 0 : i32
          %dma_start3A_84 = tpu.memref_slice %arg8[%mul3A_41, %dma_start3A_83] : memref<32x128xi32, #tpu.memory_space<vmem>> -> memref<1x128xi32, #tpu.memory_space<vmem>>
          %dma_start3A_85 = tpu.memref_squeeze %dma_start3A_84 : memref<1x128xi32, #tpu.memory_space<vmem>> -> memref<128xi32, #tpu.memory_space<vmem>>
          %dma_start3A_86 = arith.constant 0 : i32
          %dma_start3A_87 = arith.constant 0 : i32
          %dma_start3A_88 = tpu.memref_slice %arg11[%dma_start3A_86, %dma_start3A_87] : memref<10240x128xf32, #tpu.memory_space<vmem_shared>> -> memref<10240x128xf32, #tpu.memory_space<vmem_shared>>
          tpu.enqueue_indirect_dma source(%arg9 : memref<128x128xf32, #tpu.memory_space<vmem>>) target(%dma_start3A_88 : memref<10240x128xf32, #tpu.memory_space<vmem_shared>>) offsets(%dma_start3A_85 : memref<128xi32, #tpu.memory_space<vmem>>) semaphore(%run_scoped3A : memref<!tpu.dma_semaphore, #tpu.memory_space<semaphore_mem>>) {add = true}
          %dma_wait3A_89 = arith.constant 0 : i32
          %dma_wait3A_90 = tpu.memref_slice %arg8[%mul3A_41, %dma_wait3A_89] : memref<32x128xi32, #tpu.memory_space<vmem>> -> memref<1x128xi32, #tpu.memory_space<vmem>>
          %dma_wait3A_91 = tpu.memref_squeeze %dma_wait3A_90 : memref<1x128xi32, #tpu.memory_space<vmem>> -> memref<128xi32, #tpu.memory_space<vmem>>
          %dma_wait3A_92 = arith.constant 0 : i32
          %dma_wait3A_93 = arith.constant 0 : i32
          %dma_wait3A_94 = tpu.memref_slice %arg11[%dma_wait3A_92, %dma_wait3A_93] : memref<10240x128xf32, #tpu.memory_space<vmem_shared>> -> memref<10240x128xf32, #tpu.memory_space<vmem_shared>>
          tpu.wait_indirect_dma semaphore(%run_scoped3A : memref<!tpu.dma_semaphore, #tpu.memory_space<semaphore_mem>>) src(%arg9 : memref<128x128xf32, #tpu.memory_space<vmem>>) dst(%dma_wait3A_94 : memref<10240x128xf32, #tpu.memory_space<vmem_shared>>)
          tpu.yield
        }) : () -> ()
        %add3A_55 = arith.constant 2 : i32
        %add3A_56 = arith.addi %mul3A_41, %add3A_55 : i32
        %jit3A = arith.constant 32 : i32
        %eq3A = arith.constant 0 : i32
        %eq3A_57 = arith.cmpi eq, %jit3A, %eq3A : i32
        %jit3A_58 = arith.constant 1 : i32
        %select_n3A = arith.select %eq3A_57, %jit3A_58, %jit3A : i32
        %rem3A = arith.remsi %add3A_56, %select_n3A : i32
        %ne3A = arith.constant 0 : i32
        %ne3A_59 = arith.cmpi ne, %rem3A, %ne3A : i32
        %lt3A = arith.constant 0 : i32
        %lt3A_60 = arith.cmpi slt, %rem3A, %lt3A : i32
        %lt3A_61 = arith.constant 0 : i32
        %lt3A_62 = arith.cmpi slt, %select_n3A, %lt3A_61 : i32
        %ne3A_63 = arith.xori %lt3A_60, %lt3A_62 : i1
        %and3A = arith.andi %ne3A_63, %ne3A_59 : i1
        %add3A_64 = arith.addi %rem3A, %select_n3A : i32
        %select_n3A_65 = arith.select %and3A, %add3A_64, %rem3A : i32
        %dma_start3A_66 = arith.constant 0 : i32
        %dma_start3A_67 = tpu.memref_slice %arg7[%select_n3A_65, %dma_start3A_66] : memref<32x128xi32, #tpu.memory_space<vmem>> -> memref<1x128xi32, #tpu.memory_space<vmem>>
        %dma_start3A_68 = tpu.memref_squeeze %dma_start3A_67 : memref<1x128xi32, #tpu.memory_space<vmem>> -> memref<128xi32, #tpu.memory_space<vmem>>
        %dma_start3A_69 = arith.constant 0 : i32
        %dma_start3A_70 = arith.constant 0 : i32
        %dma_start3A_71 = tpu.memref_slice %arg2[%dma_start3A_69, %dma_start3A_70] : memref<20480x128xf32, #tpu.memory_space<hbm>> -> memref<20480x128xf32, #tpu.memory_space<hbm>>
        tpu.enqueue_indirect_dma source(%dma_start3A_71 : memref<20480x128xf32, #tpu.memory_space<hbm>>) target(%arg9 : memref<128x128xf32, #tpu.memory_space<vmem>>) offsets(%dma_start3A_68 : memref<128xi32, #tpu.memory_space<vmem>>) semaphore(%arg12 : memref<!tpu.dma_semaphore, #tpu.memory_space<semaphore_mem>>)
        %add3A_72 = arith.constant 1 : i32
        %add3A_73 = arith.addi %mul3A_41, %add3A_72 : i32
        %dma_wait3A_74 = arith.constant 0 : i32
        %dma_wait3A_75 = tpu.memref_slice %arg7[%add3A_73, %dma_wait3A_74] : memref<32x128xi32, #tpu.memory_space<vmem>> -> memref<1x128xi32, #tpu.memory_space<vmem>>
        %dma_wait3A_76 = tpu.memref_squeeze %dma_wait3A_75 : memref<1x128xi32, #tpu.memory_space<vmem>> -> memref<128xi32, #tpu.memory_space<vmem>>
        %dma_wait3A_77 = arith.constant 0 : i32
        %dma_wait3A_78 = arith.constant 0 : i32
        %dma_wait3A_79 = tpu.memref_slice %arg2[%dma_wait3A_77, %dma_wait3A_78] : memref<20480x128xf32, #tpu.memory_space<hbm>> -> memref<20480x128xf32, #tpu.memory_space<hbm>>
        tpu.wait_indirect_dma semaphore(%arg13 : memref<!tpu.dma_semaphore, #tpu.memory_space<semaphore_mem>>) src(%dma_wait3A_79 : memref<20480x128xf32, #tpu.memory_space<hbm>>) dst(%arg10 : memref<128x128xf32, #tpu.memory_space<vmem>>)
        %add3A_80 = arith.constant 1 : i32
        %add3A_81 = arith.addi %mul3A_41, %add3A_80 : i32
        "tpu.region"() ({
          %run_scoped3A = tpu.sem_alloc : memref<!tpu.dma_semaphore, #tpu.memory_space<semaphore_mem>>
          %dma_start3A_83 = arith.constant 0 : i32
          %dma_start3A_84 = tpu.memref_slice %arg8[%add3A_81, %dma_start3A_83] : memref<32x128xi32, #tpu.memory_space<vmem>> -> memref<1x128xi32, #tpu.memory_space<vmem>>
          %dma_start3A_85 = tpu.memref_squeeze %dma_start3A_84 : memref<1x128xi32, #tpu.memory_space<vmem>> -> memref<128xi32, #tpu.memory_space<vmem>>
          %dma_start3A_86 = arith.constant 0 : i32
          %dma_start3A_87 = arith.constant 0 : i32
          %dma_start3A_88 = tpu.memref_slice %arg11[%dma_start3A_86, %dma_start3A_87] : memref<10240x128xf32, #tpu.memory_space<vmem_shared>> -> memref<10240x128xf32, #tpu.memory_space<vmem_shared>>
          tpu.enqueue_indirect_dma source(%arg10 : memref<128x128xf32, #tpu.memory_space<vmem>>) target(%dma_start3A_88 : memref<10240x128xf32, #tpu.memory_space<vmem_shared>>) offsets(%dma_start3A_85 : memref<128xi32, #tpu.memory_space<vmem>>) semaphore(%run_scoped3A : memref<!tpu.dma_semaphore, #tpu.memory_space<semaphore_mem>>) {add = true}
          %dma_wait3A_89 = arith.constant 0 : i32
          %dma_wait3A_90 = tpu.memref_slice %arg8[%add3A_81, %dma_wait3A_89] : memref<32x128xi32, #tpu.memory_space<vmem>> -> memref<1x128xi32, #tpu.memory_space<vmem>>
          %dma_wait3A_91 = tpu.memref_squeeze %dma_wait3A_90 : memref<1x128xi32, #tpu.memory_space<vmem>> -> memref<128xi32, #tpu.memory_space<vmem>>
          %dma_wait3A_92 = arith.constant 0 : i32
          %dma_wait3A_93 = arith.constant 0 : i32
          %dma_wait3A_94 = tpu.memref_slice %arg11[%dma_wait3A_92, %dma_wait3A_93] : memref<10240x128xf32, #tpu.memory_space<vmem_shared>> -> memref<10240x128xf32, #tpu.memory_space<vmem_shared>>
          tpu.wait_indirect_dma semaphore(%run_scoped3A : memref<!tpu.dma_semaphore, #tpu.memory_space<semaphore_mem>>) src(%arg10 : memref<128x128xf32, #tpu.memory_space<vmem>>) dst(%dma_wait3A_94 : memref<10240x128xf32, #tpu.memory_space<vmem_shared>>)
          tpu.yield
        }) : () -> ()
        %scan3A_82 = arith.constant 0 : i32
        scf.yield %scan3A_82 : i32
      }
      %scan3A_30 = arith.constant 16 : i32
      %dma_wait3A = arith.constant 0 : i32
      %dma_wait3A_31 = arith.constant 0 : i32
      %dma_wait3A_32 = tpu.memref_slice %arg7[%dma_wait3A, %dma_wait3A_31] : memref<32x128xi32, #tpu.memory_space<vmem>> -> memref<1x128xi32, #tpu.memory_space<vmem>>
      %dma_wait3A_33 = tpu.memref_squeeze %dma_wait3A_32 : memref<1x128xi32, #tpu.memory_space<vmem>> -> memref<128xi32, #tpu.memory_space<vmem>>
      %dma_wait3A_34 = arith.constant 0 : i32
      %dma_wait3A_35 = arith.constant 0 : i32
      %dma_wait3A_36 = tpu.memref_slice %arg2[%dma_wait3A_34, %dma_wait3A_35] : memref<20480x128xf32, #tpu.memory_space<hbm>> -> memref<20480x128xf32, #tpu.memory_space<hbm>>
      tpu.wait_indirect_dma semaphore(%arg12 : memref<!tpu.dma_semaphore, #tpu.memory_space<semaphore_mem>>) src(%dma_wait3A_36 : memref<20480x128xf32, #tpu.memory_space<hbm>>) dst(%arg9 : memref<128x128xf32, #tpu.memory_space<vmem>>)
      %scan3A_37 = arith.constant 0 : i32
      scf.yield %scan3A_37 : i32
    }
    %scan3A_6 = arith.constant 5 : i32
    %barrier3A_7 = arith.constant 0 : index
    tpu.barrier barrier_id(%barrier3A_7)
    %mul3A_8 = arith.constant 640 : i32
    %mul3A_9 = arith.muli %arg1, %mul3A_8 : i32
    %mul3A_10 = arith.constant 640 : i32
    %mul3A_11 = arith.muli %arg1, %mul3A_10 : i32
    "tpu.region"() ({
      %run_scoped3A = tpu.sem_alloc : memref<!tpu.dma_semaphore, #tpu.memory_space<semaphore_mem>>
      %dma_start3A = arith.constant 0 : i32
      %dma_start3A_12 = tpu.memref_slice %arg6[%arg0, %mul3A_11, %dma_start3A] : memref<2x10240x128xf32, #tpu.memory_space<hbm>> -> memref<1x640x128xf32, #tpu.memory_space<hbm>>
      %dma_start3A_13 = tpu.memref_squeeze %dma_start3A_12 : memref<1x640x128xf32, #tpu.memory_space<hbm>> -> memref<640x128xf32, #tpu.memory_space<hbm>>
      %dma_start3A_14 = arith.constant 0 : i32
      %dma_start3A_15 = tpu.memref_slice %arg11[%mul3A_9, %dma_start3A_14] : memref<10240x128xf32, #tpu.memory_space<vmem_shared>> -> memref<640x128xf32, #tpu.memory_space<vmem_shared>>
      tpu.enqueue_dma source(%dma_start3A_15 : memref<640x128xf32, #tpu.memory_space<vmem_shared>>) target(%dma_start3A_13 : memref<640x128xf32, #tpu.memory_space<hbm>>) target_semaphore(%run_scoped3A : memref<!tpu.dma_semaphore, #tpu.memory_space<semaphore_mem>>)
      %dma_wait3A = arith.constant 0 : i32
      %dma_wait3A_16 = tpu.memref_slice %arg6[%arg0, %mul3A_11, %dma_wait3A] : memref<2x10240x128xf32, #tpu.memory_space<hbm>> -> memref<1x640x128xf32, #tpu.memory_space<hbm>>
      %dma_wait3A_17 = tpu.memref_squeeze %dma_wait3A_16 : memref<1x640x128xf32, #tpu.memory_space<hbm>> -> memref<640x128xf32, #tpu.memory_space<hbm>>
      %dma_wait3A_18 = arith.constant 0 : i32
      %dma_wait3A_19 = tpu.memref_slice %arg11[%mul3A_9, %dma_wait3A_18] : memref<10240x128xf32, #tpu.memory_space<vmem_shared>> -> memref<640x128xf32, #tpu.memory_space<vmem_shared>>
      tpu.wait_dma2 semaphore(%run_scoped3A : memref<!tpu.dma_semaphore, #tpu.memory_space<semaphore_mem>>) src(%dma_wait3A_19 : memref<640x128xf32, #tpu.memory_space<vmem_shared>>) dst(%dma_wait3A_17 : memref<640x128xf32, #tpu.memory_space<hbm>>)
      tpu.yield
    }) : () -> ()
    return
  }
}

#map = affine_map<(d0, d1) -> (0, 0)>
#map1 = affine_map<(d0, d1) -> (0, 0, 0, 0)>
#map2 = affine_map<(d0, d1) -> (0, 0, 0)>
module attributes {stable_mosaic.version = 14 : i64} {
  func.func @_agg_body(%arg0: i32, %arg1: i32, %arg2: memref<20480x128xf32, #tpu.memory_space<hbm>>, %arg3: memref<2x16x160x128xi32, #tpu.memory_space<hbm>>, %arg4: memref<16x160x128xi32, #tpu.memory_space<hbm>>, %arg5: memref<640x128xf32, #tpu.memory_space<hbm>>, %arg6: memref<2x10240x128xf32, #tpu.memory_space<hbm>>, %arg7: memref<32x128xi32, #tpu.memory_space<vmem>>, %arg8: memref<32x128xi32, #tpu.memory_space<vmem>>, %arg9: memref<128x128xf32, #tpu.memory_space<vmem>>, %arg10: memref<128x128xf32, #tpu.memory_space<vmem>>, %arg11: memref<10240x128xf32, #tpu.memory_space<vmem_shared>>, %arg12: memref<!tpu.dma_semaphore, #tpu.memory_space<semaphore_mem>>, %arg13: memref<!tpu.dma_semaphore, #tpu.memory_space<semaphore_mem>>, %arg14: memref<!tpu.dma_semaphore, #tpu.memory_space<semaphore_mem>>, %arg15: memref<!tpu.dma_semaphore, #tpu.memory_space<semaphore_mem>>) attributes {dimension_semantics = [#tpu.dimension_semantics<core_parallel>, #tpu.dimension_semantics<subcore_parallel>], iteration_bounds = array<i64: 2, 16>, scalar_prefetch = 0 : i64, scratch_operands = 9 : i64, tpu.core_type = #tpu.core_type<sc_vector_subcore>, window_params = [{transform_indices = #map}, {transform_indices = #map1}, {transform_indices = #map2}, {transform_indices = #map}, {transform_indices = #map2}]} {
    %mul3A = arith.constant 640 : i32
    %mul3A_0 = arith.muli %arg1, %mul3A : i32
    "tpu.region"() ({
      %run_scoped3A = tpu.sem_alloc : memref<!tpu.dma_semaphore, #tpu.memory_space<semaphore_mem>>
      %dma_start3A = arith.constant 0 : i32
      %dma_start3A_12 = tpu.memref_slice %arg11[%mul3A_0, %dma_start3A] : memref<10240x128xf32, #tpu.memory_space<vmem_shared>> -> memref<640x128xf32, #tpu.memory_space<vmem_shared>>
      tpu.enqueue_dma source(%arg5 : memref<640x128xf32, #tpu.memory_space<hbm>>) target(%dma_start3A_12 : memref<640x128xf32, #tpu.memory_space<vmem_shared>>) target_semaphore(%run_scoped3A : memref<!tpu.dma_semaphore, #tpu.memory_space<semaphore_mem>>)
      %dma_wait3A = arith.constant 0 : i32
      %dma_wait3A_13 = tpu.memref_slice %arg11[%mul3A_0, %dma_wait3A] : memref<10240x128xf32, #tpu.memory_space<vmem_shared>> -> memref<640x128xf32, #tpu.memory_space<vmem_shared>>
      tpu.wait_dma2 semaphore(%run_scoped3A : memref<!tpu.dma_semaphore, #tpu.memory_space<semaphore_mem>>) src(%arg5 : memref<640x128xf32, #tpu.memory_space<hbm>>) dst(%dma_wait3A_13 : memref<640x128xf32, #tpu.memory_space<vmem_shared>>)
      tpu.yield
    }) : () -> ()
    %barrier3A = arith.constant 0 : index
    tpu.barrier barrier_id(%barrier3A)
    %scan3A = arith.constant 0 : i32
    %scan3A_1 = arith.constant 0 : i32
    %scan3A_2 = arith.constant 5 : i32
    %scan3A_3 = arith.addi %scan3A_1, %scan3A_2 : i32
    %scan3A_4 = arith.constant 1 : i32
    %scan3A_5 = scf.for %scan3A_12 = %scan3A_1 to %scan3A_3 step %scan3A_4 iter_args(%scan3A_13 = %scan3A) -> (i32)  : i32 {
      %mul3A_14 = arith.constant 32 : i32
      %mul3A_15 = arith.muli %scan3A_12, %mul3A_14 : i32
      "tpu.region"() ({
        %run_scoped3A = tpu.sem_alloc : memref<!tpu.dma_semaphore, #tpu.memory_space<semaphore_mem>>
        %dma_start3A_38 = arith.constant 0 : i32
        %dma_start3A_39 = tpu.memref_slice %arg3[%arg0, %arg1, %mul3A_15, %dma_start3A_38] : memref<2x16x160x128xi32, #tpu.memory_space<hbm>> -> memref<1x1x32x128xi32, #tpu.memory_space<hbm>>
        %dma_start3A_40 = tpu.memref_squeeze %dma_start3A_39 : memref<1x1x32x128xi32, #tpu.memory_space<hbm>> -> memref<32x128xi32, #tpu.memory_space<hbm>>
        %dma_start3A_41 = arith.constant 0 : i32
        %dma_start3A_42 = tpu.memref_slice %arg3[%arg0, %arg1, %mul3A_15, %dma_start3A_41] : memref<2x16x160x128xi32, #tpu.memory_space<hbm>> -> memref<1x1x32x128xi32, #tpu.memory_space<hbm>>
        %dma_start3A_43 = tpu.memref_squeeze %dma_start3A_42 : memref<1x1x32x128xi32, #tpu.memory_space<hbm>> -> memref<32x128xi32, #tpu.memory_space<hbm>>
        tpu.enqueue_dma source(%dma_start3A_43 : memref<32x128xi32, #tpu.memory_space<hbm>>) target(%arg7 : memref<32x128xi32, #tpu.memory_space<vmem>>) target_semaphore(%run_scoped3A : memref<!tpu.dma_semaphore, #tpu.memory_space<semaphore_mem>>)
        %dma_wait3A_44 = arith.constant 0 : i32
        %dma_wait3A_45 = tpu.memref_slice %arg3[%arg0, %arg1, %mul3A_15, %dma_wait3A_44] : memref<2x16x160x128xi32, #tpu.memory_space<hbm>> -> memref<1x1x32x128xi32, #tpu.memory_space<hbm>>
        %dma_wait3A_46 = tpu.memref_squeeze %dma_wait3A_45 : memref<1x1x32x128xi32, #tpu.memory_space<hbm>> -> memref<32x128xi32, #tpu.memory_space<hbm>>
        %dma_wait3A_47 = arith.constant 0 : i32
        %dma_wait3A_48 = tpu.memref_slice %arg3[%arg0, %arg1, %mul3A_15, %dma_wait3A_47] : memref<2x16x160x128xi32, #tpu.memory_space<hbm>> -> memref<1x1x32x128xi32, #tpu.memory_space<hbm>>
        %dma_wait3A_49 = tpu.memref_squeeze %dma_wait3A_48 : memref<1x1x32x128xi32, #tpu.memory_space<hbm>> -> memref<32x128xi32, #tpu.memory_space<hbm>>
        tpu.wait_dma2 semaphore(%run_scoped3A : memref<!tpu.dma_semaphore, #tpu.memory_space<semaphore_mem>>) src(%dma_wait3A_49 : memref<32x128xi32, #tpu.memory_space<hbm>>) dst(%arg7 : memref<32x128xi32, #tpu.memory_space<vmem>>)
        tpu.yield
      }) : () -> ()
      %mul3A_16 = arith.constant 32 : i32
      %mul3A_17 = arith.muli %scan3A_12, %mul3A_16 : i32
      "tpu.region"() ({
        %run_scoped3A = tpu.sem_alloc : memref<!tpu.dma_semaphore, #tpu.memory_space<semaphore_mem>>
        %dma_start3A_38 = arith.constant 0 : i32
        %dma_start3A_39 = tpu.memref_slice %arg4[%arg1, %mul3A_17, %dma_start3A_38] : memref<16x160x128xi32, #tpu.memory_space<hbm>> -> memref<1x32x128xi32, #tpu.memory_space<hbm>>
        %dma_start3A_40 = tpu.memref_squeeze %dma_start3A_39 : memref<1x32x128xi32, #tpu.memory_space<hbm>> -> memref<32x128xi32, #tpu.memory_space<hbm>>
        %dma_start3A_41 = arith.constant 0 : i32
        %dma_start3A_42 = tpu.memref_slice %arg4[%arg1, %mul3A_17, %dma_start3A_41] : memref<16x160x128xi32, #tpu.memory_space<hbm>> -> memref<1x32x128xi32, #tpu.memory_space<hbm>>
        %dma_start3A_43 = tpu.memref_squeeze %dma_start3A_42 : memref<1x32x128xi32, #tpu.memory_space<hbm>> -> memref<32x128xi32, #tpu.memory_space<hbm>>
        tpu.enqueue_dma source(%dma_start3A_43 : memref<32x128xi32, #tpu.memory_space<hbm>>) target(%arg8 : memref<32x128xi32, #tpu.memory_space<vmem>>) target_semaphore(%run_scoped3A : memref<!tpu.dma_semaphore, #tpu.memory_space<semaphore_mem>>)
        %dma_wait3A_44 = arith.constant 0 : i32
        %dma_wait3A_45 = tpu.memref_slice %arg4[%arg1, %mul3A_17, %dma_wait3A_44] : memref<16x160x128xi32, #tpu.memory_space<hbm>> -> memref<1x32x128xi32, #tpu.memory_space<hbm>>
        %dma_wait3A_46 = tpu.memref_squeeze %dma_wait3A_45 : memref<1x32x128xi32, #tpu.memory_space<hbm>> -> memref<32x128xi32, #tpu.memory_space<hbm>>
        %dma_wait3A_47 = arith.constant 0 : i32
        %dma_wait3A_48 = tpu.memref_slice %arg4[%arg1, %mul3A_17, %dma_wait3A_47] : memref<16x160x128xi32, #tpu.memory_space<hbm>> -> memref<1x32x128xi32, #tpu.memory_space<hbm>>
        %dma_wait3A_49 = tpu.memref_squeeze %dma_wait3A_48 : memref<1x32x128xi32, #tpu.memory_space<hbm>> -> memref<32x128xi32, #tpu.memory_space<hbm>>
        tpu.wait_dma2 semaphore(%run_scoped3A : memref<!tpu.dma_semaphore, #tpu.memory_space<semaphore_mem>>) src(%dma_wait3A_49 : memref<32x128xi32, #tpu.memory_space<hbm>>) dst(%arg8 : memref<32x128xi32, #tpu.memory_space<vmem>>)
        tpu.yield
      }) : () -> ()
      %dma_start3A = arith.constant 0 : i32
      %dma_start3A_18 = arith.constant 0 : i32
      %dma_start3A_19 = tpu.memref_slice %arg7[%dma_start3A, %dma_start3A_18] : memref<32x128xi32, #tpu.memory_space<vmem>> -> memref<1x128xi32, #tpu.memory_space<vmem>>
      %dma_start3A_20 = tpu.memref_squeeze %dma_start3A_19 : memref<1x128xi32, #tpu.memory_space<vmem>> -> memref<128xi32, #tpu.memory_space<vmem>>
      %dma_start3A_21 = arith.constant 0 : i32
      %dma_start3A_22 = arith.constant 0 : i32
      %dma_start3A_23 = tpu.memref_slice %arg2[%dma_start3A_21, %dma_start3A_22] : memref<20480x128xf32, #tpu.memory_space<hbm>> -> memref<20480x128xf32, #tpu.memory_space<hbm>>
      tpu.enqueue_indirect_dma source(%dma_start3A_23 : memref<20480x128xf32, #tpu.memory_space<hbm>>) target(%arg9 : memref<128x128xf32, #tpu.memory_space<vmem>>) offsets(%dma_start3A_20 : memref<128xi32, #tpu.memory_space<vmem>>) semaphore(%arg12 : memref<!tpu.dma_semaphore, #tpu.memory_space<semaphore_mem>>)
      %scan3A_24 = arith.constant 0 : i32
      %scan3A_25 = arith.constant 0 : i32
      %scan3A_26 = arith.constant 16 : i32
      %scan3A_27 = arith.addi %scan3A_25, %scan3A_26 : i32
      %scan3A_28 = arith.constant 1 : i32
      %scan3A_29 = scf.for %scan3A_38 = %scan3A_25 to %scan3A_27 step %scan3A_28 iter_args(%scan3A_39 = %scan3A_24) -> (i32)  : i32 {
        %mul3A_40 = arith.constant 2 : i32
        %mul3A_41 = arith.muli %mul3A_40, %scan3A_38 : i32
        %add3A = arith.constant 1 : i32
        %add3A_42 = arith.addi %mul3A_41, %add3A : i32
        %dma_start3A_43 = arith.constant 0 : i32
        %dma_start3A_44 = tpu.memref_slice %arg7[%add3A_42, %dma_start3A_43] : memref<32x128xi32, #tpu.memory_space<vmem>> -> memref<1x128xi32, #tpu.memory_space<vmem>>
        %dma_start3A_45 = tpu.memref_squeeze %dma_start3A_44 : memref<1x128xi32, #tpu.memory_space<vmem>> -> memref<128xi32, #tpu.memory_space<vmem>>
        %dma_start3A_46 = arith.constant 0 : i32
        %dma_start3A_47 = arith.constant 0 : i32
        %dma_start3A_48 = tpu.memref_slice %arg2[%dma_start3A_46, %dma_start3A_47] : memref<20480x128xf32, #tpu.memory_space<hbm>> -> memref<20480x128xf32, #tpu.memory_space<hbm>>
        tpu.enqueue_indirect_dma source(%dma_start3A_48 : memref<20480x128xf32, #tpu.memory_space<hbm>>) target(%arg10 : memref<128x128xf32, #tpu.memory_space<vmem>>) offsets(%dma_start3A_45 : memref<128xi32, #tpu.memory_space<vmem>>) semaphore(%arg13 : memref<!tpu.dma_semaphore, #tpu.memory_space<semaphore_mem>>)
        %dma_wait3A_49 = arith.constant 0 : i32
        %dma_wait3A_50 = tpu.memref_slice %arg7[%mul3A_41, %dma_wait3A_49] : memref<32x128xi32, #tpu.memory_space<vmem>> -> memref<1x128xi32, #tpu.memory_space<vmem>>
        %dma_wait3A_51 = tpu.memref_squeeze %dma_wait3A_50 : memref<1x128xi32, #tpu.memory_space<vmem>> -> memref<128xi32, #tpu.memory_space<vmem>>
        %dma_wait3A_52 = arith.constant 0 : i32
        %dma_wait3A_53 = arith.constant 0 : i32
        %dma_wait3A_54 = tpu.memref_slice %arg2[%dma_wait3A_52, %dma_wait3A_53] : memref<20480x128xf32, #tpu.memory_space<hbm>> -> memref<20480x128xf32, #tpu.memory_space<hbm>>
        tpu.wait_indirect_dma semaphore(%arg12 : memref<!tpu.dma_semaphore, #tpu.memory_space<semaphore_mem>>) src(%dma_wait3A_54 : memref<20480x128xf32, #tpu.memory_space<hbm>>) dst(%arg9 : memref<128x128xf32, #tpu.memory_space<vmem>>)
        "tpu.region"() ({
          %run_scoped3A = tpu.sem_alloc : memref<!tpu.dma_semaphore, #tpu.memory_space<semaphore_mem>>
          %dma_start3A_83 = arith.constant 0 : i32
          %dma_start3A_84 = tpu.memref_slice %arg8[%mul3A_41, %dma_start3A_83] : memref<32x128xi32, #tpu.memory_space<vmem>> -> memref<1x128xi32, #tpu.memory_space<vmem>>
          %dma_start3A_85 = tpu.memref_squeeze %dma_start3A_84 : memref<1x128xi32, #tpu.memory_space<vmem>> -> memref<128xi32, #tpu.memory_space<vmem>>
          %dma_start3A_86 = arith.constant 0 : i32
          %dma_start3A_87 = arith.constant 0 : i32
          %dma_start3A_88 = tpu.memref_slice %arg11[%dma_start3A_86, %dma_start3A_87] : memref<10240x128xf32, #tpu.memory_space<vmem_shared>> -> memref<10240x128xf32, #tpu.memory_space<vmem_shared>>
          tpu.enqueue_indirect_dma source(%arg9 : memref<128x128xf32, #tpu.memory_space<vmem>>) target(%dma_start3A_88 : memref<10240x128xf32, #tpu.memory_space<vmem_shared>>) offsets(%dma_start3A_85 : memref<128xi32, #tpu.memory_space<vmem>>) semaphore(%run_scoped3A : memref<!tpu.dma_semaphore, #tpu.memory_space<semaphore_mem>>) {add = true}
          %dma_wait3A_89 = arith.constant 0 : i32
          %dma_wait3A_90 = tpu.memref_slice %arg8[%mul3A_41, %dma_wait3A_89] : memref<32x128xi32, #tpu.memory_space<vmem>> -> memref<1x128xi32, #tpu.memory_space<vmem>>
          %dma_wait3A_91 = tpu.memref_squeeze %dma_wait3A_90 : memref<1x128xi32, #tpu.memory_space<vmem>> -> memref<128xi32, #tpu.memory_space<vmem>>
          %dma_wait3A_92 = arith.constant 0 : i32
          %dma_wait3A_93 = arith.constant 0 : i32
          %dma_wait3A_94 = tpu.memref_slice %arg11[%dma_wait3A_92, %dma_wait3A_93] : memref<10240x128xf32, #tpu.memory_space<vmem_shared>> -> memref<10240x128xf32, #tpu.memory_space<vmem_shared>>
          tpu.wait_indirect_dma semaphore(%run_scoped3A : memref<!tpu.dma_semaphore, #tpu.memory_space<semaphore_mem>>) src(%arg9 : memref<128x128xf32, #tpu.memory_space<vmem>>) dst(%dma_wait3A_94 : memref<10240x128xf32, #tpu.memory_space<vmem_shared>>)
          tpu.yield
        }) : () -> ()
        %add3A_55 = arith.constant 2 : i32
        %add3A_56 = arith.addi %mul3A_41, %add3A_55 : i32
        %jit3A = arith.constant 32 : i32
        %eq3A = arith.constant 0 : i32
        %eq3A_57 = arith.cmpi eq, %jit3A, %eq3A : i32
        %jit3A_58 = arith.constant 1 : i32
        %select_n3A = arith.select %eq3A_57, %jit3A_58, %jit3A : i32
        %rem3A = arith.remsi %add3A_56, %select_n3A : i32
        %ne3A = arith.constant 0 : i32
        %ne3A_59 = arith.cmpi ne, %rem3A, %ne3A : i32
        %lt3A = arith.constant 0 : i32
        %lt3A_60 = arith.cmpi slt, %rem3A, %lt3A : i32
        %lt3A_61 = arith.constant 0 : i32
        %lt3A_62 = arith.cmpi slt, %select_n3A, %lt3A_61 : i32
        %ne3A_63 = arith.xori %lt3A_60, %lt3A_62 : i1
        %and3A = arith.andi %ne3A_63, %ne3A_59 : i1
        %add3A_64 = arith.addi %rem3A, %select_n3A : i32
        %select_n3A_65 = arith.select %and3A, %add3A_64, %rem3A : i32
        %dma_start3A_66 = arith.constant 0 : i32
        %dma_start3A_67 = tpu.memref_slice %arg7[%select_n3A_65, %dma_start3A_66] : memref<32x128xi32, #tpu.memory_space<vmem>> -> memref<1x128xi32, #tpu.memory_space<vmem>>
        %dma_start3A_68 = tpu.memref_squeeze %dma_start3A_67 : memref<1x128xi32, #tpu.memory_space<vmem>> -> memref<128xi32, #tpu.memory_space<vmem>>
        %dma_start3A_69 = arith.constant 0 : i32
        %dma_start3A_70 = arith.constant 0 : i32
        %dma_start3A_71 = tpu.memref_slice %arg2[%dma_start3A_69, %dma_start3A_70] : memref<20480x128xf32, #tpu.memory_space<hbm>> -> memref<20480x128xf32, #tpu.memory_space<hbm>>
        tpu.enqueue_indirect_dma source(%dma_start3A_71 : memref<20480x128xf32, #tpu.memory_space<hbm>>) target(%arg9 : memref<128x128xf32, #tpu.memory_space<vmem>>) offsets(%dma_start3A_68 : memref<128xi32, #tpu.memory_space<vmem>>) semaphore(%arg12 : memref<!tpu.dma_semaphore, #tpu.memory_space<semaphore_mem>>)
        %add3A_72 = arith.constant 1 : i32
        %add3A_73 = arith.addi %mul3A_41, %add3A_72 : i32
        %dma_wait3A_74 = arith.constant 0 : i32
        %dma_wait3A_75 = tpu.memref_slice %arg7[%add3A_73, %dma_wait3A_74] : memref<32x128xi32, #tpu.memory_space<vmem>> -> memref<1x128xi32, #tpu.memory_space<vmem>>
        %dma_wait3A_76 = tpu.memref_squeeze %dma_wait3A_75 : memref<1x128xi32, #tpu.memory_space<vmem>> -> memref<128xi32, #tpu.memory_space<vmem>>
        %dma_wait3A_77 = arith.constant 0 : i32
        %dma_wait3A_78 = arith.constant 0 : i32
        %dma_wait3A_79 = tpu.memref_slice %arg2[%dma_wait3A_77, %dma_wait3A_78] : memref<20480x128xf32, #tpu.memory_space<hbm>> -> memref<20480x128xf32, #tpu.memory_space<hbm>>
        tpu.wait_indirect_dma semaphore(%arg13 : memref<!tpu.dma_semaphore, #tpu.memory_space<semaphore_mem>>) src(%dma_wait3A_79 : memref<20480x128xf32, #tpu.memory_space<hbm>>) dst(%arg10 : memref<128x128xf32, #tpu.memory_space<vmem>>)
        %add3A_80 = arith.constant 1 : i32
        %add3A_81 = arith.addi %mul3A_41, %add3A_80 : i32
        "tpu.region"() ({
          %run_scoped3A = tpu.sem_alloc : memref<!tpu.dma_semaphore, #tpu.memory_space<semaphore_mem>>
          %dma_start3A_83 = arith.constant 0 : i32
          %dma_start3A_84 = tpu.memref_slice %arg8[%add3A_81, %dma_start3A_83] : memref<32x128xi32, #tpu.memory_space<vmem>> -> memref<1x128xi32, #tpu.memory_space<vmem>>
          %dma_start3A_85 = tpu.memref_squeeze %dma_start3A_84 : memref<1x128xi32, #tpu.memory_space<vmem>> -> memref<128xi32, #tpu.memory_space<vmem>>
          %dma_start3A_86 = arith.constant 0 : i32
          %dma_start3A_87 = arith.constant 0 : i32
          %dma_start3A_88 = tpu.memref_slice %arg11[%dma_start3A_86, %dma_start3A_87] : memref<10240x128xf32, #tpu.memory_space<vmem_shared>> -> memref<10240x128xf32, #tpu.memory_space<vmem_shared>>
          tpu.enqueue_indirect_dma source(%arg10 : memref<128x128xf32, #tpu.memory_space<vmem>>) target(%dma_start3A_88 : memref<10240x128xf32, #tpu.memory_space<vmem_shared>>) offsets(%dma_start3A_85 : memref<128xi32, #tpu.memory_space<vmem>>) semaphore(%run_scoped3A : memref<!tpu.dma_semaphore, #tpu.memory_space<semaphore_mem>>) {add = true}
          %dma_wait3A_89 = arith.constant 0 : i32
          %dma_wait3A_90 = tpu.memref_slice %arg8[%add3A_81, %dma_wait3A_89] : memref<32x128xi32, #tpu.memory_space<vmem>> -> memref<1x128xi32, #tpu.memory_space<vmem>>
          %dma_wait3A_91 = tpu.memref_squeeze %dma_wait3A_90 : memref<1x128xi32, #tpu.memory_space<vmem>> -> memref<128xi32, #tpu.memory_space<vmem>>
          %dma_wait3A_92 = arith.constant 0 : i32
          %dma_wait3A_93 = arith.constant 0 : i32
          %dma_wait3A_94 = tpu.memref_slice %arg11[%dma_wait3A_92, %dma_wait3A_93] : memref<10240x128xf32, #tpu.memory_space<vmem_shared>> -> memref<10240x128xf32, #tpu.memory_space<vmem_shared>>
          tpu.wait_indirect_dma semaphore(%run_scoped3A : memref<!tpu.dma_semaphore, #tpu.memory_space<semaphore_mem>>) src(%arg10 : memref<128x128xf32, #tpu.memory_space<vmem>>) dst(%dma_wait3A_94 : memref<10240x128xf32, #tpu.memory_space<vmem_shared>>)
          tpu.yield
        }) : () -> ()
        %scan3A_82 = arith.constant 0 : i32
        scf.yield %scan3A_82 : i32
      }
      %scan3A_30 = arith.constant 16 : i32
      %dma_wait3A = arith.constant 0 : i32
      %dma_wait3A_31 = arith.constant 0 : i32
      %dma_wait3A_32 = tpu.memref_slice %arg7[%dma_wait3A, %dma_wait3A_31] : memref<32x128xi32, #tpu.memory_space<vmem>> -> memref<1x128xi32, #tpu.memory_space<vmem>>
      %dma_wait3A_33 = tpu.memref_squeeze %dma_wait3A_32 : memref<1x128xi32, #tpu.memory_space<vmem>> -> memref<128xi32, #tpu.memory_space<vmem>>
      %dma_wait3A_34 = arith.constant 0 : i32
      %dma_wait3A_35 = arith.constant 0 : i32
      %dma_wait3A_36 = tpu.memref_slice %arg2[%dma_wait3A_34, %dma_wait3A_35] : memref<20480x128xf32, #tpu.memory_space<hbm>> -> memref<20480x128xf32, #tpu.memory_space<hbm>>
      tpu.wait_indirect_dma semaphore(%arg12 : memref<!tpu.dma_semaphore, #tpu.memory_space<semaphore_mem>>) src(%dma_wait3A_36 : memref<20480x128xf32, #tpu.memory_space<hbm>>) dst(%arg9 : memref<128x128xf32, #tpu.memory_space<vmem>>)
      %scan3A_37 = arith.constant 0 : i32
      scf.yield %scan3A_37 : i32
    }
    %scan3A_6 = arith.constant 5 : i32
    %barrier3A_7 = arith.constant 0 : index
    tpu.barrier barrier_id(%barrier3A_7)
    %mul3A_8 = arith.constant 640 : i32
    %mul3A_9 = arith.muli %arg1, %mul3A_8 : i32
    %mul3A_10 = arith.constant 640 : i32
    %mul3A_11 = arith.muli %arg1, %mul3A_10 : i32
    "tpu.region"() ({
      %run_scoped3A = tpu.sem_alloc : memref<!tpu.dma_semaphore, #tpu.memory_space<semaphore_mem>>
      %dma_start3A = arith.constant 0 : i32
      %dma_start3A_12 = tpu.memref_slice %arg6[%arg0, %mul3A_11, %dma_start3A] : memref<2x10240x128xf32, #tpu.memory_space<hbm>> -> memref<1x640x128xf32, #tpu.memory_space<hbm>>
      %dma_start3A_13 = tpu.memref_squeeze %dma_start3A_12 : memref<1x640x128xf32, #tpu.memory_space<hbm>> -> memref<640x128xf32, #tpu.memory_space<hbm>>
      %dma_start3A_14 = arith.constant 0 : i32
      %dma_start3A_15 = tpu.memref_slice %arg11[%mul3A_9, %dma_start3A_14] : memref<10240x128xf32, #tpu.memory_space<vmem_shared>> -> memref<640x128xf32, #tpu.memory_space<vmem_shared>>
      tpu.enqueue_dma source(%dma_start3A_15 : memref<640x128xf32, #tpu.memory_space<vmem_shared>>) target(%dma_start3A_13 : memref<640x128xf32, #tpu.memory_space<hbm>>) target_semaphore(%run_scoped3A : memref<!tpu.dma_semaphore, #tpu.memory_space<semaphore_mem>>)
      %dma_wait3A = arith.constant 0 : i32
      %dma_wait3A_16 = tpu.memref_slice %arg6[%arg0, %mul3A_11, %dma_wait3A] : memref<2x10240x128xf32, #tpu.memory_space<hbm>> -> memref<1x640x128xf32, #tpu.memory_space<hbm>>
      %dma_wait3A_17 = tpu.memref_squeeze %dma_wait3A_16 : memref<1x640x128xf32, #tpu.memory_space<hbm>> -> memref<640x128xf32, #tpu.memory_space<hbm>>
      %dma_wait3A_18 = arith.constant 0 : i32
      %dma_wait3A_19 = tpu.memref_slice %arg11[%mul3A_9, %dma_wait3A_18] : memref<10240x128xf32, #tpu.memory_space<vmem_shared>> -> memref<640x128xf32, #tpu.memory_space<vmem_shared>>
      tpu.wait_dma2 semaphore(%run_scoped3A : memref<!tpu.dma_semaphore, #tpu.memory_space<semaphore_mem>>) src(%dma_wait3A_19 : memref<640x128xf32, #tpu.memory_space<vmem_shared>>) dst(%dma_wait3A_17 : memref<640x128xf32, #tpu.memory_space<hbm>>)
      tpu.yield
    }) : () -> ()
    return
  }
}

#map = affine_map<(d0, d1) -> (0, 0)>
#map1 = affine_map<(d0, d1) -> (0, 0, 0, 0)>
#map2 = affine_map<(d0, d1) -> (0, 0, 0)>
module attributes {stable_mosaic.version = 14 : i64} {
  func.func @_agg_body(%arg0: i32, %arg1: i32, %arg2: memref<20480x128xf32, #tpu.memory_space<hbm>>, %arg3: memref<2x16x160x128xi32, #tpu.memory_space<hbm>>, %arg4: memref<16x160x128xi32, #tpu.memory_space<hbm>>, %arg5: memref<640x128xf32, #tpu.memory_space<hbm>>, %arg6: memref<2x10240x128xf32, #tpu.memory_space<hbm>>, %arg7: memref<32x128xi32, #tpu.memory_space<vmem>>, %arg8: memref<32x128xi32, #tpu.memory_space<vmem>>, %arg9: memref<128x128xf32, #tpu.memory_space<vmem>>, %arg10: memref<128x128xf32, #tpu.memory_space<vmem>>, %arg11: memref<10240x128xf32, #tpu.memory_space<vmem_shared>>, %arg12: memref<!tpu.dma_semaphore, #tpu.memory_space<semaphore_mem>>, %arg13: memref<!tpu.dma_semaphore, #tpu.memory_space<semaphore_mem>>, %arg14: memref<!tpu.dma_semaphore, #tpu.memory_space<semaphore_mem>>, %arg15: memref<!tpu.dma_semaphore, #tpu.memory_space<semaphore_mem>>) attributes {dimension_semantics = [#tpu.dimension_semantics<core_parallel>, #tpu.dimension_semantics<subcore_parallel>], iteration_bounds = array<i64: 2, 16>, scalar_prefetch = 0 : i64, scratch_operands = 9 : i64, tpu.core_type = #tpu.core_type<sc_vector_subcore>, window_params = [{transform_indices = #map}, {transform_indices = #map1}, {transform_indices = #map2}, {transform_indices = #map}, {transform_indices = #map2}]} {
    %mul3A = arith.constant 640 : i32
    %mul3A_0 = arith.muli %arg1, %mul3A : i32
    "tpu.region"() ({
      %run_scoped3A = tpu.sem_alloc : memref<!tpu.dma_semaphore, #tpu.memory_space<semaphore_mem>>
      %dma_start3A = arith.constant 0 : i32
      %dma_start3A_12 = tpu.memref_slice %arg11[%mul3A_0, %dma_start3A] : memref<10240x128xf32, #tpu.memory_space<vmem_shared>> -> memref<640x128xf32, #tpu.memory_space<vmem_shared>>
      tpu.enqueue_dma source(%arg5 : memref<640x128xf32, #tpu.memory_space<hbm>>) target(%dma_start3A_12 : memref<640x128xf32, #tpu.memory_space<vmem_shared>>) target_semaphore(%run_scoped3A : memref<!tpu.dma_semaphore, #tpu.memory_space<semaphore_mem>>)
      %dma_wait3A = arith.constant 0 : i32
      %dma_wait3A_13 = tpu.memref_slice %arg11[%mul3A_0, %dma_wait3A] : memref<10240x128xf32, #tpu.memory_space<vmem_shared>> -> memref<640x128xf32, #tpu.memory_space<vmem_shared>>
      tpu.wait_dma2 semaphore(%run_scoped3A : memref<!tpu.dma_semaphore, #tpu.memory_space<semaphore_mem>>) src(%arg5 : memref<640x128xf32, #tpu.memory_space<hbm>>) dst(%dma_wait3A_13 : memref<640x128xf32, #tpu.memory_space<vmem_shared>>)
      tpu.yield
    }) : () -> ()
    %barrier3A = arith.constant 0 : index
    tpu.barrier barrier_id(%barrier3A)
    %scan3A = arith.constant 0 : i32
    %scan3A_1 = arith.constant 0 : i32
    %scan3A_2 = arith.constant 5 : i32
    %scan3A_3 = arith.addi %scan3A_1, %scan3A_2 : i32
    %scan3A_4 = arith.constant 1 : i32
    %scan3A_5 = scf.for %scan3A_12 = %scan3A_1 to %scan3A_3 step %scan3A_4 iter_args(%scan3A_13 = %scan3A) -> (i32)  : i32 {
      %mul3A_14 = arith.constant 32 : i32
      %mul3A_15 = arith.muli %scan3A_12, %mul3A_14 : i32
      "tpu.region"() ({
        %run_scoped3A = tpu.sem_alloc : memref<!tpu.dma_semaphore, #tpu.memory_space<semaphore_mem>>
        %dma_start3A_38 = arith.constant 0 : i32
        %dma_start3A_39 = tpu.memref_slice %arg3[%arg0, %arg1, %mul3A_15, %dma_start3A_38] : memref<2x16x160x128xi32, #tpu.memory_space<hbm>> -> memref<1x1x32x128xi32, #tpu.memory_space<hbm>>
        %dma_start3A_40 = tpu.memref_squeeze %dma_start3A_39 : memref<1x1x32x128xi32, #tpu.memory_space<hbm>> -> memref<32x128xi32, #tpu.memory_space<hbm>>
        %dma_start3A_41 = arith.constant 0 : i32
        %dma_start3A_42 = tpu.memref_slice %arg3[%arg0, %arg1, %mul3A_15, %dma_start3A_41] : memref<2x16x160x128xi32, #tpu.memory_space<hbm>> -> memref<1x1x32x128xi32, #tpu.memory_space<hbm>>
        %dma_start3A_43 = tpu.memref_squeeze %dma_start3A_42 : memref<1x1x32x128xi32, #tpu.memory_space<hbm>> -> memref<32x128xi32, #tpu.memory_space<hbm>>
        tpu.enqueue_dma source(%dma_start3A_43 : memref<32x128xi32, #tpu.memory_space<hbm>>) target(%arg7 : memref<32x128xi32, #tpu.memory_space<vmem>>) target_semaphore(%run_scoped3A : memref<!tpu.dma_semaphore, #tpu.memory_space<semaphore_mem>>)
        %dma_wait3A_44 = arith.constant 0 : i32
        %dma_wait3A_45 = tpu.memref_slice %arg3[%arg0, %arg1, %mul3A_15, %dma_wait3A_44] : memref<2x16x160x128xi32, #tpu.memory_space<hbm>> -> memref<1x1x32x128xi32, #tpu.memory_space<hbm>>
        %dma_wait3A_46 = tpu.memref_squeeze %dma_wait3A_45 : memref<1x1x32x128xi32, #tpu.memory_space<hbm>> -> memref<32x128xi32, #tpu.memory_space<hbm>>
        %dma_wait3A_47 = arith.constant 0 : i32
        %dma_wait3A_48 = tpu.memref_slice %arg3[%arg0, %arg1, %mul3A_15, %dma_wait3A_47] : memref<2x16x160x128xi32, #tpu.memory_space<hbm>> -> memref<1x1x32x128xi32, #tpu.memory_space<hbm>>
        %dma_wait3A_49 = tpu.memref_squeeze %dma_wait3A_48 : memref<1x1x32x128xi32, #tpu.memory_space<hbm>> -> memref<32x128xi32, #tpu.memory_space<hbm>>
        tpu.wait_dma2 semaphore(%run_scoped3A : memref<!tpu.dma_semaphore, #tpu.memory_space<semaphore_mem>>) src(%dma_wait3A_49 : memref<32x128xi32, #tpu.memory_space<hbm>>) dst(%arg7 : memref<32x128xi32, #tpu.memory_space<vmem>>)
        tpu.yield
      }) : () -> ()
      %mul3A_16 = arith.constant 32 : i32
      %mul3A_17 = arith.muli %scan3A_12, %mul3A_16 : i32
      "tpu.region"() ({
        %run_scoped3A = tpu.sem_alloc : memref<!tpu.dma_semaphore, #tpu.memory_space<semaphore_mem>>
        %dma_start3A_38 = arith.constant 0 : i32
        %dma_start3A_39 = tpu.memref_slice %arg4[%arg1, %mul3A_17, %dma_start3A_38] : memref<16x160x128xi32, #tpu.memory_space<hbm>> -> memref<1x32x128xi32, #tpu.memory_space<hbm>>
        %dma_start3A_40 = tpu.memref_squeeze %dma_start3A_39 : memref<1x32x128xi32, #tpu.memory_space<hbm>> -> memref<32x128xi32, #tpu.memory_space<hbm>>
        %dma_start3A_41 = arith.constant 0 : i32
        %dma_start3A_42 = tpu.memref_slice %arg4[%arg1, %mul3A_17, %dma_start3A_41] : memref<16x160x128xi32, #tpu.memory_space<hbm>> -> memref<1x32x128xi32, #tpu.memory_space<hbm>>
        %dma_start3A_43 = tpu.memref_squeeze %dma_start3A_42 : memref<1x32x128xi32, #tpu.memory_space<hbm>> -> memref<32x128xi32, #tpu.memory_space<hbm>>
        tpu.enqueue_dma source(%dma_start3A_43 : memref<32x128xi32, #tpu.memory_space<hbm>>) target(%arg8 : memref<32x128xi32, #tpu.memory_space<vmem>>) target_semaphore(%run_scoped3A : memref<!tpu.dma_semaphore, #tpu.memory_space<semaphore_mem>>)
        %dma_wait3A_44 = arith.constant 0 : i32
        %dma_wait3A_45 = tpu.memref_slice %arg4[%arg1, %mul3A_17, %dma_wait3A_44] : memref<16x160x128xi32, #tpu.memory_space<hbm>> -> memref<1x32x128xi32, #tpu.memory_space<hbm>>
        %dma_wait3A_46 = tpu.memref_squeeze %dma_wait3A_45 : memref<1x32x128xi32, #tpu.memory_space<hbm>> -> memref<32x128xi32, #tpu.memory_space<hbm>>
        %dma_wait3A_47 = arith.constant 0 : i32
        %dma_wait3A_48 = tpu.memref_slice %arg4[%arg1, %mul3A_17, %dma_wait3A_47] : memref<16x160x128xi32, #tpu.memory_space<hbm>> -> memref<1x32x128xi32, #tpu.memory_space<hbm>>
        %dma_wait3A_49 = tpu.memref_squeeze %dma_wait3A_48 : memref<1x32x128xi32, #tpu.memory_space<hbm>> -> memref<32x128xi32, #tpu.memory_space<hbm>>
        tpu.wait_dma2 semaphore(%run_scoped3A : memref<!tpu.dma_semaphore, #tpu.memory_space<semaphore_mem>>) src(%dma_wait3A_49 : memref<32x128xi32, #tpu.memory_space<hbm>>) dst(%arg8 : memref<32x128xi32, #tpu.memory_space<vmem>>)
        tpu.yield
      }) : () -> ()
      %dma_start3A = arith.constant 0 : i32
      %dma_start3A_18 = arith.constant 0 : i32
      %dma_start3A_19 = tpu.memref_slice %arg7[%dma_start3A, %dma_start3A_18] : memref<32x128xi32, #tpu.memory_space<vmem>> -> memref<1x128xi32, #tpu.memory_space<vmem>>
      %dma_start3A_20 = tpu.memref_squeeze %dma_start3A_19 : memref<1x128xi32, #tpu.memory_space<vmem>> -> memref<128xi32, #tpu.memory_space<vmem>>
      %dma_start3A_21 = arith.constant 0 : i32
      %dma_start3A_22 = arith.constant 0 : i32
      %dma_start3A_23 = tpu.memref_slice %arg2[%dma_start3A_21, %dma_start3A_22] : memref<20480x128xf32, #tpu.memory_space<hbm>> -> memref<20480x128xf32, #tpu.memory_space<hbm>>
      tpu.enqueue_indirect_dma source(%dma_start3A_23 : memref<20480x128xf32, #tpu.memory_space<hbm>>) target(%arg9 : memref<128x128xf32, #tpu.memory_space<vmem>>) offsets(%dma_start3A_20 : memref<128xi32, #tpu.memory_space<vmem>>) semaphore(%arg12 : memref<!tpu.dma_semaphore, #tpu.memory_space<semaphore_mem>>)
      %scan3A_24 = arith.constant 0 : i32
      %scan3A_25 = arith.constant 0 : i32
      %scan3A_26 = arith.constant 16 : i32
      %scan3A_27 = arith.addi %scan3A_25, %scan3A_26 : i32
      %scan3A_28 = arith.constant 1 : i32
      %scan3A_29 = scf.for %scan3A_38 = %scan3A_25 to %scan3A_27 step %scan3A_28 iter_args(%scan3A_39 = %scan3A_24) -> (i32)  : i32 {
        %mul3A_40 = arith.constant 2 : i32
        %mul3A_41 = arith.muli %mul3A_40, %scan3A_38 : i32
        %add3A = arith.constant 1 : i32
        %add3A_42 = arith.addi %mul3A_41, %add3A : i32
        %dma_start3A_43 = arith.constant 0 : i32
        %dma_start3A_44 = tpu.memref_slice %arg7[%add3A_42, %dma_start3A_43] : memref<32x128xi32, #tpu.memory_space<vmem>> -> memref<1x128xi32, #tpu.memory_space<vmem>>
        %dma_start3A_45 = tpu.memref_squeeze %dma_start3A_44 : memref<1x128xi32, #tpu.memory_space<vmem>> -> memref<128xi32, #tpu.memory_space<vmem>>
        %dma_start3A_46 = arith.constant 0 : i32
        %dma_start3A_47 = arith.constant 0 : i32
        %dma_start3A_48 = tpu.memref_slice %arg2[%dma_start3A_46, %dma_start3A_47] : memref<20480x128xf32, #tpu.memory_space<hbm>> -> memref<20480x128xf32, #tpu.memory_space<hbm>>
        tpu.enqueue_indirect_dma source(%dma_start3A_48 : memref<20480x128xf32, #tpu.memory_space<hbm>>) target(%arg10 : memref<128x128xf32, #tpu.memory_space<vmem>>) offsets(%dma_start3A_45 : memref<128xi32, #tpu.memory_space<vmem>>) semaphore(%arg13 : memref<!tpu.dma_semaphore, #tpu.memory_space<semaphore_mem>>)
        %dma_wait3A_49 = arith.constant 0 : i32
        %dma_wait3A_50 = tpu.memref_slice %arg7[%mul3A_41, %dma_wait3A_49] : memref<32x128xi32, #tpu.memory_space<vmem>> -> memref<1x128xi32, #tpu.memory_space<vmem>>
        %dma_wait3A_51 = tpu.memref_squeeze %dma_wait3A_50 : memref<1x128xi32, #tpu.memory_space<vmem>> -> memref<128xi32, #tpu.memory_space<vmem>>
        %dma_wait3A_52 = arith.constant 0 : i32
        %dma_wait3A_53 = arith.constant 0 : i32
        %dma_wait3A_54 = tpu.memref_slice %arg2[%dma_wait3A_52, %dma_wait3A_53] : memref<20480x128xf32, #tpu.memory_space<hbm>> -> memref<20480x128xf32, #tpu.memory_space<hbm>>
        tpu.wait_indirect_dma semaphore(%arg12 : memref<!tpu.dma_semaphore, #tpu.memory_space<semaphore_mem>>) src(%dma_wait3A_54 : memref<20480x128xf32, #tpu.memory_space<hbm>>) dst(%arg9 : memref<128x128xf32, #tpu.memory_space<vmem>>)
        "tpu.region"() ({
          %run_scoped3A = tpu.sem_alloc : memref<!tpu.dma_semaphore, #tpu.memory_space<semaphore_mem>>
          %dma_start3A_83 = arith.constant 0 : i32
          %dma_start3A_84 = tpu.memref_slice %arg8[%mul3A_41, %dma_start3A_83] : memref<32x128xi32, #tpu.memory_space<vmem>> -> memref<1x128xi32, #tpu.memory_space<vmem>>
          %dma_start3A_85 = tpu.memref_squeeze %dma_start3A_84 : memref<1x128xi32, #tpu.memory_space<vmem>> -> memref<128xi32, #tpu.memory_space<vmem>>
          %dma_start3A_86 = arith.constant 0 : i32
          %dma_start3A_87 = arith.constant 0 : i32
          %dma_start3A_88 = tpu.memref_slice %arg11[%dma_start3A_86, %dma_start3A_87] : memref<10240x128xf32, #tpu.memory_space<vmem_shared>> -> memref<10240x128xf32, #tpu.memory_space<vmem_shared>>
          tpu.enqueue_indirect_dma source(%arg9 : memref<128x128xf32, #tpu.memory_space<vmem>>) target(%dma_start3A_88 : memref<10240x128xf32, #tpu.memory_space<vmem_shared>>) offsets(%dma_start3A_85 : memref<128xi32, #tpu.memory_space<vmem>>) semaphore(%run_scoped3A : memref<!tpu.dma_semaphore, #tpu.memory_space<semaphore_mem>>) {add = true}
          %dma_wait3A_89 = arith.constant 0 : i32
          %dma_wait3A_90 = tpu.memref_slice %arg8[%mul3A_41, %dma_wait3A_89] : memref<32x128xi32, #tpu.memory_space<vmem>> -> memref<1x128xi32, #tpu.memory_space<vmem>>
          %dma_wait3A_91 = tpu.memref_squeeze %dma_wait3A_90 : memref<1x128xi32, #tpu.memory_space<vmem>> -> memref<128xi32, #tpu.memory_space<vmem>>
          %dma_wait3A_92 = arith.constant 0 : i32
          %dma_wait3A_93 = arith.constant 0 : i32
          %dma_wait3A_94 = tpu.memref_slice %arg11[%dma_wait3A_92, %dma_wait3A_93] : memref<10240x128xf32, #tpu.memory_space<vmem_shared>> -> memref<10240x128xf32, #tpu.memory_space<vmem_shared>>
          tpu.wait_indirect_dma semaphore(%run_scoped3A : memref<!tpu.dma_semaphore, #tpu.memory_space<semaphore_mem>>) src(%arg9 : memref<128x128xf32, #tpu.memory_space<vmem>>) dst(%dma_wait3A_94 : memref<10240x128xf32, #tpu.memory_space<vmem_shared>>)
          tpu.yield
        }) : () -> ()
        %add3A_55 = arith.constant 2 : i32
        %add3A_56 = arith.addi %mul3A_41, %add3A_55 : i32
        %jit3A = arith.constant 32 : i32
        %eq3A = arith.constant 0 : i32
        %eq3A_57 = arith.cmpi eq, %jit3A, %eq3A : i32
        %jit3A_58 = arith.constant 1 : i32
        %select_n3A = arith.select %eq3A_57, %jit3A_58, %jit3A : i32
        %rem3A = arith.remsi %add3A_56, %select_n3A : i32
        %ne3A = arith.constant 0 : i32
        %ne3A_59 = arith.cmpi ne, %rem3A, %ne3A : i32
        %lt3A = arith.constant 0 : i32
        %lt3A_60 = arith.cmpi slt, %rem3A, %lt3A : i32
        %lt3A_61 = arith.constant 0 : i32
        %lt3A_62 = arith.cmpi slt, %select_n3A, %lt3A_61 : i32
        %ne3A_63 = arith.xori %lt3A_60, %lt3A_62 : i1
        %and3A = arith.andi %ne3A_63, %ne3A_59 : i1
        %add3A_64 = arith.addi %rem3A, %select_n3A : i32
        %select_n3A_65 = arith.select %and3A, %add3A_64, %rem3A : i32
        %dma_start3A_66 = arith.constant 0 : i32
        %dma_start3A_67 = tpu.memref_slice %arg7[%select_n3A_65, %dma_start3A_66] : memref<32x128xi32, #tpu.memory_space<vmem>> -> memref<1x128xi32, #tpu.memory_space<vmem>>
        %dma_start3A_68 = tpu.memref_squeeze %dma_start3A_67 : memref<1x128xi32, #tpu.memory_space<vmem>> -> memref<128xi32, #tpu.memory_space<vmem>>
        %dma_start3A_69 = arith.constant 0 : i32
        %dma_start3A_70 = arith.constant 0 : i32
        %dma_start3A_71 = tpu.memref_slice %arg2[%dma_start3A_69, %dma_start3A_70] : memref<20480x128xf32, #tpu.memory_space<hbm>> -> memref<20480x128xf32, #tpu.memory_space<hbm>>
        tpu.enqueue_indirect_dma source(%dma_start3A_71 : memref<20480x128xf32, #tpu.memory_space<hbm>>) target(%arg9 : memref<128x128xf32, #tpu.memory_space<vmem>>) offsets(%dma_start3A_68 : memref<128xi32, #tpu.memory_space<vmem>>) semaphore(%arg12 : memref<!tpu.dma_semaphore, #tpu.memory_space<semaphore_mem>>)
        %add3A_72 = arith.constant 1 : i32
        %add3A_73 = arith.addi %mul3A_41, %add3A_72 : i32
        %dma_wait3A_74 = arith.constant 0 : i32
        %dma_wait3A_75 = tpu.memref_slice %arg7[%add3A_73, %dma_wait3A_74] : memref<32x128xi32, #tpu.memory_space<vmem>> -> memref<1x128xi32, #tpu.memory_space<vmem>>
        %dma_wait3A_76 = tpu.memref_squeeze %dma_wait3A_75 : memref<1x128xi32, #tpu.memory_space<vmem>> -> memref<128xi32, #tpu.memory_space<vmem>>
        %dma_wait3A_77 = arith.constant 0 : i32
        %dma_wait3A_78 = arith.constant 0 : i32
        %dma_wait3A_79 = tpu.memref_slice %arg2[%dma_wait3A_77, %dma_wait3A_78] : memref<20480x128xf32, #tpu.memory_space<hbm>> -> memref<20480x128xf32, #tpu.memory_space<hbm>>
        tpu.wait_indirect_dma semaphore(%arg13 : memref<!tpu.dma_semaphore, #tpu.memory_space<semaphore_mem>>) src(%dma_wait3A_79 : memref<20480x128xf32, #tpu.memory_space<hbm>>) dst(%arg10 : memref<128x128xf32, #tpu.memory_space<vmem>>)
        %add3A_80 = arith.constant 1 : i32
        %add3A_81 = arith.addi %mul3A_41, %add3A_80 : i32
        "tpu.region"() ({
          %run_scoped3A = tpu.sem_alloc : memref<!tpu.dma_semaphore, #tpu.memory_space<semaphore_mem>>
          %dma_start3A_83 = arith.constant 0 : i32
          %dma_start3A_84 = tpu.memref_slice %arg8[%add3A_81, %dma_start3A_83] : memref<32x128xi32, #tpu.memory_space<vmem>> -> memref<1x128xi32, #tpu.memory_space<vmem>>
          %dma_start3A_85 = tpu.memref_squeeze %dma_start3A_84 : memref<1x128xi32, #tpu.memory_space<vmem>> -> memref<128xi32, #tpu.memory_space<vmem>>
          %dma_start3A_86 = arith.constant 0 : i32
          %dma_start3A_87 = arith.constant 0 : i32
          %dma_start3A_88 = tpu.memref_slice %arg11[%dma_start3A_86, %dma_start3A_87] : memref<10240x128xf32, #tpu.memory_space<vmem_shared>> -> memref<10240x128xf32, #tpu.memory_space<vmem_shared>>
          tpu.enqueue_indirect_dma source(%arg10 : memref<128x128xf32, #tpu.memory_space<vmem>>) target(%dma_start3A_88 : memref<10240x128xf32, #tpu.memory_space<vmem_shared>>) offsets(%dma_start3A_85 : memref<128xi32, #tpu.memory_space<vmem>>) semaphore(%run_scoped3A : memref<!tpu.dma_semaphore, #tpu.memory_space<semaphore_mem>>) {add = true}
          %dma_wait3A_89 = arith.constant 0 : i32
          %dma_wait3A_90 = tpu.memref_slice %arg8[%add3A_81, %dma_wait3A_89] : memref<32x128xi32, #tpu.memory_space<vmem>> -> memref<1x128xi32, #tpu.memory_space<vmem>>
          %dma_wait3A_91 = tpu.memref_squeeze %dma_wait3A_90 : memref<1x128xi32, #tpu.memory_space<vmem>> -> memref<128xi32, #tpu.memory_space<vmem>>
          %dma_wait3A_92 = arith.constant 0 : i32
          %dma_wait3A_93 = arith.constant 0 : i32
          %dma_wait3A_94 = tpu.memref_slice %arg11[%dma_wait3A_92, %dma_wait3A_93] : memref<10240x128xf32, #tpu.memory_space<vmem_shared>> -> memref<10240x128xf32, #tpu.memory_space<vmem_shared>>
          tpu.wait_indirect_dma semaphore(%run_scoped3A : memref<!tpu.dma_semaphore, #tpu.memory_space<semaphore_mem>>) src(%arg10 : memref<128x128xf32, #tpu.memory_space<vmem>>) dst(%dma_wait3A_94 : memref<10240x128xf32, #tpu.memory_space<vmem_shared>>)
          tpu.yield
        }) : () -> ()
        %scan3A_82 = arith.constant 0 : i32
        scf.yield %scan3A_82 : i32
      }
      %scan3A_30 = arith.constant 16 : i32
      %dma_wait3A = arith.constant 0 : i32
      %dma_wait3A_31 = arith.constant 0 : i32
      %dma_wait3A_32 = tpu.memref_slice %arg7[%dma_wait3A, %dma_wait3A_31] : memref<32x128xi32, #tpu.memory_space<vmem>> -> memref<1x128xi32, #tpu.memory_space<vmem>>
      %dma_wait3A_33 = tpu.memref_squeeze %dma_wait3A_32 : memref<1x128xi32, #tpu.memory_space<vmem>> -> memref<128xi32, #tpu.memory_space<vmem>>
      %dma_wait3A_34 = arith.constant 0 : i32
      %dma_wait3A_35 = arith.constant 0 : i32
      %dma_wait3A_36 = tpu.memref_slice %arg2[%dma_wait3A_34, %dma_wait3A_35] : memref<20480x128xf32, #tpu.memory_space<hbm>> -> memref<20480x128xf32, #tpu.memory_space<hbm>>
      tpu.wait_indirect_dma semaphore(%arg12 : memref<!tpu.dma_semaphore, #tpu.memory_space<semaphore_mem>>) src(%dma_wait3A_36 : memref<20480x128xf32, #tpu.memory_space<hbm>>) dst(%arg9 : memref<128x128xf32, #tpu.memory_space<vmem>>)
      %scan3A_37 = arith.constant 0 : i32
      scf.yield %scan3A_37 : i32
    }
    %scan3A_6 = arith.constant 5 : i32
    %barrier3A_7 = arith.constant 0 : index
    tpu.barrier barrier_id(%barrier3A_7)
    %mul3A_8 = arith.constant 640 : i32
    %mul3A_9 = arith.muli %arg1, %mul3A_8 : i32
    %mul3A_10 = arith.constant 640 : i32
    %mul3A_11 = arith.muli %arg1, %mul3A_10 : i32
    "tpu.region"() ({
      %run_scoped3A = tpu.sem_alloc : memref<!tpu.dma_semaphore, #tpu.memory_space<semaphore_mem>>
      %dma_start3A = arith.constant 0 : i32
      %dma_start3A_12 = tpu.memref_slice %arg6[%arg0, %mul3A_11, %dma_start3A] : memref<2x10240x128xf32, #tpu.memory_space<hbm>> -> memref<1x640x128xf32, #tpu.memory_space<hbm>>
      %dma_start3A_13 = tpu.memref_squeeze %dma_start3A_12 : memref<1x640x128xf32, #tpu.memory_space<hbm>> -> memref<640x128xf32, #tpu.memory_space<hbm>>
      %dma_start3A_14 = arith.constant 0 : i32
      %dma_start3A_15 = tpu.memref_slice %arg11[%mul3A_9, %dma_start3A_14] : memref<10240x128xf32, #tpu.memory_space<vmem_shared>> -> memref<640x128xf32, #tpu.memory_space<vmem_shared>>
      tpu.enqueue_dma source(%dma_start3A_15 : memref<640x128xf32, #tpu.memory_space<vmem_shared>>) target(%dma_start3A_13 : memref<640x128xf32, #tpu.memory_space<hbm>>) target_semaphore(%run_scoped3A : memref<!tpu.dma_semaphore, #tpu.memory_space<semaphore_mem>>)
      %dma_wait3A = arith.constant 0 : i32
      %dma_wait3A_16 = tpu.memref_slice %arg6[%arg0, %mul3A_11, %dma_wait3A] : memref<2x10240x128xf32, #tpu.memory_space<hbm>> -> memref<1x640x128xf32, #tpu.memory_space<hbm>>
      %dma_wait3A_17 = tpu.memref_squeeze %dma_wait3A_16 : memref<1x640x128xf32, #tpu.memory_space<hbm>> -> memref<640x128xf32, #tpu.memory_space<hbm>>
      %dma_wait3A_18 = arith.constant 0 : i32
      %dma_wait3A_19 = tpu.memref_slice %arg11[%mul3A_9, %dma_wait3A_18] : memref<10240x128xf32, #tpu.memory_space<vmem_shared>> -> memref<640x128xf32, #tpu.memory_space<vmem_shared>>
      tpu.wait_dma2 semaphore(%run_scoped3A : memref<!tpu.dma_semaphore, #tpu.memory_space<semaphore_mem>>) src(%dma_wait3A_19 : memref<640x128xf32, #tpu.memory_space<vmem_shared>>) dst(%dma_wait3A_17 : memref<640x128xf32, #tpu.memory_space<hbm>>)
      tpu.yield
    }) : () -> ()
    return
  }
}

#map = affine_map<(d0, d1) -> (0, 0)>
#map1 = affine_map<(d0, d1) -> (0, 0, 0, 0)>
#map2 = affine_map<(d0, d1) -> (0, 0, 0)>
module attributes {stable_mosaic.version = 14 : i64} {
  func.func @_agg_body(%arg0: i32, %arg1: i32, %arg2: memref<20480x128xf32, #tpu.memory_space<hbm>>, %arg3: memref<2x16x160x128xi32, #tpu.memory_space<hbm>>, %arg4: memref<16x160x128xi32, #tpu.memory_space<hbm>>, %arg5: memref<640x128xf32, #tpu.memory_space<hbm>>, %arg6: memref<2x10240x128xf32, #tpu.memory_space<hbm>>, %arg7: memref<32x128xi32, #tpu.memory_space<vmem>>, %arg8: memref<32x128xi32, #tpu.memory_space<vmem>>, %arg9: memref<128x128xf32, #tpu.memory_space<vmem>>, %arg10: memref<128x128xf32, #tpu.memory_space<vmem>>, %arg11: memref<10240x128xf32, #tpu.memory_space<vmem_shared>>, %arg12: memref<!tpu.dma_semaphore, #tpu.memory_space<semaphore_mem>>, %arg13: memref<!tpu.dma_semaphore, #tpu.memory_space<semaphore_mem>>, %arg14: memref<!tpu.dma_semaphore, #tpu.memory_space<semaphore_mem>>, %arg15: memref<!tpu.dma_semaphore, #tpu.memory_space<semaphore_mem>>) attributes {dimension_semantics = [#tpu.dimension_semantics<core_parallel>, #tpu.dimension_semantics<subcore_parallel>], iteration_bounds = array<i64: 2, 16>, scalar_prefetch = 0 : i64, scratch_operands = 9 : i64, tpu.core_type = #tpu.core_type<sc_vector_subcore>, window_params = [{transform_indices = #map}, {transform_indices = #map1}, {transform_indices = #map2}, {transform_indices = #map}, {transform_indices = #map2}]} {
    %mul3A = arith.constant 640 : i32
    %mul3A_0 = arith.muli %arg1, %mul3A : i32
    "tpu.region"() ({
      %run_scoped3A = tpu.sem_alloc : memref<!tpu.dma_semaphore, #tpu.memory_space<semaphore_mem>>
      %dma_start3A = arith.constant 0 : i32
      %dma_start3A_12 = tpu.memref_slice %arg11[%mul3A_0, %dma_start3A] : memref<10240x128xf32, #tpu.memory_space<vmem_shared>> -> memref<640x128xf32, #tpu.memory_space<vmem_shared>>
      tpu.enqueue_dma source(%arg5 : memref<640x128xf32, #tpu.memory_space<hbm>>) target(%dma_start3A_12 : memref<640x128xf32, #tpu.memory_space<vmem_shared>>) target_semaphore(%run_scoped3A : memref<!tpu.dma_semaphore, #tpu.memory_space<semaphore_mem>>)
      %dma_wait3A = arith.constant 0 : i32
      %dma_wait3A_13 = tpu.memref_slice %arg11[%mul3A_0, %dma_wait3A] : memref<10240x128xf32, #tpu.memory_space<vmem_shared>> -> memref<640x128xf32, #tpu.memory_space<vmem_shared>>
      tpu.wait_dma2 semaphore(%run_scoped3A : memref<!tpu.dma_semaphore, #tpu.memory_space<semaphore_mem>>) src(%arg5 : memref<640x128xf32, #tpu.memory_space<hbm>>) dst(%dma_wait3A_13 : memref<640x128xf32, #tpu.memory_space<vmem_shared>>)
      tpu.yield
    }) : () -> ()
    %barrier3A = arith.constant 0 : index
    tpu.barrier barrier_id(%barrier3A)
    %scan3A = arith.constant 0 : i32
    %scan3A_1 = arith.constant 0 : i32
    %scan3A_2 = arith.constant 5 : i32
    %scan3A_3 = arith.addi %scan3A_1, %scan3A_2 : i32
    %scan3A_4 = arith.constant 1 : i32
    %scan3A_5 = scf.for %scan3A_12 = %scan3A_1 to %scan3A_3 step %scan3A_4 iter_args(%scan3A_13 = %scan3A) -> (i32)  : i32 {
      %mul3A_14 = arith.constant 32 : i32
      %mul3A_15 = arith.muli %scan3A_12, %mul3A_14 : i32
      "tpu.region"() ({
        %run_scoped3A = tpu.sem_alloc : memref<!tpu.dma_semaphore, #tpu.memory_space<semaphore_mem>>
        %dma_start3A_38 = arith.constant 0 : i32
        %dma_start3A_39 = tpu.memref_slice %arg3[%arg0, %arg1, %mul3A_15, %dma_start3A_38] : memref<2x16x160x128xi32, #tpu.memory_space<hbm>> -> memref<1x1x32x128xi32, #tpu.memory_space<hbm>>
        %dma_start3A_40 = tpu.memref_squeeze %dma_start3A_39 : memref<1x1x32x128xi32, #tpu.memory_space<hbm>> -> memref<32x128xi32, #tpu.memory_space<hbm>>
        %dma_start3A_41 = arith.constant 0 : i32
        %dma_start3A_42 = tpu.memref_slice %arg3[%arg0, %arg1, %mul3A_15, %dma_start3A_41] : memref<2x16x160x128xi32, #tpu.memory_space<hbm>> -> memref<1x1x32x128xi32, #tpu.memory_space<hbm>>
        %dma_start3A_43 = tpu.memref_squeeze %dma_start3A_42 : memref<1x1x32x128xi32, #tpu.memory_space<hbm>> -> memref<32x128xi32, #tpu.memory_space<hbm>>
        tpu.enqueue_dma source(%dma_start3A_43 : memref<32x128xi32, #tpu.memory_space<hbm>>) target(%arg7 : memref<32x128xi32, #tpu.memory_space<vmem>>) target_semaphore(%run_scoped3A : memref<!tpu.dma_semaphore, #tpu.memory_space<semaphore_mem>>)
        %dma_wait3A_44 = arith.constant 0 : i32
        %dma_wait3A_45 = tpu.memref_slice %arg3[%arg0, %arg1, %mul3A_15, %dma_wait3A_44] : memref<2x16x160x128xi32, #tpu.memory_space<hbm>> -> memref<1x1x32x128xi32, #tpu.memory_space<hbm>>
        %dma_wait3A_46 = tpu.memref_squeeze %dma_wait3A_45 : memref<1x1x32x128xi32, #tpu.memory_space<hbm>> -> memref<32x128xi32, #tpu.memory_space<hbm>>
        %dma_wait3A_47 = arith.constant 0 : i32
        %dma_wait3A_48 = tpu.memref_slice %arg3[%arg0, %arg1, %mul3A_15, %dma_wait3A_47] : memref<2x16x160x128xi32, #tpu.memory_space<hbm>> -> memref<1x1x32x128xi32, #tpu.memory_space<hbm>>
        %dma_wait3A_49 = tpu.memref_squeeze %dma_wait3A_48 : memref<1x1x32x128xi32, #tpu.memory_space<hbm>> -> memref<32x128xi32, #tpu.memory_space<hbm>>
        tpu.wait_dma2 semaphore(%run_scoped3A : memref<!tpu.dma_semaphore, #tpu.memory_space<semaphore_mem>>) src(%dma_wait3A_49 : memref<32x128xi32, #tpu.memory_space<hbm>>) dst(%arg7 : memref<32x128xi32, #tpu.memory_space<vmem>>)
        tpu.yield
      }) : () -> ()
      %mul3A_16 = arith.constant 32 : i32
      %mul3A_17 = arith.muli %scan3A_12, %mul3A_16 : i32
      "tpu.region"() ({
        %run_scoped3A = tpu.sem_alloc : memref<!tpu.dma_semaphore, #tpu.memory_space<semaphore_mem>>
        %dma_start3A_38 = arith.constant 0 : i32
        %dma_start3A_39 = tpu.memref_slice %arg4[%arg1, %mul3A_17, %dma_start3A_38] : memref<16x160x128xi32, #tpu.memory_space<hbm>> -> memref<1x32x128xi32, #tpu.memory_space<hbm>>
        %dma_start3A_40 = tpu.memref_squeeze %dma_start3A_39 : memref<1x32x128xi32, #tpu.memory_space<hbm>> -> memref<32x128xi32, #tpu.memory_space<hbm>>
        %dma_start3A_41 = arith.constant 0 : i32
        %dma_start3A_42 = tpu.memref_slice %arg4[%arg1, %mul3A_17, %dma_start3A_41] : memref<16x160x128xi32, #tpu.memory_space<hbm>> -> memref<1x32x128xi32, #tpu.memory_space<hbm>>
        %dma_start3A_43 = tpu.memref_squeeze %dma_start3A_42 : memref<1x32x128xi32, #tpu.memory_space<hbm>> -> memref<32x128xi32, #tpu.memory_space<hbm>>
        tpu.enqueue_dma source(%dma_start3A_43 : memref<32x128xi32, #tpu.memory_space<hbm>>) target(%arg8 : memref<32x128xi32, #tpu.memory_space<vmem>>) target_semaphore(%run_scoped3A : memref<!tpu.dma_semaphore, #tpu.memory_space<semaphore_mem>>)
        %dma_wait3A_44 = arith.constant 0 : i32
        %dma_wait3A_45 = tpu.memref_slice %arg4[%arg1, %mul3A_17, %dma_wait3A_44] : memref<16x160x128xi32, #tpu.memory_space<hbm>> -> memref<1x32x128xi32, #tpu.memory_space<hbm>>
        %dma_wait3A_46 = tpu.memref_squeeze %dma_wait3A_45 : memref<1x32x128xi32, #tpu.memory_space<hbm>> -> memref<32x128xi32, #tpu.memory_space<hbm>>
        %dma_wait3A_47 = arith.constant 0 : i32
        %dma_wait3A_48 = tpu.memref_slice %arg4[%arg1, %mul3A_17, %dma_wait3A_47] : memref<16x160x128xi32, #tpu.memory_space<hbm>> -> memref<1x32x128xi32, #tpu.memory_space<hbm>>
        %dma_wait3A_49 = tpu.memref_squeeze %dma_wait3A_48 : memref<1x32x128xi32, #tpu.memory_space<hbm>> -> memref<32x128xi32, #tpu.memory_space<hbm>>
        tpu.wait_dma2 semaphore(%run_scoped3A : memref<!tpu.dma_semaphore, #tpu.memory_space<semaphore_mem>>) src(%dma_wait3A_49 : memref<32x128xi32, #tpu.memory_space<hbm>>) dst(%arg8 : memref<32x128xi32, #tpu.memory_space<vmem>>)
        tpu.yield
      }) : () -> ()
      %dma_start3A = arith.constant 0 : i32
      %dma_start3A_18 = arith.constant 0 : i32
      %dma_start3A_19 = tpu.memref_slice %arg7[%dma_start3A, %dma_start3A_18] : memref<32x128xi32, #tpu.memory_space<vmem>> -> memref<1x128xi32, #tpu.memory_space<vmem>>
      %dma_start3A_20 = tpu.memref_squeeze %dma_start3A_19 : memref<1x128xi32, #tpu.memory_space<vmem>> -> memref<128xi32, #tpu.memory_space<vmem>>
      %dma_start3A_21 = arith.constant 0 : i32
      %dma_start3A_22 = arith.constant 0 : i32
      %dma_start3A_23 = tpu.memref_slice %arg2[%dma_start3A_21, %dma_start3A_22] : memref<20480x128xf32, #tpu.memory_space<hbm>> -> memref<20480x128xf32, #tpu.memory_space<hbm>>
      tpu.enqueue_indirect_dma source(%dma_start3A_23 : memref<20480x128xf32, #tpu.memory_space<hbm>>) target(%arg9 : memref<128x128xf32, #tpu.memory_space<vmem>>) offsets(%dma_start3A_20 : memref<128xi32, #tpu.memory_space<vmem>>) semaphore(%arg12 : memref<!tpu.dma_semaphore, #tpu.memory_space<semaphore_mem>>)
      %scan3A_24 = arith.constant 0 : i32
      %scan3A_25 = arith.constant 0 : i32
      %scan3A_26 = arith.constant 16 : i32
      %scan3A_27 = arith.addi %scan3A_25, %scan3A_26 : i32
      %scan3A_28 = arith.constant 1 : i32
      %scan3A_29 = scf.for %scan3A_38 = %scan3A_25 to %scan3A_27 step %scan3A_28 iter_args(%scan3A_39 = %scan3A_24) -> (i32)  : i32 {
        %mul3A_40 = arith.constant 2 : i32
        %mul3A_41 = arith.muli %mul3A_40, %scan3A_38 : i32
        %add3A = arith.constant 1 : i32
        %add3A_42 = arith.addi %mul3A_41, %add3A : i32
        %dma_start3A_43 = arith.constant 0 : i32
        %dma_start3A_44 = tpu.memref_slice %arg7[%add3A_42, %dma_start3A_43] : memref<32x128xi32, #tpu.memory_space<vmem>> -> memref<1x128xi32, #tpu.memory_space<vmem>>
        %dma_start3A_45 = tpu.memref_squeeze %dma_start3A_44 : memref<1x128xi32, #tpu.memory_space<vmem>> -> memref<128xi32, #tpu.memory_space<vmem>>
        %dma_start3A_46 = arith.constant 0 : i32
        %dma_start3A_47 = arith.constant 0 : i32
        %dma_start3A_48 = tpu.memref_slice %arg2[%dma_start3A_46, %dma_start3A_47] : memref<20480x128xf32, #tpu.memory_space<hbm>> -> memref<20480x128xf32, #tpu.memory_space<hbm>>
        tpu.enqueue_indirect_dma source(%dma_start3A_48 : memref<20480x128xf32, #tpu.memory_space<hbm>>) target(%arg10 : memref<128x128xf32, #tpu.memory_space<vmem>>) offsets(%dma_start3A_45 : memref<128xi32, #tpu.memory_space<vmem>>) semaphore(%arg13 : memref<!tpu.dma_semaphore, #tpu.memory_space<semaphore_mem>>)
        %dma_wait3A_49 = arith.constant 0 : i32
        %dma_wait3A_50 = tpu.memref_slice %arg7[%mul3A_41, %dma_wait3A_49] : memref<32x128xi32, #tpu.memory_space<vmem>> -> memref<1x128xi32, #tpu.memory_space<vmem>>
        %dma_wait3A_51 = tpu.memref_squeeze %dma_wait3A_50 : memref<1x128xi32, #tpu.memory_space<vmem>> -> memref<128xi32, #tpu.memory_space<vmem>>
        %dma_wait3A_52 = arith.constant 0 : i32
        %dma_wait3A_53 = arith.constant 0 : i32
        %dma_wait3A_54 = tpu.memref_slice %arg2[%dma_wait3A_52, %dma_wait3A_53] : memref<20480x128xf32, #tpu.memory_space<hbm>> -> memref<20480x128xf32, #tpu.memory_space<hbm>>
        tpu.wait_indirect_dma semaphore(%arg12 : memref<!tpu.dma_semaphore, #tpu.memory_space<semaphore_mem>>) src(%dma_wait3A_54 : memref<20480x128xf32, #tpu.memory_space<hbm>>) dst(%arg9 : memref<128x128xf32, #tpu.memory_space<vmem>>)
        "tpu.region"() ({
          %run_scoped3A = tpu.sem_alloc : memref<!tpu.dma_semaphore, #tpu.memory_space<semaphore_mem>>
          %dma_start3A_83 = arith.constant 0 : i32
          %dma_start3A_84 = tpu.memref_slice %arg8[%mul3A_41, %dma_start3A_83] : memref<32x128xi32, #tpu.memory_space<vmem>> -> memref<1x128xi32, #tpu.memory_space<vmem>>
          %dma_start3A_85 = tpu.memref_squeeze %dma_start3A_84 : memref<1x128xi32, #tpu.memory_space<vmem>> -> memref<128xi32, #tpu.memory_space<vmem>>
          %dma_start3A_86 = arith.constant 0 : i32
          %dma_start3A_87 = arith.constant 0 : i32
          %dma_start3A_88 = tpu.memref_slice %arg11[%dma_start3A_86, %dma_start3A_87] : memref<10240x128xf32, #tpu.memory_space<vmem_shared>> -> memref<10240x128xf32, #tpu.memory_space<vmem_shared>>
          tpu.enqueue_indirect_dma source(%arg9 : memref<128x128xf32, #tpu.memory_space<vmem>>) target(%dma_start3A_88 : memref<10240x128xf32, #tpu.memory_space<vmem_shared>>) offsets(%dma_start3A_85 : memref<128xi32, #tpu.memory_space<vmem>>) semaphore(%run_scoped3A : memref<!tpu.dma_semaphore, #tpu.memory_space<semaphore_mem>>) {add = true}
          %dma_wait3A_89 = arith.constant 0 : i32
          %dma_wait3A_90 = tpu.memref_slice %arg8[%mul3A_41, %dma_wait3A_89] : memref<32x128xi32, #tpu.memory_space<vmem>> -> memref<1x128xi32, #tpu.memory_space<vmem>>
          %dma_wait3A_91 = tpu.memref_squeeze %dma_wait3A_90 : memref<1x128xi32, #tpu.memory_space<vmem>> -> memref<128xi32, #tpu.memory_space<vmem>>
          %dma_wait3A_92 = arith.constant 0 : i32
          %dma_wait3A_93 = arith.constant 0 : i32
          %dma_wait3A_94 = tpu.memref_slice %arg11[%dma_wait3A_92, %dma_wait3A_93] : memref<10240x128xf32, #tpu.memory_space<vmem_shared>> -> memref<10240x128xf32, #tpu.memory_space<vmem_shared>>
          tpu.wait_indirect_dma semaphore(%run_scoped3A : memref<!tpu.dma_semaphore, #tpu.memory_space<semaphore_mem>>) src(%arg9 : memref<128x128xf32, #tpu.memory_space<vmem>>) dst(%dma_wait3A_94 : memref<10240x128xf32, #tpu.memory_space<vmem_shared>>)
          tpu.yield
        }) : () -> ()
        %add3A_55 = arith.constant 2 : i32
        %add3A_56 = arith.addi %mul3A_41, %add3A_55 : i32
        %jit3A = arith.constant 32 : i32
        %eq3A = arith.constant 0 : i32
        %eq3A_57 = arith.cmpi eq, %jit3A, %eq3A : i32
        %jit3A_58 = arith.constant 1 : i32
        %select_n3A = arith.select %eq3A_57, %jit3A_58, %jit3A : i32
        %rem3A = arith.remsi %add3A_56, %select_n3A : i32
        %ne3A = arith.constant 0 : i32
        %ne3A_59 = arith.cmpi ne, %rem3A, %ne3A : i32
        %lt3A = arith.constant 0 : i32
        %lt3A_60 = arith.cmpi slt, %rem3A, %lt3A : i32
        %lt3A_61 = arith.constant 0 : i32
        %lt3A_62 = arith.cmpi slt, %select_n3A, %lt3A_61 : i32
        %ne3A_63 = arith.xori %lt3A_60, %lt3A_62 : i1
        %and3A = arith.andi %ne3A_63, %ne3A_59 : i1
        %add3A_64 = arith.addi %rem3A, %select_n3A : i32
        %select_n3A_65 = arith.select %and3A, %add3A_64, %rem3A : i32
        %dma_start3A_66 = arith.constant 0 : i32
        %dma_start3A_67 = tpu.memref_slice %arg7[%select_n3A_65, %dma_start3A_66] : memref<32x128xi32, #tpu.memory_space<vmem>> -> memref<1x128xi32, #tpu.memory_space<vmem>>
        %dma_start3A_68 = tpu.memref_squeeze %dma_start3A_67 : memref<1x128xi32, #tpu.memory_space<vmem>> -> memref<128xi32, #tpu.memory_space<vmem>>
        %dma_start3A_69 = arith.constant 0 : i32
        %dma_start3A_70 = arith.constant 0 : i32
        %dma_start3A_71 = tpu.memref_slice %arg2[%dma_start3A_69, %dma_start3A_70] : memref<20480x128xf32, #tpu.memory_space<hbm>> -> memref<20480x128xf32, #tpu.memory_space<hbm>>
        tpu.enqueue_indirect_dma source(%dma_start3A_71 : memref<20480x128xf32, #tpu.memory_space<hbm>>) target(%arg9 : memref<128x128xf32, #tpu.memory_space<vmem>>) offsets(%dma_start3A_68 : memref<128xi32, #tpu.memory_space<vmem>>) semaphore(%arg12 : memref<!tpu.dma_semaphore, #tpu.memory_space<semaphore_mem>>)
        %add3A_72 = arith.constant 1 : i32
        %add3A_73 = arith.addi %mul3A_41, %add3A_72 : i32
        %dma_wait3A_74 = arith.constant 0 : i32
        %dma_wait3A_75 = tpu.memref_slice %arg7[%add3A_73, %dma_wait3A_74] : memref<32x128xi32, #tpu.memory_space<vmem>> -> memref<1x128xi32, #tpu.memory_space<vmem>>
        %dma_wait3A_76 = tpu.memref_squeeze %dma_wait3A_75 : memref<1x128xi32, #tpu.memory_space<vmem>> -> memref<128xi32, #tpu.memory_space<vmem>>
        %dma_wait3A_77 = arith.constant 0 : i32
        %dma_wait3A_78 = arith.constant 0 : i32
        %dma_wait3A_79 = tpu.memref_slice %arg2[%dma_wait3A_77, %dma_wait3A_78] : memref<20480x128xf32, #tpu.memory_space<hbm>> -> memref<20480x128xf32, #tpu.memory_space<hbm>>
        tpu.wait_indirect_dma semaphore(%arg13 : memref<!tpu.dma_semaphore, #tpu.memory_space<semaphore_mem>>) src(%dma_wait3A_79 : memref<20480x128xf32, #tpu.memory_space<hbm>>) dst(%arg10 : memref<128x128xf32, #tpu.memory_space<vmem>>)
        %add3A_80 = arith.constant 1 : i32
        %add3A_81 = arith.addi %mul3A_41, %add3A_80 : i32
        "tpu.region"() ({
          %run_scoped3A = tpu.sem_alloc : memref<!tpu.dma_semaphore, #tpu.memory_space<semaphore_mem>>
          %dma_start3A_83 = arith.constant 0 : i32
          %dma_start3A_84 = tpu.memref_slice %arg8[%add3A_81, %dma_start3A_83] : memref<32x128xi32, #tpu.memory_space<vmem>> -> memref<1x128xi32, #tpu.memory_space<vmem>>
          %dma_start3A_85 = tpu.memref_squeeze %dma_start3A_84 : memref<1x128xi32, #tpu.memory_space<vmem>> -> memref<128xi32, #tpu.memory_space<vmem>>
          %dma_start3A_86 = arith.constant 0 : i32
          %dma_start3A_87 = arith.constant 0 : i32
          %dma_start3A_88 = tpu.memref_slice %arg11[%dma_start3A_86, %dma_start3A_87] : memref<10240x128xf32, #tpu.memory_space<vmem_shared>> -> memref<10240x128xf32, #tpu.memory_space<vmem_shared>>
          tpu.enqueue_indirect_dma source(%arg10 : memref<128x128xf32, #tpu.memory_space<vmem>>) target(%dma_start3A_88 : memref<10240x128xf32, #tpu.memory_space<vmem_shared>>) offsets(%dma_start3A_85 : memref<128xi32, #tpu.memory_space<vmem>>) semaphore(%run_scoped3A : memref<!tpu.dma_semaphore, #tpu.memory_space<semaphore_mem>>) {add = true}
          %dma_wait3A_89 = arith.constant 0 : i32
          %dma_wait3A_90 = tpu.memref_slice %arg8[%add3A_81, %dma_wait3A_89] : memref<32x128xi32, #tpu.memory_space<vmem>> -> memref<1x128xi32, #tpu.memory_space<vmem>>
          %dma_wait3A_91 = tpu.memref_squeeze %dma_wait3A_90 : memref<1x128xi32, #tpu.memory_space<vmem>> -> memref<128xi32, #tpu.memory_space<vmem>>
          %dma_wait3A_92 = arith.constant 0 : i32
          %dma_wait3A_93 = arith.constant 0 : i32
          %dma_wait3A_94 = tpu.memref_slice %arg11[%dma_wait3A_92, %dma_wait3A_93] : memref<10240x128xf32, #tpu.memory_space<vmem_shared>> -> memref<10240x128xf32, #tpu.memory_space<vmem_shared>>
          tpu.wait_indirect_dma semaphore(%run_scoped3A : memref<!tpu.dma_semaphore, #tpu.memory_space<semaphore_mem>>) src(%arg10 : memref<128x128xf32, #tpu.memory_space<vmem>>) dst(%dma_wait3A_94 : memref<10240x128xf32, #tpu.memory_space<vmem_shared>>)
          tpu.yield
        }) : () -> ()
        %scan3A_82 = arith.constant 0 : i32
        scf.yield %scan3A_82 : i32
      }
      %scan3A_30 = arith.constant 16 : i32
      %dma_wait3A = arith.constant 0 : i32
      %dma_wait3A_31 = arith.constant 0 : i32
      %dma_wait3A_32 = tpu.memref_slice %arg7[%dma_wait3A, %dma_wait3A_31] : memref<32x128xi32, #tpu.memory_space<vmem>> -> memref<1x128xi32, #tpu.memory_space<vmem>>
      %dma_wait3A_33 = tpu.memref_squeeze %dma_wait3A_32 : memref<1x128xi32, #tpu.memory_space<vmem>> -> memref<128xi32, #tpu.memory_space<vmem>>
      %dma_wait3A_34 = arith.constant 0 : i32
      %dma_wait3A_35 = arith.constant 0 : i32
      %dma_wait3A_36 = tpu.memref_slice %arg2[%dma_wait3A_34, %dma_wait3A_35] : memref<20480x128xf32, #tpu.memory_space<hbm>> -> memref<20480x128xf32, #tpu.memory_space<hbm>>
      tpu.wait_indirect_dma semaphore(%arg12 : memref<!tpu.dma_semaphore, #tpu.memory_space<semaphore_mem>>) src(%dma_wait3A_36 : memref<20480x128xf32, #tpu.memory_space<hbm>>) dst(%arg9 : memref<128x128xf32, #tpu.memory_space<vmem>>)
      %scan3A_37 = arith.constant 0 : i32
      scf.yield %scan3A_37 : i32
    }
    %scan3A_6 = arith.constant 5 : i32
    %barrier3A_7 = arith.constant 0 : index
    tpu.barrier barrier_id(%barrier3A_7)
    %mul3A_8 = arith.constant 640 : i32
    %mul3A_9 = arith.muli %arg1, %mul3A_8 : i32
    %mul3A_10 = arith.constant 640 : i32
    %mul3A_11 = arith.muli %arg1, %mul3A_10 : i32
    "tpu.region"() ({
      %run_scoped3A = tpu.sem_alloc : memref<!tpu.dma_semaphore, #tpu.memory_space<semaphore_mem>>
      %dma_start3A = arith.constant 0 : i32
      %dma_start3A_12 = tpu.memref_slice %arg6[%arg0, %mul3A_11, %dma_start3A] : memref<2x10240x128xf32, #tpu.memory_space<hbm>> -> memref<1x640x128xf32, #tpu.memory_space<hbm>>
      %dma_start3A_13 = tpu.memref_squeeze %dma_start3A_12 : memref<1x640x128xf32, #tpu.memory_space<hbm>> -> memref<640x128xf32, #tpu.memory_space<hbm>>
      %dma_start3A_14 = arith.constant 0 : i32
      %dma_start3A_15 = tpu.memref_slice %arg11[%mul3A_9, %dma_start3A_14] : memref<10240x128xf32, #tpu.memory_space<vmem_shared>> -> memref<640x128xf32, #tpu.memory_space<vmem_shared>>
      tpu.enqueue_dma source(%dma_start3A_15 : memref<640x128xf32, #tpu.memory_space<vmem_shared>>) target(%dma_start3A_13 : memref<640x128xf32, #tpu.memory_space<hbm>>) target_semaphore(%run_scoped3A : memref<!tpu.dma_semaphore, #tpu.memory_space<semaphore_mem>>)
      %dma_wait3A = arith.constant 0 : i32
      %dma_wait3A_16 = tpu.memref_slice %arg6[%arg0, %mul3A_11, %dma_wait3A] : memref<2x10240x128xf32, #tpu.memory_space<hbm>> -> memref<1x640x128xf32, #tpu.memory_space<hbm>>
      %dma_wait3A_17 = tpu.memref_squeeze %dma_wait3A_16 : memref<1x640x128xf32, #tpu.memory_space<hbm>> -> memref<640x128xf32, #tpu.memory_space<hbm>>
      %dma_wait3A_18 = arith.constant 0 : i32
      %dma_wait3A_19 = tpu.memref_slice %arg11[%mul3A_9, %dma_wait3A_18] : memref<10240x128xf32, #tpu.memory_space<vmem_shared>> -> memref<640x128xf32, #tpu.memory_space<vmem_shared>>
      tpu.wait_dma2 semaphore(%run_scoped3A : memref<!tpu.dma_semaphore, #tpu.memory_space<semaphore_mem>>) src(%dma_wait3A_19 : memref<640x128xf32, #tpu.memory_space<vmem_shared>>) dst(%dma_wait3A_17 : memref<640x128xf32, #tpu.memory_space<hbm>>)
      tpu.yield
    }) : () -> ()
    return
  }
}

#map = affine_map<(d0, d1) -> (0, 0)>
#map1 = affine_map<(d0, d1) -> (0, 0, 0, 0)>
#map2 = affine_map<(d0, d1) -> (0, 0, 0)>
module attributes {stable_mosaic.version = 14 : i64} {
  func.func @_agg_body(%arg0: i32, %arg1: i32, %arg2: memref<20480x128xf32, #tpu.memory_space<hbm>>, %arg3: memref<2x16x160x128xi32, #tpu.memory_space<hbm>>, %arg4: memref<16x160x128xi32, #tpu.memory_space<hbm>>, %arg5: memref<640x128xf32, #tpu.memory_space<hbm>>, %arg6: memref<2x10240x128xf32, #tpu.memory_space<hbm>>, %arg7: memref<32x128xi32, #tpu.memory_space<vmem>>, %arg8: memref<32x128xi32, #tpu.memory_space<vmem>>, %arg9: memref<128x128xf32, #tpu.memory_space<vmem>>, %arg10: memref<128x128xf32, #tpu.memory_space<vmem>>, %arg11: memref<10240x128xf32, #tpu.memory_space<vmem_shared>>, %arg12: memref<!tpu.dma_semaphore, #tpu.memory_space<semaphore_mem>>, %arg13: memref<!tpu.dma_semaphore, #tpu.memory_space<semaphore_mem>>, %arg14: memref<!tpu.dma_semaphore, #tpu.memory_space<semaphore_mem>>, %arg15: memref<!tpu.dma_semaphore, #tpu.memory_space<semaphore_mem>>) attributes {dimension_semantics = [#tpu.dimension_semantics<core_parallel>, #tpu.dimension_semantics<subcore_parallel>], iteration_bounds = array<i64: 2, 16>, scalar_prefetch = 0 : i64, scratch_operands = 9 : i64, tpu.core_type = #tpu.core_type<sc_vector_subcore>, window_params = [{transform_indices = #map}, {transform_indices = #map1}, {transform_indices = #map2}, {transform_indices = #map}, {transform_indices = #map2}]} {
    %mul3A = arith.constant 640 : i32
    %mul3A_0 = arith.muli %arg1, %mul3A : i32
    "tpu.region"() ({
      %run_scoped3A = tpu.sem_alloc : memref<!tpu.dma_semaphore, #tpu.memory_space<semaphore_mem>>
      %dma_start3A = arith.constant 0 : i32
      %dma_start3A_12 = tpu.memref_slice %arg11[%mul3A_0, %dma_start3A] : memref<10240x128xf32, #tpu.memory_space<vmem_shared>> -> memref<640x128xf32, #tpu.memory_space<vmem_shared>>
      tpu.enqueue_dma source(%arg5 : memref<640x128xf32, #tpu.memory_space<hbm>>) target(%dma_start3A_12 : memref<640x128xf32, #tpu.memory_space<vmem_shared>>) target_semaphore(%run_scoped3A : memref<!tpu.dma_semaphore, #tpu.memory_space<semaphore_mem>>)
      %dma_wait3A = arith.constant 0 : i32
      %dma_wait3A_13 = tpu.memref_slice %arg11[%mul3A_0, %dma_wait3A] : memref<10240x128xf32, #tpu.memory_space<vmem_shared>> -> memref<640x128xf32, #tpu.memory_space<vmem_shared>>
      tpu.wait_dma2 semaphore(%run_scoped3A : memref<!tpu.dma_semaphore, #tpu.memory_space<semaphore_mem>>) src(%arg5 : memref<640x128xf32, #tpu.memory_space<hbm>>) dst(%dma_wait3A_13 : memref<640x128xf32, #tpu.memory_space<vmem_shared>>)
      tpu.yield
    }) : () -> ()
    %barrier3A = arith.constant 0 : index
    tpu.barrier barrier_id(%barrier3A)
    %scan3A = arith.constant 0 : i32
    %scan3A_1 = arith.constant 0 : i32
    %scan3A_2 = arith.constant 5 : i32
    %scan3A_3 = arith.addi %scan3A_1, %scan3A_2 : i32
    %scan3A_4 = arith.constant 1 : i32
    %scan3A_5 = scf.for %scan3A_12 = %scan3A_1 to %scan3A_3 step %scan3A_4 iter_args(%scan3A_13 = %scan3A) -> (i32)  : i32 {
      %mul3A_14 = arith.constant 32 : i32
      %mul3A_15 = arith.muli %scan3A_12, %mul3A_14 : i32
      "tpu.region"() ({
        %run_scoped3A = tpu.sem_alloc : memref<!tpu.dma_semaphore, #tpu.memory_space<semaphore_mem>>
        %dma_start3A_38 = arith.constant 0 : i32
        %dma_start3A_39 = tpu.memref_slice %arg3[%arg0, %arg1, %mul3A_15, %dma_start3A_38] : memref<2x16x160x128xi32, #tpu.memory_space<hbm>> -> memref<1x1x32x128xi32, #tpu.memory_space<hbm>>
        %dma_start3A_40 = tpu.memref_squeeze %dma_start3A_39 : memref<1x1x32x128xi32, #tpu.memory_space<hbm>> -> memref<32x128xi32, #tpu.memory_space<hbm>>
        %dma_start3A_41 = arith.constant 0 : i32
        %dma_start3A_42 = tpu.memref_slice %arg3[%arg0, %arg1, %mul3A_15, %dma_start3A_41] : memref<2x16x160x128xi32, #tpu.memory_space<hbm>> -> memref<1x1x32x128xi32, #tpu.memory_space<hbm>>
        %dma_start3A_43 = tpu.memref_squeeze %dma_start3A_42 : memref<1x1x32x128xi32, #tpu.memory_space<hbm>> -> memref<32x128xi32, #tpu.memory_space<hbm>>
        tpu.enqueue_dma source(%dma_start3A_43 : memref<32x128xi32, #tpu.memory_space<hbm>>) target(%arg7 : memref<32x128xi32, #tpu.memory_space<vmem>>) target_semaphore(%run_scoped3A : memref<!tpu.dma_semaphore, #tpu.memory_space<semaphore_mem>>)
        %dma_wait3A_44 = arith.constant 0 : i32
        %dma_wait3A_45 = tpu.memref_slice %arg3[%arg0, %arg1, %mul3A_15, %dma_wait3A_44] : memref<2x16x160x128xi32, #tpu.memory_space<hbm>> -> memref<1x1x32x128xi32, #tpu.memory_space<hbm>>
        %dma_wait3A_46 = tpu.memref_squeeze %dma_wait3A_45 : memref<1x1x32x128xi32, #tpu.memory_space<hbm>> -> memref<32x128xi32, #tpu.memory_space<hbm>>
        %dma_wait3A_47 = arith.constant 0 : i32
        %dma_wait3A_48 = tpu.memref_slice %arg3[%arg0, %arg1, %mul3A_15, %dma_wait3A_47] : memref<2x16x160x128xi32, #tpu.memory_space<hbm>> -> memref<1x1x32x128xi32, #tpu.memory_space<hbm>>
        %dma_wait3A_49 = tpu.memref_squeeze %dma_wait3A_48 : memref<1x1x32x128xi32, #tpu.memory_space<hbm>> -> memref<32x128xi32, #tpu.memory_space<hbm>>
        tpu.wait_dma2 semaphore(%run_scoped3A : memref<!tpu.dma_semaphore, #tpu.memory_space<semaphore_mem>>) src(%dma_wait3A_49 : memref<32x128xi32, #tpu.memory_space<hbm>>) dst(%arg7 : memref<32x128xi32, #tpu.memory_space<vmem>>)
        tpu.yield
      }) : () -> ()
      %mul3A_16 = arith.constant 32 : i32
      %mul3A_17 = arith.muli %scan3A_12, %mul3A_16 : i32
      "tpu.region"() ({
        %run_scoped3A = tpu.sem_alloc : memref<!tpu.dma_semaphore, #tpu.memory_space<semaphore_mem>>
        %dma_start3A_38 = arith.constant 0 : i32
        %dma_start3A_39 = tpu.memref_slice %arg4[%arg1, %mul3A_17, %dma_start3A_38] : memref<16x160x128xi32, #tpu.memory_space<hbm>> -> memref<1x32x128xi32, #tpu.memory_space<hbm>>
        %dma_start3A_40 = tpu.memref_squeeze %dma_start3A_39 : memref<1x32x128xi32, #tpu.memory_space<hbm>> -> memref<32x128xi32, #tpu.memory_space<hbm>>
        %dma_start3A_41 = arith.constant 0 : i32
        %dma_start3A_42 = tpu.memref_slice %arg4[%arg1, %mul3A_17, %dma_start3A_41] : memref<16x160x128xi32, #tpu.memory_space<hbm>> -> memref<1x32x128xi32, #tpu.memory_space<hbm>>
        %dma_start3A_43 = tpu.memref_squeeze %dma_start3A_42 : memref<1x32x128xi32, #tpu.memory_space<hbm>> -> memref<32x128xi32, #tpu.memory_space<hbm>>
        tpu.enqueue_dma source(%dma_start3A_43 : memref<32x128xi32, #tpu.memory_space<hbm>>) target(%arg8 : memref<32x128xi32, #tpu.memory_space<vmem>>) target_semaphore(%run_scoped3A : memref<!tpu.dma_semaphore, #tpu.memory_space<semaphore_mem>>)
        %dma_wait3A_44 = arith.constant 0 : i32
        %dma_wait3A_45 = tpu.memref_slice %arg4[%arg1, %mul3A_17, %dma_wait3A_44] : memref<16x160x128xi32, #tpu.memory_space<hbm>> -> memref<1x32x128xi32, #tpu.memory_space<hbm>>
        %dma_wait3A_46 = tpu.memref_squeeze %dma_wait3A_45 : memref<1x32x128xi32, #tpu.memory_space<hbm>> -> memref<32x128xi32, #tpu.memory_space<hbm>>
        %dma_wait3A_47 = arith.constant 0 : i32
        %dma_wait3A_48 = tpu.memref_slice %arg4[%arg1, %mul3A_17, %dma_wait3A_47] : memref<16x160x128xi32, #tpu.memory_space<hbm>> -> memref<1x32x128xi32, #tpu.memory_space<hbm>>
        %dma_wait3A_49 = tpu.memref_squeeze %dma_wait3A_48 : memref<1x32x128xi32, #tpu.memory_space<hbm>> -> memref<32x128xi32, #tpu.memory_space<hbm>>
        tpu.wait_dma2 semaphore(%run_scoped3A : memref<!tpu.dma_semaphore, #tpu.memory_space<semaphore_mem>>) src(%dma_wait3A_49 : memref<32x128xi32, #tpu.memory_space<hbm>>) dst(%arg8 : memref<32x128xi32, #tpu.memory_space<vmem>>)
        tpu.yield
      }) : () -> ()
      %dma_start3A = arith.constant 0 : i32
      %dma_start3A_18 = arith.constant 0 : i32
      %dma_start3A_19 = tpu.memref_slice %arg7[%dma_start3A, %dma_start3A_18] : memref<32x128xi32, #tpu.memory_space<vmem>> -> memref<1x128xi32, #tpu.memory_space<vmem>>
      %dma_start3A_20 = tpu.memref_squeeze %dma_start3A_19 : memref<1x128xi32, #tpu.memory_space<vmem>> -> memref<128xi32, #tpu.memory_space<vmem>>
      %dma_start3A_21 = arith.constant 0 : i32
      %dma_start3A_22 = arith.constant 0 : i32
      %dma_start3A_23 = tpu.memref_slice %arg2[%dma_start3A_21, %dma_start3A_22] : memref<20480x128xf32, #tpu.memory_space<hbm>> -> memref<20480x128xf32, #tpu.memory_space<hbm>>
      tpu.enqueue_indirect_dma source(%dma_start3A_23 : memref<20480x128xf32, #tpu.memory_space<hbm>>) target(%arg9 : memref<128x128xf32, #tpu.memory_space<vmem>>) offsets(%dma_start3A_20 : memref<128xi32, #tpu.memory_space<vmem>>) semaphore(%arg12 : memref<!tpu.dma_semaphore, #tpu.memory_space<semaphore_mem>>)
      %scan3A_24 = arith.constant 0 : i32
      %scan3A_25 = arith.constant 0 : i32
      %scan3A_26 = arith.constant 16 : i32
      %scan3A_27 = arith.addi %scan3A_25, %scan3A_26 : i32
      %scan3A_28 = arith.constant 1 : i32
      %scan3A_29 = scf.for %scan3A_38 = %scan3A_25 to %scan3A_27 step %scan3A_28 iter_args(%scan3A_39 = %scan3A_24) -> (i32)  : i32 {
        %mul3A_40 = arith.constant 2 : i32
        %mul3A_41 = arith.muli %mul3A_40, %scan3A_38 : i32
        %add3A = arith.constant 1 : i32
        %add3A_42 = arith.addi %mul3A_41, %add3A : i32
        %dma_start3A_43 = arith.constant 0 : i32
        %dma_start3A_44 = tpu.memref_slice %arg7[%add3A_42, %dma_start3A_43] : memref<32x128xi32, #tpu.memory_space<vmem>> -> memref<1x128xi32, #tpu.memory_space<vmem>>
        %dma_start3A_45 = tpu.memref_squeeze %dma_start3A_44 : memref<1x128xi32, #tpu.memory_space<vmem>> -> memref<128xi32, #tpu.memory_space<vmem>>
        %dma_start3A_46 = arith.constant 0 : i32
        %dma_start3A_47 = arith.constant 0 : i32
        %dma_start3A_48 = tpu.memref_slice %arg2[%dma_start3A_46, %dma_start3A_47] : memref<20480x128xf32, #tpu.memory_space<hbm>> -> memref<20480x128xf32, #tpu.memory_space<hbm>>
        tpu.enqueue_indirect_dma source(%dma_start3A_48 : memref<20480x128xf32, #tpu.memory_space<hbm>>) target(%arg10 : memref<128x128xf32, #tpu.memory_space<vmem>>) offsets(%dma_start3A_45 : memref<128xi32, #tpu.memory_space<vmem>>) semaphore(%arg13 : memref<!tpu.dma_semaphore, #tpu.memory_space<semaphore_mem>>)
        %dma_wait3A_49 = arith.constant 0 : i32
        %dma_wait3A_50 = tpu.memref_slice %arg7[%mul3A_41, %dma_wait3A_49] : memref<32x128xi32, #tpu.memory_space<vmem>> -> memref<1x128xi32, #tpu.memory_space<vmem>>
        %dma_wait3A_51 = tpu.memref_squeeze %dma_wait3A_50 : memref<1x128xi32, #tpu.memory_space<vmem>> -> memref<128xi32, #tpu.memory_space<vmem>>
        %dma_wait3A_52 = arith.constant 0 : i32
        %dma_wait3A_53 = arith.constant 0 : i32
        %dma_wait3A_54 = tpu.memref_slice %arg2[%dma_wait3A_52, %dma_wait3A_53] : memref<20480x128xf32, #tpu.memory_space<hbm>> -> memref<20480x128xf32, #tpu.memory_space<hbm>>
        tpu.wait_indirect_dma semaphore(%arg12 : memref<!tpu.dma_semaphore, #tpu.memory_space<semaphore_mem>>) src(%dma_wait3A_54 : memref<20480x128xf32, #tpu.memory_space<hbm>>) dst(%arg9 : memref<128x128xf32, #tpu.memory_space<vmem>>)
        "tpu.region"() ({
          %run_scoped3A = tpu.sem_alloc : memref<!tpu.dma_semaphore, #tpu.memory_space<semaphore_mem>>
          %dma_start3A_83 = arith.constant 0 : i32
          %dma_start3A_84 = tpu.memref_slice %arg8[%mul3A_41, %dma_start3A_83] : memref<32x128xi32, #tpu.memory_space<vmem>> -> memref<1x128xi32, #tpu.memory_space<vmem>>
          %dma_start3A_85 = tpu.memref_squeeze %dma_start3A_84 : memref<1x128xi32, #tpu.memory_space<vmem>> -> memref<128xi32, #tpu.memory_space<vmem>>
          %dma_start3A_86 = arith.constant 0 : i32
          %dma_start3A_87 = arith.constant 0 : i32
          %dma_start3A_88 = tpu.memref_slice %arg11[%dma_start3A_86, %dma_start3A_87] : memref<10240x128xf32, #tpu.memory_space<vmem_shared>> -> memref<10240x128xf32, #tpu.memory_space<vmem_shared>>
          tpu.enqueue_indirect_dma source(%arg9 : memref<128x128xf32, #tpu.memory_space<vmem>>) target(%dma_start3A_88 : memref<10240x128xf32, #tpu.memory_space<vmem_shared>>) offsets(%dma_start3A_85 : memref<128xi32, #tpu.memory_space<vmem>>) semaphore(%run_scoped3A : memref<!tpu.dma_semaphore, #tpu.memory_space<semaphore_mem>>) {add = true}
          %dma_wait3A_89 = arith.constant 0 : i32
          %dma_wait3A_90 = tpu.memref_slice %arg8[%mul3A_41, %dma_wait3A_89] : memref<32x128xi32, #tpu.memory_space<vmem>> -> memref<1x128xi32, #tpu.memory_space<vmem>>
          %dma_wait3A_91 = tpu.memref_squeeze %dma_wait3A_90 : memref<1x128xi32, #tpu.memory_space<vmem>> -> memref<128xi32, #tpu.memory_space<vmem>>
          %dma_wait3A_92 = arith.constant 0 : i32
          %dma_wait3A_93 = arith.constant 0 : i32
          %dma_wait3A_94 = tpu.memref_slice %arg11[%dma_wait3A_92, %dma_wait3A_93] : memref<10240x128xf32, #tpu.memory_space<vmem_shared>> -> memref<10240x128xf32, #tpu.memory_space<vmem_shared>>
          tpu.wait_indirect_dma semaphore(%run_scoped3A : memref<!tpu.dma_semaphore, #tpu.memory_space<semaphore_mem>>) src(%arg9 : memref<128x128xf32, #tpu.memory_space<vmem>>) dst(%dma_wait3A_94 : memref<10240x128xf32, #tpu.memory_space<vmem_shared>>)
          tpu.yield
        }) : () -> ()
        %add3A_55 = arith.constant 2 : i32
        %add3A_56 = arith.addi %mul3A_41, %add3A_55 : i32
        %jit3A = arith.constant 32 : i32
        %eq3A = arith.constant 0 : i32
        %eq3A_57 = arith.cmpi eq, %jit3A, %eq3A : i32
        %jit3A_58 = arith.constant 1 : i32
        %select_n3A = arith.select %eq3A_57, %jit3A_58, %jit3A : i32
        %rem3A = arith.remsi %add3A_56, %select_n3A : i32
        %ne3A = arith.constant 0 : i32
        %ne3A_59 = arith.cmpi ne, %rem3A, %ne3A : i32
        %lt3A = arith.constant 0 : i32
        %lt3A_60 = arith.cmpi slt, %rem3A, %lt3A : i32
        %lt3A_61 = arith.constant 0 : i32
        %lt3A_62 = arith.cmpi slt, %select_n3A, %lt3A_61 : i32
        %ne3A_63 = arith.xori %lt3A_60, %lt3A_62 : i1
        %and3A = arith.andi %ne3A_63, %ne3A_59 : i1
        %add3A_64 = arith.addi %rem3A, %select_n3A : i32
        %select_n3A_65 = arith.select %and3A, %add3A_64, %rem3A : i32
        %dma_start3A_66 = arith.constant 0 : i32
        %dma_start3A_67 = tpu.memref_slice %arg7[%select_n3A_65, %dma_start3A_66] : memref<32x128xi32, #tpu.memory_space<vmem>> -> memref<1x128xi32, #tpu.memory_space<vmem>>
        %dma_start3A_68 = tpu.memref_squeeze %dma_start3A_67 : memref<1x128xi32, #tpu.memory_space<vmem>> -> memref<128xi32, #tpu.memory_space<vmem>>
        %dma_start3A_69 = arith.constant 0 : i32
        %dma_start3A_70 = arith.constant 0 : i32
        %dma_start3A_71 = tpu.memref_slice %arg2[%dma_start3A_69, %dma_start3A_70] : memref<20480x128xf32, #tpu.memory_space<hbm>> -> memref<20480x128xf32, #tpu.memory_space<hbm>>
        tpu.enqueue_indirect_dma source(%dma_start3A_71 : memref<20480x128xf32, #tpu.memory_space<hbm>>) target(%arg9 : memref<128x128xf32, #tpu.memory_space<vmem>>) offsets(%dma_start3A_68 : memref<128xi32, #tpu.memory_space<vmem>>) semaphore(%arg12 : memref<!tpu.dma_semaphore, #tpu.memory_space<semaphore_mem>>)
        %add3A_72 = arith.constant 1 : i32
        %add3A_73 = arith.addi %mul3A_41, %add3A_72 : i32
        %dma_wait3A_74 = arith.constant 0 : i32
        %dma_wait3A_75 = tpu.memref_slice %arg7[%add3A_73, %dma_wait3A_74] : memref<32x128xi32, #tpu.memory_space<vmem>> -> memref<1x128xi32, #tpu.memory_space<vmem>>
        %dma_wait3A_76 = tpu.memref_squeeze %dma_wait3A_75 : memref<1x128xi32, #tpu.memory_space<vmem>> -> memref<128xi32, #tpu.memory_space<vmem>>
        %dma_wait3A_77 = arith.constant 0 : i32
        %dma_wait3A_78 = arith.constant 0 : i32
        %dma_wait3A_79 = tpu.memref_slice %arg2[%dma_wait3A_77, %dma_wait3A_78] : memref<20480x128xf32, #tpu.memory_space<hbm>> -> memref<20480x128xf32, #tpu.memory_space<hbm>>
        tpu.wait_indirect_dma semaphore(%arg13 : memref<!tpu.dma_semaphore, #tpu.memory_space<semaphore_mem>>) src(%dma_wait3A_79 : memref<20480x128xf32, #tpu.memory_space<hbm>>) dst(%arg10 : memref<128x128xf32, #tpu.memory_space<vmem>>)
        %add3A_80 = arith.constant 1 : i32
        %add3A_81 = arith.addi %mul3A_41, %add3A_80 : i32
        "tpu.region"() ({
          %run_scoped3A = tpu.sem_alloc : memref<!tpu.dma_semaphore, #tpu.memory_space<semaphore_mem>>
          %dma_start3A_83 = arith.constant 0 : i32
          %dma_start3A_84 = tpu.memref_slice %arg8[%add3A_81, %dma_start3A_83] : memref<32x128xi32, #tpu.memory_space<vmem>> -> memref<1x128xi32, #tpu.memory_space<vmem>>
          %dma_start3A_85 = tpu.memref_squeeze %dma_start3A_84 : memref<1x128xi32, #tpu.memory_space<vmem>> -> memref<128xi32, #tpu.memory_space<vmem>>
          %dma_start3A_86 = arith.constant 0 : i32
          %dma_start3A_87 = arith.constant 0 : i32
          %dma_start3A_88 = tpu.memref_slice %arg11[%dma_start3A_86, %dma_start3A_87] : memref<10240x128xf32, #tpu.memory_space<vmem_shared>> -> memref<10240x128xf32, #tpu.memory_space<vmem_shared>>
          tpu.enqueue_indirect_dma source(%arg10 : memref<128x128xf32, #tpu.memory_space<vmem>>) target(%dma_start3A_88 : memref<10240x128xf32, #tpu.memory_space<vmem_shared>>) offsets(%dma_start3A_85 : memref<128xi32, #tpu.memory_space<vmem>>) semaphore(%run_scoped3A : memref<!tpu.dma_semaphore, #tpu.memory_space<semaphore_mem>>) {add = true}
          %dma_wait3A_89 = arith.constant 0 : i32
          %dma_wait3A_90 = tpu.memref_slice %arg8[%add3A_81, %dma_wait3A_89] : memref<32x128xi32, #tpu.memory_space<vmem>> -> memref<1x128xi32, #tpu.memory_space<vmem>>
          %dma_wait3A_91 = tpu.memref_squeeze %dma_wait3A_90 : memref<1x128xi32, #tpu.memory_space<vmem>> -> memref<128xi32, #tpu.memory_space<vmem>>
          %dma_wait3A_92 = arith.constant 0 : i32
          %dma_wait3A_93 = arith.constant 0 : i32
          %dma_wait3A_94 = tpu.memref_slice %arg11[%dma_wait3A_92, %dma_wait3A_93] : memref<10240x128xf32, #tpu.memory_space<vmem_shared>> -> memref<10240x128xf32, #tpu.memory_space<vmem_shared>>
          tpu.wait_indirect_dma semaphore(%run_scoped3A : memref<!tpu.dma_semaphore, #tpu.memory_space<semaphore_mem>>) src(%arg10 : memref<128x128xf32, #tpu.memory_space<vmem>>) dst(%dma_wait3A_94 : memref<10240x128xf32, #tpu.memory_space<vmem_shared>>)
          tpu.yield
        }) : () -> ()
        %scan3A_82 = arith.constant 0 : i32
        scf.yield %scan3A_82 : i32
      }
      %scan3A_30 = arith.constant 16 : i32
      %dma_wait3A = arith.constant 0 : i32
      %dma_wait3A_31 = arith.constant 0 : i32
      %dma_wait3A_32 = tpu.memref_slice %arg7[%dma_wait3A, %dma_wait3A_31] : memref<32x128xi32, #tpu.memory_space<vmem>> -> memref<1x128xi32, #tpu.memory_space<vmem>>
      %dma_wait3A_33 = tpu.memref_squeeze %dma_wait3A_32 : memref<1x128xi32, #tpu.memory_space<vmem>> -> memref<128xi32, #tpu.memory_space<vmem>>
      %dma_wait3A_34 = arith.constant 0 : i32
      %dma_wait3A_35 = arith.constant 0 : i32
      %dma_wait3A_36 = tpu.memref_slice %arg2[%dma_wait3A_34, %dma_wait3A_35] : memref<20480x128xf32, #tpu.memory_space<hbm>> -> memref<20480x128xf32, #tpu.memory_space<hbm>>
      tpu.wait_indirect_dma semaphore(%arg12 : memref<!tpu.dma_semaphore, #tpu.memory_space<semaphore_mem>>) src(%dma_wait3A_36 : memref<20480x128xf32, #tpu.memory_space<hbm>>) dst(%arg9 : memref<128x128xf32, #tpu.memory_space<vmem>>)
      %scan3A_37 = arith.constant 0 : i32
      scf.yield %scan3A_37 : i32
    }
    %scan3A_6 = arith.constant 5 : i32
    %barrier3A_7 = arith.constant 0 : index
    tpu.barrier barrier_id(%barrier3A_7)
    %mul3A_8 = arith.constant 640 : i32
    %mul3A_9 = arith.muli %arg1, %mul3A_8 : i32
    %mul3A_10 = arith.constant 640 : i32
    %mul3A_11 = arith.muli %arg1, %mul3A_10 : i32
    "tpu.region"() ({
      %run_scoped3A = tpu.sem_alloc : memref<!tpu.dma_semaphore, #tpu.memory_space<semaphore_mem>>
      %dma_start3A = arith.constant 0 : i32
      %dma_start3A_12 = tpu.memref_slice %arg6[%arg0, %mul3A_11, %dma_start3A] : memref<2x10240x128xf32, #tpu.memory_space<hbm>> -> memref<1x640x128xf32, #tpu.memory_space<hbm>>
      %dma_start3A_13 = tpu.memref_squeeze %dma_start3A_12 : memref<1x640x128xf32, #tpu.memory_space<hbm>> -> memref<640x128xf32, #tpu.memory_space<hbm>>
      %dma_start3A_14 = arith.constant 0 : i32
      %dma_start3A_15 = tpu.memref_slice %arg11[%mul3A_9, %dma_start3A_14] : memref<10240x128xf32, #tpu.memory_space<vmem_shared>> -> memref<640x128xf32, #tpu.memory_space<vmem_shared>>
      tpu.enqueue_dma source(%dma_start3A_15 : memref<640x128xf32, #tpu.memory_space<vmem_shared>>) target(%dma_start3A_13 : memref<640x128xf32, #tpu.memory_space<hbm>>) target_semaphore(%run_scoped3A : memref<!tpu.dma_semaphore, #tpu.memory_space<semaphore_mem>>)
      %dma_wait3A = arith.constant 0 : i32
      %dma_wait3A_16 = tpu.memref_slice %arg6[%arg0, %mul3A_11, %dma_wait3A] : memref<2x10240x128xf32, #tpu.memory_space<hbm>> -> memref<1x640x128xf32, #tpu.memory_space<hbm>>
      %dma_wait3A_17 = tpu.memref_squeeze %dma_wait3A_16 : memref<1x640x128xf32, #tpu.memory_space<hbm>> -> memref<640x128xf32, #tpu.memory_space<hbm>>
      %dma_wait3A_18 = arith.constant 0 : i32
      %dma_wait3A_19 = tpu.memref_slice %arg11[%mul3A_9, %dma_wait3A_18] : memref<10240x128xf32, #tpu.memory_space<vmem_shared>> -> memref<640x128xf32, #tpu.memory_space<vmem_shared>>
      tpu.wait_dma2 semaphore(%run_scoped3A : memref<!tpu.dma_semaphore, #tpu.memory_space<semaphore_mem>>) src(%dma_wait3A_19 : memref<640x128xf32, #tpu.memory_space<vmem_shared>>) dst(%dma_wait3A_17 : memref<640x128xf32, #tpu.memory_space<hbm>>)
      tpu.yield
    }) : () -> ()
    return
  }
}

#map = affine_map<(d0, d1) -> (0, 0)>
#map1 = affine_map<(d0, d1) -> (0, 0, 0, 0)>
#map2 = affine_map<(d0, d1) -> (0, 0, 0)>
module attributes {stable_mosaic.version = 14 : i64} {
  func.func @_agg_body(%arg0: i32, %arg1: i32, %arg2: memref<20480x128xf32, #tpu.memory_space<hbm>>, %arg3: memref<2x16x160x128xi32, #tpu.memory_space<hbm>>, %arg4: memref<16x160x128xi32, #tpu.memory_space<hbm>>, %arg5: memref<640x128xf32, #tpu.memory_space<hbm>>, %arg6: memref<2x10240x128xf32, #tpu.memory_space<hbm>>, %arg7: memref<32x128xi32, #tpu.memory_space<vmem>>, %arg8: memref<32x128xi32, #tpu.memory_space<vmem>>, %arg9: memref<128x128xf32, #tpu.memory_space<vmem>>, %arg10: memref<128x128xf32, #tpu.memory_space<vmem>>, %arg11: memref<10240x128xf32, #tpu.memory_space<vmem_shared>>, %arg12: memref<!tpu.dma_semaphore, #tpu.memory_space<semaphore_mem>>, %arg13: memref<!tpu.dma_semaphore, #tpu.memory_space<semaphore_mem>>, %arg14: memref<!tpu.dma_semaphore, #tpu.memory_space<semaphore_mem>>, %arg15: memref<!tpu.dma_semaphore, #tpu.memory_space<semaphore_mem>>) attributes {dimension_semantics = [#tpu.dimension_semantics<core_parallel>, #tpu.dimension_semantics<subcore_parallel>], iteration_bounds = array<i64: 2, 16>, scalar_prefetch = 0 : i64, scratch_operands = 9 : i64, tpu.core_type = #tpu.core_type<sc_vector_subcore>, window_params = [{transform_indices = #map}, {transform_indices = #map1}, {transform_indices = #map2}, {transform_indices = #map}, {transform_indices = #map2}]} {
    %mul3A = arith.constant 640 : i32
    %mul3A_0 = arith.muli %arg1, %mul3A : i32
    "tpu.region"() ({
      %run_scoped3A = tpu.sem_alloc : memref<!tpu.dma_semaphore, #tpu.memory_space<semaphore_mem>>
      %dma_start3A = arith.constant 0 : i32
      %dma_start3A_12 = tpu.memref_slice %arg11[%mul3A_0, %dma_start3A] : memref<10240x128xf32, #tpu.memory_space<vmem_shared>> -> memref<640x128xf32, #tpu.memory_space<vmem_shared>>
      tpu.enqueue_dma source(%arg5 : memref<640x128xf32, #tpu.memory_space<hbm>>) target(%dma_start3A_12 : memref<640x128xf32, #tpu.memory_space<vmem_shared>>) target_semaphore(%run_scoped3A : memref<!tpu.dma_semaphore, #tpu.memory_space<semaphore_mem>>)
      %dma_wait3A = arith.constant 0 : i32
      %dma_wait3A_13 = tpu.memref_slice %arg11[%mul3A_0, %dma_wait3A] : memref<10240x128xf32, #tpu.memory_space<vmem_shared>> -> memref<640x128xf32, #tpu.memory_space<vmem_shared>>
      tpu.wait_dma2 semaphore(%run_scoped3A : memref<!tpu.dma_semaphore, #tpu.memory_space<semaphore_mem>>) src(%arg5 : memref<640x128xf32, #tpu.memory_space<hbm>>) dst(%dma_wait3A_13 : memref<640x128xf32, #tpu.memory_space<vmem_shared>>)
      tpu.yield
    }) : () -> ()
    %barrier3A = arith.constant 0 : index
    tpu.barrier barrier_id(%barrier3A)
    %scan3A = arith.constant 0 : i32
    %scan3A_1 = arith.constant 0 : i32
    %scan3A_2 = arith.constant 5 : i32
    %scan3A_3 = arith.addi %scan3A_1, %scan3A_2 : i32
    %scan3A_4 = arith.constant 1 : i32
    %scan3A_5 = scf.for %scan3A_12 = %scan3A_1 to %scan3A_3 step %scan3A_4 iter_args(%scan3A_13 = %scan3A) -> (i32)  : i32 {
      %mul3A_14 = arith.constant 32 : i32
      %mul3A_15 = arith.muli %scan3A_12, %mul3A_14 : i32
      "tpu.region"() ({
        %run_scoped3A = tpu.sem_alloc : memref<!tpu.dma_semaphore, #tpu.memory_space<semaphore_mem>>
        %dma_start3A_38 = arith.constant 0 : i32
        %dma_start3A_39 = tpu.memref_slice %arg3[%arg0, %arg1, %mul3A_15, %dma_start3A_38] : memref<2x16x160x128xi32, #tpu.memory_space<hbm>> -> memref<1x1x32x128xi32, #tpu.memory_space<hbm>>
        %dma_start3A_40 = tpu.memref_squeeze %dma_start3A_39 : memref<1x1x32x128xi32, #tpu.memory_space<hbm>> -> memref<32x128xi32, #tpu.memory_space<hbm>>
        %dma_start3A_41 = arith.constant 0 : i32
        %dma_start3A_42 = tpu.memref_slice %arg3[%arg0, %arg1, %mul3A_15, %dma_start3A_41] : memref<2x16x160x128xi32, #tpu.memory_space<hbm>> -> memref<1x1x32x128xi32, #tpu.memory_space<hbm>>
        %dma_start3A_43 = tpu.memref_squeeze %dma_start3A_42 : memref<1x1x32x128xi32, #tpu.memory_space<hbm>> -> memref<32x128xi32, #tpu.memory_space<hbm>>
        tpu.enqueue_dma source(%dma_start3A_43 : memref<32x128xi32, #tpu.memory_space<hbm>>) target(%arg7 : memref<32x128xi32, #tpu.memory_space<vmem>>) target_semaphore(%run_scoped3A : memref<!tpu.dma_semaphore, #tpu.memory_space<semaphore_mem>>)
        %dma_wait3A_44 = arith.constant 0 : i32
        %dma_wait3A_45 = tpu.memref_slice %arg3[%arg0, %arg1, %mul3A_15, %dma_wait3A_44] : memref<2x16x160x128xi32, #tpu.memory_space<hbm>> -> memref<1x1x32x128xi32, #tpu.memory_space<hbm>>
        %dma_wait3A_46 = tpu.memref_squeeze %dma_wait3A_45 : memref<1x1x32x128xi32, #tpu.memory_space<hbm>> -> memref<32x128xi32, #tpu.memory_space<hbm>>
        %dma_wait3A_47 = arith.constant 0 : i32
        %dma_wait3A_48 = tpu.memref_slice %arg3[%arg0, %arg1, %mul3A_15, %dma_wait3A_47] : memref<2x16x160x128xi32, #tpu.memory_space<hbm>> -> memref<1x1x32x128xi32, #tpu.memory_space<hbm>>
        %dma_wait3A_49 = tpu.memref_squeeze %dma_wait3A_48 : memref<1x1x32x128xi32, #tpu.memory_space<hbm>> -> memref<32x128xi32, #tpu.memory_space<hbm>>
        tpu.wait_dma2 semaphore(%run_scoped3A : memref<!tpu.dma_semaphore, #tpu.memory_space<semaphore_mem>>) src(%dma_wait3A_49 : memref<32x128xi32, #tpu.memory_space<hbm>>) dst(%arg7 : memref<32x128xi32, #tpu.memory_space<vmem>>)
        tpu.yield
      }) : () -> ()
      %mul3A_16 = arith.constant 32 : i32
      %mul3A_17 = arith.muli %scan3A_12, %mul3A_16 : i32
      "tpu.region"() ({
        %run_scoped3A = tpu.sem_alloc : memref<!tpu.dma_semaphore, #tpu.memory_space<semaphore_mem>>
        %dma_start3A_38 = arith.constant 0 : i32
        %dma_start3A_39 = tpu.memref_slice %arg4[%arg1, %mul3A_17, %dma_start3A_38] : memref<16x160x128xi32, #tpu.memory_space<hbm>> -> memref<1x32x128xi32, #tpu.memory_space<hbm>>
        %dma_start3A_40 = tpu.memref_squeeze %dma_start3A_39 : memref<1x32x128xi32, #tpu.memory_space<hbm>> -> memref<32x128xi32, #tpu.memory_space<hbm>>
        %dma_start3A_41 = arith.constant 0 : i32
        %dma_start3A_42 = tpu.memref_slice %arg4[%arg1, %mul3A_17, %dma_start3A_41] : memref<16x160x128xi32, #tpu.memory_space<hbm>> -> memref<1x32x128xi32, #tpu.memory_space<hbm>>
        %dma_start3A_43 = tpu.memref_squeeze %dma_start3A_42 : memref<1x32x128xi32, #tpu.memory_space<hbm>> -> memref<32x128xi32, #tpu.memory_space<hbm>>
        tpu.enqueue_dma source(%dma_start3A_43 : memref<32x128xi32, #tpu.memory_space<hbm>>) target(%arg8 : memref<32x128xi32, #tpu.memory_space<vmem>>) target_semaphore(%run_scoped3A : memref<!tpu.dma_semaphore, #tpu.memory_space<semaphore_mem>>)
        %dma_wait3A_44 = arith.constant 0 : i32
        %dma_wait3A_45 = tpu.memref_slice %arg4[%arg1, %mul3A_17, %dma_wait3A_44] : memref<16x160x128xi32, #tpu.memory_space<hbm>> -> memref<1x32x128xi32, #tpu.memory_space<hbm>>
        %dma_wait3A_46 = tpu.memref_squeeze %dma_wait3A_45 : memref<1x32x128xi32, #tpu.memory_space<hbm>> -> memref<32x128xi32, #tpu.memory_space<hbm>>
        %dma_wait3A_47 = arith.constant 0 : i32
        %dma_wait3A_48 = tpu.memref_slice %arg4[%arg1, %mul3A_17, %dma_wait3A_47] : memref<16x160x128xi32, #tpu.memory_space<hbm>> -> memref<1x32x128xi32, #tpu.memory_space<hbm>>
        %dma_wait3A_49 = tpu.memref_squeeze %dma_wait3A_48 : memref<1x32x128xi32, #tpu.memory_space<hbm>> -> memref<32x128xi32, #tpu.memory_space<hbm>>
        tpu.wait_dma2 semaphore(%run_scoped3A : memref<!tpu.dma_semaphore, #tpu.memory_space<semaphore_mem>>) src(%dma_wait3A_49 : memref<32x128xi32, #tpu.memory_space<hbm>>) dst(%arg8 : memref<32x128xi32, #tpu.memory_space<vmem>>)
        tpu.yield
      }) : () -> ()
      %dma_start3A = arith.constant 0 : i32
      %dma_start3A_18 = arith.constant 0 : i32
      %dma_start3A_19 = tpu.memref_slice %arg7[%dma_start3A, %dma_start3A_18] : memref<32x128xi32, #tpu.memory_space<vmem>> -> memref<1x128xi32, #tpu.memory_space<vmem>>
      %dma_start3A_20 = tpu.memref_squeeze %dma_start3A_19 : memref<1x128xi32, #tpu.memory_space<vmem>> -> memref<128xi32, #tpu.memory_space<vmem>>
      %dma_start3A_21 = arith.constant 0 : i32
      %dma_start3A_22 = arith.constant 0 : i32
      %dma_start3A_23 = tpu.memref_slice %arg2[%dma_start3A_21, %dma_start3A_22] : memref<20480x128xf32, #tpu.memory_space<hbm>> -> memref<20480x128xf32, #tpu.memory_space<hbm>>
      tpu.enqueue_indirect_dma source(%dma_start3A_23 : memref<20480x128xf32, #tpu.memory_space<hbm>>) target(%arg9 : memref<128x128xf32, #tpu.memory_space<vmem>>) offsets(%dma_start3A_20 : memref<128xi32, #tpu.memory_space<vmem>>) semaphore(%arg12 : memref<!tpu.dma_semaphore, #tpu.memory_space<semaphore_mem>>)
      %scan3A_24 = arith.constant 0 : i32
      %scan3A_25 = arith.constant 0 : i32
      %scan3A_26 = arith.constant 16 : i32
      %scan3A_27 = arith.addi %scan3A_25, %scan3A_26 : i32
      %scan3A_28 = arith.constant 1 : i32
      %scan3A_29 = scf.for %scan3A_38 = %scan3A_25 to %scan3A_27 step %scan3A_28 iter_args(%scan3A_39 = %scan3A_24) -> (i32)  : i32 {
        %mul3A_40 = arith.constant 2 : i32
        %mul3A_41 = arith.muli %mul3A_40, %scan3A_38 : i32
        %add3A = arith.constant 1 : i32
        %add3A_42 = arith.addi %mul3A_41, %add3A : i32
        %dma_start3A_43 = arith.constant 0 : i32
        %dma_start3A_44 = tpu.memref_slice %arg7[%add3A_42, %dma_start3A_43] : memref<32x128xi32, #tpu.memory_space<vmem>> -> memref<1x128xi32, #tpu.memory_space<vmem>>
        %dma_start3A_45 = tpu.memref_squeeze %dma_start3A_44 : memref<1x128xi32, #tpu.memory_space<vmem>> -> memref<128xi32, #tpu.memory_space<vmem>>
        %dma_start3A_46 = arith.constant 0 : i32
        %dma_start3A_47 = arith.constant 0 : i32
        %dma_start3A_48 = tpu.memref_slice %arg2[%dma_start3A_46, %dma_start3A_47] : memref<20480x128xf32, #tpu.memory_space<hbm>> -> memref<20480x128xf32, #tpu.memory_space<hbm>>
        tpu.enqueue_indirect_dma source(%dma_start3A_48 : memref<20480x128xf32, #tpu.memory_space<hbm>>) target(%arg10 : memref<128x128xf32, #tpu.memory_space<vmem>>) offsets(%dma_start3A_45 : memref<128xi32, #tpu.memory_space<vmem>>) semaphore(%arg13 : memref<!tpu.dma_semaphore, #tpu.memory_space<semaphore_mem>>)
        %dma_wait3A_49 = arith.constant 0 : i32
        %dma_wait3A_50 = tpu.memref_slice %arg7[%mul3A_41, %dma_wait3A_49] : memref<32x128xi32, #tpu.memory_space<vmem>> -> memref<1x128xi32, #tpu.memory_space<vmem>>
        %dma_wait3A_51 = tpu.memref_squeeze %dma_wait3A_50 : memref<1x128xi32, #tpu.memory_space<vmem>> -> memref<128xi32, #tpu.memory_space<vmem>>
        %dma_wait3A_52 = arith.constant 0 : i32
        %dma_wait3A_53 = arith.constant 0 : i32
        %dma_wait3A_54 = tpu.memref_slice %arg2[%dma_wait3A_52, %dma_wait3A_53] : memref<20480x128xf32, #tpu.memory_space<hbm>> -> memref<20480x128xf32, #tpu.memory_space<hbm>>
        tpu.wait_indirect_dma semaphore(%arg12 : memref<!tpu.dma_semaphore, #tpu.memory_space<semaphore_mem>>) src(%dma_wait3A_54 : memref<20480x128xf32, #tpu.memory_space<hbm>>) dst(%arg9 : memref<128x128xf32, #tpu.memory_space<vmem>>)
        "tpu.region"() ({
          %run_scoped3A = tpu.sem_alloc : memref<!tpu.dma_semaphore, #tpu.memory_space<semaphore_mem>>
          %dma_start3A_83 = arith.constant 0 : i32
          %dma_start3A_84 = tpu.memref_slice %arg8[%mul3A_41, %dma_start3A_83] : memref<32x128xi32, #tpu.memory_space<vmem>> -> memref<1x128xi32, #tpu.memory_space<vmem>>
          %dma_start3A_85 = tpu.memref_squeeze %dma_start3A_84 : memref<1x128xi32, #tpu.memory_space<vmem>> -> memref<128xi32, #tpu.memory_space<vmem>>
          %dma_start3A_86 = arith.constant 0 : i32
          %dma_start3A_87 = arith.constant 0 : i32
          %dma_start3A_88 = tpu.memref_slice %arg11[%dma_start3A_86, %dma_start3A_87] : memref<10240x128xf32, #tpu.memory_space<vmem_shared>> -> memref<10240x128xf32, #tpu.memory_space<vmem_shared>>
          tpu.enqueue_indirect_dma source(%arg9 : memref<128x128xf32, #tpu.memory_space<vmem>>) target(%dma_start3A_88 : memref<10240x128xf32, #tpu.memory_space<vmem_shared>>) offsets(%dma_start3A_85 : memref<128xi32, #tpu.memory_space<vmem>>) semaphore(%run_scoped3A : memref<!tpu.dma_semaphore, #tpu.memory_space<semaphore_mem>>) {add = true}
          %dma_wait3A_89 = arith.constant 0 : i32
          %dma_wait3A_90 = tpu.memref_slice %arg8[%mul3A_41, %dma_wait3A_89] : memref<32x128xi32, #tpu.memory_space<vmem>> -> memref<1x128xi32, #tpu.memory_space<vmem>>
          %dma_wait3A_91 = tpu.memref_squeeze %dma_wait3A_90 : memref<1x128xi32, #tpu.memory_space<vmem>> -> memref<128xi32, #tpu.memory_space<vmem>>
          %dma_wait3A_92 = arith.constant 0 : i32
          %dma_wait3A_93 = arith.constant 0 : i32
          %dma_wait3A_94 = tpu.memref_slice %arg11[%dma_wait3A_92, %dma_wait3A_93] : memref<10240x128xf32, #tpu.memory_space<vmem_shared>> -> memref<10240x128xf32, #tpu.memory_space<vmem_shared>>
          tpu.wait_indirect_dma semaphore(%run_scoped3A : memref<!tpu.dma_semaphore, #tpu.memory_space<semaphore_mem>>) src(%arg9 : memref<128x128xf32, #tpu.memory_space<vmem>>) dst(%dma_wait3A_94 : memref<10240x128xf32, #tpu.memory_space<vmem_shared>>)
          tpu.yield
        }) : () -> ()
        %add3A_55 = arith.constant 2 : i32
        %add3A_56 = arith.addi %mul3A_41, %add3A_55 : i32
        %jit3A = arith.constant 32 : i32
        %eq3A = arith.constant 0 : i32
        %eq3A_57 = arith.cmpi eq, %jit3A, %eq3A : i32
        %jit3A_58 = arith.constant 1 : i32
        %select_n3A = arith.select %eq3A_57, %jit3A_58, %jit3A : i32
        %rem3A = arith.remsi %add3A_56, %select_n3A : i32
        %ne3A = arith.constant 0 : i32
        %ne3A_59 = arith.cmpi ne, %rem3A, %ne3A : i32
        %lt3A = arith.constant 0 : i32
        %lt3A_60 = arith.cmpi slt, %rem3A, %lt3A : i32
        %lt3A_61 = arith.constant 0 : i32
        %lt3A_62 = arith.cmpi slt, %select_n3A, %lt3A_61 : i32
        %ne3A_63 = arith.xori %lt3A_60, %lt3A_62 : i1
        %and3A = arith.andi %ne3A_63, %ne3A_59 : i1
        %add3A_64 = arith.addi %rem3A, %select_n3A : i32
        %select_n3A_65 = arith.select %and3A, %add3A_64, %rem3A : i32
        %dma_start3A_66 = arith.constant 0 : i32
        %dma_start3A_67 = tpu.memref_slice %arg7[%select_n3A_65, %dma_start3A_66] : memref<32x128xi32, #tpu.memory_space<vmem>> -> memref<1x128xi32, #tpu.memory_space<vmem>>
        %dma_start3A_68 = tpu.memref_squeeze %dma_start3A_67 : memref<1x128xi32, #tpu.memory_space<vmem>> -> memref<128xi32, #tpu.memory_space<vmem>>
        %dma_start3A_69 = arith.constant 0 : i32
        %dma_start3A_70 = arith.constant 0 : i32
        %dma_start3A_71 = tpu.memref_slice %arg2[%dma_start3A_69, %dma_start3A_70] : memref<20480x128xf32, #tpu.memory_space<hbm>> -> memref<20480x128xf32, #tpu.memory_space<hbm>>
        tpu.enqueue_indirect_dma source(%dma_start3A_71 : memref<20480x128xf32, #tpu.memory_space<hbm>>) target(%arg9 : memref<128x128xf32, #tpu.memory_space<vmem>>) offsets(%dma_start3A_68 : memref<128xi32, #tpu.memory_space<vmem>>) semaphore(%arg12 : memref<!tpu.dma_semaphore, #tpu.memory_space<semaphore_mem>>)
        %add3A_72 = arith.constant 1 : i32
        %add3A_73 = arith.addi %mul3A_41, %add3A_72 : i32
        %dma_wait3A_74 = arith.constant 0 : i32
        %dma_wait3A_75 = tpu.memref_slice %arg7[%add3A_73, %dma_wait3A_74] : memref<32x128xi32, #tpu.memory_space<vmem>> -> memref<1x128xi32, #tpu.memory_space<vmem>>
        %dma_wait3A_76 = tpu.memref_squeeze %dma_wait3A_75 : memref<1x128xi32, #tpu.memory_space<vmem>> -> memref<128xi32, #tpu.memory_space<vmem>>
        %dma_wait3A_77 = arith.constant 0 : i32
        %dma_wait3A_78 = arith.constant 0 : i32
        %dma_wait3A_79 = tpu.memref_slice %arg2[%dma_wait3A_77, %dma_wait3A_78] : memref<20480x128xf32, #tpu.memory_space<hbm>> -> memref<20480x128xf32, #tpu.memory_space<hbm>>
        tpu.wait_indirect_dma semaphore(%arg13 : memref<!tpu.dma_semaphore, #tpu.memory_space<semaphore_mem>>) src(%dma_wait3A_79 : memref<20480x128xf32, #tpu.memory_space<hbm>>) dst(%arg10 : memref<128x128xf32, #tpu.memory_space<vmem>>)
        %add3A_80 = arith.constant 1 : i32
        %add3A_81 = arith.addi %mul3A_41, %add3A_80 : i32
        "tpu.region"() ({
          %run_scoped3A = tpu.sem_alloc : memref<!tpu.dma_semaphore, #tpu.memory_space<semaphore_mem>>
          %dma_start3A_83 = arith.constant 0 : i32
          %dma_start3A_84 = tpu.memref_slice %arg8[%add3A_81, %dma_start3A_83] : memref<32x128xi32, #tpu.memory_space<vmem>> -> memref<1x128xi32, #tpu.memory_space<vmem>>
          %dma_start3A_85 = tpu.memref_squeeze %dma_start3A_84 : memref<1x128xi32, #tpu.memory_space<vmem>> -> memref<128xi32, #tpu.memory_space<vmem>>
          %dma_start3A_86 = arith.constant 0 : i32
          %dma_start3A_87 = arith.constant 0 : i32
          %dma_start3A_88 = tpu.memref_slice %arg11[%dma_start3A_86, %dma_start3A_87] : memref<10240x128xf32, #tpu.memory_space<vmem_shared>> -> memref<10240x128xf32, #tpu.memory_space<vmem_shared>>
          tpu.enqueue_indirect_dma source(%arg10 : memref<128x128xf32, #tpu.memory_space<vmem>>) target(%dma_start3A_88 : memref<10240x128xf32, #tpu.memory_space<vmem_shared>>) offsets(%dma_start3A_85 : memref<128xi32, #tpu.memory_space<vmem>>) semaphore(%run_scoped3A : memref<!tpu.dma_semaphore, #tpu.memory_space<semaphore_mem>>) {add = true}
          %dma_wait3A_89 = arith.constant 0 : i32
          %dma_wait3A_90 = tpu.memref_slice %arg8[%add3A_81, %dma_wait3A_89] : memref<32x128xi32, #tpu.memory_space<vmem>> -> memref<1x128xi32, #tpu.memory_space<vmem>>
          %dma_wait3A_91 = tpu.memref_squeeze %dma_wait3A_90 : memref<1x128xi32, #tpu.memory_space<vmem>> -> memref<128xi32, #tpu.memory_space<vmem>>
          %dma_wait3A_92 = arith.constant 0 : i32
          %dma_wait3A_93 = arith.constant 0 : i32
          %dma_wait3A_94 = tpu.memref_slice %arg11[%dma_wait3A_92, %dma_wait3A_93] : memref<10240x128xf32, #tpu.memory_space<vmem_shared>> -> memref<10240x128xf32, #tpu.memory_space<vmem_shared>>
          tpu.wait_indirect_dma semaphore(%run_scoped3A : memref<!tpu.dma_semaphore, #tpu.memory_space<semaphore_mem>>) src(%arg10 : memref<128x128xf32, #tpu.memory_space<vmem>>) dst(%dma_wait3A_94 : memref<10240x128xf32, #tpu.memory_space<vmem_shared>>)
          tpu.yield
        }) : () -> ()
        %scan3A_82 = arith.constant 0 : i32
        scf.yield %scan3A_82 : i32
      }
      %scan3A_30 = arith.constant 16 : i32
      %dma_wait3A = arith.constant 0 : i32
      %dma_wait3A_31 = arith.constant 0 : i32
      %dma_wait3A_32 = tpu.memref_slice %arg7[%dma_wait3A, %dma_wait3A_31] : memref<32x128xi32, #tpu.memory_space<vmem>> -> memref<1x128xi32, #tpu.memory_space<vmem>>
      %dma_wait3A_33 = tpu.memref_squeeze %dma_wait3A_32 : memref<1x128xi32, #tpu.memory_space<vmem>> -> memref<128xi32, #tpu.memory_space<vmem>>
      %dma_wait3A_34 = arith.constant 0 : i32
      %dma_wait3A_35 = arith.constant 0 : i32
      %dma_wait3A_36 = tpu.memref_slice %arg2[%dma_wait3A_34, %dma_wait3A_35] : memref<20480x128xf32, #tpu.memory_space<hbm>> -> memref<20480x128xf32, #tpu.memory_space<hbm>>
      tpu.wait_indirect_dma semaphore(%arg12 : memref<!tpu.dma_semaphore, #tpu.memory_space<semaphore_mem>>) src(%dma_wait3A_36 : memref<20480x128xf32, #tpu.memory_space<hbm>>) dst(%arg9 : memref<128x128xf32, #tpu.memory_space<vmem>>)
      %scan3A_37 = arith.constant 0 : i32
      scf.yield %scan3A_37 : i32
    }
    %scan3A_6 = arith.constant 5 : i32
    %barrier3A_7 = arith.constant 0 : index
    tpu.barrier barrier_id(%barrier3A_7)
    %mul3A_8 = arith.constant 640 : i32
    %mul3A_9 = arith.muli %arg1, %mul3A_8 : i32
    %mul3A_10 = arith.constant 640 : i32
    %mul3A_11 = arith.muli %arg1, %mul3A_10 : i32
    "tpu.region"() ({
      %run_scoped3A = tpu.sem_alloc : memref<!tpu.dma_semaphore, #tpu.memory_space<semaphore_mem>>
      %dma_start3A = arith.constant 0 : i32
      %dma_start3A_12 = tpu.memref_slice %arg6[%arg0, %mul3A_11, %dma_start3A] : memref<2x10240x128xf32, #tpu.memory_space<hbm>> -> memref<1x640x128xf32, #tpu.memory_space<hbm>>
      %dma_start3A_13 = tpu.memref_squeeze %dma_start3A_12 : memref<1x640x128xf32, #tpu.memory_space<hbm>> -> memref<640x128xf32, #tpu.memory_space<hbm>>
      %dma_start3A_14 = arith.constant 0 : i32
      %dma_start3A_15 = tpu.memref_slice %arg11[%mul3A_9, %dma_start3A_14] : memref<10240x128xf32, #tpu.memory_space<vmem_shared>> -> memref<640x128xf32, #tpu.memory_space<vmem_shared>>
      tpu.enqueue_dma source(%dma_start3A_15 : memref<640x128xf32, #tpu.memory_space<vmem_shared>>) target(%dma_start3A_13 : memref<640x128xf32, #tpu.memory_space<hbm>>) target_semaphore(%run_scoped3A : memref<!tpu.dma_semaphore, #tpu.memory_space<semaphore_mem>>)
      %dma_wait3A = arith.constant 0 : i32
      %dma_wait3A_16 = tpu.memref_slice %arg6[%arg0, %mul3A_11, %dma_wait3A] : memref<2x10240x128xf32, #tpu.memory_space<hbm>> -> memref<1x640x128xf32, #tpu.memory_space<hbm>>
      %dma_wait3A_17 = tpu.memref_squeeze %dma_wait3A_16 : memref<1x640x128xf32, #tpu.memory_space<hbm>> -> memref<640x128xf32, #tpu.memory_space<hbm>>
      %dma_wait3A_18 = arith.constant 0 : i32
      %dma_wait3A_19 = tpu.memref_slice %arg11[%mul3A_9, %dma_wait3A_18] : memref<10240x128xf32, #tpu.memory_space<vmem_shared>> -> memref<640x128xf32, #tpu.memory_space<vmem_shared>>
      tpu.wait_dma2 semaphore(%run_scoped3A : memref<!tpu.dma_semaphore, #tpu.memory_space<semaphore_mem>>) src(%dma_wait3A_19 : memref<640x128xf32, #tpu.memory_space<vmem_shared>>) dst(%dma_wait3A_17 : memref<640x128xf32, #tpu.memory_space<hbm>>)
      tpu.yield
    }) : () -> ()
    return
  }
}

#map = affine_map<(d0, d1) -> (0, 0)>
#map1 = affine_map<(d0, d1) -> (0, 0, 0, 0)>
#map2 = affine_map<(d0, d1) -> (0, 0, 0)>
module attributes {stable_mosaic.version = 14 : i64} {
  func.func @_agg_body(%arg0: i32, %arg1: i32, %arg2: memref<20480x128xf32, #tpu.memory_space<hbm>>, %arg3: memref<2x16x160x128xi32, #tpu.memory_space<hbm>>, %arg4: memref<16x160x128xi32, #tpu.memory_space<hbm>>, %arg5: memref<640x128xf32, #tpu.memory_space<hbm>>, %arg6: memref<2x10240x128xf32, #tpu.memory_space<hbm>>, %arg7: memref<32x128xi32, #tpu.memory_space<vmem>>, %arg8: memref<32x128xi32, #tpu.memory_space<vmem>>, %arg9: memref<128x128xf32, #tpu.memory_space<vmem>>, %arg10: memref<128x128xf32, #tpu.memory_space<vmem>>, %arg11: memref<10240x128xf32, #tpu.memory_space<vmem_shared>>, %arg12: memref<!tpu.dma_semaphore, #tpu.memory_space<semaphore_mem>>, %arg13: memref<!tpu.dma_semaphore, #tpu.memory_space<semaphore_mem>>, %arg14: memref<!tpu.dma_semaphore, #tpu.memory_space<semaphore_mem>>, %arg15: memref<!tpu.dma_semaphore, #tpu.memory_space<semaphore_mem>>) attributes {dimension_semantics = [#tpu.dimension_semantics<core_parallel>, #tpu.dimension_semantics<subcore_parallel>], iteration_bounds = array<i64: 2, 16>, scalar_prefetch = 0 : i64, scratch_operands = 9 : i64, tpu.core_type = #tpu.core_type<sc_vector_subcore>, window_params = [{transform_indices = #map}, {transform_indices = #map1}, {transform_indices = #map2}, {transform_indices = #map}, {transform_indices = #map2}]} {
    %mul3A = arith.constant 640 : i32
    %mul3A_0 = arith.muli %arg1, %mul3A : i32
    "tpu.region"() ({
      %run_scoped3A = tpu.sem_alloc : memref<!tpu.dma_semaphore, #tpu.memory_space<semaphore_mem>>
      %dma_start3A = arith.constant 0 : i32
      %dma_start3A_12 = tpu.memref_slice %arg11[%mul3A_0, %dma_start3A] : memref<10240x128xf32, #tpu.memory_space<vmem_shared>> -> memref<640x128xf32, #tpu.memory_space<vmem_shared>>
      tpu.enqueue_dma source(%arg5 : memref<640x128xf32, #tpu.memory_space<hbm>>) target(%dma_start3A_12 : memref<640x128xf32, #tpu.memory_space<vmem_shared>>) target_semaphore(%run_scoped3A : memref<!tpu.dma_semaphore, #tpu.memory_space<semaphore_mem>>)
      %dma_wait3A = arith.constant 0 : i32
      %dma_wait3A_13 = tpu.memref_slice %arg11[%mul3A_0, %dma_wait3A] : memref<10240x128xf32, #tpu.memory_space<vmem_shared>> -> memref<640x128xf32, #tpu.memory_space<vmem_shared>>
      tpu.wait_dma2 semaphore(%run_scoped3A : memref<!tpu.dma_semaphore, #tpu.memory_space<semaphore_mem>>) src(%arg5 : memref<640x128xf32, #tpu.memory_space<hbm>>) dst(%dma_wait3A_13 : memref<640x128xf32, #tpu.memory_space<vmem_shared>>)
      tpu.yield
    }) : () -> ()
    %barrier3A = arith.constant 0 : index
    tpu.barrier barrier_id(%barrier3A)
    %scan3A = arith.constant 0 : i32
    %scan3A_1 = arith.constant 0 : i32
    %scan3A_2 = arith.constant 5 : i32
    %scan3A_3 = arith.addi %scan3A_1, %scan3A_2 : i32
    %scan3A_4 = arith.constant 1 : i32
    %scan3A_5 = scf.for %scan3A_12 = %scan3A_1 to %scan3A_3 step %scan3A_4 iter_args(%scan3A_13 = %scan3A) -> (i32)  : i32 {
      %mul3A_14 = arith.constant 32 : i32
      %mul3A_15 = arith.muli %scan3A_12, %mul3A_14 : i32
      "tpu.region"() ({
        %run_scoped3A = tpu.sem_alloc : memref<!tpu.dma_semaphore, #tpu.memory_space<semaphore_mem>>
        %dma_start3A_38 = arith.constant 0 : i32
        %dma_start3A_39 = tpu.memref_slice %arg3[%arg0, %arg1, %mul3A_15, %dma_start3A_38] : memref<2x16x160x128xi32, #tpu.memory_space<hbm>> -> memref<1x1x32x128xi32, #tpu.memory_space<hbm>>
        %dma_start3A_40 = tpu.memref_squeeze %dma_start3A_39 : memref<1x1x32x128xi32, #tpu.memory_space<hbm>> -> memref<32x128xi32, #tpu.memory_space<hbm>>
        %dma_start3A_41 = arith.constant 0 : i32
        %dma_start3A_42 = tpu.memref_slice %arg3[%arg0, %arg1, %mul3A_15, %dma_start3A_41] : memref<2x16x160x128xi32, #tpu.memory_space<hbm>> -> memref<1x1x32x128xi32, #tpu.memory_space<hbm>>
        %dma_start3A_43 = tpu.memref_squeeze %dma_start3A_42 : memref<1x1x32x128xi32, #tpu.memory_space<hbm>> -> memref<32x128xi32, #tpu.memory_space<hbm>>
        tpu.enqueue_dma source(%dma_start3A_43 : memref<32x128xi32, #tpu.memory_space<hbm>>) target(%arg7 : memref<32x128xi32, #tpu.memory_space<vmem>>) target_semaphore(%run_scoped3A : memref<!tpu.dma_semaphore, #tpu.memory_space<semaphore_mem>>)
        %dma_wait3A_44 = arith.constant 0 : i32
        %dma_wait3A_45 = tpu.memref_slice %arg3[%arg0, %arg1, %mul3A_15, %dma_wait3A_44] : memref<2x16x160x128xi32, #tpu.memory_space<hbm>> -> memref<1x1x32x128xi32, #tpu.memory_space<hbm>>
        %dma_wait3A_46 = tpu.memref_squeeze %dma_wait3A_45 : memref<1x1x32x128xi32, #tpu.memory_space<hbm>> -> memref<32x128xi32, #tpu.memory_space<hbm>>
        %dma_wait3A_47 = arith.constant 0 : i32
        %dma_wait3A_48 = tpu.memref_slice %arg3[%arg0, %arg1, %mul3A_15, %dma_wait3A_47] : memref<2x16x160x128xi32, #tpu.memory_space<hbm>> -> memref<1x1x32x128xi32, #tpu.memory_space<hbm>>
        %dma_wait3A_49 = tpu.memref_squeeze %dma_wait3A_48 : memref<1x1x32x128xi32, #tpu.memory_space<hbm>> -> memref<32x128xi32, #tpu.memory_space<hbm>>
        tpu.wait_dma2 semaphore(%run_scoped3A : memref<!tpu.dma_semaphore, #tpu.memory_space<semaphore_mem>>) src(%dma_wait3A_49 : memref<32x128xi32, #tpu.memory_space<hbm>>) dst(%arg7 : memref<32x128xi32, #tpu.memory_space<vmem>>)
        tpu.yield
      }) : () -> ()
      %mul3A_16 = arith.constant 32 : i32
      %mul3A_17 = arith.muli %scan3A_12, %mul3A_16 : i32
      "tpu.region"() ({
        %run_scoped3A = tpu.sem_alloc : memref<!tpu.dma_semaphore, #tpu.memory_space<semaphore_mem>>
        %dma_start3A_38 = arith.constant 0 : i32
        %dma_start3A_39 = tpu.memref_slice %arg4[%arg1, %mul3A_17, %dma_start3A_38] : memref<16x160x128xi32, #tpu.memory_space<hbm>> -> memref<1x32x128xi32, #tpu.memory_space<hbm>>
        %dma_start3A_40 = tpu.memref_squeeze %dma_start3A_39 : memref<1x32x128xi32, #tpu.memory_space<hbm>> -> memref<32x128xi32, #tpu.memory_space<hbm>>
        %dma_start3A_41 = arith.constant 0 : i32
        %dma_start3A_42 = tpu.memref_slice %arg4[%arg1, %mul3A_17, %dma_start3A_41] : memref<16x160x128xi32, #tpu.memory_space<hbm>> -> memref<1x32x128xi32, #tpu.memory_space<hbm>>
        %dma_start3A_43 = tpu.memref_squeeze %dma_start3A_42 : memref<1x32x128xi32, #tpu.memory_space<hbm>> -> memref<32x128xi32, #tpu.memory_space<hbm>>
        tpu.enqueue_dma source(%dma_start3A_43 : memref<32x128xi32, #tpu.memory_space<hbm>>) target(%arg8 : memref<32x128xi32, #tpu.memory_space<vmem>>) target_semaphore(%run_scoped3A : memref<!tpu.dma_semaphore, #tpu.memory_space<semaphore_mem>>)
        %dma_wait3A_44 = arith.constant 0 : i32
        %dma_wait3A_45 = tpu.memref_slice %arg4[%arg1, %mul3A_17, %dma_wait3A_44] : memref<16x160x128xi32, #tpu.memory_space<hbm>> -> memref<1x32x128xi32, #tpu.memory_space<hbm>>
        %dma_wait3A_46 = tpu.memref_squeeze %dma_wait3A_45 : memref<1x32x128xi32, #tpu.memory_space<hbm>> -> memref<32x128xi32, #tpu.memory_space<hbm>>
        %dma_wait3A_47 = arith.constant 0 : i32
        %dma_wait3A_48 = tpu.memref_slice %arg4[%arg1, %mul3A_17, %dma_wait3A_47] : memref<16x160x128xi32, #tpu.memory_space<hbm>> -> memref<1x32x128xi32, #tpu.memory_space<hbm>>
        %dma_wait3A_49 = tpu.memref_squeeze %dma_wait3A_48 : memref<1x32x128xi32, #tpu.memory_space<hbm>> -> memref<32x128xi32, #tpu.memory_space<hbm>>
        tpu.wait_dma2 semaphore(%run_scoped3A : memref<!tpu.dma_semaphore, #tpu.memory_space<semaphore_mem>>) src(%dma_wait3A_49 : memref<32x128xi32, #tpu.memory_space<hbm>>) dst(%arg8 : memref<32x128xi32, #tpu.memory_space<vmem>>)
        tpu.yield
      }) : () -> ()
      %dma_start3A = arith.constant 0 : i32
      %dma_start3A_18 = arith.constant 0 : i32
      %dma_start3A_19 = tpu.memref_slice %arg7[%dma_start3A, %dma_start3A_18] : memref<32x128xi32, #tpu.memory_space<vmem>> -> memref<1x128xi32, #tpu.memory_space<vmem>>
      %dma_start3A_20 = tpu.memref_squeeze %dma_start3A_19 : memref<1x128xi32, #tpu.memory_space<vmem>> -> memref<128xi32, #tpu.memory_space<vmem>>
      %dma_start3A_21 = arith.constant 0 : i32
      %dma_start3A_22 = arith.constant 0 : i32
      %dma_start3A_23 = tpu.memref_slice %arg2[%dma_start3A_21, %dma_start3A_22] : memref<20480x128xf32, #tpu.memory_space<hbm>> -> memref<20480x128xf32, #tpu.memory_space<hbm>>
      tpu.enqueue_indirect_dma source(%dma_start3A_23 : memref<20480x128xf32, #tpu.memory_space<hbm>>) target(%arg9 : memref<128x128xf32, #tpu.memory_space<vmem>>) offsets(%dma_start3A_20 : memref<128xi32, #tpu.memory_space<vmem>>) semaphore(%arg12 : memref<!tpu.dma_semaphore, #tpu.memory_space<semaphore_mem>>)
      %scan3A_24 = arith.constant 0 : i32
      %scan3A_25 = arith.constant 0 : i32
      %scan3A_26 = arith.constant 16 : i32
      %scan3A_27 = arith.addi %scan3A_25, %scan3A_26 : i32
      %scan3A_28 = arith.constant 1 : i32
      %scan3A_29 = scf.for %scan3A_38 = %scan3A_25 to %scan3A_27 step %scan3A_28 iter_args(%scan3A_39 = %scan3A_24) -> (i32)  : i32 {
        %mul3A_40 = arith.constant 2 : i32
        %mul3A_41 = arith.muli %mul3A_40, %scan3A_38 : i32
        %add3A = arith.constant 1 : i32
        %add3A_42 = arith.addi %mul3A_41, %add3A : i32
        %dma_start3A_43 = arith.constant 0 : i32
        %dma_start3A_44 = tpu.memref_slice %arg7[%add3A_42, %dma_start3A_43] : memref<32x128xi32, #tpu.memory_space<vmem>> -> memref<1x128xi32, #tpu.memory_space<vmem>>
        %dma_start3A_45 = tpu.memref_squeeze %dma_start3A_44 : memref<1x128xi32, #tpu.memory_space<vmem>> -> memref<128xi32, #tpu.memory_space<vmem>>
        %dma_start3A_46 = arith.constant 0 : i32
        %dma_start3A_47 = arith.constant 0 : i32
        %dma_start3A_48 = tpu.memref_slice %arg2[%dma_start3A_46, %dma_start3A_47] : memref<20480x128xf32, #tpu.memory_space<hbm>> -> memref<20480x128xf32, #tpu.memory_space<hbm>>
        tpu.enqueue_indirect_dma source(%dma_start3A_48 : memref<20480x128xf32, #tpu.memory_space<hbm>>) target(%arg10 : memref<128x128xf32, #tpu.memory_space<vmem>>) offsets(%dma_start3A_45 : memref<128xi32, #tpu.memory_space<vmem>>) semaphore(%arg13 : memref<!tpu.dma_semaphore, #tpu.memory_space<semaphore_mem>>)
        %dma_wait3A_49 = arith.constant 0 : i32
        %dma_wait3A_50 = tpu.memref_slice %arg7[%mul3A_41, %dma_wait3A_49] : memref<32x128xi32, #tpu.memory_space<vmem>> -> memref<1x128xi32, #tpu.memory_space<vmem>>
        %dma_wait3A_51 = tpu.memref_squeeze %dma_wait3A_50 : memref<1x128xi32, #tpu.memory_space<vmem>> -> memref<128xi32, #tpu.memory_space<vmem>>
        %dma_wait3A_52 = arith.constant 0 : i32
        %dma_wait3A_53 = arith.constant 0 : i32
        %dma_wait3A_54 = tpu.memref_slice %arg2[%dma_wait3A_52, %dma_wait3A_53] : memref<20480x128xf32, #tpu.memory_space<hbm>> -> memref<20480x128xf32, #tpu.memory_space<hbm>>
        tpu.wait_indirect_dma semaphore(%arg12 : memref<!tpu.dma_semaphore, #tpu.memory_space<semaphore_mem>>) src(%dma_wait3A_54 : memref<20480x128xf32, #tpu.memory_space<hbm>>) dst(%arg9 : memref<128x128xf32, #tpu.memory_space<vmem>>)
        "tpu.region"() ({
          %run_scoped3A = tpu.sem_alloc : memref<!tpu.dma_semaphore, #tpu.memory_space<semaphore_mem>>
          %dma_start3A_83 = arith.constant 0 : i32
          %dma_start3A_84 = tpu.memref_slice %arg8[%mul3A_41, %dma_start3A_83] : memref<32x128xi32, #tpu.memory_space<vmem>> -> memref<1x128xi32, #tpu.memory_space<vmem>>
          %dma_start3A_85 = tpu.memref_squeeze %dma_start3A_84 : memref<1x128xi32, #tpu.memory_space<vmem>> -> memref<128xi32, #tpu.memory_space<vmem>>
          %dma_start3A_86 = arith.constant 0 : i32
          %dma_start3A_87 = arith.constant 0 : i32
          %dma_start3A_88 = tpu.memref_slice %arg11[%dma_start3A_86, %dma_start3A_87] : memref<10240x128xf32, #tpu.memory_space<vmem_shared>> -> memref<10240x128xf32, #tpu.memory_space<vmem_shared>>
          tpu.enqueue_indirect_dma source(%arg9 : memref<128x128xf32, #tpu.memory_space<vmem>>) target(%dma_start3A_88 : memref<10240x128xf32, #tpu.memory_space<vmem_shared>>) offsets(%dma_start3A_85 : memref<128xi32, #tpu.memory_space<vmem>>) semaphore(%run_scoped3A : memref<!tpu.dma_semaphore, #tpu.memory_space<semaphore_mem>>) {add = true}
          %dma_wait3A_89 = arith.constant 0 : i32
          %dma_wait3A_90 = tpu.memref_slice %arg8[%mul3A_41, %dma_wait3A_89] : memref<32x128xi32, #tpu.memory_space<vmem>> -> memref<1x128xi32, #tpu.memory_space<vmem>>
          %dma_wait3A_91 = tpu.memref_squeeze %dma_wait3A_90 : memref<1x128xi32, #tpu.memory_space<vmem>> -> memref<128xi32, #tpu.memory_space<vmem>>
          %dma_wait3A_92 = arith.constant 0 : i32
          %dma_wait3A_93 = arith.constant 0 : i32
          %dma_wait3A_94 = tpu.memref_slice %arg11[%dma_wait3A_92, %dma_wait3A_93] : memref<10240x128xf32, #tpu.memory_space<vmem_shared>> -> memref<10240x128xf32, #tpu.memory_space<vmem_shared>>
          tpu.wait_indirect_dma semaphore(%run_scoped3A : memref<!tpu.dma_semaphore, #tpu.memory_space<semaphore_mem>>) src(%arg9 : memref<128x128xf32, #tpu.memory_space<vmem>>) dst(%dma_wait3A_94 : memref<10240x128xf32, #tpu.memory_space<vmem_shared>>)
          tpu.yield
        }) : () -> ()
        %add3A_55 = arith.constant 2 : i32
        %add3A_56 = arith.addi %mul3A_41, %add3A_55 : i32
        %jit3A = arith.constant 32 : i32
        %eq3A = arith.constant 0 : i32
        %eq3A_57 = arith.cmpi eq, %jit3A, %eq3A : i32
        %jit3A_58 = arith.constant 1 : i32
        %select_n3A = arith.select %eq3A_57, %jit3A_58, %jit3A : i32
        %rem3A = arith.remsi %add3A_56, %select_n3A : i32
        %ne3A = arith.constant 0 : i32
        %ne3A_59 = arith.cmpi ne, %rem3A, %ne3A : i32
        %lt3A = arith.constant 0 : i32
        %lt3A_60 = arith.cmpi slt, %rem3A, %lt3A : i32
        %lt3A_61 = arith.constant 0 : i32
        %lt3A_62 = arith.cmpi slt, %select_n3A, %lt3A_61 : i32
        %ne3A_63 = arith.xori %lt3A_60, %lt3A_62 : i1
        %and3A = arith.andi %ne3A_63, %ne3A_59 : i1
        %add3A_64 = arith.addi %rem3A, %select_n3A : i32
        %select_n3A_65 = arith.select %and3A, %add3A_64, %rem3A : i32
        %dma_start3A_66 = arith.constant 0 : i32
        %dma_start3A_67 = tpu.memref_slice %arg7[%select_n3A_65, %dma_start3A_66] : memref<32x128xi32, #tpu.memory_space<vmem>> -> memref<1x128xi32, #tpu.memory_space<vmem>>
        %dma_start3A_68 = tpu.memref_squeeze %dma_start3A_67 : memref<1x128xi32, #tpu.memory_space<vmem>> -> memref<128xi32, #tpu.memory_space<vmem>>
        %dma_start3A_69 = arith.constant 0 : i32
        %dma_start3A_70 = arith.constant 0 : i32
        %dma_start3A_71 = tpu.memref_slice %arg2[%dma_start3A_69, %dma_start3A_70] : memref<20480x128xf32, #tpu.memory_space<hbm>> -> memref<20480x128xf32, #tpu.memory_space<hbm>>
        tpu.enqueue_indirect_dma source(%dma_start3A_71 : memref<20480x128xf32, #tpu.memory_space<hbm>>) target(%arg9 : memref<128x128xf32, #tpu.memory_space<vmem>>) offsets(%dma_start3A_68 : memref<128xi32, #tpu.memory_space<vmem>>) semaphore(%arg12 : memref<!tpu.dma_semaphore, #tpu.memory_space<semaphore_mem>>)
        %add3A_72 = arith.constant 1 : i32
        %add3A_73 = arith.addi %mul3A_41, %add3A_72 : i32
        %dma_wait3A_74 = arith.constant 0 : i32
        %dma_wait3A_75 = tpu.memref_slice %arg7[%add3A_73, %dma_wait3A_74] : memref<32x128xi32, #tpu.memory_space<vmem>> -> memref<1x128xi32, #tpu.memory_space<vmem>>
        %dma_wait3A_76 = tpu.memref_squeeze %dma_wait3A_75 : memref<1x128xi32, #tpu.memory_space<vmem>> -> memref<128xi32, #tpu.memory_space<vmem>>
        %dma_wait3A_77 = arith.constant 0 : i32
        %dma_wait3A_78 = arith.constant 0 : i32
        %dma_wait3A_79 = tpu.memref_slice %arg2[%dma_wait3A_77, %dma_wait3A_78] : memref<20480x128xf32, #tpu.memory_space<hbm>> -> memref<20480x128xf32, #tpu.memory_space<hbm>>
        tpu.wait_indirect_dma semaphore(%arg13 : memref<!tpu.dma_semaphore, #tpu.memory_space<semaphore_mem>>) src(%dma_wait3A_79 : memref<20480x128xf32, #tpu.memory_space<hbm>>) dst(%arg10 : memref<128x128xf32, #tpu.memory_space<vmem>>)
        %add3A_80 = arith.constant 1 : i32
        %add3A_81 = arith.addi %mul3A_41, %add3A_80 : i32
        "tpu.region"() ({
          %run_scoped3A = tpu.sem_alloc : memref<!tpu.dma_semaphore, #tpu.memory_space<semaphore_mem>>
          %dma_start3A_83 = arith.constant 0 : i32
          %dma_start3A_84 = tpu.memref_slice %arg8[%add3A_81, %dma_start3A_83] : memref<32x128xi32, #tpu.memory_space<vmem>> -> memref<1x128xi32, #tpu.memory_space<vmem>>
          %dma_start3A_85 = tpu.memref_squeeze %dma_start3A_84 : memref<1x128xi32, #tpu.memory_space<vmem>> -> memref<128xi32, #tpu.memory_space<vmem>>
          %dma_start3A_86 = arith.constant 0 : i32
          %dma_start3A_87 = arith.constant 0 : i32
          %dma_start3A_88 = tpu.memref_slice %arg11[%dma_start3A_86, %dma_start3A_87] : memref<10240x128xf32, #tpu.memory_space<vmem_shared>> -> memref<10240x128xf32, #tpu.memory_space<vmem_shared>>
          tpu.enqueue_indirect_dma source(%arg10 : memref<128x128xf32, #tpu.memory_space<vmem>>) target(%dma_start3A_88 : memref<10240x128xf32, #tpu.memory_space<vmem_shared>>) offsets(%dma_start3A_85 : memref<128xi32, #tpu.memory_space<vmem>>) semaphore(%run_scoped3A : memref<!tpu.dma_semaphore, #tpu.memory_space<semaphore_mem>>) {add = true}
          %dma_wait3A_89 = arith.constant 0 : i32
          %dma_wait3A_90 = tpu.memref_slice %arg8[%add3A_81, %dma_wait3A_89] : memref<32x128xi32, #tpu.memory_space<vmem>> -> memref<1x128xi32, #tpu.memory_space<vmem>>
          %dma_wait3A_91 = tpu.memref_squeeze %dma_wait3A_90 : memref<1x128xi32, #tpu.memory_space<vmem>> -> memref<128xi32, #tpu.memory_space<vmem>>
          %dma_wait3A_92 = arith.constant 0 : i32
          %dma_wait3A_93 = arith.constant 0 : i32
          %dma_wait3A_94 = tpu.memref_slice %arg11[%dma_wait3A_92, %dma_wait3A_93] : memref<10240x128xf32, #tpu.memory_space<vmem_shared>> -> memref<10240x128xf32, #tpu.memory_space<vmem_shared>>
          tpu.wait_indirect_dma semaphore(%run_scoped3A : memref<!tpu.dma_semaphore, #tpu.memory_space<semaphore_mem>>) src(%arg10 : memref<128x128xf32, #tpu.memory_space<vmem>>) dst(%dma_wait3A_94 : memref<10240x128xf32, #tpu.memory_space<vmem_shared>>)
          tpu.yield
        }) : () -> ()
        %scan3A_82 = arith.constant 0 : i32
        scf.yield %scan3A_82 : i32
      }
      %scan3A_30 = arith.constant 16 : i32
      %dma_wait3A = arith.constant 0 : i32
      %dma_wait3A_31 = arith.constant 0 : i32
      %dma_wait3A_32 = tpu.memref_slice %arg7[%dma_wait3A, %dma_wait3A_31] : memref<32x128xi32, #tpu.memory_space<vmem>> -> memref<1x128xi32, #tpu.memory_space<vmem>>
      %dma_wait3A_33 = tpu.memref_squeeze %dma_wait3A_32 : memref<1x128xi32, #tpu.memory_space<vmem>> -> memref<128xi32, #tpu.memory_space<vmem>>
      %dma_wait3A_34 = arith.constant 0 : i32
      %dma_wait3A_35 = arith.constant 0 : i32
      %dma_wait3A_36 = tpu.memref_slice %arg2[%dma_wait3A_34, %dma_wait3A_35] : memref<20480x128xf32, #tpu.memory_space<hbm>> -> memref<20480x128xf32, #tpu.memory_space<hbm>>
      tpu.wait_indirect_dma semaphore(%arg12 : memref<!tpu.dma_semaphore, #tpu.memory_space<semaphore_mem>>) src(%dma_wait3A_36 : memref<20480x128xf32, #tpu.memory_space<hbm>>) dst(%arg9 : memref<128x128xf32, #tpu.memory_space<vmem>>)
      %scan3A_37 = arith.constant 0 : i32
      scf.yield %scan3A_37 : i32
    }
    %scan3A_6 = arith.constant 5 : i32
    %barrier3A_7 = arith.constant 0 : index
    tpu.barrier barrier_id(%barrier3A_7)
    %mul3A_8 = arith.constant 640 : i32
    %mul3A_9 = arith.muli %arg1, %mul3A_8 : i32
    %mul3A_10 = arith.constant 640 : i32
    %mul3A_11 = arith.muli %arg1, %mul3A_10 : i32
    "tpu.region"() ({
      %run_scoped3A = tpu.sem_alloc : memref<!tpu.dma_semaphore, #tpu.memory_space<semaphore_mem>>
      %dma_start3A = arith.constant 0 : i32
      %dma_start3A_12 = tpu.memref_slice %arg6[%arg0, %mul3A_11, %dma_start3A] : memref<2x10240x128xf32, #tpu.memory_space<hbm>> -> memref<1x640x128xf32, #tpu.memory_space<hbm>>
      %dma_start3A_13 = tpu.memref_squeeze %dma_start3A_12 : memref<1x640x128xf32, #tpu.memory_space<hbm>> -> memref<640x128xf32, #tpu.memory_space<hbm>>
      %dma_start3A_14 = arith.constant 0 : i32
      %dma_start3A_15 = tpu.memref_slice %arg11[%mul3A_9, %dma_start3A_14] : memref<10240x128xf32, #tpu.memory_space<vmem_shared>> -> memref<640x128xf32, #tpu.memory_space<vmem_shared>>
      tpu.enqueue_dma source(%dma_start3A_15 : memref<640x128xf32, #tpu.memory_space<vmem_shared>>) target(%dma_start3A_13 : memref<640x128xf32, #tpu.memory_space<hbm>>) target_semaphore(%run_scoped3A : memref<!tpu.dma_semaphore, #tpu.memory_space<semaphore_mem>>)
      %dma_wait3A = arith.constant 0 : i32
      %dma_wait3A_16 = tpu.memref_slice %arg6[%arg0, %mul3A_11, %dma_wait3A] : memref<2x10240x128xf32, #tpu.memory_space<hbm>> -> memref<1x640x128xf32, #tpu.memory_space<hbm>>
      %dma_wait3A_17 = tpu.memref_squeeze %dma_wait3A_16 : memref<1x640x128xf32, #tpu.memory_space<hbm>> -> memref<640x128xf32, #tpu.memory_space<hbm>>
      %dma_wait3A_18 = arith.constant 0 : i32
      %dma_wait3A_19 = tpu.memref_slice %arg11[%mul3A_9, %dma_wait3A_18] : memref<10240x128xf32, #tpu.memory_space<vmem_shared>> -> memref<640x128xf32, #tpu.memory_space<vmem_shared>>
      tpu.wait_dma2 semaphore(%run_scoped3A : memref<!tpu.dma_semaphore, #tpu.memory_space<semaphore_mem>>) src(%dma_wait3A_19 : memref<640x128xf32, #tpu.memory_space<vmem_shared>>) dst(%dma_wait3A_17 : memref<640x128xf32, #tpu.memory_space<hbm>>)
      tpu.yield
    }) : () -> ()
    return
  }
}

#map = affine_map<(d0, d1) -> (0, 0)>
#map1 = affine_map<(d0, d1) -> (0, 0, 0, 0)>
#map2 = affine_map<(d0, d1) -> (0, 0, 0)>
module attributes {stable_mosaic.version = 14 : i64} {
  func.func @_agg_body(%arg0: i32, %arg1: i32, %arg2: memref<20480x128xf32, #tpu.memory_space<hbm>>, %arg3: memref<2x16x160x128xi32, #tpu.memory_space<hbm>>, %arg4: memref<16x160x128xi32, #tpu.memory_space<hbm>>, %arg5: memref<640x128xf32, #tpu.memory_space<hbm>>, %arg6: memref<2x10240x128xf32, #tpu.memory_space<hbm>>, %arg7: memref<32x128xi32, #tpu.memory_space<vmem>>, %arg8: memref<32x128xi32, #tpu.memory_space<vmem>>, %arg9: memref<128x128xf32, #tpu.memory_space<vmem>>, %arg10: memref<128x128xf32, #tpu.memory_space<vmem>>, %arg11: memref<10240x128xf32, #tpu.memory_space<vmem_shared>>, %arg12: memref<!tpu.dma_semaphore, #tpu.memory_space<semaphore_mem>>, %arg13: memref<!tpu.dma_semaphore, #tpu.memory_space<semaphore_mem>>, %arg14: memref<!tpu.dma_semaphore, #tpu.memory_space<semaphore_mem>>, %arg15: memref<!tpu.dma_semaphore, #tpu.memory_space<semaphore_mem>>) attributes {dimension_semantics = [#tpu.dimension_semantics<core_parallel>, #tpu.dimension_semantics<subcore_parallel>], iteration_bounds = array<i64: 2, 16>, scalar_prefetch = 0 : i64, scratch_operands = 9 : i64, tpu.core_type = #tpu.core_type<sc_vector_subcore>, window_params = [{transform_indices = #map}, {transform_indices = #map1}, {transform_indices = #map2}, {transform_indices = #map}, {transform_indices = #map2}]} {
    %mul3A = arith.constant 640 : i32
    %mul3A_0 = arith.muli %arg1, %mul3A : i32
    "tpu.region"() ({
      %run_scoped3A = tpu.sem_alloc : memref<!tpu.dma_semaphore, #tpu.memory_space<semaphore_mem>>
      %dma_start3A = arith.constant 0 : i32
      %dma_start3A_12 = tpu.memref_slice %arg11[%mul3A_0, %dma_start3A] : memref<10240x128xf32, #tpu.memory_space<vmem_shared>> -> memref<640x128xf32, #tpu.memory_space<vmem_shared>>
      tpu.enqueue_dma source(%arg5 : memref<640x128xf32, #tpu.memory_space<hbm>>) target(%dma_start3A_12 : memref<640x128xf32, #tpu.memory_space<vmem_shared>>) target_semaphore(%run_scoped3A : memref<!tpu.dma_semaphore, #tpu.memory_space<semaphore_mem>>)
      %dma_wait3A = arith.constant 0 : i32
      %dma_wait3A_13 = tpu.memref_slice %arg11[%mul3A_0, %dma_wait3A] : memref<10240x128xf32, #tpu.memory_space<vmem_shared>> -> memref<640x128xf32, #tpu.memory_space<vmem_shared>>
      tpu.wait_dma2 semaphore(%run_scoped3A : memref<!tpu.dma_semaphore, #tpu.memory_space<semaphore_mem>>) src(%arg5 : memref<640x128xf32, #tpu.memory_space<hbm>>) dst(%dma_wait3A_13 : memref<640x128xf32, #tpu.memory_space<vmem_shared>>)
      tpu.yield
    }) : () -> ()
    %barrier3A = arith.constant 0 : index
    tpu.barrier barrier_id(%barrier3A)
    %scan3A = arith.constant 0 : i32
    %scan3A_1 = arith.constant 0 : i32
    %scan3A_2 = arith.constant 5 : i32
    %scan3A_3 = arith.addi %scan3A_1, %scan3A_2 : i32
    %scan3A_4 = arith.constant 1 : i32
    %scan3A_5 = scf.for %scan3A_12 = %scan3A_1 to %scan3A_3 step %scan3A_4 iter_args(%scan3A_13 = %scan3A) -> (i32)  : i32 {
      %mul3A_14 = arith.constant 32 : i32
      %mul3A_15 = arith.muli %scan3A_12, %mul3A_14 : i32
      "tpu.region"() ({
        %run_scoped3A = tpu.sem_alloc : memref<!tpu.dma_semaphore, #tpu.memory_space<semaphore_mem>>
        %dma_start3A_38 = arith.constant 0 : i32
        %dma_start3A_39 = tpu.memref_slice %arg3[%arg0, %arg1, %mul3A_15, %dma_start3A_38] : memref<2x16x160x128xi32, #tpu.memory_space<hbm>> -> memref<1x1x32x128xi32, #tpu.memory_space<hbm>>
        %dma_start3A_40 = tpu.memref_squeeze %dma_start3A_39 : memref<1x1x32x128xi32, #tpu.memory_space<hbm>> -> memref<32x128xi32, #tpu.memory_space<hbm>>
        %dma_start3A_41 = arith.constant 0 : i32
        %dma_start3A_42 = tpu.memref_slice %arg3[%arg0, %arg1, %mul3A_15, %dma_start3A_41] : memref<2x16x160x128xi32, #tpu.memory_space<hbm>> -> memref<1x1x32x128xi32, #tpu.memory_space<hbm>>
        %dma_start3A_43 = tpu.memref_squeeze %dma_start3A_42 : memref<1x1x32x128xi32, #tpu.memory_space<hbm>> -> memref<32x128xi32, #tpu.memory_space<hbm>>
        tpu.enqueue_dma source(%dma_start3A_43 : memref<32x128xi32, #tpu.memory_space<hbm>>) target(%arg7 : memref<32x128xi32, #tpu.memory_space<vmem>>) target_semaphore(%run_scoped3A : memref<!tpu.dma_semaphore, #tpu.memory_space<semaphore_mem>>)
        %dma_wait3A_44 = arith.constant 0 : i32
        %dma_wait3A_45 = tpu.memref_slice %arg3[%arg0, %arg1, %mul3A_15, %dma_wait3A_44] : memref<2x16x160x128xi32, #tpu.memory_space<hbm>> -> memref<1x1x32x128xi32, #tpu.memory_space<hbm>>
        %dma_wait3A_46 = tpu.memref_squeeze %dma_wait3A_45 : memref<1x1x32x128xi32, #tpu.memory_space<hbm>> -> memref<32x128xi32, #tpu.memory_space<hbm>>
        %dma_wait3A_47 = arith.constant 0 : i32
        %dma_wait3A_48 = tpu.memref_slice %arg3[%arg0, %arg1, %mul3A_15, %dma_wait3A_47] : memref<2x16x160x128xi32, #tpu.memory_space<hbm>> -> memref<1x1x32x128xi32, #tpu.memory_space<hbm>>
        %dma_wait3A_49 = tpu.memref_squeeze %dma_wait3A_48 : memref<1x1x32x128xi32, #tpu.memory_space<hbm>> -> memref<32x128xi32, #tpu.memory_space<hbm>>
        tpu.wait_dma2 semaphore(%run_scoped3A : memref<!tpu.dma_semaphore, #tpu.memory_space<semaphore_mem>>) src(%dma_wait3A_49 : memref<32x128xi32, #tpu.memory_space<hbm>>) dst(%arg7 : memref<32x128xi32, #tpu.memory_space<vmem>>)
        tpu.yield
      }) : () -> ()
      %mul3A_16 = arith.constant 32 : i32
      %mul3A_17 = arith.muli %scan3A_12, %mul3A_16 : i32
      "tpu.region"() ({
        %run_scoped3A = tpu.sem_alloc : memref<!tpu.dma_semaphore, #tpu.memory_space<semaphore_mem>>
        %dma_start3A_38 = arith.constant 0 : i32
        %dma_start3A_39 = tpu.memref_slice %arg4[%arg1, %mul3A_17, %dma_start3A_38] : memref<16x160x128xi32, #tpu.memory_space<hbm>> -> memref<1x32x128xi32, #tpu.memory_space<hbm>>
        %dma_start3A_40 = tpu.memref_squeeze %dma_start3A_39 : memref<1x32x128xi32, #tpu.memory_space<hbm>> -> memref<32x128xi32, #tpu.memory_space<hbm>>
        %dma_start3A_41 = arith.constant 0 : i32
        %dma_start3A_42 = tpu.memref_slice %arg4[%arg1, %mul3A_17, %dma_start3A_41] : memref<16x160x128xi32, #tpu.memory_space<hbm>> -> memref<1x32x128xi32, #tpu.memory_space<hbm>>
        %dma_start3A_43 = tpu.memref_squeeze %dma_start3A_42 : memref<1x32x128xi32, #tpu.memory_space<hbm>> -> memref<32x128xi32, #tpu.memory_space<hbm>>
        tpu.enqueue_dma source(%dma_start3A_43 : memref<32x128xi32, #tpu.memory_space<hbm>>) target(%arg8 : memref<32x128xi32, #tpu.memory_space<vmem>>) target_semaphore(%run_scoped3A : memref<!tpu.dma_semaphore, #tpu.memory_space<semaphore_mem>>)
        %dma_wait3A_44 = arith.constant 0 : i32
        %dma_wait3A_45 = tpu.memref_slice %arg4[%arg1, %mul3A_17, %dma_wait3A_44] : memref<16x160x128xi32, #tpu.memory_space<hbm>> -> memref<1x32x128xi32, #tpu.memory_space<hbm>>
        %dma_wait3A_46 = tpu.memref_squeeze %dma_wait3A_45 : memref<1x32x128xi32, #tpu.memory_space<hbm>> -> memref<32x128xi32, #tpu.memory_space<hbm>>
        %dma_wait3A_47 = arith.constant 0 : i32
        %dma_wait3A_48 = tpu.memref_slice %arg4[%arg1, %mul3A_17, %dma_wait3A_47] : memref<16x160x128xi32, #tpu.memory_space<hbm>> -> memref<1x32x128xi32, #tpu.memory_space<hbm>>
        %dma_wait3A_49 = tpu.memref_squeeze %dma_wait3A_48 : memref<1x32x128xi32, #tpu.memory_space<hbm>> -> memref<32x128xi32, #tpu.memory_space<hbm>>
        tpu.wait_dma2 semaphore(%run_scoped3A : memref<!tpu.dma_semaphore, #tpu.memory_space<semaphore_mem>>) src(%dma_wait3A_49 : memref<32x128xi32, #tpu.memory_space<hbm>>) dst(%arg8 : memref<32x128xi32, #tpu.memory_space<vmem>>)
        tpu.yield
      }) : () -> ()
      %dma_start3A = arith.constant 0 : i32
      %dma_start3A_18 = arith.constant 0 : i32
      %dma_start3A_19 = tpu.memref_slice %arg7[%dma_start3A, %dma_start3A_18] : memref<32x128xi32, #tpu.memory_space<vmem>> -> memref<1x128xi32, #tpu.memory_space<vmem>>
      %dma_start3A_20 = tpu.memref_squeeze %dma_start3A_19 : memref<1x128xi32, #tpu.memory_space<vmem>> -> memref<128xi32, #tpu.memory_space<vmem>>
      %dma_start3A_21 = arith.constant 0 : i32
      %dma_start3A_22 = arith.constant 0 : i32
      %dma_start3A_23 = tpu.memref_slice %arg2[%dma_start3A_21, %dma_start3A_22] : memref<20480x128xf32, #tpu.memory_space<hbm>> -> memref<20480x128xf32, #tpu.memory_space<hbm>>
      tpu.enqueue_indirect_dma source(%dma_start3A_23 : memref<20480x128xf32, #tpu.memory_space<hbm>>) target(%arg9 : memref<128x128xf32, #tpu.memory_space<vmem>>) offsets(%dma_start3A_20 : memref<128xi32, #tpu.memory_space<vmem>>) semaphore(%arg12 : memref<!tpu.dma_semaphore, #tpu.memory_space<semaphore_mem>>)
      %scan3A_24 = arith.constant 0 : i32
      %scan3A_25 = arith.constant 0 : i32
      %scan3A_26 = arith.constant 16 : i32
      %scan3A_27 = arith.addi %scan3A_25, %scan3A_26 : i32
      %scan3A_28 = arith.constant 1 : i32
      %scan3A_29 = scf.for %scan3A_38 = %scan3A_25 to %scan3A_27 step %scan3A_28 iter_args(%scan3A_39 = %scan3A_24) -> (i32)  : i32 {
        %mul3A_40 = arith.constant 2 : i32
        %mul3A_41 = arith.muli %mul3A_40, %scan3A_38 : i32
        %add3A = arith.constant 1 : i32
        %add3A_42 = arith.addi %mul3A_41, %add3A : i32
        %dma_start3A_43 = arith.constant 0 : i32
        %dma_start3A_44 = tpu.memref_slice %arg7[%add3A_42, %dma_start3A_43] : memref<32x128xi32, #tpu.memory_space<vmem>> -> memref<1x128xi32, #tpu.memory_space<vmem>>
        %dma_start3A_45 = tpu.memref_squeeze %dma_start3A_44 : memref<1x128xi32, #tpu.memory_space<vmem>> -> memref<128xi32, #tpu.memory_space<vmem>>
        %dma_start3A_46 = arith.constant 0 : i32
        %dma_start3A_47 = arith.constant 0 : i32
        %dma_start3A_48 = tpu.memref_slice %arg2[%dma_start3A_46, %dma_start3A_47] : memref<20480x128xf32, #tpu.memory_space<hbm>> -> memref<20480x128xf32, #tpu.memory_space<hbm>>
        tpu.enqueue_indirect_dma source(%dma_start3A_48 : memref<20480x128xf32, #tpu.memory_space<hbm>>) target(%arg10 : memref<128x128xf32, #tpu.memory_space<vmem>>) offsets(%dma_start3A_45 : memref<128xi32, #tpu.memory_space<vmem>>) semaphore(%arg13 : memref<!tpu.dma_semaphore, #tpu.memory_space<semaphore_mem>>)
        %dma_wait3A_49 = arith.constant 0 : i32
        %dma_wait3A_50 = tpu.memref_slice %arg7[%mul3A_41, %dma_wait3A_49] : memref<32x128xi32, #tpu.memory_space<vmem>> -> memref<1x128xi32, #tpu.memory_space<vmem>>
        %dma_wait3A_51 = tpu.memref_squeeze %dma_wait3A_50 : memref<1x128xi32, #tpu.memory_space<vmem>> -> memref<128xi32, #tpu.memory_space<vmem>>
        %dma_wait3A_52 = arith.constant 0 : i32
        %dma_wait3A_53 = arith.constant 0 : i32
        %dma_wait3A_54 = tpu.memref_slice %arg2[%dma_wait3A_52, %dma_wait3A_53] : memref<20480x128xf32, #tpu.memory_space<hbm>> -> memref<20480x128xf32, #tpu.memory_space<hbm>>
        tpu.wait_indirect_dma semaphore(%arg12 : memref<!tpu.dma_semaphore, #tpu.memory_space<semaphore_mem>>) src(%dma_wait3A_54 : memref<20480x128xf32, #tpu.memory_space<hbm>>) dst(%arg9 : memref<128x128xf32, #tpu.memory_space<vmem>>)
        "tpu.region"() ({
          %run_scoped3A = tpu.sem_alloc : memref<!tpu.dma_semaphore, #tpu.memory_space<semaphore_mem>>
          %dma_start3A_83 = arith.constant 0 : i32
          %dma_start3A_84 = tpu.memref_slice %arg8[%mul3A_41, %dma_start3A_83] : memref<32x128xi32, #tpu.memory_space<vmem>> -> memref<1x128xi32, #tpu.memory_space<vmem>>
          %dma_start3A_85 = tpu.memref_squeeze %dma_start3A_84 : memref<1x128xi32, #tpu.memory_space<vmem>> -> memref<128xi32, #tpu.memory_space<vmem>>
          %dma_start3A_86 = arith.constant 0 : i32
          %dma_start3A_87 = arith.constant 0 : i32
          %dma_start3A_88 = tpu.memref_slice %arg11[%dma_start3A_86, %dma_start3A_87] : memref<10240x128xf32, #tpu.memory_space<vmem_shared>> -> memref<10240x128xf32, #tpu.memory_space<vmem_shared>>
          tpu.enqueue_indirect_dma source(%arg9 : memref<128x128xf32, #tpu.memory_space<vmem>>) target(%dma_start3A_88 : memref<10240x128xf32, #tpu.memory_space<vmem_shared>>) offsets(%dma_start3A_85 : memref<128xi32, #tpu.memory_space<vmem>>) semaphore(%run_scoped3A : memref<!tpu.dma_semaphore, #tpu.memory_space<semaphore_mem>>) {add = true}
          %dma_wait3A_89 = arith.constant 0 : i32
          %dma_wait3A_90 = tpu.memref_slice %arg8[%mul3A_41, %dma_wait3A_89] : memref<32x128xi32, #tpu.memory_space<vmem>> -> memref<1x128xi32, #tpu.memory_space<vmem>>
          %dma_wait3A_91 = tpu.memref_squeeze %dma_wait3A_90 : memref<1x128xi32, #tpu.memory_space<vmem>> -> memref<128xi32, #tpu.memory_space<vmem>>
          %dma_wait3A_92 = arith.constant 0 : i32
          %dma_wait3A_93 = arith.constant 0 : i32
          %dma_wait3A_94 = tpu.memref_slice %arg11[%dma_wait3A_92, %dma_wait3A_93] : memref<10240x128xf32, #tpu.memory_space<vmem_shared>> -> memref<10240x128xf32, #tpu.memory_space<vmem_shared>>
          tpu.wait_indirect_dma semaphore(%run_scoped3A : memref<!tpu.dma_semaphore, #tpu.memory_space<semaphore_mem>>) src(%arg9 : memref<128x128xf32, #tpu.memory_space<vmem>>) dst(%dma_wait3A_94 : memref<10240x128xf32, #tpu.memory_space<vmem_shared>>)
          tpu.yield
        }) : () -> ()
        %add3A_55 = arith.constant 2 : i32
        %add3A_56 = arith.addi %mul3A_41, %add3A_55 : i32
        %jit3A = arith.constant 32 : i32
        %eq3A = arith.constant 0 : i32
        %eq3A_57 = arith.cmpi eq, %jit3A, %eq3A : i32
        %jit3A_58 = arith.constant 1 : i32
        %select_n3A = arith.select %eq3A_57, %jit3A_58, %jit3A : i32
        %rem3A = arith.remsi %add3A_56, %select_n3A : i32
        %ne3A = arith.constant 0 : i32
        %ne3A_59 = arith.cmpi ne, %rem3A, %ne3A : i32
        %lt3A = arith.constant 0 : i32
        %lt3A_60 = arith.cmpi slt, %rem3A, %lt3A : i32
        %lt3A_61 = arith.constant 0 : i32
        %lt3A_62 = arith.cmpi slt, %select_n3A, %lt3A_61 : i32
        %ne3A_63 = arith.xori %lt3A_60, %lt3A_62 : i1
        %and3A = arith.andi %ne3A_63, %ne3A_59 : i1
        %add3A_64 = arith.addi %rem3A, %select_n3A : i32
        %select_n3A_65 = arith.select %and3A, %add3A_64, %rem3A : i32
        %dma_start3A_66 = arith.constant 0 : i32
        %dma_start3A_67 = tpu.memref_slice %arg7[%select_n3A_65, %dma_start3A_66] : memref<32x128xi32, #tpu.memory_space<vmem>> -> memref<1x128xi32, #tpu.memory_space<vmem>>
        %dma_start3A_68 = tpu.memref_squeeze %dma_start3A_67 : memref<1x128xi32, #tpu.memory_space<vmem>> -> memref<128xi32, #tpu.memory_space<vmem>>
        %dma_start3A_69 = arith.constant 0 : i32
        %dma_start3A_70 = arith.constant 0 : i32
        %dma_start3A_71 = tpu.memref_slice %arg2[%dma_start3A_69, %dma_start3A_70] : memref<20480x128xf32, #tpu.memory_space<hbm>> -> memref<20480x128xf32, #tpu.memory_space<hbm>>
        tpu.enqueue_indirect_dma source(%dma_start3A_71 : memref<20480x128xf32, #tpu.memory_space<hbm>>) target(%arg9 : memref<128x128xf32, #tpu.memory_space<vmem>>) offsets(%dma_start3A_68 : memref<128xi32, #tpu.memory_space<vmem>>) semaphore(%arg12 : memref<!tpu.dma_semaphore, #tpu.memory_space<semaphore_mem>>)
        %add3A_72 = arith.constant 1 : i32
        %add3A_73 = arith.addi %mul3A_41, %add3A_72 : i32
        %dma_wait3A_74 = arith.constant 0 : i32
        %dma_wait3A_75 = tpu.memref_slice %arg7[%add3A_73, %dma_wait3A_74] : memref<32x128xi32, #tpu.memory_space<vmem>> -> memref<1x128xi32, #tpu.memory_space<vmem>>
        %dma_wait3A_76 = tpu.memref_squeeze %dma_wait3A_75 : memref<1x128xi32, #tpu.memory_space<vmem>> -> memref<128xi32, #tpu.memory_space<vmem>>
        %dma_wait3A_77 = arith.constant 0 : i32
        %dma_wait3A_78 = arith.constant 0 : i32
        %dma_wait3A_79 = tpu.memref_slice %arg2[%dma_wait3A_77, %dma_wait3A_78] : memref<20480x128xf32, #tpu.memory_space<hbm>> -> memref<20480x128xf32, #tpu.memory_space<hbm>>
        tpu.wait_indirect_dma semaphore(%arg13 : memref<!tpu.dma_semaphore, #tpu.memory_space<semaphore_mem>>) src(%dma_wait3A_79 : memref<20480x128xf32, #tpu.memory_space<hbm>>) dst(%arg10 : memref<128x128xf32, #tpu.memory_space<vmem>>)
        %add3A_80 = arith.constant 1 : i32
        %add3A_81 = arith.addi %mul3A_41, %add3A_80 : i32
        "tpu.region"() ({
          %run_scoped3A = tpu.sem_alloc : memref<!tpu.dma_semaphore, #tpu.memory_space<semaphore_mem>>
          %dma_start3A_83 = arith.constant 0 : i32
          %dma_start3A_84 = tpu.memref_slice %arg8[%add3A_81, %dma_start3A_83] : memref<32x128xi32, #tpu.memory_space<vmem>> -> memref<1x128xi32, #tpu.memory_space<vmem>>
          %dma_start3A_85 = tpu.memref_squeeze %dma_start3A_84 : memref<1x128xi32, #tpu.memory_space<vmem>> -> memref<128xi32, #tpu.memory_space<vmem>>
          %dma_start3A_86 = arith.constant 0 : i32
          %dma_start3A_87 = arith.constant 0 : i32
          %dma_start3A_88 = tpu.memref_slice %arg11[%dma_start3A_86, %dma_start3A_87] : memref<10240x128xf32, #tpu.memory_space<vmem_shared>> -> memref<10240x128xf32, #tpu.memory_space<vmem_shared>>
          tpu.enqueue_indirect_dma source(%arg10 : memref<128x128xf32, #tpu.memory_space<vmem>>) target(%dma_start3A_88 : memref<10240x128xf32, #tpu.memory_space<vmem_shared>>) offsets(%dma_start3A_85 : memref<128xi32, #tpu.memory_space<vmem>>) semaphore(%run_scoped3A : memref<!tpu.dma_semaphore, #tpu.memory_space<semaphore_mem>>) {add = true}
          %dma_wait3A_89 = arith.constant 0 : i32
          %dma_wait3A_90 = tpu.memref_slice %arg8[%add3A_81, %dma_wait3A_89] : memref<32x128xi32, #tpu.memory_space<vmem>> -> memref<1x128xi32, #tpu.memory_space<vmem>>
          %dma_wait3A_91 = tpu.memref_squeeze %dma_wait3A_90 : memref<1x128xi32, #tpu.memory_space<vmem>> -> memref<128xi32, #tpu.memory_space<vmem>>
          %dma_wait3A_92 = arith.constant 0 : i32
          %dma_wait3A_93 = arith.constant 0 : i32
          %dma_wait3A_94 = tpu.memref_slice %arg11[%dma_wait3A_92, %dma_wait3A_93] : memref<10240x128xf32, #tpu.memory_space<vmem_shared>> -> memref<10240x128xf32, #tpu.memory_space<vmem_shared>>
          tpu.wait_indirect_dma semaphore(%run_scoped3A : memref<!tpu.dma_semaphore, #tpu.memory_space<semaphore_mem>>) src(%arg10 : memref<128x128xf32, #tpu.memory_space<vmem>>) dst(%dma_wait3A_94 : memref<10240x128xf32, #tpu.memory_space<vmem_shared>>)
          tpu.yield
        }) : () -> ()
        %scan3A_82 = arith.constant 0 : i32
        scf.yield %scan3A_82 : i32
      }
      %scan3A_30 = arith.constant 16 : i32
      %dma_wait3A = arith.constant 0 : i32
      %dma_wait3A_31 = arith.constant 0 : i32
      %dma_wait3A_32 = tpu.memref_slice %arg7[%dma_wait3A, %dma_wait3A_31] : memref<32x128xi32, #tpu.memory_space<vmem>> -> memref<1x128xi32, #tpu.memory_space<vmem>>
      %dma_wait3A_33 = tpu.memref_squeeze %dma_wait3A_32 : memref<1x128xi32, #tpu.memory_space<vmem>> -> memref<128xi32, #tpu.memory_space<vmem>>
      %dma_wait3A_34 = arith.constant 0 : i32
      %dma_wait3A_35 = arith.constant 0 : i32
      %dma_wait3A_36 = tpu.memref_slice %arg2[%dma_wait3A_34, %dma_wait3A_35] : memref<20480x128xf32, #tpu.memory_space<hbm>> -> memref<20480x128xf32, #tpu.memory_space<hbm>>
      tpu.wait_indirect_dma semaphore(%arg12 : memref<!tpu.dma_semaphore, #tpu.memory_space<semaphore_mem>>) src(%dma_wait3A_36 : memref<20480x128xf32, #tpu.memory_space<hbm>>) dst(%arg9 : memref<128x128xf32, #tpu.memory_space<vmem>>)
      %scan3A_37 = arith.constant 0 : i32
      scf.yield %scan3A_37 : i32
    }
    %scan3A_6 = arith.constant 5 : i32
    %barrier3A_7 = arith.constant 0 : index
    tpu.barrier barrier_id(%barrier3A_7)
    %mul3A_8 = arith.constant 640 : i32
    %mul3A_9 = arith.muli %arg1, %mul3A_8 : i32
    %mul3A_10 = arith.constant 640 : i32
    %mul3A_11 = arith.muli %arg1, %mul3A_10 : i32
    "tpu.region"() ({
      %run_scoped3A = tpu.sem_alloc : memref<!tpu.dma_semaphore, #tpu.memory_space<semaphore_mem>>
      %dma_start3A = arith.constant 0 : i32
      %dma_start3A_12 = tpu.memref_slice %arg6[%arg0, %mul3A_11, %dma_start3A] : memref<2x10240x128xf32, #tpu.memory_space<hbm>> -> memref<1x640x128xf32, #tpu.memory_space<hbm>>
      %dma_start3A_13 = tpu.memref_squeeze %dma_start3A_12 : memref<1x640x128xf32, #tpu.memory_space<hbm>> -> memref<640x128xf32, #tpu.memory_space<hbm>>
      %dma_start3A_14 = arith.constant 0 : i32
      %dma_start3A_15 = tpu.memref_slice %arg11[%mul3A_9, %dma_start3A_14] : memref<10240x128xf32, #tpu.memory_space<vmem_shared>> -> memref<640x128xf32, #tpu.memory_space<vmem_shared>>
      tpu.enqueue_dma source(%dma_start3A_15 : memref<640x128xf32, #tpu.memory_space<vmem_shared>>) target(%dma_start3A_13 : memref<640x128xf32, #tpu.memory_space<hbm>>) target_semaphore(%run_scoped3A : memref<!tpu.dma_semaphore, #tpu.memory_space<semaphore_mem>>)
      %dma_wait3A = arith.constant 0 : i32
      %dma_wait3A_16 = tpu.memref_slice %arg6[%arg0, %mul3A_11, %dma_wait3A] : memref<2x10240x128xf32, #tpu.memory_space<hbm>> -> memref<1x640x128xf32, #tpu.memory_space<hbm>>
      %dma_wait3A_17 = tpu.memref_squeeze %dma_wait3A_16 : memref<1x640x128xf32, #tpu.memory_space<hbm>> -> memref<640x128xf32, #tpu.memory_space<hbm>>
      %dma_wait3A_18 = arith.constant 0 : i32
      %dma_wait3A_19 = tpu.memref_slice %arg11[%mul3A_9, %dma_wait3A_18] : memref<10240x128xf32, #tpu.memory_space<vmem_shared>> -> memref<640x128xf32, #tpu.memory_space<vmem_shared>>
      tpu.wait_dma2 semaphore(%run_scoped3A : memref<!tpu.dma_semaphore, #tpu.memory_space<semaphore_mem>>) src(%dma_wait3A_19 : memref<640x128xf32, #tpu.memory_space<vmem_shared>>) dst(%dma_wait3A_17 : memref<640x128xf32, #tpu.memory_space<hbm>>)
      tpu.yield
    }) : () -> ()
    return
  }
}

#map = affine_map<(d0, d1) -> (0, 0)>
#map1 = affine_map<(d0, d1) -> (0, 0, 0, 0)>
#map2 = affine_map<(d0, d1) -> (0, 0, 0)>
module attributes {stable_mosaic.version = 14 : i64} {
  func.func @_agg_body(%arg0: i32, %arg1: i32, %arg2: memref<20480x128xf32, #tpu.memory_space<hbm>>, %arg3: memref<2x16x160x128xi32, #tpu.memory_space<hbm>>, %arg4: memref<16x160x128xi32, #tpu.memory_space<hbm>>, %arg5: memref<640x128xf32, #tpu.memory_space<hbm>>, %arg6: memref<2x10240x128xf32, #tpu.memory_space<hbm>>, %arg7: memref<32x128xi32, #tpu.memory_space<vmem>>, %arg8: memref<32x128xi32, #tpu.memory_space<vmem>>, %arg9: memref<128x128xf32, #tpu.memory_space<vmem>>, %arg10: memref<128x128xf32, #tpu.memory_space<vmem>>, %arg11: memref<10240x128xf32, #tpu.memory_space<vmem_shared>>, %arg12: memref<!tpu.dma_semaphore, #tpu.memory_space<semaphore_mem>>, %arg13: memref<!tpu.dma_semaphore, #tpu.memory_space<semaphore_mem>>, %arg14: memref<!tpu.dma_semaphore, #tpu.memory_space<semaphore_mem>>, %arg15: memref<!tpu.dma_semaphore, #tpu.memory_space<semaphore_mem>>) attributes {dimension_semantics = [#tpu.dimension_semantics<core_parallel>, #tpu.dimension_semantics<subcore_parallel>], iteration_bounds = array<i64: 2, 16>, scalar_prefetch = 0 : i64, scratch_operands = 9 : i64, tpu.core_type = #tpu.core_type<sc_vector_subcore>, window_params = [{transform_indices = #map}, {transform_indices = #map1}, {transform_indices = #map2}, {transform_indices = #map}, {transform_indices = #map2}]} {
    %mul3A = arith.constant 640 : i32
    %mul3A_0 = arith.muli %arg1, %mul3A : i32
    "tpu.region"() ({
      %run_scoped3A = tpu.sem_alloc : memref<!tpu.dma_semaphore, #tpu.memory_space<semaphore_mem>>
      %dma_start3A = arith.constant 0 : i32
      %dma_start3A_12 = tpu.memref_slice %arg11[%mul3A_0, %dma_start3A] : memref<10240x128xf32, #tpu.memory_space<vmem_shared>> -> memref<640x128xf32, #tpu.memory_space<vmem_shared>>
      tpu.enqueue_dma source(%arg5 : memref<640x128xf32, #tpu.memory_space<hbm>>) target(%dma_start3A_12 : memref<640x128xf32, #tpu.memory_space<vmem_shared>>) target_semaphore(%run_scoped3A : memref<!tpu.dma_semaphore, #tpu.memory_space<semaphore_mem>>)
      %dma_wait3A = arith.constant 0 : i32
      %dma_wait3A_13 = tpu.memref_slice %arg11[%mul3A_0, %dma_wait3A] : memref<10240x128xf32, #tpu.memory_space<vmem_shared>> -> memref<640x128xf32, #tpu.memory_space<vmem_shared>>
      tpu.wait_dma2 semaphore(%run_scoped3A : memref<!tpu.dma_semaphore, #tpu.memory_space<semaphore_mem>>) src(%arg5 : memref<640x128xf32, #tpu.memory_space<hbm>>) dst(%dma_wait3A_13 : memref<640x128xf32, #tpu.memory_space<vmem_shared>>)
      tpu.yield
    }) : () -> ()
    %barrier3A = arith.constant 0 : index
    tpu.barrier barrier_id(%barrier3A)
    %scan3A = arith.constant 0 : i32
    %scan3A_1 = arith.constant 0 : i32
    %scan3A_2 = arith.constant 5 : i32
    %scan3A_3 = arith.addi %scan3A_1, %scan3A_2 : i32
    %scan3A_4 = arith.constant 1 : i32
    %scan3A_5 = scf.for %scan3A_12 = %scan3A_1 to %scan3A_3 step %scan3A_4 iter_args(%scan3A_13 = %scan3A) -> (i32)  : i32 {
      %mul3A_14 = arith.constant 32 : i32
      %mul3A_15 = arith.muli %scan3A_12, %mul3A_14 : i32
      "tpu.region"() ({
        %run_scoped3A = tpu.sem_alloc : memref<!tpu.dma_semaphore, #tpu.memory_space<semaphore_mem>>
        %dma_start3A_38 = arith.constant 0 : i32
        %dma_start3A_39 = tpu.memref_slice %arg3[%arg0, %arg1, %mul3A_15, %dma_start3A_38] : memref<2x16x160x128xi32, #tpu.memory_space<hbm>> -> memref<1x1x32x128xi32, #tpu.memory_space<hbm>>
        %dma_start3A_40 = tpu.memref_squeeze %dma_start3A_39 : memref<1x1x32x128xi32, #tpu.memory_space<hbm>> -> memref<32x128xi32, #tpu.memory_space<hbm>>
        %dma_start3A_41 = arith.constant 0 : i32
        %dma_start3A_42 = tpu.memref_slice %arg3[%arg0, %arg1, %mul3A_15, %dma_start3A_41] : memref<2x16x160x128xi32, #tpu.memory_space<hbm>> -> memref<1x1x32x128xi32, #tpu.memory_space<hbm>>
        %dma_start3A_43 = tpu.memref_squeeze %dma_start3A_42 : memref<1x1x32x128xi32, #tpu.memory_space<hbm>> -> memref<32x128xi32, #tpu.memory_space<hbm>>
        tpu.enqueue_dma source(%dma_start3A_43 : memref<32x128xi32, #tpu.memory_space<hbm>>) target(%arg7 : memref<32x128xi32, #tpu.memory_space<vmem>>) target_semaphore(%run_scoped3A : memref<!tpu.dma_semaphore, #tpu.memory_space<semaphore_mem>>)
        %dma_wait3A_44 = arith.constant 0 : i32
        %dma_wait3A_45 = tpu.memref_slice %arg3[%arg0, %arg1, %mul3A_15, %dma_wait3A_44] : memref<2x16x160x128xi32, #tpu.memory_space<hbm>> -> memref<1x1x32x128xi32, #tpu.memory_space<hbm>>
        %dma_wait3A_46 = tpu.memref_squeeze %dma_wait3A_45 : memref<1x1x32x128xi32, #tpu.memory_space<hbm>> -> memref<32x128xi32, #tpu.memory_space<hbm>>
        %dma_wait3A_47 = arith.constant 0 : i32
        %dma_wait3A_48 = tpu.memref_slice %arg3[%arg0, %arg1, %mul3A_15, %dma_wait3A_47] : memref<2x16x160x128xi32, #tpu.memory_space<hbm>> -> memref<1x1x32x128xi32, #tpu.memory_space<hbm>>
        %dma_wait3A_49 = tpu.memref_squeeze %dma_wait3A_48 : memref<1x1x32x128xi32, #tpu.memory_space<hbm>> -> memref<32x128xi32, #tpu.memory_space<hbm>>
        tpu.wait_dma2 semaphore(%run_scoped3A : memref<!tpu.dma_semaphore, #tpu.memory_space<semaphore_mem>>) src(%dma_wait3A_49 : memref<32x128xi32, #tpu.memory_space<hbm>>) dst(%arg7 : memref<32x128xi32, #tpu.memory_space<vmem>>)
        tpu.yield
      }) : () -> ()
      %mul3A_16 = arith.constant 32 : i32
      %mul3A_17 = arith.muli %scan3A_12, %mul3A_16 : i32
      "tpu.region"() ({
        %run_scoped3A = tpu.sem_alloc : memref<!tpu.dma_semaphore, #tpu.memory_space<semaphore_mem>>
        %dma_start3A_38 = arith.constant 0 : i32
        %dma_start3A_39 = tpu.memref_slice %arg4[%arg1, %mul3A_17, %dma_start3A_38] : memref<16x160x128xi32, #tpu.memory_space<hbm>> -> memref<1x32x128xi32, #tpu.memory_space<hbm>>
        %dma_start3A_40 = tpu.memref_squeeze %dma_start3A_39 : memref<1x32x128xi32, #tpu.memory_space<hbm>> -> memref<32x128xi32, #tpu.memory_space<hbm>>
        %dma_start3A_41 = arith.constant 0 : i32
        %dma_start3A_42 = tpu.memref_slice %arg4[%arg1, %mul3A_17, %dma_start3A_41] : memref<16x160x128xi32, #tpu.memory_space<hbm>> -> memref<1x32x128xi32, #tpu.memory_space<hbm>>
        %dma_start3A_43 = tpu.memref_squeeze %dma_start3A_42 : memref<1x32x128xi32, #tpu.memory_space<hbm>> -> memref<32x128xi32, #tpu.memory_space<hbm>>
        tpu.enqueue_dma source(%dma_start3A_43 : memref<32x128xi32, #tpu.memory_space<hbm>>) target(%arg8 : memref<32x128xi32, #tpu.memory_space<vmem>>) target_semaphore(%run_scoped3A : memref<!tpu.dma_semaphore, #tpu.memory_space<semaphore_mem>>)
        %dma_wait3A_44 = arith.constant 0 : i32
        %dma_wait3A_45 = tpu.memref_slice %arg4[%arg1, %mul3A_17, %dma_wait3A_44] : memref<16x160x128xi32, #tpu.memory_space<hbm>> -> memref<1x32x128xi32, #tpu.memory_space<hbm>>
        %dma_wait3A_46 = tpu.memref_squeeze %dma_wait3A_45 : memref<1x32x128xi32, #tpu.memory_space<hbm>> -> memref<32x128xi32, #tpu.memory_space<hbm>>
        %dma_wait3A_47 = arith.constant 0 : i32
        %dma_wait3A_48 = tpu.memref_slice %arg4[%arg1, %mul3A_17, %dma_wait3A_47] : memref<16x160x128xi32, #tpu.memory_space<hbm>> -> memref<1x32x128xi32, #tpu.memory_space<hbm>>
        %dma_wait3A_49 = tpu.memref_squeeze %dma_wait3A_48 : memref<1x32x128xi32, #tpu.memory_space<hbm>> -> memref<32x128xi32, #tpu.memory_space<hbm>>
        tpu.wait_dma2 semaphore(%run_scoped3A : memref<!tpu.dma_semaphore, #tpu.memory_space<semaphore_mem>>) src(%dma_wait3A_49 : memref<32x128xi32, #tpu.memory_space<hbm>>) dst(%arg8 : memref<32x128xi32, #tpu.memory_space<vmem>>)
        tpu.yield
      }) : () -> ()
      %dma_start3A = arith.constant 0 : i32
      %dma_start3A_18 = arith.constant 0 : i32
      %dma_start3A_19 = tpu.memref_slice %arg7[%dma_start3A, %dma_start3A_18] : memref<32x128xi32, #tpu.memory_space<vmem>> -> memref<1x128xi32, #tpu.memory_space<vmem>>
      %dma_start3A_20 = tpu.memref_squeeze %dma_start3A_19 : memref<1x128xi32, #tpu.memory_space<vmem>> -> memref<128xi32, #tpu.memory_space<vmem>>
      %dma_start3A_21 = arith.constant 0 : i32
      %dma_start3A_22 = arith.constant 0 : i32
      %dma_start3A_23 = tpu.memref_slice %arg2[%dma_start3A_21, %dma_start3A_22] : memref<20480x128xf32, #tpu.memory_space<hbm>> -> memref<20480x128xf32, #tpu.memory_space<hbm>>
      tpu.enqueue_indirect_dma source(%dma_start3A_23 : memref<20480x128xf32, #tpu.memory_space<hbm>>) target(%arg9 : memref<128x128xf32, #tpu.memory_space<vmem>>) offsets(%dma_start3A_20 : memref<128xi32, #tpu.memory_space<vmem>>) semaphore(%arg12 : memref<!tpu.dma_semaphore, #tpu.memory_space<semaphore_mem>>)
      %scan3A_24 = arith.constant 0 : i32
      %scan3A_25 = arith.constant 0 : i32
      %scan3A_26 = arith.constant 16 : i32
      %scan3A_27 = arith.addi %scan3A_25, %scan3A_26 : i32
      %scan3A_28 = arith.constant 1 : i32
      %scan3A_29 = scf.for %scan3A_38 = %scan3A_25 to %scan3A_27 step %scan3A_28 iter_args(%scan3A_39 = %scan3A_24) -> (i32)  : i32 {
        %mul3A_40 = arith.constant 2 : i32
        %mul3A_41 = arith.muli %mul3A_40, %scan3A_38 : i32
        %add3A = arith.constant 1 : i32
        %add3A_42 = arith.addi %mul3A_41, %add3A : i32
        %dma_start3A_43 = arith.constant 0 : i32
        %dma_start3A_44 = tpu.memref_slice %arg7[%add3A_42, %dma_start3A_43] : memref<32x128xi32, #tpu.memory_space<vmem>> -> memref<1x128xi32, #tpu.memory_space<vmem>>
        %dma_start3A_45 = tpu.memref_squeeze %dma_start3A_44 : memref<1x128xi32, #tpu.memory_space<vmem>> -> memref<128xi32, #tpu.memory_space<vmem>>
        %dma_start3A_46 = arith.constant 0 : i32
        %dma_start3A_47 = arith.constant 0 : i32
        %dma_start3A_48 = tpu.memref_slice %arg2[%dma_start3A_46, %dma_start3A_47] : memref<20480x128xf32, #tpu.memory_space<hbm>> -> memref<20480x128xf32, #tpu.memory_space<hbm>>
        tpu.enqueue_indirect_dma source(%dma_start3A_48 : memref<20480x128xf32, #tpu.memory_space<hbm>>) target(%arg10 : memref<128x128xf32, #tpu.memory_space<vmem>>) offsets(%dma_start3A_45 : memref<128xi32, #tpu.memory_space<vmem>>) semaphore(%arg13 : memref<!tpu.dma_semaphore, #tpu.memory_space<semaphore_mem>>)
        %dma_wait3A_49 = arith.constant 0 : i32
        %dma_wait3A_50 = tpu.memref_slice %arg7[%mul3A_41, %dma_wait3A_49] : memref<32x128xi32, #tpu.memory_space<vmem>> -> memref<1x128xi32, #tpu.memory_space<vmem>>
        %dma_wait3A_51 = tpu.memref_squeeze %dma_wait3A_50 : memref<1x128xi32, #tpu.memory_space<vmem>> -> memref<128xi32, #tpu.memory_space<vmem>>
        %dma_wait3A_52 = arith.constant 0 : i32
        %dma_wait3A_53 = arith.constant 0 : i32
        %dma_wait3A_54 = tpu.memref_slice %arg2[%dma_wait3A_52, %dma_wait3A_53] : memref<20480x128xf32, #tpu.memory_space<hbm>> -> memref<20480x128xf32, #tpu.memory_space<hbm>>
        tpu.wait_indirect_dma semaphore(%arg12 : memref<!tpu.dma_semaphore, #tpu.memory_space<semaphore_mem>>) src(%dma_wait3A_54 : memref<20480x128xf32, #tpu.memory_space<hbm>>) dst(%arg9 : memref<128x128xf32, #tpu.memory_space<vmem>>)
        "tpu.region"() ({
          %run_scoped3A = tpu.sem_alloc : memref<!tpu.dma_semaphore, #tpu.memory_space<semaphore_mem>>
          %dma_start3A_83 = arith.constant 0 : i32
          %dma_start3A_84 = tpu.memref_slice %arg8[%mul3A_41, %dma_start3A_83] : memref<32x128xi32, #tpu.memory_space<vmem>> -> memref<1x128xi32, #tpu.memory_space<vmem>>
          %dma_start3A_85 = tpu.memref_squeeze %dma_start3A_84 : memref<1x128xi32, #tpu.memory_space<vmem>> -> memref<128xi32, #tpu.memory_space<vmem>>
          %dma_start3A_86 = arith.constant 0 : i32
          %dma_start3A_87 = arith.constant 0 : i32
          %dma_start3A_88 = tpu.memref_slice %arg11[%dma_start3A_86, %dma_start3A_87] : memref<10240x128xf32, #tpu.memory_space<vmem_shared>> -> memref<10240x128xf32, #tpu.memory_space<vmem_shared>>
          tpu.enqueue_indirect_dma source(%arg9 : memref<128x128xf32, #tpu.memory_space<vmem>>) target(%dma_start3A_88 : memref<10240x128xf32, #tpu.memory_space<vmem_shared>>) offsets(%dma_start3A_85 : memref<128xi32, #tpu.memory_space<vmem>>) semaphore(%run_scoped3A : memref<!tpu.dma_semaphore, #tpu.memory_space<semaphore_mem>>) {add = true}
          %dma_wait3A_89 = arith.constant 0 : i32
          %dma_wait3A_90 = tpu.memref_slice %arg8[%mul3A_41, %dma_wait3A_89] : memref<32x128xi32, #tpu.memory_space<vmem>> -> memref<1x128xi32, #tpu.memory_space<vmem>>
          %dma_wait3A_91 = tpu.memref_squeeze %dma_wait3A_90 : memref<1x128xi32, #tpu.memory_space<vmem>> -> memref<128xi32, #tpu.memory_space<vmem>>
          %dma_wait3A_92 = arith.constant 0 : i32
          %dma_wait3A_93 = arith.constant 0 : i32
          %dma_wait3A_94 = tpu.memref_slice %arg11[%dma_wait3A_92, %dma_wait3A_93] : memref<10240x128xf32, #tpu.memory_space<vmem_shared>> -> memref<10240x128xf32, #tpu.memory_space<vmem_shared>>
          tpu.wait_indirect_dma semaphore(%run_scoped3A : memref<!tpu.dma_semaphore, #tpu.memory_space<semaphore_mem>>) src(%arg9 : memref<128x128xf32, #tpu.memory_space<vmem>>) dst(%dma_wait3A_94 : memref<10240x128xf32, #tpu.memory_space<vmem_shared>>)
          tpu.yield
        }) : () -> ()
        %add3A_55 = arith.constant 2 : i32
        %add3A_56 = arith.addi %mul3A_41, %add3A_55 : i32
        %jit3A = arith.constant 32 : i32
        %eq3A = arith.constant 0 : i32
        %eq3A_57 = arith.cmpi eq, %jit3A, %eq3A : i32
        %jit3A_58 = arith.constant 1 : i32
        %select_n3A = arith.select %eq3A_57, %jit3A_58, %jit3A : i32
        %rem3A = arith.remsi %add3A_56, %select_n3A : i32
        %ne3A = arith.constant 0 : i32
        %ne3A_59 = arith.cmpi ne, %rem3A, %ne3A : i32
        %lt3A = arith.constant 0 : i32
        %lt3A_60 = arith.cmpi slt, %rem3A, %lt3A : i32
        %lt3A_61 = arith.constant 0 : i32
        %lt3A_62 = arith.cmpi slt, %select_n3A, %lt3A_61 : i32
        %ne3A_63 = arith.xori %lt3A_60, %lt3A_62 : i1
        %and3A = arith.andi %ne3A_63, %ne3A_59 : i1
        %add3A_64 = arith.addi %rem3A, %select_n3A : i32
        %select_n3A_65 = arith.select %and3A, %add3A_64, %rem3A : i32
        %dma_start3A_66 = arith.constant 0 : i32
        %dma_start3A_67 = tpu.memref_slice %arg7[%select_n3A_65, %dma_start3A_66] : memref<32x128xi32, #tpu.memory_space<vmem>> -> memref<1x128xi32, #tpu.memory_space<vmem>>
        %dma_start3A_68 = tpu.memref_squeeze %dma_start3A_67 : memref<1x128xi32, #tpu.memory_space<vmem>> -> memref<128xi32, #tpu.memory_space<vmem>>
        %dma_start3A_69 = arith.constant 0 : i32
        %dma_start3A_70 = arith.constant 0 : i32
        %dma_start3A_71 = tpu.memref_slice %arg2[%dma_start3A_69, %dma_start3A_70] : memref<20480x128xf32, #tpu.memory_space<hbm>> -> memref<20480x128xf32, #tpu.memory_space<hbm>>
        tpu.enqueue_indirect_dma source(%dma_start3A_71 : memref<20480x128xf32, #tpu.memory_space<hbm>>) target(%arg9 : memref<128x128xf32, #tpu.memory_space<vmem>>) offsets(%dma_start3A_68 : memref<128xi32, #tpu.memory_space<vmem>>) semaphore(%arg12 : memref<!tpu.dma_semaphore, #tpu.memory_space<semaphore_mem>>)
        %add3A_72 = arith.constant 1 : i32
        %add3A_73 = arith.addi %mul3A_41, %add3A_72 : i32
        %dma_wait3A_74 = arith.constant 0 : i32
        %dma_wait3A_75 = tpu.memref_slice %arg7[%add3A_73, %dma_wait3A_74] : memref<32x128xi32, #tpu.memory_space<vmem>> -> memref<1x128xi32, #tpu.memory_space<vmem>>
        %dma_wait3A_76 = tpu.memref_squeeze %dma_wait3A_75 : memref<1x128xi32, #tpu.memory_space<vmem>> -> memref<128xi32, #tpu.memory_space<vmem>>
        %dma_wait3A_77 = arith.constant 0 : i32
        %dma_wait3A_78 = arith.constant 0 : i32
        %dma_wait3A_79 = tpu.memref_slice %arg2[%dma_wait3A_77, %dma_wait3A_78] : memref<20480x128xf32, #tpu.memory_space<hbm>> -> memref<20480x128xf32, #tpu.memory_space<hbm>>
        tpu.wait_indirect_dma semaphore(%arg13 : memref<!tpu.dma_semaphore, #tpu.memory_space<semaphore_mem>>) src(%dma_wait3A_79 : memref<20480x128xf32, #tpu.memory_space<hbm>>) dst(%arg10 : memref<128x128xf32, #tpu.memory_space<vmem>>)
        %add3A_80 = arith.constant 1 : i32
        %add3A_81 = arith.addi %mul3A_41, %add3A_80 : i32
        "tpu.region"() ({
          %run_scoped3A = tpu.sem_alloc : memref<!tpu.dma_semaphore, #tpu.memory_space<semaphore_mem>>
          %dma_start3A_83 = arith.constant 0 : i32
          %dma_start3A_84 = tpu.memref_slice %arg8[%add3A_81, %dma_start3A_83] : memref<32x128xi32, #tpu.memory_space<vmem>> -> memref<1x128xi32, #tpu.memory_space<vmem>>
          %dma_start3A_85 = tpu.memref_squeeze %dma_start3A_84 : memref<1x128xi32, #tpu.memory_space<vmem>> -> memref<128xi32, #tpu.memory_space<vmem>>
          %dma_start3A_86 = arith.constant 0 : i32
          %dma_start3A_87 = arith.constant 0 : i32
          %dma_start3A_88 = tpu.memref_slice %arg11[%dma_start3A_86, %dma_start3A_87] : memref<10240x128xf32, #tpu.memory_space<vmem_shared>> -> memref<10240x128xf32, #tpu.memory_space<vmem_shared>>
          tpu.enqueue_indirect_dma source(%arg10 : memref<128x128xf32, #tpu.memory_space<vmem>>) target(%dma_start3A_88 : memref<10240x128xf32, #tpu.memory_space<vmem_shared>>) offsets(%dma_start3A_85 : memref<128xi32, #tpu.memory_space<vmem>>) semaphore(%run_scoped3A : memref<!tpu.dma_semaphore, #tpu.memory_space<semaphore_mem>>) {add = true}
          %dma_wait3A_89 = arith.constant 0 : i32
          %dma_wait3A_90 = tpu.memref_slice %arg8[%add3A_81, %dma_wait3A_89] : memref<32x128xi32, #tpu.memory_space<vmem>> -> memref<1x128xi32, #tpu.memory_space<vmem>>
          %dma_wait3A_91 = tpu.memref_squeeze %dma_wait3A_90 : memref<1x128xi32, #tpu.memory_space<vmem>> -> memref<128xi32, #tpu.memory_space<vmem>>
          %dma_wait3A_92 = arith.constant 0 : i32
          %dma_wait3A_93 = arith.constant 0 : i32
          %dma_wait3A_94 = tpu.memref_slice %arg11[%dma_wait3A_92, %dma_wait3A_93] : memref<10240x128xf32, #tpu.memory_space<vmem_shared>> -> memref<10240x128xf32, #tpu.memory_space<vmem_shared>>
          tpu.wait_indirect_dma semaphore(%run_scoped3A : memref<!tpu.dma_semaphore, #tpu.memory_space<semaphore_mem>>) src(%arg10 : memref<128x128xf32, #tpu.memory_space<vmem>>) dst(%dma_wait3A_94 : memref<10240x128xf32, #tpu.memory_space<vmem_shared>>)
          tpu.yield
        }) : () -> ()
        %scan3A_82 = arith.constant 0 : i32
        scf.yield %scan3A_82 : i32
      }
      %scan3A_30 = arith.constant 16 : i32
      %dma_wait3A = arith.constant 0 : i32
      %dma_wait3A_31 = arith.constant 0 : i32
      %dma_wait3A_32 = tpu.memref_slice %arg7[%dma_wait3A, %dma_wait3A_31] : memref<32x128xi32, #tpu.memory_space<vmem>> -> memref<1x128xi32, #tpu.memory_space<vmem>>
      %dma_wait3A_33 = tpu.memref_squeeze %dma_wait3A_32 : memref<1x128xi32, #tpu.memory_space<vmem>> -> memref<128xi32, #tpu.memory_space<vmem>>
      %dma_wait3A_34 = arith.constant 0 : i32
      %dma_wait3A_35 = arith.constant 0 : i32
      %dma_wait3A_36 = tpu.memref_slice %arg2[%dma_wait3A_34, %dma_wait3A_35] : memref<20480x128xf32, #tpu.memory_space<hbm>> -> memref<20480x128xf32, #tpu.memory_space<hbm>>
      tpu.wait_indirect_dma semaphore(%arg12 : memref<!tpu.dma_semaphore, #tpu.memory_space<semaphore_mem>>) src(%dma_wait3A_36 : memref<20480x128xf32, #tpu.memory_space<hbm>>) dst(%arg9 : memref<128x128xf32, #tpu.memory_space<vmem>>)
      %scan3A_37 = arith.constant 0 : i32
      scf.yield %scan3A_37 : i32
    }
    %scan3A_6 = arith.constant 5 : i32
    %barrier3A_7 = arith.constant 0 : index
    tpu.barrier barrier_id(%barrier3A_7)
    %mul3A_8 = arith.constant 640 : i32
    %mul3A_9 = arith.muli %arg1, %mul3A_8 : i32
    %mul3A_10 = arith.constant 640 : i32
    %mul3A_11 = arith.muli %arg1, %mul3A_10 : i32
    "tpu.region"() ({
      %run_scoped3A = tpu.sem_alloc : memref<!tpu.dma_semaphore, #tpu.memory_space<semaphore_mem>>
      %dma_start3A = arith.constant 0 : i32
      %dma_start3A_12 = tpu.memref_slice %arg6[%arg0, %mul3A_11, %dma_start3A] : memref<2x10240x128xf32, #tpu.memory_space<hbm>> -> memref<1x640x128xf32, #tpu.memory_space<hbm>>
      %dma_start3A_13 = tpu.memref_squeeze %dma_start3A_12 : memref<1x640x128xf32, #tpu.memory_space<hbm>> -> memref<640x128xf32, #tpu.memory_space<hbm>>
      %dma_start3A_14 = arith.constant 0 : i32
      %dma_start3A_15 = tpu.memref_slice %arg11[%mul3A_9, %dma_start3A_14] : memref<10240x128xf32, #tpu.memory_space<vmem_shared>> -> memref<640x128xf32, #tpu.memory_space<vmem_shared>>
      tpu.enqueue_dma source(%dma_start3A_15 : memref<640x128xf32, #tpu.memory_space<vmem_shared>>) target(%dma_start3A_13 : memref<640x128xf32, #tpu.memory_space<hbm>>) target_semaphore(%run_scoped3A : memref<!tpu.dma_semaphore, #tpu.memory_space<semaphore_mem>>)
      %dma_wait3A = arith.constant 0 : i32
      %dma_wait3A_16 = tpu.memref_slice %arg6[%arg0, %mul3A_11, %dma_wait3A] : memref<2x10240x128xf32, #tpu.memory_space<hbm>> -> memref<1x640x128xf32, #tpu.memory_space<hbm>>
      %dma_wait3A_17 = tpu.memref_squeeze %dma_wait3A_16 : memref<1x640x128xf32, #tpu.memory_space<hbm>> -> memref<640x128xf32, #tpu.memory_space<hbm>>
      %dma_wait3A_18 = arith.constant 0 : i32
      %dma_wait3A_19 = tpu.memref_slice %arg11[%mul3A_9, %dma_wait3A_18] : memref<10240x128xf32, #tpu.memory_space<vmem_shared>> -> memref<640x128xf32, #tpu.memory_space<vmem_shared>>
      tpu.wait_dma2 semaphore(%run_scoped3A : memref<!tpu.dma_semaphore, #tpu.memory_space<semaphore_mem>>) src(%dma_wait3A_19 : memref<640x128xf32, #tpu.memory_space<vmem_shared>>) dst(%dma_wait3A_17 : memref<640x128xf32, #tpu.memory_space<hbm>>)
      tpu.yield
    }) : () -> ()
    return
  }
}

#map = affine_map<(d0, d1) -> (0, 0)>
#map1 = affine_map<(d0, d1) -> (0, 0, 0, 0)>
#map2 = affine_map<(d0, d1) -> (0, 0, 0)>
module attributes {stable_mosaic.version = 14 : i64} {
  func.func @_agg_body(%arg0: i32, %arg1: i32, %arg2: memref<20480x128xf32, #tpu.memory_space<hbm>>, %arg3: memref<2x16x160x128xi32, #tpu.memory_space<hbm>>, %arg4: memref<16x160x128xi32, #tpu.memory_space<hbm>>, %arg5: memref<640x128xf32, #tpu.memory_space<hbm>>, %arg6: memref<2x10240x128xf32, #tpu.memory_space<hbm>>, %arg7: memref<32x128xi32, #tpu.memory_space<vmem>>, %arg8: memref<32x128xi32, #tpu.memory_space<vmem>>, %arg9: memref<128x128xf32, #tpu.memory_space<vmem>>, %arg10: memref<128x128xf32, #tpu.memory_space<vmem>>, %arg11: memref<10240x128xf32, #tpu.memory_space<vmem_shared>>, %arg12: memref<!tpu.dma_semaphore, #tpu.memory_space<semaphore_mem>>, %arg13: memref<!tpu.dma_semaphore, #tpu.memory_space<semaphore_mem>>, %arg14: memref<!tpu.dma_semaphore, #tpu.memory_space<semaphore_mem>>, %arg15: memref<!tpu.dma_semaphore, #tpu.memory_space<semaphore_mem>>) attributes {dimension_semantics = [#tpu.dimension_semantics<core_parallel>, #tpu.dimension_semantics<subcore_parallel>], iteration_bounds = array<i64: 2, 16>, scalar_prefetch = 0 : i64, scratch_operands = 9 : i64, tpu.core_type = #tpu.core_type<sc_vector_subcore>, window_params = [{transform_indices = #map}, {transform_indices = #map1}, {transform_indices = #map2}, {transform_indices = #map}, {transform_indices = #map2}]} {
    %mul3A = arith.constant 640 : i32
    %mul3A_0 = arith.muli %arg1, %mul3A : i32
    "tpu.region"() ({
      %run_scoped3A = tpu.sem_alloc : memref<!tpu.dma_semaphore, #tpu.memory_space<semaphore_mem>>
      %dma_start3A = arith.constant 0 : i32
      %dma_start3A_12 = tpu.memref_slice %arg11[%mul3A_0, %dma_start3A] : memref<10240x128xf32, #tpu.memory_space<vmem_shared>> -> memref<640x128xf32, #tpu.memory_space<vmem_shared>>
      tpu.enqueue_dma source(%arg5 : memref<640x128xf32, #tpu.memory_space<hbm>>) target(%dma_start3A_12 : memref<640x128xf32, #tpu.memory_space<vmem_shared>>) target_semaphore(%run_scoped3A : memref<!tpu.dma_semaphore, #tpu.memory_space<semaphore_mem>>)
      %dma_wait3A = arith.constant 0 : i32
      %dma_wait3A_13 = tpu.memref_slice %arg11[%mul3A_0, %dma_wait3A] : memref<10240x128xf32, #tpu.memory_space<vmem_shared>> -> memref<640x128xf32, #tpu.memory_space<vmem_shared>>
      tpu.wait_dma2 semaphore(%run_scoped3A : memref<!tpu.dma_semaphore, #tpu.memory_space<semaphore_mem>>) src(%arg5 : memref<640x128xf32, #tpu.memory_space<hbm>>) dst(%dma_wait3A_13 : memref<640x128xf32, #tpu.memory_space<vmem_shared>>)
      tpu.yield
    }) : () -> ()
    %barrier3A = arith.constant 0 : index
    tpu.barrier barrier_id(%barrier3A)
    %scan3A = arith.constant 0 : i32
    %scan3A_1 = arith.constant 0 : i32
    %scan3A_2 = arith.constant 5 : i32
    %scan3A_3 = arith.addi %scan3A_1, %scan3A_2 : i32
    %scan3A_4 = arith.constant 1 : i32
    %scan3A_5 = scf.for %scan3A_12 = %scan3A_1 to %scan3A_3 step %scan3A_4 iter_args(%scan3A_13 = %scan3A) -> (i32)  : i32 {
      %mul3A_14 = arith.constant 32 : i32
      %mul3A_15 = arith.muli %scan3A_12, %mul3A_14 : i32
      "tpu.region"() ({
        %run_scoped3A = tpu.sem_alloc : memref<!tpu.dma_semaphore, #tpu.memory_space<semaphore_mem>>
        %dma_start3A_38 = arith.constant 0 : i32
        %dma_start3A_39 = tpu.memref_slice %arg3[%arg0, %arg1, %mul3A_15, %dma_start3A_38] : memref<2x16x160x128xi32, #tpu.memory_space<hbm>> -> memref<1x1x32x128xi32, #tpu.memory_space<hbm>>
        %dma_start3A_40 = tpu.memref_squeeze %dma_start3A_39 : memref<1x1x32x128xi32, #tpu.memory_space<hbm>> -> memref<32x128xi32, #tpu.memory_space<hbm>>
        %dma_start3A_41 = arith.constant 0 : i32
        %dma_start3A_42 = tpu.memref_slice %arg3[%arg0, %arg1, %mul3A_15, %dma_start3A_41] : memref<2x16x160x128xi32, #tpu.memory_space<hbm>> -> memref<1x1x32x128xi32, #tpu.memory_space<hbm>>
        %dma_start3A_43 = tpu.memref_squeeze %dma_start3A_42 : memref<1x1x32x128xi32, #tpu.memory_space<hbm>> -> memref<32x128xi32, #tpu.memory_space<hbm>>
        tpu.enqueue_dma source(%dma_start3A_43 : memref<32x128xi32, #tpu.memory_space<hbm>>) target(%arg7 : memref<32x128xi32, #tpu.memory_space<vmem>>) target_semaphore(%run_scoped3A : memref<!tpu.dma_semaphore, #tpu.memory_space<semaphore_mem>>)
        %dma_wait3A_44 = arith.constant 0 : i32
        %dma_wait3A_45 = tpu.memref_slice %arg3[%arg0, %arg1, %mul3A_15, %dma_wait3A_44] : memref<2x16x160x128xi32, #tpu.memory_space<hbm>> -> memref<1x1x32x128xi32, #tpu.memory_space<hbm>>
        %dma_wait3A_46 = tpu.memref_squeeze %dma_wait3A_45 : memref<1x1x32x128xi32, #tpu.memory_space<hbm>> -> memref<32x128xi32, #tpu.memory_space<hbm>>
        %dma_wait3A_47 = arith.constant 0 : i32
        %dma_wait3A_48 = tpu.memref_slice %arg3[%arg0, %arg1, %mul3A_15, %dma_wait3A_47] : memref<2x16x160x128xi32, #tpu.memory_space<hbm>> -> memref<1x1x32x128xi32, #tpu.memory_space<hbm>>
        %dma_wait3A_49 = tpu.memref_squeeze %dma_wait3A_48 : memref<1x1x32x128xi32, #tpu.memory_space<hbm>> -> memref<32x128xi32, #tpu.memory_space<hbm>>
        tpu.wait_dma2 semaphore(%run_scoped3A : memref<!tpu.dma_semaphore, #tpu.memory_space<semaphore_mem>>) src(%dma_wait3A_49 : memref<32x128xi32, #tpu.memory_space<hbm>>) dst(%arg7 : memref<32x128xi32, #tpu.memory_space<vmem>>)
        tpu.yield
      }) : () -> ()
      %mul3A_16 = arith.constant 32 : i32
      %mul3A_17 = arith.muli %scan3A_12, %mul3A_16 : i32
      "tpu.region"() ({
        %run_scoped3A = tpu.sem_alloc : memref<!tpu.dma_semaphore, #tpu.memory_space<semaphore_mem>>
        %dma_start3A_38 = arith.constant 0 : i32
        %dma_start3A_39 = tpu.memref_slice %arg4[%arg1, %mul3A_17, %dma_start3A_38] : memref<16x160x128xi32, #tpu.memory_space<hbm>> -> memref<1x32x128xi32, #tpu.memory_space<hbm>>
        %dma_start3A_40 = tpu.memref_squeeze %dma_start3A_39 : memref<1x32x128xi32, #tpu.memory_space<hbm>> -> memref<32x128xi32, #tpu.memory_space<hbm>>
        %dma_start3A_41 = arith.constant 0 : i32
        %dma_start3A_42 = tpu.memref_slice %arg4[%arg1, %mul3A_17, %dma_start3A_41] : memref<16x160x128xi32, #tpu.memory_space<hbm>> -> memref<1x32x128xi32, #tpu.memory_space<hbm>>
        %dma_start3A_43 = tpu.memref_squeeze %dma_start3A_42 : memref<1x32x128xi32, #tpu.memory_space<hbm>> -> memref<32x128xi32, #tpu.memory_space<hbm>>
        tpu.enqueue_dma source(%dma_start3A_43 : memref<32x128xi32, #tpu.memory_space<hbm>>) target(%arg8 : memref<32x128xi32, #tpu.memory_space<vmem>>) target_semaphore(%run_scoped3A : memref<!tpu.dma_semaphore, #tpu.memory_space<semaphore_mem>>)
        %dma_wait3A_44 = arith.constant 0 : i32
        %dma_wait3A_45 = tpu.memref_slice %arg4[%arg1, %mul3A_17, %dma_wait3A_44] : memref<16x160x128xi32, #tpu.memory_space<hbm>> -> memref<1x32x128xi32, #tpu.memory_space<hbm>>
        %dma_wait3A_46 = tpu.memref_squeeze %dma_wait3A_45 : memref<1x32x128xi32, #tpu.memory_space<hbm>> -> memref<32x128xi32, #tpu.memory_space<hbm>>
        %dma_wait3A_47 = arith.constant 0 : i32
        %dma_wait3A_48 = tpu.memref_slice %arg4[%arg1, %mul3A_17, %dma_wait3A_47] : memref<16x160x128xi32, #tpu.memory_space<hbm>> -> memref<1x32x128xi32, #tpu.memory_space<hbm>>
        %dma_wait3A_49 = tpu.memref_squeeze %dma_wait3A_48 : memref<1x32x128xi32, #tpu.memory_space<hbm>> -> memref<32x128xi32, #tpu.memory_space<hbm>>
        tpu.wait_dma2 semaphore(%run_scoped3A : memref<!tpu.dma_semaphore, #tpu.memory_space<semaphore_mem>>) src(%dma_wait3A_49 : memref<32x128xi32, #tpu.memory_space<hbm>>) dst(%arg8 : memref<32x128xi32, #tpu.memory_space<vmem>>)
        tpu.yield
      }) : () -> ()
      %dma_start3A = arith.constant 0 : i32
      %dma_start3A_18 = arith.constant 0 : i32
      %dma_start3A_19 = tpu.memref_slice %arg7[%dma_start3A, %dma_start3A_18] : memref<32x128xi32, #tpu.memory_space<vmem>> -> memref<1x128xi32, #tpu.memory_space<vmem>>
      %dma_start3A_20 = tpu.memref_squeeze %dma_start3A_19 : memref<1x128xi32, #tpu.memory_space<vmem>> -> memref<128xi32, #tpu.memory_space<vmem>>
      %dma_start3A_21 = arith.constant 0 : i32
      %dma_start3A_22 = arith.constant 0 : i32
      %dma_start3A_23 = tpu.memref_slice %arg2[%dma_start3A_21, %dma_start3A_22] : memref<20480x128xf32, #tpu.memory_space<hbm>> -> memref<20480x128xf32, #tpu.memory_space<hbm>>
      tpu.enqueue_indirect_dma source(%dma_start3A_23 : memref<20480x128xf32, #tpu.memory_space<hbm>>) target(%arg9 : memref<128x128xf32, #tpu.memory_space<vmem>>) offsets(%dma_start3A_20 : memref<128xi32, #tpu.memory_space<vmem>>) semaphore(%arg12 : memref<!tpu.dma_semaphore, #tpu.memory_space<semaphore_mem>>)
      %scan3A_24 = arith.constant 0 : i32
      %scan3A_25 = arith.constant 0 : i32
      %scan3A_26 = arith.constant 16 : i32
      %scan3A_27 = arith.addi %scan3A_25, %scan3A_26 : i32
      %scan3A_28 = arith.constant 1 : i32
      %scan3A_29 = scf.for %scan3A_38 = %scan3A_25 to %scan3A_27 step %scan3A_28 iter_args(%scan3A_39 = %scan3A_24) -> (i32)  : i32 {
        %mul3A_40 = arith.constant 2 : i32
        %mul3A_41 = arith.muli %mul3A_40, %scan3A_38 : i32
        %add3A = arith.constant 1 : i32
        %add3A_42 = arith.addi %mul3A_41, %add3A : i32
        %dma_start3A_43 = arith.constant 0 : i32
        %dma_start3A_44 = tpu.memref_slice %arg7[%add3A_42, %dma_start3A_43] : memref<32x128xi32, #tpu.memory_space<vmem>> -> memref<1x128xi32, #tpu.memory_space<vmem>>
        %dma_start3A_45 = tpu.memref_squeeze %dma_start3A_44 : memref<1x128xi32, #tpu.memory_space<vmem>> -> memref<128xi32, #tpu.memory_space<vmem>>
        %dma_start3A_46 = arith.constant 0 : i32
        %dma_start3A_47 = arith.constant 0 : i32
        %dma_start3A_48 = tpu.memref_slice %arg2[%dma_start3A_46, %dma_start3A_47] : memref<20480x128xf32, #tpu.memory_space<hbm>> -> memref<20480x128xf32, #tpu.memory_space<hbm>>
        tpu.enqueue_indirect_dma source(%dma_start3A_48 : memref<20480x128xf32, #tpu.memory_space<hbm>>) target(%arg10 : memref<128x128xf32, #tpu.memory_space<vmem>>) offsets(%dma_start3A_45 : memref<128xi32, #tpu.memory_space<vmem>>) semaphore(%arg13 : memref<!tpu.dma_semaphore, #tpu.memory_space<semaphore_mem>>)
        %dma_wait3A_49 = arith.constant 0 : i32
        %dma_wait3A_50 = tpu.memref_slice %arg7[%mul3A_41, %dma_wait3A_49] : memref<32x128xi32, #tpu.memory_space<vmem>> -> memref<1x128xi32, #tpu.memory_space<vmem>>
        %dma_wait3A_51 = tpu.memref_squeeze %dma_wait3A_50 : memref<1x128xi32, #tpu.memory_space<vmem>> -> memref<128xi32, #tpu.memory_space<vmem>>
        %dma_wait3A_52 = arith.constant 0 : i32
        %dma_wait3A_53 = arith.constant 0 : i32
        %dma_wait3A_54 = tpu.memref_slice %arg2[%dma_wait3A_52, %dma_wait3A_53] : memref<20480x128xf32, #tpu.memory_space<hbm>> -> memref<20480x128xf32, #tpu.memory_space<hbm>>
        tpu.wait_indirect_dma semaphore(%arg12 : memref<!tpu.dma_semaphore, #tpu.memory_space<semaphore_mem>>) src(%dma_wait3A_54 : memref<20480x128xf32, #tpu.memory_space<hbm>>) dst(%arg9 : memref<128x128xf32, #tpu.memory_space<vmem>>)
        "tpu.region"() ({
          %run_scoped3A = tpu.sem_alloc : memref<!tpu.dma_semaphore, #tpu.memory_space<semaphore_mem>>
          %dma_start3A_83 = arith.constant 0 : i32
          %dma_start3A_84 = tpu.memref_slice %arg8[%mul3A_41, %dma_start3A_83] : memref<32x128xi32, #tpu.memory_space<vmem>> -> memref<1x128xi32, #tpu.memory_space<vmem>>
          %dma_start3A_85 = tpu.memref_squeeze %dma_start3A_84 : memref<1x128xi32, #tpu.memory_space<vmem>> -> memref<128xi32, #tpu.memory_space<vmem>>
          %dma_start3A_86 = arith.constant 0 : i32
          %dma_start3A_87 = arith.constant 0 : i32
          %dma_start3A_88 = tpu.memref_slice %arg11[%dma_start3A_86, %dma_start3A_87] : memref<10240x128xf32, #tpu.memory_space<vmem_shared>> -> memref<10240x128xf32, #tpu.memory_space<vmem_shared>>
          tpu.enqueue_indirect_dma source(%arg9 : memref<128x128xf32, #tpu.memory_space<vmem>>) target(%dma_start3A_88 : memref<10240x128xf32, #tpu.memory_space<vmem_shared>>) offsets(%dma_start3A_85 : memref<128xi32, #tpu.memory_space<vmem>>) semaphore(%run_scoped3A : memref<!tpu.dma_semaphore, #tpu.memory_space<semaphore_mem>>) {add = true}
          %dma_wait3A_89 = arith.constant 0 : i32
          %dma_wait3A_90 = tpu.memref_slice %arg8[%mul3A_41, %dma_wait3A_89] : memref<32x128xi32, #tpu.memory_space<vmem>> -> memref<1x128xi32, #tpu.memory_space<vmem>>
          %dma_wait3A_91 = tpu.memref_squeeze %dma_wait3A_90 : memref<1x128xi32, #tpu.memory_space<vmem>> -> memref<128xi32, #tpu.memory_space<vmem>>
          %dma_wait3A_92 = arith.constant 0 : i32
          %dma_wait3A_93 = arith.constant 0 : i32
          %dma_wait3A_94 = tpu.memref_slice %arg11[%dma_wait3A_92, %dma_wait3A_93] : memref<10240x128xf32, #tpu.memory_space<vmem_shared>> -> memref<10240x128xf32, #tpu.memory_space<vmem_shared>>
          tpu.wait_indirect_dma semaphore(%run_scoped3A : memref<!tpu.dma_semaphore, #tpu.memory_space<semaphore_mem>>) src(%arg9 : memref<128x128xf32, #tpu.memory_space<vmem>>) dst(%dma_wait3A_94 : memref<10240x128xf32, #tpu.memory_space<vmem_shared>>)
          tpu.yield
        }) : () -> ()
        %add3A_55 = arith.constant 2 : i32
        %add3A_56 = arith.addi %mul3A_41, %add3A_55 : i32
        %jit3A = arith.constant 32 : i32
        %eq3A = arith.constant 0 : i32
        %eq3A_57 = arith.cmpi eq, %jit3A, %eq3A : i32
        %jit3A_58 = arith.constant 1 : i32
        %select_n3A = arith.select %eq3A_57, %jit3A_58, %jit3A : i32
        %rem3A = arith.remsi %add3A_56, %select_n3A : i32
        %ne3A = arith.constant 0 : i32
        %ne3A_59 = arith.cmpi ne, %rem3A, %ne3A : i32
        %lt3A = arith.constant 0 : i32
        %lt3A_60 = arith.cmpi slt, %rem3A, %lt3A : i32
        %lt3A_61 = arith.constant 0 : i32
        %lt3A_62 = arith.cmpi slt, %select_n3A, %lt3A_61 : i32
        %ne3A_63 = arith.xori %lt3A_60, %lt3A_62 : i1
        %and3A = arith.andi %ne3A_63, %ne3A_59 : i1
        %add3A_64 = arith.addi %rem3A, %select_n3A : i32
        %select_n3A_65 = arith.select %and3A, %add3A_64, %rem3A : i32
        %dma_start3A_66 = arith.constant 0 : i32
        %dma_start3A_67 = tpu.memref_slice %arg7[%select_n3A_65, %dma_start3A_66] : memref<32x128xi32, #tpu.memory_space<vmem>> -> memref<1x128xi32, #tpu.memory_space<vmem>>
        %dma_start3A_68 = tpu.memref_squeeze %dma_start3A_67 : memref<1x128xi32, #tpu.memory_space<vmem>> -> memref<128xi32, #tpu.memory_space<vmem>>
        %dma_start3A_69 = arith.constant 0 : i32
        %dma_start3A_70 = arith.constant 0 : i32
        %dma_start3A_71 = tpu.memref_slice %arg2[%dma_start3A_69, %dma_start3A_70] : memref<20480x128xf32, #tpu.memory_space<hbm>> -> memref<20480x128xf32, #tpu.memory_space<hbm>>
        tpu.enqueue_indirect_dma source(%dma_start3A_71 : memref<20480x128xf32, #tpu.memory_space<hbm>>) target(%arg9 : memref<128x128xf32, #tpu.memory_space<vmem>>) offsets(%dma_start3A_68 : memref<128xi32, #tpu.memory_space<vmem>>) semaphore(%arg12 : memref<!tpu.dma_semaphore, #tpu.memory_space<semaphore_mem>>)
        %add3A_72 = arith.constant 1 : i32
        %add3A_73 = arith.addi %mul3A_41, %add3A_72 : i32
        %dma_wait3A_74 = arith.constant 0 : i32
        %dma_wait3A_75 = tpu.memref_slice %arg7[%add3A_73, %dma_wait3A_74] : memref<32x128xi32, #tpu.memory_space<vmem>> -> memref<1x128xi32, #tpu.memory_space<vmem>>
        %dma_wait3A_76 = tpu.memref_squeeze %dma_wait3A_75 : memref<1x128xi32, #tpu.memory_space<vmem>> -> memref<128xi32, #tpu.memory_space<vmem>>
        %dma_wait3A_77 = arith.constant 0 : i32
        %dma_wait3A_78 = arith.constant 0 : i32
        %dma_wait3A_79 = tpu.memref_slice %arg2[%dma_wait3A_77, %dma_wait3A_78] : memref<20480x128xf32, #tpu.memory_space<hbm>> -> memref<20480x128xf32, #tpu.memory_space<hbm>>
        tpu.wait_indirect_dma semaphore(%arg13 : memref<!tpu.dma_semaphore, #tpu.memory_space<semaphore_mem>>) src(%dma_wait3A_79 : memref<20480x128xf32, #tpu.memory_space<hbm>>) dst(%arg10 : memref<128x128xf32, #tpu.memory_space<vmem>>)
        %add3A_80 = arith.constant 1 : i32
        %add3A_81 = arith.addi %mul3A_41, %add3A_80 : i32
        "tpu.region"() ({
          %run_scoped3A = tpu.sem_alloc : memref<!tpu.dma_semaphore, #tpu.memory_space<semaphore_mem>>
          %dma_start3A_83 = arith.constant 0 : i32
          %dma_start3A_84 = tpu.memref_slice %arg8[%add3A_81, %dma_start3A_83] : memref<32x128xi32, #tpu.memory_space<vmem>> -> memref<1x128xi32, #tpu.memory_space<vmem>>
          %dma_start3A_85 = tpu.memref_squeeze %dma_start3A_84 : memref<1x128xi32, #tpu.memory_space<vmem>> -> memref<128xi32, #tpu.memory_space<vmem>>
          %dma_start3A_86 = arith.constant 0 : i32
          %dma_start3A_87 = arith.constant 0 : i32
          %dma_start3A_88 = tpu.memref_slice %arg11[%dma_start3A_86, %dma_start3A_87] : memref<10240x128xf32, #tpu.memory_space<vmem_shared>> -> memref<10240x128xf32, #tpu.memory_space<vmem_shared>>
          tpu.enqueue_indirect_dma source(%arg10 : memref<128x128xf32, #tpu.memory_space<vmem>>) target(%dma_start3A_88 : memref<10240x128xf32, #tpu.memory_space<vmem_shared>>) offsets(%dma_start3A_85 : memref<128xi32, #tpu.memory_space<vmem>>) semaphore(%run_scoped3A : memref<!tpu.dma_semaphore, #tpu.memory_space<semaphore_mem>>) {add = true}
          %dma_wait3A_89 = arith.constant 0 : i32
          %dma_wait3A_90 = tpu.memref_slice %arg8[%add3A_81, %dma_wait3A_89] : memref<32x128xi32, #tpu.memory_space<vmem>> -> memref<1x128xi32, #tpu.memory_space<vmem>>
          %dma_wait3A_91 = tpu.memref_squeeze %dma_wait3A_90 : memref<1x128xi32, #tpu.memory_space<vmem>> -> memref<128xi32, #tpu.memory_space<vmem>>
          %dma_wait3A_92 = arith.constant 0 : i32
          %dma_wait3A_93 = arith.constant 0 : i32
          %dma_wait3A_94 = tpu.memref_slice %arg11[%dma_wait3A_92, %dma_wait3A_93] : memref<10240x128xf32, #tpu.memory_space<vmem_shared>> -> memref<10240x128xf32, #tpu.memory_space<vmem_shared>>
          tpu.wait_indirect_dma semaphore(%run_scoped3A : memref<!tpu.dma_semaphore, #tpu.memory_space<semaphore_mem>>) src(%arg10 : memref<128x128xf32, #tpu.memory_space<vmem>>) dst(%dma_wait3A_94 : memref<10240x128xf32, #tpu.memory_space<vmem_shared>>)
          tpu.yield
        }) : () -> ()
        %scan3A_82 = arith.constant 0 : i32
        scf.yield %scan3A_82 : i32
      }
      %scan3A_30 = arith.constant 16 : i32
      %dma_wait3A = arith.constant 0 : i32
      %dma_wait3A_31 = arith.constant 0 : i32
      %dma_wait3A_32 = tpu.memref_slice %arg7[%dma_wait3A, %dma_wait3A_31] : memref<32x128xi32, #tpu.memory_space<vmem>> -> memref<1x128xi32, #tpu.memory_space<vmem>>
      %dma_wait3A_33 = tpu.memref_squeeze %dma_wait3A_32 : memref<1x128xi32, #tpu.memory_space<vmem>> -> memref<128xi32, #tpu.memory_space<vmem>>
      %dma_wait3A_34 = arith.constant 0 : i32
      %dma_wait3A_35 = arith.constant 0 : i32
      %dma_wait3A_36 = tpu.memref_slice %arg2[%dma_wait3A_34, %dma_wait3A_35] : memref<20480x128xf32, #tpu.memory_space<hbm>> -> memref<20480x128xf32, #tpu.memory_space<hbm>>
      tpu.wait_indirect_dma semaphore(%arg12 : memref<!tpu.dma_semaphore, #tpu.memory_space<semaphore_mem>>) src(%dma_wait3A_36 : memref<20480x128xf32, #tpu.memory_space<hbm>>) dst(%arg9 : memref<128x128xf32, #tpu.memory_space<vmem>>)
      %scan3A_37 = arith.constant 0 : i32
      scf.yield %scan3A_37 : i32
    }
    %scan3A_6 = arith.constant 5 : i32
    %barrier3A_7 = arith.constant 0 : index
    tpu.barrier barrier_id(%barrier3A_7)
    %mul3A_8 = arith.constant 640 : i32
    %mul3A_9 = arith.muli %arg1, %mul3A_8 : i32
    %mul3A_10 = arith.constant 640 : i32
    %mul3A_11 = arith.muli %arg1, %mul3A_10 : i32
    "tpu.region"() ({
      %run_scoped3A = tpu.sem_alloc : memref<!tpu.dma_semaphore, #tpu.memory_space<semaphore_mem>>
      %dma_start3A = arith.constant 0 : i32
      %dma_start3A_12 = tpu.memref_slice %arg6[%arg0, %mul3A_11, %dma_start3A] : memref<2x10240x128xf32, #tpu.memory_space<hbm>> -> memref<1x640x128xf32, #tpu.memory_space<hbm>>
      %dma_start3A_13 = tpu.memref_squeeze %dma_start3A_12 : memref<1x640x128xf32, #tpu.memory_space<hbm>> -> memref<640x128xf32, #tpu.memory_space<hbm>>
      %dma_start3A_14 = arith.constant 0 : i32
      %dma_start3A_15 = tpu.memref_slice %arg11[%mul3A_9, %dma_start3A_14] : memref<10240x128xf32, #tpu.memory_space<vmem_shared>> -> memref<640x128xf32, #tpu.memory_space<vmem_shared>>
      tpu.enqueue_dma source(%dma_start3A_15 : memref<640x128xf32, #tpu.memory_space<vmem_shared>>) target(%dma_start3A_13 : memref<640x128xf32, #tpu.memory_space<hbm>>) target_semaphore(%run_scoped3A : memref<!tpu.dma_semaphore, #tpu.memory_space<semaphore_mem>>)
      %dma_wait3A = arith.constant 0 : i32
      %dma_wait3A_16 = tpu.memref_slice %arg6[%arg0, %mul3A_11, %dma_wait3A] : memref<2x10240x128xf32, #tpu.memory_space<hbm>> -> memref<1x640x128xf32, #tpu.memory_space<hbm>>
      %dma_wait3A_17 = tpu.memref_squeeze %dma_wait3A_16 : memref<1x640x128xf32, #tpu.memory_space<hbm>> -> memref<640x128xf32, #tpu.memory_space<hbm>>
      %dma_wait3A_18 = arith.constant 0 : i32
      %dma_wait3A_19 = tpu.memref_slice %arg11[%mul3A_9, %dma_wait3A_18] : memref<10240x128xf32, #tpu.memory_space<vmem_shared>> -> memref<640x128xf32, #tpu.memory_space<vmem_shared>>
      tpu.wait_dma2 semaphore(%run_scoped3A : memref<!tpu.dma_semaphore, #tpu.memory_space<semaphore_mem>>) src(%dma_wait3A_19 : memref<640x128xf32, #tpu.memory_space<vmem_shared>>) dst(%dma_wait3A_17 : memref<640x128xf32, #tpu.memory_space<hbm>>)
      tpu.yield
    }) : () -> ()
    return
  }
}

module attributes {stable_mosaic.version = 14 : i64} {
  func.func @_mlp1_body(%arg0: i32, %arg1: memref<256x128xf32, #tpu.memory_space<vmem>>, %arg2: memref<128x512xf32, #tpu.memory_space<vmem>>, %arg3: memref<1x512xf32, #tpu.memory_space<vmem>>, %arg4: memref<512x512xf32, #tpu.memory_space<vmem>>, %arg5: memref<1x512xf32, #tpu.memory_space<vmem>>, %arg6: memref<512x256xf32, #tpu.memory_space<vmem>>, %arg7: memref<1x256xf32, #tpu.memory_space<vmem>>, %arg8: memref<256x256xf32, #tpu.memory_space<vmem>>, %arg9: memref<1x256xf32, #tpu.memory_space<vmem>>, %arg10: memref<256x384xf32, #tpu.memory_space<vmem>>) attributes {dimension_semantics = [#tpu.dimension_semantics<arbitrary>], iteration_bounds = array<i64: 40>, scalar_prefetch = 0 : i64, scratch_operands = 0 : i64, tpu.core_type = #tpu.core_type<tc>, window_params = [{transform_indices = @transform_0, window_bounds = array<i64: 256, 128>}, {pipeline_mode = #tpu.pipeline_mode<synchronous>, transform_indices = @transform_1, window_bounds = array<i64: 128, 512>}, {pipeline_mode = #tpu.pipeline_mode<synchronous>, transform_indices = @transform_2, window_bounds = array<i64: 1, 512>}, {pipeline_mode = #tpu.pipeline_mode<synchronous>, transform_indices = @transform_3, window_bounds = array<i64: 512, 512>}, {pipeline_mode = #tpu.pipeline_mode<synchronous>, transform_indices = @transform_4, window_bounds = array<i64: 1, 512>}, {pipeline_mode = #tpu.pipeline_mode<synchronous>, transform_indices = @transform_5, window_bounds = array<i64: 512, 256>}, {pipeline_mode = #tpu.pipeline_mode<synchronous>, transform_indices = @transform_6, window_bounds = array<i64: 1, 256>}, {pipeline_mode = #tpu.pipeline_mode<synchronous>, transform_indices = @transform_7, window_bounds = array<i64: 256, 256>}, {pipeline_mode = #tpu.pipeline_mode<synchronous>, transform_indices = @transform_8, window_bounds = array<i64: 1, 256>}, {transform_indices = @transform_9, window_bounds = array<i64: 256, 384>}]} {
    %get3A = arith.constant 0 : index
    %get3A_0 = arith.constant 0 : index
    %get3A_1 = vector.load %arg1[%get3A, %get3A_0] : memref<256x128xf32, #tpu.memory_space<vmem>>, vector<256x128xf32>
    %get3A_2 = arith.constant 0 : index
    %get3A_3 = arith.constant 0 : index
    %get3A_4 = vector.load %arg2[%get3A_2, %get3A_3] : memref<128x512xf32, #tpu.memory_space<vmem>>, vector<128x512xf32>
    %dot_general3A = arith.constant dense<0.000000e+00> : vector<256x512xf32>
    %dot_general3A_5 = tpu.matmul %get3A_1, %get3A_4, %dot_general3A {dimension_numbers = #tpu.dot_dimension_numbers<[1], [0], [0], [1], [0, 0, 1, 1], [], []>, transpose_lhs_hint = false} : vector<256x128xf32>, vector<128x512xf32>, vector<256x512xf32> -> vector<256x512xf32>
    %get3A_6 = arith.constant 0 : index
    %get3A_7 = arith.constant 0 : index
    %get3A_8 = vector.load %arg3[%get3A_6, %get3A_7] : memref<1x512xf32, #tpu.memory_space<vmem>>, vector<1x512xf32>
    %add3A = vector.broadcast %get3A_8 : vector<1x512xf32> to vector<256x512xf32>
    %add3A_9 = arith.addf %dot_general3A_5, %add3A : vector<256x512xf32>
    %ge3A = arith.constant 0.000000e+00 : f32
    %ge3A_10 = vector.broadcast %ge3A : f32 to vector<256x512xf32>
    %ge3A_11 = arith.cmpf oge, %add3A_9, %ge3A_10 : vector<256x512xf32>
    %mul3A = arith.constant 0.00999999977 : f32
    %mul3A_12 = vector.broadcast %mul3A : f32 to vector<256x512xf32>
    %mul3A_13 = arith.mulf %mul3A_12, %add3A_9 : vector<256x512xf32>
    %select_n3A = arith.select %ge3A_11, %add3A_9, %mul3A_13 : vector<256x512xi1>, vector<256x512xf32>
    %get3A_14 = arith.constant 0 : index
    %get3A_15 = arith.constant 0 : index
    %get3A_16 = vector.load %arg4[%get3A_14, %get3A_15] : memref<512x512xf32, #tpu.memory_space<vmem>>, vector<512x512xf32>
    %dot_general3A_17 = arith.constant dense<0.000000e+00> : vector<256x512xf32>
    %dot_general3A_18 = tpu.matmul %select_n3A, %get3A_16, %dot_general3A_17 {dimension_numbers = #tpu.dot_dimension_numbers<[1], [0], [0], [1], [0, 0, 1, 1], [], []>, transpose_lhs_hint = false} : vector<256x512xf32>, vector<512x512xf32>, vector<256x512xf32> -> vector<256x512xf32>
    %get3A_19 = arith.constant 0 : index
    %get3A_20 = arith.constant 0 : index
    %get3A_21 = vector.load %arg5[%get3A_19, %get3A_20] : memref<1x512xf32, #tpu.memory_space<vmem>>, vector<1x512xf32>
    %add3A_22 = vector.broadcast %get3A_21 : vector<1x512xf32> to vector<256x512xf32>
    %add3A_23 = arith.addf %dot_general3A_18, %add3A_22 : vector<256x512xf32>
    %ge3A_24 = arith.constant 0.000000e+00 : f32
    %ge3A_25 = vector.broadcast %ge3A_24 : f32 to vector<256x512xf32>
    %ge3A_26 = arith.cmpf oge, %add3A_23, %ge3A_25 : vector<256x512xf32>
    %mul3A_27 = arith.constant 0.00999999977 : f32
    %mul3A_28 = vector.broadcast %mul3A_27 : f32 to vector<256x512xf32>
    %mul3A_29 = arith.mulf %mul3A_28, %add3A_23 : vector<256x512xf32>
    %select_n3A_30 = arith.select %ge3A_26, %add3A_23, %mul3A_29 : vector<256x512xi1>, vector<256x512xf32>
    %get3A_31 = arith.constant 0 : index
    %get3A_32 = arith.constant 0 : index
    %get3A_33 = vector.load %arg6[%get3A_31, %get3A_32] : memref<512x256xf32, #tpu.memory_space<vmem>>, vector<512x256xf32>
    %dot_general3A_34 = arith.constant dense<0.000000e+00> : vector<256x256xf32>
    %dot_general3A_35 = tpu.matmul %select_n3A_30, %get3A_33, %dot_general3A_34 {dimension_numbers = #tpu.dot_dimension_numbers<[1], [0], [0], [1], [0, 0, 1, 1], [], []>, transpose_lhs_hint = false} : vector<256x512xf32>, vector<512x256xf32>, vector<256x256xf32> -> vector<256x256xf32>
    %get3A_36 = arith.constant 0 : index
    %get3A_37 = arith.constant 0 : index
    %get3A_38 = vector.load %arg7[%get3A_36, %get3A_37] : memref<1x256xf32, #tpu.memory_space<vmem>>, vector<1x256xf32>
    %add3A_39 = vector.broadcast %get3A_38 : vector<1x256xf32> to vector<256x256xf32>
    %add3A_40 = arith.addf %dot_general3A_35, %add3A_39 : vector<256x256xf32>
    %ge3A_41 = arith.constant 0.000000e+00 : f32
    %ge3A_42 = vector.broadcast %ge3A_41 : f32 to vector<256x256xf32>
    %ge3A_43 = arith.cmpf oge, %add3A_40, %ge3A_42 : vector<256x256xf32>
    %mul3A_44 = arith.constant 0.00999999977 : f32
    %mul3A_45 = vector.broadcast %mul3A_44 : f32 to vector<256x256xf32>
    %mul3A_46 = arith.mulf %mul3A_45, %add3A_40 : vector<256x256xf32>
    %select_n3A_47 = arith.select %ge3A_43, %add3A_40, %mul3A_46 : vector<256x256xi1>, vector<256x256xf32>
    %get3A_48 = arith.constant 0 : index
    %get3A_49 = arith.constant 0 : index
    %get3A_50 = vector.load %arg8[%get3A_48, %get3A_49] : memref<256x256xf32, #tpu.memory_space<vmem>>, vector<256x256xf32>
    %dot_general3A_51 = arith.constant dense<0.000000e+00> : vector<256x256xf32>
    %dot_general3A_52 = tpu.matmul %select_n3A_47, %get3A_50, %dot_general3A_51 {dimension_numbers = #tpu.dot_dimension_numbers<[1], [0], [0], [1], [0, 0, 1, 1], [], []>, transpose_lhs_hint = false} : vector<256x256xf32>, vector<256x256xf32>, vector<256x256xf32> -> vector<256x256xf32>
    %get3A_53 = arith.constant 0 : index
    %get3A_54 = arith.constant 0 : index
    %get3A_55 = vector.load %arg9[%get3A_53, %get3A_54] : memref<1x256xf32, #tpu.memory_space<vmem>>, vector<1x256xf32>
    %add3A_56 = vector.broadcast %get3A_55 : vector<1x256xf32> to vector<256x256xf32>
    %add3A_57 = arith.addf %dot_general3A_52, %add3A_56 : vector<256x256xf32>
    %ge3A_58 = arith.constant 0.000000e+00 : f32
    %ge3A_59 = vector.broadcast %ge3A_58 : f32 to vector<256x256xf32>
    %ge3A_60 = arith.cmpf oge, %add3A_57, %ge3A_59 : vector<256x256xf32>
    %mul3A_61 = arith.constant 0.00999999977 : f32
    %mul3A_62 = vector.broadcast %mul3A_61 : f32 to vector<256x256xf32>
    %mul3A_63 = arith.mulf %mul3A_62, %add3A_57 : vector<256x256xf32>
    %select_n3A_64 = arith.select %ge3A_60, %add3A_57, %mul3A_63 : vector<256x256xi1>, vector<256x256xf32>
    %swap3A = arith.constant 0 : index
    %swap3A_65 = arith.constant 0 : index
    %swap3A_66 = vector.load %arg10[%swap3A, %swap3A_65] : memref<256x384xf32, #tpu.memory_space<vmem>>, vector<256x256xf32>
    tpu.vector_store %arg10[%swap3A, %swap3A_65], %select_n3A_64 {strides = array<i32>} : memref<256x384xf32, #tpu.memory_space<vmem>>, vector<256x256xf32>,
    %swap3A_67 = arith.constant 0 : index
    %swap3A_68 = arith.constant 256 : index
    %swap3A_69 = vector.load %arg10[%swap3A_67, %swap3A_68] : memref<256x384xf32, #tpu.memory_space<vmem>>, vector<256x128xf32>
    tpu.vector_store %arg10[%swap3A_67, %swap3A_68], %get3A_1 {strides = array<i32>} : memref<256x384xf32, #tpu.memory_space<vmem>>, vector<256x128xf32>,
    return
  }
  func.func @transform_0(%arg0: i32) -> (i32, i32) {
    %c0_i32 = arith.constant 0 : i32
    %c0_i32_0 = arith.constant 0 : i32
    return %arg0, %c0_i32 : i32, i32
  }
  func.func @transform_1(%arg0: i32) -> (i32, i32) {
    %c0_i32 = arith.constant 0 : i32
    %c0_i32_0 = arith.constant 0 : i32
    %c0_i32_1 = arith.constant 0 : i32
    return %c0_i32, %c0_i32_0 : i32, i32
  }
  func.func @transform_2(%arg0: i32) -> (i32, i32) {
    %c0_i32 = arith.constant 0 : i32
    %c0_i32_0 = arith.constant 0 : i32
    %c0_i32_1 = arith.constant 0 : i32
    return %c0_i32, %c0_i32_0 : i32, i32
  }
  func.func @transform_3(%arg0: i32) -> (i32, i32) {
    %c0_i32 = arith.constant 0 : i32
    %c0_i32_0 = arith.constant 0 : i32
    %c0_i32_1 = arith.constant 0 : i32
    return %c0_i32, %c0_i32_0 : i32, i32
  }
  func.func @transform_4(%arg0: i32) -> (i32, i32) {
    %c0_i32 = arith.constant 0 : i32
    %c0_i32_0 = arith.constant 0 : i32
    %c0_i32_1 = arith.constant 0 : i32
    return %c0_i32, %c0_i32_0 : i32, i32
  }
  func.func @transform_5(%arg0: i32) -> (i32, i32) {
    %c0_i32 = arith.constant 0 : i32
    %c0_i32_0 = arith.constant 0 : i32
    %c0_i32_1 = arith.constant 0 : i32
    return %c0_i32, %c0_i32_0 : i32, i32
  }
  func.func @transform_6(%arg0: i32) -> (i32, i32) {
    %c0_i32 = arith.constant 0 : i32
    %c0_i32_0 = arith.constant 0 : i32
    %c0_i32_1 = arith.constant 0 : i32
    return %c0_i32, %c0_i32_0 : i32, i32
  }
  func.func @transform_7(%arg0: i32) -> (i32, i32) {
    %c0_i32 = arith.constant 0 : i32
    %c0_i32_0 = arith.constant 0 : i32
    %c0_i32_1 = arith.constant 0 : i32
    return %c0_i32, %c0_i32_0 : i32, i32
  }
  func.func @transform_8(%arg0: i32) -> (i32, i32) {
    %c0_i32 = arith.constant 0 : i32
    %c0_i32_0 = arith.constant 0 : i32
    %c0_i32_1 = arith.constant 0 : i32
    return %c0_i32, %c0_i32_0 : i32, i32
  }
  func.func @transform_9(%arg0: i32) -> (i32, i32) {
    %c0_i32 = arith.constant 0 : i32
    %c0_i32_0 = arith.constant 0 : i32
    return %arg0, %c0_i32 : i32, i32
  }
}

module attributes {stable_mosaic.version = 14 : i64} {
  func.func @_gconv_first_body(%arg0: i32, %arg1: memref<256x384xf32, #tpu.memory_space<vmem>>, %arg2: memref<384x256xf32, #tpu.memory_space<vmem>>, %arg3: memref<1x256xf32, #tpu.memory_space<vmem>>, %arg4: memref<2x256x128xf32, #tpu.memory_space<vmem>>) attributes {dimension_semantics = [#tpu.dimension_semantics<arbitrary>], iteration_bounds = array<i64: 40>, scalar_prefetch = 0 : i64, scratch_operands = 0 : i64, tpu.core_type = #tpu.core_type<tc>, window_params = [{transform_indices = @transform_0, window_bounds = array<i64: 256, 384>}, {pipeline_mode = #tpu.pipeline_mode<synchronous>, transform_indices = @transform_1, window_bounds = array<i64: 384, 256>}, {pipeline_mode = #tpu.pipeline_mode<synchronous>, transform_indices = @transform_2, window_bounds = array<i64: 1, 256>}, {transform_indices = @transform_3, window_bounds = array<i64: 2, 256, 128>}]} {
    %get3A = arith.constant 0 : index
    %get3A_0 = arith.constant 0 : index
    %get3A_1 = vector.load %arg1[%get3A, %get3A_0] : memref<256x384xf32, #tpu.memory_space<vmem>>, vector<256x384xf32>
    %get3A_2 = arith.constant 0 : index
    %get3A_3 = arith.constant 0 : index
    %get3A_4 = vector.load %arg2[%get3A_2, %get3A_3] : memref<384x256xf32, #tpu.memory_space<vmem>>, vector<384x256xf32>
    %dot_general3A = arith.constant dense<0.000000e+00> : vector<256x256xf32>
    %dot_general3A_5 = tpu.matmul %get3A_1, %get3A_4, %dot_general3A {dimension_numbers = #tpu.dot_dimension_numbers<[1], [0], [0], [1], [0, 0, 1, 1], [], []>, transpose_lhs_hint = false} : vector<256x384xf32>, vector<384x256xf32>, vector<256x256xf32> -> vector<256x256xf32>
    %get3A_6 = arith.constant 0 : index
    %get3A_7 = arith.constant 0 : index
    %get3A_8 = vector.load %arg3[%get3A_6, %get3A_7] : memref<1x256xf32, #tpu.memory_space<vmem>>, vector<1x256xf32>
    %add3A = vector.broadcast %get3A_8 : vector<1x256xf32> to vector<256x256xf32>
    %add3A_9 = arith.addf %dot_general3A_5, %add3A : vector<256x256xf32>
    %slice3A = vector.extract_strided_slice %add3A_9 {offsets = [0, 0], sizes = [256, 128], strides = [1, 1]} : vector<256x256xf32> to vector<256x128xf32>
    %swap3A = arith.constant 0 : index
    %swap3A_10 = arith.constant 0 : index
    %swap3A_11 = arith.constant 0 : index
    %swap3A_12 = vector.load %arg4[%swap3A, %swap3A_10, %swap3A_11] : memref<2x256x128xf32, #tpu.memory_space<vmem>>, vector<1x256x128xf32>
    %swap3A_13 = vector.shape_cast %swap3A_12 : vector<1x256x128xf32> to vector<256x128xf32>
    %swap3A_14 = vector.shape_cast %slice3A : vector<256x128xf32> to vector<1x256x128xf32>
    tpu.vector_store %arg4[%swap3A, %swap3A_10, %swap3A_11], %swap3A_14 {strides = array<i32>} : memref<2x256x128xf32, #tpu.memory_space<vmem>>, vector<1x256x128xf32>,
    %slice3A_15 = vector.extract_strided_slice %add3A_9 {offsets = [0, 128], sizes = [256, 128], strides = [1, 1]} : vector<256x256xf32> to vector<256x128xf32>
    %swap3A_16 = arith.constant 1 : index
    %swap3A_17 = arith.constant 0 : index
    %swap3A_18 = arith.constant 0 : index
    %swap3A_19 = vector.load %arg4[%swap3A_16, %swap3A_17, %swap3A_18] : memref<2x256x128xf32, #tpu.memory_space<vmem>>, vector<1x256x128xf32>
    %swap3A_20 = vector.shape_cast %swap3A_19 : vector<1x256x128xf32> to vector<256x128xf32>
    %swap3A_21 = vector.shape_cast %slice3A_15 : vector<256x128xf32> to vector<1x256x128xf32>
    tpu.vector_store %arg4[%swap3A_16, %swap3A_17, %swap3A_18], %swap3A_21 {strides = array<i32>} : memref<2x256x128xf32, #tpu.memory_space<vmem>>, vector<1x256x128xf32>,
    return
  }
  func.func @transform_0(%arg0: i32) -> (i32, i32) {
    %c0_i32 = arith.constant 0 : i32
    %c0_i32_0 = arith.constant 0 : i32
    return %arg0, %c0_i32 : i32, i32
  }
  func.func @transform_1(%arg0: i32) -> (i32, i32) {
    %c0_i32 = arith.constant 0 : i32
    %c0_i32_0 = arith.constant 0 : i32
    %c0_i32_1 = arith.constant 0 : i32
    return %c0_i32, %c0_i32_0 : i32, i32
  }
  func.func @transform_2(%arg0: i32) -> (i32, i32) {
    %c0_i32 = arith.constant 0 : i32
    %c0_i32_0 = arith.constant 0 : i32
    %c0_i32_1 = arith.constant 0 : i32
    return %c0_i32, %c0_i32_0 : i32, i32
  }
  func.func @transform_3(%arg0: i32) -> (i32, i32, i32) {
    %c0_i32 = arith.constant 0 : i32
    %c0_i32_0 = arith.constant 0 : i32
    %c0_i32_1 = arith.constant 0 : i32
    return %c0_i32, %arg0, %c0_i32_0 : i32, i32, i32
  }
}

module attributes {stable_mosaic.version = 14 : i64} {
  func.func @_matmul_body(%arg0: i32, %arg1: memref<256x384xf32, #tpu.memory_space<vmem>>, %arg2: memref<384x256xf32, #tpu.memory_space<vmem>>, %arg3: memref<1x256xf32, #tpu.memory_space<vmem>>, %arg4: memref<256x256xf32, #tpu.memory_space<vmem>>) attributes {dimension_semantics = [#tpu.dimension_semantics<arbitrary>], iteration_bounds = array<i64: 40>, scalar_prefetch = 0 : i64, scratch_operands = 0 : i64, tpu.core_type = #tpu.core_type<tc>, window_params = [{transform_indices = @transform_0, window_bounds = array<i64: 256, 384>}, {pipeline_mode = #tpu.pipeline_mode<synchronous>, transform_indices = @transform_1, window_bounds = array<i64: 384, 256>}, {pipeline_mode = #tpu.pipeline_mode<synchronous>, transform_indices = @transform_2, window_bounds = array<i64: 1, 256>}, {transform_indices = @transform_3, window_bounds = array<i64: 256, 256>}]} {
    %get3A = arith.constant 0 : index
    %get3A_0 = arith.constant 0 : index
    %get3A_1 = vector.load %arg1[%get3A, %get3A_0] : memref<256x384xf32, #tpu.memory_space<vmem>>, vector<256x384xf32>
    %get3A_2 = arith.constant 0 : index
    %get3A_3 = arith.constant 0 : index
    %get3A_4 = vector.load %arg2[%get3A_2, %get3A_3] : memref<384x256xf32, #tpu.memory_space<vmem>>, vector<384x256xf32>
    %dot_general3A = arith.constant dense<0.000000e+00> : vector<256x256xf32>
    %dot_general3A_5 = tpu.matmul %get3A_1, %get3A_4, %dot_general3A {dimension_numbers = #tpu.dot_dimension_numbers<[1], [0], [0], [1], [0, 0, 1, 1], [], []>, transpose_lhs_hint = false} : vector<256x384xf32>, vector<384x256xf32>, vector<256x256xf32> -> vector<256x256xf32>
    %get3A_6 = arith.constant 0 : index
    %get3A_7 = arith.constant 0 : index
    %get3A_8 = vector.load %arg3[%get3A_6, %get3A_7] : memref<1x256xf32, #tpu.memory_space<vmem>>, vector<1x256xf32>
    %add3A = vector.broadcast %get3A_8 : vector<1x256xf32> to vector<256x256xf32>
    %add3A_9 = arith.addf %dot_general3A_5, %add3A : vector<256x256xf32>
    %swap3A = arith.constant 0 : index
    %swap3A_10 = arith.constant 0 : index
    %swap3A_11 = vector.load %arg4[%swap3A, %swap3A_10] : memref<256x256xf32, #tpu.memory_space<vmem>>, vector<256x256xf32>
    tpu.vector_store %arg4[%swap3A, %swap3A_10], %add3A_9 {strides = array<i32>} : memref<256x256xf32, #tpu.memory_space<vmem>>, vector<256x256xf32>,
    return
  }
  func.func @transform_0(%arg0: i32) -> (i32, i32) {
    %c0_i32 = arith.constant 0 : i32
    %c0_i32_0 = arith.constant 0 : i32
    return %arg0, %c0_i32 : i32, i32
  }
  func.func @transform_1(%arg0: i32) -> (i32, i32) {
    %c0_i32 = arith.constant 0 : i32
    %c0_i32_0 = arith.constant 0 : i32
    %c0_i32_1 = arith.constant 0 : i32
    return %c0_i32, %c0_i32_0 : i32, i32
  }
  func.func @transform_2(%arg0: i32) -> (i32, i32) {
    %c0_i32 = arith.constant 0 : i32
    %c0_i32_0 = arith.constant 0 : i32
    %c0_i32_1 = arith.constant 0 : i32
    return %c0_i32, %c0_i32_0 : i32, i32
  }
  func.func @transform_3(%arg0: i32) -> (i32, i32) {
    %c0_i32 = arith.constant 0 : i32
    %c0_i32_0 = arith.constant 0 : i32
    return %arg0, %c0_i32 : i32, i32
  }
}

module attributes {stable_mosaic.version = 14 : i64} {
  func.func @_gconv_a_body(%arg0: i32, %arg1: memref<256x256xf32, #tpu.memory_space<vmem>>, %arg2: memref<2x256x128xf32, #tpu.memory_space<vmem>>, %arg3: memref<256x256xf32, #tpu.memory_space<vmem>>, %arg4: memref<1x256xf32, #tpu.memory_space<vmem>>, %arg5: memref<256x256xf32, #tpu.memory_space<vmem>>, %arg6: memref<2x256x128xf32, #tpu.memory_space<vmem>>) attributes {dimension_semantics = [#tpu.dimension_semantics<arbitrary>], iteration_bounds = array<i64: 40>, scalar_prefetch = 0 : i64, scratch_operands = 0 : i64, tpu.core_type = #tpu.core_type<tc>, window_params = [{transform_indices = @transform_0, window_bounds = array<i64: 256, 256>}, {transform_indices = @transform_1, window_bounds = array<i64: 2, 256, 128>}, {pipeline_mode = #tpu.pipeline_mode<synchronous>, transform_indices = @transform_2, window_bounds = array<i64: 256, 256>}, {pipeline_mode = #tpu.pipeline_mode<synchronous>, transform_indices = @transform_3, window_bounds = array<i64: 1, 256>}, {transform_indices = @transform_4, window_bounds = array<i64: 256, 256>}, {transform_indices = @transform_5, window_bounds = array<i64: 2, 256, 128>}]} {
    %get3A = arith.constant 0 : index
    %get3A_0 = arith.constant 0 : index
    %get3A_1 = arith.constant 0 : index
    %get3A_2 = vector.load %arg2[%get3A, %get3A_0, %get3A_1] : memref<2x256x128xf32, #tpu.memory_space<vmem>>, vector<1x256x128xf32>
    %get3A_3 = vector.shape_cast %get3A_2 : vector<1x256x128xf32> to vector<256x128xf32>
    %get3A_4 = arith.constant 1 : index
    %get3A_5 = arith.constant 0 : index
    %get3A_6 = arith.constant 0 : index
    %get3A_7 = vector.load %arg2[%get3A_4, %get3A_5, %get3A_6] : memref<2x256x128xf32, #tpu.memory_space<vmem>>, vector<1x256x128xf32>
    %get3A_8 = vector.shape_cast %get3A_7 : vector<1x256x128xf32> to vector<256x128xf32>
    %concatenate3A = tpu.concatenate %get3A_3, %get3A_8 in 1 : vector<256x128xf32>, vector<256x128xf32> -> vector<256x256xf32>
    %get3A_9 = arith.constant 0 : index
    %get3A_10 = arith.constant 0 : index
    %get3A_11 = vector.load %arg1[%get3A_9, %get3A_10] : memref<256x256xf32, #tpu.memory_space<vmem>>, vector<256x256xf32>
    %add3A = arith.addf %get3A_11, %concatenate3A : vector<256x256xf32>
    %max3A = arith.constant 0.000000e+00 : f32
    %max3A_12 = vector.broadcast %max3A : f32 to vector<256x256xf32>
    %max3A_13 = arith.maximumf %add3A, %max3A_12 : vector<256x256xf32>
    %swap3A = arith.constant 0 : index
    %swap3A_14 = arith.constant 0 : index
    %swap3A_15 = vector.load %arg5[%swap3A, %swap3A_14] : memref<256x256xf32, #tpu.memory_space<vmem>>, vector<256x256xf32>
    tpu.vector_store %arg5[%swap3A, %swap3A_14], %max3A_13 {strides = array<i32>} : memref<256x256xf32, #tpu.memory_space<vmem>>, vector<256x256xf32>,
    %get3A_16 = arith.constant 0 : index
    %get3A_17 = arith.constant 0 : index
    %get3A_18 = vector.load %arg3[%get3A_16, %get3A_17] : memref<256x256xf32, #tpu.memory_space<vmem>>, vector<256x256xf32>
    %dot_general3A = arith.constant dense<0.000000e+00> : vector<256x256xf32>
    %dot_general3A_19 = tpu.matmul %max3A_13, %get3A_18, %dot_general3A {dimension_numbers = #tpu.dot_dimension_numbers<[1], [0], [0], [1], [0, 0, 1, 1], [], []>, transpose_lhs_hint = false} : vector<256x256xf32>, vector<256x256xf32>, vector<256x256xf32> -> vector<256x256xf32>
    %get3A_20 = arith.constant 0 : index
    %get3A_21 = arith.constant 0 : index
    %get3A_22 = vector.load %arg4[%get3A_20, %get3A_21] : memref<1x256xf32, #tpu.memory_space<vmem>>, vector<1x256xf32>
    %add3A_23 = vector.broadcast %get3A_22 : vector<1x256xf32> to vector<256x256xf32>
    %add3A_24 = arith.addf %dot_general3A_19, %add3A_23 : vector<256x256xf32>
    %slice3A = vector.extract_strided_slice %add3A_24 {offsets = [0, 0], sizes = [256, 128], strides = [1, 1]} : vector<256x256xf32> to vector<256x128xf32>
    %swap3A_25 = arith.constant 0 : index
    %swap3A_26 = arith.constant 0 : index
    %swap3A_27 = arith.constant 0 : index
    %swap3A_28 = vector.load %arg6[%swap3A_25, %swap3A_26, %swap3A_27] : memref<2x256x128xf32, #tpu.memory_space<vmem>>, vector<1x256x128xf32>
    %swap3A_29 = vector.shape_cast %swap3A_28 : vector<1x256x128xf32> to vector<256x128xf32>
    %swap3A_30 = vector.shape_cast %slice3A : vector<256x128xf32> to vector<1x256x128xf32>
    tpu.vector_store %arg6[%swap3A_25, %swap3A_26, %swap3A_27], %swap3A_30 {strides = array<i32>} : memref<2x256x128xf32, #tpu.memory_space<vmem>>, vector<1x256x128xf32>,
    %slice3A_31 = vector.extract_strided_slice %add3A_24 {offsets = [0, 128], sizes = [256, 128], strides = [1, 1]} : vector<256x256xf32> to vector<256x128xf32>
    %swap3A_32 = arith.constant 1 : index
    %swap3A_33 = arith.constant 0 : index
    %swap3A_34 = arith.constant 0 : index
    %swap3A_35 = vector.load %arg6[%swap3A_32, %swap3A_33, %swap3A_34] : memref<2x256x128xf32, #tpu.memory_space<vmem>>, vector<1x256x128xf32>
    %swap3A_36 = vector.shape_cast %swap3A_35 : vector<1x256x128xf32> to vector<256x128xf32>
    %swap3A_37 = vector.shape_cast %slice3A_31 : vector<256x128xf32> to vector<1x256x128xf32>
    tpu.vector_store %arg6[%swap3A_32, %swap3A_33, %swap3A_34], %swap3A_37 {strides = array<i32>} : memref<2x256x128xf32, #tpu.memory_space<vmem>>, vector<1x256x128xf32>,
    return
  }
  func.func @transform_0(%arg0: i32) -> (i32, i32) {
    %c0_i32 = arith.constant 0 : i32
    %c0_i32_0 = arith.constant 0 : i32
    return %arg0, %c0_i32 : i32, i32
  }
  func.func @transform_1(%arg0: i32) -> (i32, i32, i32) {
    %c0_i32 = arith.constant 0 : i32
    %c0_i32_0 = arith.constant 0 : i32
    %c0_i32_1 = arith.constant 0 : i32
    return %c0_i32, %arg0, %c0_i32_0 : i32, i32, i32
  }
  func.func @transform_2(%arg0: i32) -> (i32, i32) {
    %c0_i32 = arith.constant 0 : i32
    %c0_i32_0 = arith.constant 0 : i32
    %c0_i32_1 = arith.constant 0 : i32
    return %c0_i32, %c0_i32_0 : i32, i32
  }
  func.func @transform_3(%arg0: i32) -> (i32, i32) {
    %c0_i32 = arith.constant 0 : i32
    %c0_i32_0 = arith.constant 0 : i32
    %c0_i32_1 = arith.constant 0 : i32
    return %c0_i32, %c0_i32_0 : i32, i32
  }
  func.func @transform_4(%arg0: i32) -> (i32, i32) {
    %c0_i32 = arith.constant 0 : i32
    %c0_i32_0 = arith.constant 0 : i32
    return %arg0, %c0_i32 : i32, i32
  }
  func.func @transform_5(%arg0: i32) -> (i32, i32, i32) {
    %c0_i32 = arith.constant 0 : i32
    %c0_i32_0 = arith.constant 0 : i32
    %c0_i32_1 = arith.constant 0 : i32
    return %c0_i32, %arg0, %c0_i32_0 : i32, i32, i32
  }
}

module attributes {stable_mosaic.version = 14 : i64} {
  func.func @_matmul_body(%arg0: i32, %arg1: memref<256x256xf32, #tpu.memory_space<vmem>>, %arg2: memref<256x256xf32, #tpu.memory_space<vmem>>, %arg3: memref<1x256xf32, #tpu.memory_space<vmem>>, %arg4: memref<256x256xf32, #tpu.memory_space<vmem>>) attributes {dimension_semantics = [#tpu.dimension_semantics<arbitrary>], iteration_bounds = array<i64: 40>, scalar_prefetch = 0 : i64, scratch_operands = 0 : i64, tpu.core_type = #tpu.core_type<tc>, window_params = [{transform_indices = @transform_0, window_bounds = array<i64: 256, 256>}, {pipeline_mode = #tpu.pipeline_mode<synchronous>, transform_indices = @transform_1, window_bounds = array<i64: 256, 256>}, {pipeline_mode = #tpu.pipeline_mode<synchronous>, transform_indices = @transform_2, window_bounds = array<i64: 1, 256>}, {transform_indices = @transform_3, window_bounds = array<i64: 256, 256>}]} {
    %get3A = arith.constant 0 : index
    %get3A_0 = arith.constant 0 : index
    %get3A_1 = vector.load %arg1[%get3A, %get3A_0] : memref<256x256xf32, #tpu.memory_space<vmem>>, vector<256x256xf32>
    %get3A_2 = arith.constant 0 : index
    %get3A_3 = arith.constant 0 : index
    %get3A_4 = vector.load %arg2[%get3A_2, %get3A_3] : memref<256x256xf32, #tpu.memory_space<vmem>>, vector<256x256xf32>
    %dot_general3A = arith.constant dense<0.000000e+00> : vector<256x256xf32>
    %dot_general3A_5 = tpu.matmul %get3A_1, %get3A_4, %dot_general3A {dimension_numbers = #tpu.dot_dimension_numbers<[1], [0], [0], [1], [0, 0, 1, 1], [], []>, transpose_lhs_hint = false} : vector<256x256xf32>, vector<256x256xf32>, vector<256x256xf32> -> vector<256x256xf32>
    %get3A_6 = arith.constant 0 : index
    %get3A_7 = arith.constant 0 : index
    %get3A_8 = vector.load %arg3[%get3A_6, %get3A_7] : memref<1x256xf32, #tpu.memory_space<vmem>>, vector<1x256xf32>
    %add3A = vector.broadcast %get3A_8 : vector<1x256xf32> to vector<256x256xf32>
    %add3A_9 = arith.addf %dot_general3A_5, %add3A : vector<256x256xf32>
    %swap3A = arith.constant 0 : index
    %swap3A_10 = arith.constant 0 : index
    %swap3A_11 = vector.load %arg4[%swap3A, %swap3A_10] : memref<256x256xf32, #tpu.memory_space<vmem>>, vector<256x256xf32>
    tpu.vector_store %arg4[%swap3A, %swap3A_10], %add3A_9 {strides = array<i32>} : memref<256x256xf32, #tpu.memory_space<vmem>>, vector<256x256xf32>,
    return
  }
  func.func @transform_0(%arg0: i32) -> (i32, i32) {
    %c0_i32 = arith.constant 0 : i32
    %c0_i32_0 = arith.constant 0 : i32
    return %arg0, %c0_i32 : i32, i32
  }
  func.func @transform_1(%arg0: i32) -> (i32, i32) {
    %c0_i32 = arith.constant 0 : i32
    %c0_i32_0 = arith.constant 0 : i32
    %c0_i32_1 = arith.constant 0 : i32
    return %c0_i32, %c0_i32_0 : i32, i32
  }
  func.func @transform_2(%arg0: i32) -> (i32, i32) {
    %c0_i32 = arith.constant 0 : i32
    %c0_i32_0 = arith.constant 0 : i32
    %c0_i32_1 = arith.constant 0 : i32
    return %c0_i32, %c0_i32_0 : i32, i32
  }
  func.func @transform_3(%arg0: i32) -> (i32, i32) {
    %c0_i32 = arith.constant 0 : i32
    %c0_i32_0 = arith.constant 0 : i32
    return %arg0, %c0_i32 : i32, i32
  }
}

module attributes {stable_mosaic.version = 14 : i64} {
  func.func @_mlp3_body(%arg0: i32, %arg1: memref<256x256xf32, #tpu.memory_space<vmem>>, %arg2: memref<2x256x128xf32, #tpu.memory_space<vmem>>, %arg3: memref<256x128xf32, #tpu.memory_space<vmem>>, %arg4: memref<1x128xf32, #tpu.memory_space<vmem>>, %arg5: memref<128x128xf32, #tpu.memory_space<vmem>>, %arg6: memref<1x128xf32, #tpu.memory_space<vmem>>, %arg7: memref<128x128xf32, #tpu.memory_space<vmem>>, %arg8: memref<1x128xf32, #tpu.memory_space<vmem>>, %arg9: memref<128x128xf32, #tpu.memory_space<vmem>>, %arg10: memref<1x128xf32, #tpu.memory_space<vmem>>, %arg11: memref<256x128xf32, #tpu.memory_space<vmem>>) attributes {dimension_semantics = [#tpu.dimension_semantics<arbitrary>], iteration_bounds = array<i64: 40>, scalar_prefetch = 0 : i64, scratch_operands = 0 : i64, tpu.core_type = #tpu.core_type<tc>, window_params = [{transform_indices = @transform_0, window_bounds = array<i64: 256, 256>}, {transform_indices = @transform_1, window_bounds = array<i64: 2, 256, 128>}, {pipeline_mode = #tpu.pipeline_mode<synchronous>, transform_indices = @transform_2, window_bounds = array<i64: 256, 128>}, {pipeline_mode = #tpu.pipeline_mode<synchronous>, transform_indices = @transform_3, window_bounds = array<i64: 1, 128>}, {pipeline_mode = #tpu.pipeline_mode<synchronous>, transform_indices = @transform_4, window_bounds = array<i64: 128, 128>}, {pipeline_mode = #tpu.pipeline_mode<synchronous>, transform_indices = @transform_5, window_bounds = array<i64: 1, 128>}, {pipeline_mode = #tpu.pipeline_mode<synchronous>, transform_indices = @transform_6, window_bounds = array<i64: 128, 128>}, {pipeline_mode = #tpu.pipeline_mode<synchronous>, transform_indices = @transform_7, window_bounds = array<i64: 1, 128>}, {pipeline_mode = #tpu.pipeline_mode<synchronous>, transform_indices = @transform_8, window_bounds = array<i64: 128, 128>}, {pipeline_mode = #tpu.pipeline_mode<synchronous>, transform_indices = @transform_9, window_bounds = array<i64: 1, 128>}, {transform_indices = @transform_10, window_bounds = array<i64: 256, 128>}]} {
    %get3A = arith.constant 0 : index
    %get3A_0 = arith.constant 0 : index
    %get3A_1 = arith.constant 0 : index
    %get3A_2 = vector.load %arg2[%get3A, %get3A_0, %get3A_1] : memref<2x256x128xf32, #tpu.memory_space<vmem>>, vector<1x256x128xf32>
    %get3A_3 = vector.shape_cast %get3A_2 : vector<1x256x128xf32> to vector<256x128xf32>
    %get3A_4 = arith.constant 1 : index
    %get3A_5 = arith.constant 0 : index
    %get3A_6 = arith.constant 0 : index
    %get3A_7 = vector.load %arg2[%get3A_4, %get3A_5, %get3A_6] : memref<2x256x128xf32, #tpu.memory_space<vmem>>, vector<1x256x128xf32>
    %get3A_8 = vector.shape_cast %get3A_7 : vector<1x256x128xf32> to vector<256x128xf32>
    %concatenate3A = tpu.concatenate %get3A_3, %get3A_8 in 1 : vector<256x128xf32>, vector<256x128xf32> -> vector<256x256xf32>
    %get3A_9 = arith.constant 0 : index
    %get3A_10 = arith.constant 0 : index
    %get3A_11 = vector.load %arg1[%get3A_9, %get3A_10] : memref<256x256xf32, #tpu.memory_space<vmem>>, vector<256x256xf32>
    %add3A = arith.addf %get3A_11, %concatenate3A : vector<256x256xf32>
    %max3A = arith.constant 0.000000e+00 : f32
    %max3A_12 = vector.broadcast %max3A : f32 to vector<256x256xf32>
    %max3A_13 = arith.maximumf %add3A, %max3A_12 : vector<256x256xf32>
    %get3A_14 = arith.constant 0 : index
    %get3A_15 = arith.constant 0 : index
    %get3A_16 = vector.load %arg3[%get3A_14, %get3A_15] : memref<256x128xf32, #tpu.memory_space<vmem>>, vector<256x128xf32>
    %dot_general3A = arith.constant dense<0.000000e+00> : vector<256x128xf32>
    %dot_general3A_17 = tpu.matmul %max3A_13, %get3A_16, %dot_general3A {dimension_numbers = #tpu.dot_dimension_numbers<[1], [0], [0], [1], [0, 0, 1, 1], [], []>, transpose_lhs_hint = false} : vector<256x256xf32>, vector<256x128xf32>, vector<256x128xf32> -> vector<256x128xf32>
    %get3A_18 = arith.constant 0 : index
    %get3A_19 = arith.constant 0 : index
    %get3A_20 = vector.load %arg4[%get3A_18, %get3A_19] : memref<1x128xf32, #tpu.memory_space<vmem>>, vector<1x128xf32>
    %add3A_21 = vector.broadcast %get3A_20 : vector<1x128xf32> to vector<256x128xf32>
    %add3A_22 = arith.addf %dot_general3A_17, %add3A_21 : vector<256x128xf32>
    %ge3A = arith.constant 0.000000e+00 : f32
    %ge3A_23 = vector.broadcast %ge3A : f32 to vector<256x128xf32>
    %ge3A_24 = arith.cmpf oge, %add3A_22, %ge3A_23 : vector<256x128xf32>
    %mul3A = arith.constant 0.00999999977 : f32
    %mul3A_25 = vector.broadcast %mul3A : f32 to vector<256x128xf32>
    %mul3A_26 = arith.mulf %mul3A_25, %add3A_22 : vector<256x128xf32>
    %select_n3A = arith.select %ge3A_24, %add3A_22, %mul3A_26 : vector<256x128xi1>, vector<256x128xf32>
    %get3A_27 = arith.constant 0 : index
    %get3A_28 = arith.constant 0 : index
    %get3A_29 = vector.load %arg5[%get3A_27, %get3A_28] : memref<128x128xf32, #tpu.memory_space<vmem>>, vector<128x128xf32>
    %dot_general3A_30 = arith.constant dense<0.000000e+00> : vector<256x128xf32>
    %dot_general3A_31 = tpu.matmul %select_n3A, %get3A_29, %dot_general3A_30 {dimension_numbers = #tpu.dot_dimension_numbers<[1], [0], [0], [1], [0, 0, 1, 1], [], []>, transpose_lhs_hint = false} : vector<256x128xf32>, vector<128x128xf32>, vector<256x128xf32> -> vector<256x128xf32>
    %get3A_32 = arith.constant 0 : index
    %get3A_33 = arith.constant 0 : index
    %get3A_34 = vector.load %arg6[%get3A_32, %get3A_33] : memref<1x128xf32, #tpu.memory_space<vmem>>, vector<1x128xf32>
    %add3A_35 = vector.broadcast %get3A_34 : vector<1x128xf32> to vector<256x128xf32>
    %add3A_36 = arith.addf %dot_general3A_31, %add3A_35 : vector<256x128xf32>
    %ge3A_37 = arith.constant 0.000000e+00 : f32
    %ge3A_38 = vector.broadcast %ge3A_37 : f32 to vector<256x128xf32>
    %ge3A_39 = arith.cmpf oge, %add3A_36, %ge3A_38 : vector<256x128xf32>
    %mul3A_40 = arith.constant 0.00999999977 : f32
    %mul3A_41 = vector.broadcast %mul3A_40 : f32 to vector<256x128xf32>
    %mul3A_42 = arith.mulf %mul3A_41, %add3A_36 : vector<256x128xf32>
    %select_n3A_43 = arith.select %ge3A_39, %add3A_36, %mul3A_42 : vector<256x128xi1>, vector<256x128xf32>
    %get3A_44 = arith.constant 0 : index
    %get3A_45 = arith.constant 0 : index
    %get3A_46 = vector.load %arg7[%get3A_44, %get3A_45] : memref<128x128xf32, #tpu.memory_space<vmem>>, vector<128x128xf32>
    %dot_general3A_47 = arith.constant dense<0.000000e+00> : vector<256x128xf32>
    %dot_general3A_48 = tpu.matmul %select_n3A_43, %get3A_46, %dot_general3A_47 {dimension_numbers = #tpu.dot_dimension_numbers<[1], [0], [0], [1], [0, 0, 1, 1], [], []>, transpose_lhs_hint = false} : vector<256x128xf32>, vector<128x128xf32>, vector<256x128xf32> -> vector<256x128xf32>
    %get3A_49 = arith.constant 0 : index
    %get3A_50 = arith.constant 0 : index
    %get3A_51 = vector.load %arg8[%get3A_49, %get3A_50] : memref<1x128xf32, #tpu.memory_space<vmem>>, vector<1x128xf32>
    %add3A_52 = vector.broadcast %get3A_51 : vector<1x128xf32> to vector<256x128xf32>
    %add3A_53 = arith.addf %dot_general3A_48, %add3A_52 : vector<256x128xf32>
    %ge3A_54 = arith.constant 0.000000e+00 : f32
    %ge3A_55 = vector.broadcast %ge3A_54 : f32 to vector<256x128xf32>
    %ge3A_56 = arith.cmpf oge, %add3A_53, %ge3A_55 : vector<256x128xf32>
    %mul3A_57 = arith.constant 0.00999999977 : f32
    %mul3A_58 = vector.broadcast %mul3A_57 : f32 to vector<256x128xf32>
    %mul3A_59 = arith.mulf %mul3A_58, %add3A_53 : vector<256x128xf32>
    %select_n3A_60 = arith.select %ge3A_56, %add3A_53, %mul3A_59 : vector<256x128xi1>, vector<256x128xf32>
    %get3A_61 = arith.constant 0 : index
    %get3A_62 = arith.constant 0 : index
    %get3A_63 = vector.load %arg9[%get3A_61, %get3A_62] : memref<128x128xf32, #tpu.memory_space<vmem>>, vector<128x128xf32>
    %dot_general3A_64 = arith.constant dense<0.000000e+00> : vector<256x128xf32>
    %dot_general3A_65 = tpu.matmul %select_n3A_60, %get3A_63, %dot_general3A_64 {dimension_numbers = #tpu.dot_dimension_numbers<[1], [0], [0], [1], [0, 0, 1, 1], [], []>, transpose_lhs_hint = false} : vector<256x128xf32>, vector<128x128xf32>, vector<256x128xf32> -> vector<256x128xf32>
    %get3A_66 = arith.constant 0 : index
    %get3A_67 = arith.constant 0 : index
    %get3A_68 = vector.load %arg10[%get3A_66, %get3A_67] : memref<1x128xf32, #tpu.memory_space<vmem>>, vector<1x128xf32>
    %add3A_69 = vector.broadcast %get3A_68 : vector<1x128xf32> to vector<256x128xf32>
    %add3A_70 = arith.addf %dot_general3A_65, %add3A_69 : vector<256x128xf32>
    %swap3A = arith.constant 0 : index
    %swap3A_71 = arith.constant 0 : index
    %swap3A_72 = vector.load %arg11[%swap3A, %swap3A_71] : memref<256x128xf32, #tpu.memory_space<vmem>>, vector<256x128xf32>
    tpu.vector_store %arg11[%swap3A, %swap3A_71], %add3A_70 {strides = array<i32>} : memref<256x128xf32, #tpu.memory_space<vmem>>, vector<256x128xf32>,
    return
  }
  func.func @transform_0(%arg0: i32) -> (i32, i32) {
    %c0_i32 = arith.constant 0 : i32
    %c0_i32_0 = arith.constant 0 : i32
    return %arg0, %c0_i32 : i32, i32
  }
  func.func @transform_1(%arg0: i32) -> (i32, i32, i32) {
    %c0_i32 = arith.constant 0 : i32
    %c0_i32_0 = arith.constant 0 : i32
    %c0_i32_1 = arith.constant 0 : i32
    return %c0_i32, %arg0, %c0_i32_0 : i32, i32, i32
  }
  func.func @transform_2(%arg0: i32) -> (i32, i32) {
    %c0_i32 = arith.constant 0 : i32
    %c0_i32_0 = arith.constant 0 : i32
    %c0_i32_1 = arith.constant 0 : i32
    return %c0_i32, %c0_i32_0 : i32, i32
  }
  func.func @transform_3(%arg0: i32) -> (i32, i32) {
    %c0_i32 = arith.constant 0 : i32
    %c0_i32_0 = arith.constant 0 : i32
    %c0_i32_1 = arith.constant 0 : i32
    return %c0_i32, %c0_i32_0 : i32, i32
  }
  func.func @transform_4(%arg0: i32) -> (i32, i32) {
    %c0_i32 = arith.constant 0 : i32
    %c0_i32_0 = arith.constant 0 : i32
    %c0_i32_1 = arith.constant 0 : i32
    return %c0_i32, %c0_i32_0 : i32, i32
  }
  func.func @transform_5(%arg0: i32) -> (i32, i32) {
    %c0_i32 = arith.constant 0 : i32
    %c0_i32_0 = arith.constant 0 : i32
    %c0_i32_1 = arith.constant 0 : i32
    return %c0_i32, %c0_i32_0 : i32, i32
  }
  func.func @transform_6(%arg0: i32) -> (i32, i32) {
    %c0_i32 = arith.constant 0 : i32
    %c0_i32_0 = arith.constant 0 : i32
    %c0_i32_1 = arith.constant 0 : i32
    return %c0_i32, %c0_i32_0 : i32, i32
  }
  func.func @transform_7(%arg0: i32) -> (i32, i32) {
    %c0_i32 = arith.constant 0 : i32
    %c0_i32_0 = arith.constant 0 : i32
    %c0_i32_1 = arith.constant 0 : i32
    return %c0_i32, %c0_i32_0 : i32, i32
  }
  func.func @transform_8(%arg0: i32) -> (i32, i32) {
    %c0_i32 = arith.constant 0 : i32
    %c0_i32_0 = arith.constant 0 : i32
    %c0_i32_1 = arith.constant 0 : i32
    return %c0_i32, %c0_i32_0 : i32, i32
  }
  func.func @transform_9(%arg0: i32) -> (i32, i32) {
    %c0_i32 = arith.constant 0 : i32
    %c0_i32_0 = arith.constant 0 : i32
    %c0_i32_1 = arith.constant 0 : i32
    return %c0_i32, %c0_i32_0 : i32, i32
  }
  func.func @transform_10(%arg0: i32) -> (i32, i32) {
    %c0_i32 = arith.constant 0 : i32
    %c0_i32_0 = arith.constant 0 : i32
    return %arg0, %c0_i32 : i32, i32
  }
}

</mosaic_0001>

<sc_bundles>
// kernel: kernel.34.cloned.1.call-start
scs
__scs_entry_jumppad:
0x0: {  	(pc) =	sbr.rel $0x88, $3  }
0x1: {  	(tag) =	ssettag $0x0;
	lr =	simm.s32 $0x1  }
0x2: {  	[smem:$0x3F67] =	sst lr;
	_ =	strace $0xD0000000  }
0x3: {  	_ = 	snop  }
0x4: {  	_ = 	snop  }
0x5: {  	_ = 	snop  }
0x6: {  	_ = 	snop  }
0x7: {  	_ = 	snop  }
__scs_overlays_trampoline_lowered:
0x8: {  	[smem:$0x3F76] =	sst s0  }
0x9: {  	[smem:$0x3F77] =	sst s1  }
0xa: {  	[smem:$0x3F78] =	sst s2  }
0xb: {  	[smem:$0x3F79] =	sst s3  }
0xc: {  	[smem:$0x3F7A] =	sst s4  }
0xd: {  	[smem:$0x3F7B] =	sst s5  }
0xe: {  	[smem:$0x3F7C] =	sst s6  }
0xf: {  	[smem:$0x3F7D] =	sst s7  }
0x10: {  	[smem:$0x3F7E] =	sst s8  }
0x11: {  	[smem:$0x3F7F] =	sst s9;
	s0 =	simm.s32 @!p0 $0x0  }
0x12: {  	s1 =	sld [smem:$0x3F65];
	s0 =	simm.s32 @p0 $0x1  }
0x13: {  	[smem:$0x3F80] =	sst s0;
	s0 =	simm.s32 @!p1 $0x0  }
0x14: {  	s2 =	sld [smem:$0x3F64];
	s0 =	simm.s32 @p1 $0x1  }
0x15: {  	[smem:$0x3F81] =	sst s0;
	s0 =	simm.s32 @!p2 $0x0  }
0x16: {  	s3 =	sld [smem:$0x3FDB];
	s0 =	simm.s32 @p2 $0x1  }
0x17: {  	s4 =	simm.s32 $0x1BF5;
	[smem:$0x3F83] =	sst s0  }
0x18: {  	s0 =	sld [smem:$0x3F66];
	_ =	swait.ge [sflag:s4], $0x0  }
0x19: {  	s7 =	sld [smem:$0x3F67]  }
0x1a: {  	s8 =	sadd.s32 $0xFFFFE003, lr  }
0x1b: {  	s9 =	sadd.s32 $0xFFFFFEF7, lr;
	s5 =	simm.s32 $0xFFFFFFFF;
	p2 =	slt.u32 s8, $0xFFFFF086  }
0x1c: {  	p1 =	slt.u32 s9, $0xF7A;
	s5 =	simm.s32 @!p2 $0x0  }
0x1d: {  	s5 =	simm.s32 @p1 $0x1;
	p0 =	seq.s32 s7, s2  }
0x1e: {  	s7 =	smul.u32 @!p0 $0xF7A, s2;
	p2 =	seq.s32 @!p0 s5, $0x0  }
0x1f: {  	s9 =	smul.u32 $0xF7A, s1;
	s8 =	simm.s32 @!p0 $0x1BF5;
	p2 =	por !p2, p0  }
0x20: {  	[sflag:s8] =	ssyncset.s32 @!p0 $0xFFFFF086;
	s6 =	sadd.s32 @!p0 s3, s7;
	s7 =	simm.s32 @!p0 $0x108  }
0x21: {  	s3 =	sadd.s32 s3, s9;
	s6 =	sadd.s32 @!p0 $0x88, s6;
	s7 =	simm.s32 @p2 $0x1082  }
0x22: {  	[simem:s7], [sflag:s8] =	dma.local @!p0 [hbm:s6], $0xF7A  }
0x23: {  	s9 =	sor.u32 $0xD0000000, s2;
	s6 =	simm.s32 $0x108;
	_ =	swait.ge @!p0 [sflag:s8], $0x0  }
0x24: {  	s3 =	sadd.s32 $0x88, s3;
	s6 =	simm.s32 @!p1 $0x1082;
	[sflag:s4] =	ssyncset.s32 $0xFFFFF086  }
0x25: {  	[simem:s6], [sflag:s4] =	dma.local [hbm:s3], $0xF7A  }
0x26: {  	[smem:$0x3F67] =	sst s1;
	(tag) =	ssettag s2;
	_ =	strace s9  }
0x27: {  	s1 =	sld [smem:$0x3F77]  }
0x28: {  	s2 =	sld [smem:$0x3F78]  }
0x29: {  	s4 =	sld [smem:$0x3F7A]  }
0x2a: {  	p0 =	seq.s32 s5, $0x0;
	s5 =	sld [smem:$0x3F7B]  }
0x2b: {  	s6 =	sld [smem:$0x3F7C]  }
0x2c: {  	s7 =	sld [smem:$0x3F7D]  }
0x2d: {  	s3 =	simm.s32 $0x108;
	s8 =	sld [smem:$0x3F7E]  }
0x2e: {  	s3 =	simm.s32 @!p0 $0x1082;
	s9 =	sld [smem:$0x3F7F]  }
0x2f: {  	lr =	sadd.s32 s0, s3;
	s0 =	sld [smem:$0x3F76]  }
0x30: {  	s3 =	sld [smem:$0x3F79]  }
0x31: {  	[smem:$0x3F82] =	sst s10  }
0x32: {  	s10 =	sld [smem:$0x3F80];
	_ =	sdelay $0x3  }
0x33: {  	p0 =	seq.s32 s10, $0x1;
	s10 =	sld [smem:$0x3F82];
	_ =	sdelay $0x3  }
0x34: {  	[smem:$0x3F82] =	sst s10  }
0x35: {  	s10 =	sld [smem:$0x3F81];
	_ =	sdelay $0x3  }
0x36: {  	p1 =	seq.s32 s10, $0x1;
	s10 =	sld [smem:$0x3F82];
	_ =	sdelay $0x3  }
0x37: {  	[smem:$0x3F82] =	sst s10  }
0x38: {  	s10 =	sld [smem:$0x3F83]  }
0x39: {  	_ = 	snop;
	(pc) =	sbr.ind lr, $3  }
0x3a: {  	_ = 	snop  }
0x3b: {  	_ = 	snop  }
0x3c: {  	p2 =	seq.s32 s10, $0x1;
	s10 =	sld [smem:$0x3F82]  }
0x3d: {  	_ =	shalt  }
0x3e: {  	_ =	shalt  }
0x3f: {  	_ =	shalt  }
0x40: {  	_ =	shalt  }
0x41: {  	_ =	shalt  }
0x42: {  	_ =	shalt  }
0x43: {  	_ =	shalt  }
0x44: {  	_ =	shalt  }
0x45: {  	_ =	shalt  }
0x46: {  	_ =	shalt  }
0x47: {  	_ =	shalt  }
0x48: {  	_ =	shalt  }
0x49: {  	_ =	shalt  }
0x4a: {  	_ =	shalt  }
0x4b: {  	_ =	shalt  }
0x4c: {  	_ =	shalt  }
0x4d: {  	_ =	shalt  }
0x4e: {  	_ =	shalt  }
0x4f: {  	_ =	shalt  }
0x50: {  	_ =	shalt  }
0x51: {  	_ =	shalt  }
0x52: {  	_ =	shalt  }
0x53: {  	_ =	shalt  }
0x54: {  	_ =	shalt  }
0x55: {  	_ =	shalt  }
0x56: {  	_ =	shalt  }
0x57: {  	_ =	shalt  }
0x58: {  	_ =	shalt  }
0x59: {  	_ =	shalt  }
0x5a: {  	_ =	shalt  }
0x5b: {  	_ =	shalt  }
0x5c: {  	_ =	shalt  }
0x5d: {  	_ =	shalt  }
0x5e: {  	_ =	shalt  }
0x5f: {  	_ =	shalt  }
0x60: {  	_ =	shalt  }
0x61: {  	_ =	shalt  }
0x62: {  	_ =	shalt  }
0x63: {  	_ =	shalt  }
0x64: {  	_ =	shalt  }
0x65: {  	_ =	shalt  }
0x66: {  	_ =	shalt  }
0x67: {  	_ =	shalt  }
0x68: {  	_ =	shalt  }
0x69: {  	_ =	shalt  }
0x6a: {  	_ =	shalt  }
0x6b: {  	_ =	shalt  }
0x6c: {  	_ =	shalt  }
0x6d: {  	_ =	shalt  }
0x6e: {  	_ =	shalt  }
0x6f: {  	_ =	shalt  }
0x70: {  	_ =	shalt  }
0x71: {  	_ =	shalt  }
0x72: {  	_ =	shalt  }
0x73: {  	_ =	shalt  }
0x74: {  	_ =	shalt  }
0x75: {  	_ =	shalt  }
0x76: {  	_ =	shalt  }
0x77: {  	_ =	shalt  }
0x78: {  	_ =	shalt  }
0x79: {  	_ =	shalt  }
0x7a: {  	_ =	shalt  }
0x7b: {  	_ =	shalt  }
0x7c: {  	_ =	shalt  }
0x7d: {  	_ =	shalt  }
0x7e: {  	_ =	shalt  }
0x7f: {  	_ =	shalt  }
0x80: {  	_ =	shalt  }
0x81: {  	_ =	shalt  }
0x82: {  	_ =	shalt  }
0x83: {  	_ =	shalt  }
0x84: {  	_ =	shalt  }
0x85: {  	_ =	shalt  }
0x86: {  	_ =	shalt  }
0x87: {  	_ =	shalt  }
.Lfunc_end0:
.L_simem_size_0:
called_computation_lowered:
.L_overlay_start_0:
0x88: {  	s2 =	sld [smem:$0x3FD9]  }
0x89: {  	s3 =	sld [smem:$0x3FFE];
	_ =	sdelay $0x1  }
0x8a: {  	s1 =	srdreg.scid  }
0x8b: {  	s0 =	sand.u32 $0x1, s1  }
0x8c: {  	s16 =	sshll.u32 s0, $0xA;
	s2 =	sadd.s32 s3, s2  }
0x8d: {  	s2 =	sadd.s32 s2, s16  }
0x8e: {  	[smem:$0x3F8E] =	sst s2  }
0x8f: {  	_ = 	snop  }
0x90: {  	(tm) =	ssettm $0x1  }
0x91: {  	s17 =	sld [smem:$0x3FFB];
	_ =	sdelay $0x3  }
0x92: {  	_ =	strace s17  }
0x93: {  	s2 =	sld [smem:$0x3FFC];
	_ =	sdelay $0x3  }
0x94: {  	_ =	strace s2  }
0x95: {  	s2 =	sld [smem:$0x3FFD];
	_ =	sdelay $0x3  }
0x96: {  	_ =	strace s2  }
0x97: {  	_ =	strace $0x8FFFFFFF  }
0x98: {  	s18 =	sld [smem:$0x3FDB];
	_ =	sdelay $0x1  }
0x99: {  	s19 =	simm.s32 $_scs_section_size  }
0x9a: {  	s4 =	simm.s32 $_size__tile_overlayer_lowered;
	s5 =	simm.s32 $_tile_overlayer_lowered  }
0x9b: {  	s22 =	simm.s32 $0x1BFF;
	s21 =	sshll.u32 s5, $0x1;
	s2 =	sadd.s32 s19, s18  }
0x9c: {  	s6 =	simm.s32 $0x0;
	s20 =	sshll.u32 s4, $0x1;
	s4 =	sadd.s32 s21, s2  }
0x9d: {  	[timem:s6], [sflag:s22] =	dma.local [hbm:s4], s20  }
0x9e: {  	_ =	swait.ge [sflag:s22], s20  }
0x9f: {  	s3 =	ssub.s32 $0x0, s20;
	[sflag:s22] =	ssyncset.done $0x0  }
0xa0: {  	[sflag:s22] =	ssyncadd.s32 s3;
	_ =	sdelay $0x1  }
0xa1: {  	s23 =	simm.s32 $0x1B8B  }
0xa2: {  	_ =	swait.ge [sflag:s23], $0x1  }
0xa3: {  	[sflag:s23] =	ssyncset.done $0x0  }
0xa4: {  	s25 =	simm.s32 $0x1B8E;
	s24 =	sld [smem:$0x3FFE];
	[sflag:s23] =	ssyncadd.s32 $0xFFFFFFFF  }
0xa5: {  	s26 =	simm.s32 $execute0_lowered;
	[smem:$0x3FD2] =	sst s25  }
0xa6: {  	s4 =	sshll.u32 s26, $0x1;
	_ =	strace $0x80000046;
	[dreg:$0x1] =	wrdreg $0xFFFFFFFF  }
0xa7: {  	s28 =	simm.s32 $_size_execute0_lowered;
	s2 =	sadd.s32 s2, s4;
	[dreg:$0x0] =	wrdreg $0x0  }
0xa8: {  	s4 =	sshll.u32 s28, $0x1;
	[dreg:$0x2] =	wrdreg s2  }
0xa9: {  	[dreg:$0x3] =	wrdreg s4  }
0xaa: {  	[dreg:$0x4] =	wrdreg $0xC0  }
0xab: {  	_ =	task [dreg:s6], $0x5FFFF  }
0xac: {  	[dreg:$0x1] =	wrdreg $0xFFFFFFFF  }
0xad: {  	[dreg:$0x0] =	wrdreg $0x60  }
0xae: {  	[dreg:$0x2] =	wrdreg s24  }
0xaf: {  	[dreg:$0x3] =	wrdreg $0xA0000  }
0xb0: {  	[dreg:$0x4] =	wrdreg $0x9  }
0xb1: {  	_ =	task.clear_ibuf [dreg:s6], $0x5FFFF;
	_ =	strace $0x90000046  }
0xb2: {  	s29 =	simm.s32 $0x9;
	_ =	strace $0x80000048  }
0xb3: {  	_ =	swait.ge [sflag:s29], $0x1  }
0xb4: {  	[sflag:s29] =	ssyncadd.s32 $0xFFFFFFFF  }
0xb5: {  	_ =	strace $0x90000048  }
0xb6: {  	_ =	sfence  }
0xb7: {  	s30 =	sld [smem:$0x0];
	_ =	sdelay $0x2  }
0xb8: {  	s31 =	sshll.u32 s1, $0xD;
	s1 =	sshrl.u32 s1, $0x2  }
0xb9: {  	s3 =	sand.u32 $0x4000, s31;
	s1 =	sadd.s32 s1, s30  }
0xba: {  	s0 =	sor.u32 s3, s0;
	s1 =	sshll.u32 s1, $0x11  }
0xbb: {  	s0 =	sor.u32 s1, s0  }
0xbc: {  	s0 =	sadd.s32 $0x8F2B, s0  }
0xbd: {  	[sflag:s0] =	ssyncadd.remote.s32 $0x1  }
0xbe: {  	_ =	sfence.sel $0xFFFF  }
0xbf: {  	[dreg:$0x0] =	wrdreg $0xFFFFFFFF;
	(pc) =	sbr.abs _section_cstart, $3  }
0xc0: {  	[dreg:$0x1] =	wrdreg $0xFFFFFFFF  }
0xc1: {  	_ =	task.clear_ibuf [dreg:s6], $0x2FFFF;
	_ =	strace $0x9FFFFFFF  }
0xc2: {  	(tm) =	ssettm $0x7FFFFFFF  }
0xc3: {  	_ =	shalt  }
tec
execute0_lowered:
.L_overlay_start_1:
0x0: {  	(tag) =	ssettag $0x1  }
0x1: {  	s8 =	rddreg [dreg:$0x0]  }
0x2: {  	s1 =	rddreg [dreg:$0x1];
	s2 =	srdreg.scid  }
0x3: {  	s0 =	rddreg [dreg:$0x2];
	s3 =	simm.s32 $0x0;
	s16 =	simm.s32 $0x80  }
0x4: {  	s17 =	simm.s32 $0x6000;
	s18 =	simm.s32 $0x1;
	s19 =	simm.s32 $0x2  }
0x5: {  	s20 =	simm.s32 $0x0;
	s9 =	sand.u32 $0x1, s2;
	s2 =	stileid.u32  }
0x6: {  	[smem:$0x7FF] =	sst s3;
	s4 =	sadd.s32 $0xA2E00, s8;
	s7 =	smul.u32 $0x140000, s9  }
0x7: {  	s5 =	sadd.s32 $0x16E00, s8;
	s6 =	sadd.s32 $0xCE00, s8;
	s10 =	smul.u32 $0x14000, s2  }
0x8: {  	_ =	strace $0x80000047;
	s11 =	smul.u32 $0x50000, s2;
	s29 =	ssub.s32 $0x2, s9  }
0x9: {  	s13 =	smul.u32 $0x50000, s9;
	s31 =	sshll.u32 s2, $0x6;
	s30 =	sshrl.u32 s29, $0x1  }
0xa: {  	s9 =	sor.u32 $0x1C03, s31;
	s10 =	sadd.s32 s10, s7;
	s7 =	sadd.s32 $0xF2E00, s8  }
0xb: {  	s11 =	sshrl.u32 s11, $0x2;
	s14 =	ssub.s32 s29, s30;
	s10 =	sshrl.u32 s10, $0x3  }
0xc: {  	s15 =	sadd.s32 s11, s1;
	s12 =	sadd.s32 s10, s8;
	s8 =	smul.u32 $0x5000, s2  }
0xd: {  	s11 =	sadd.s32 $0xF5600, s12;
	s12 =	smax.u32 s14, $0x1;
	s14 =	simm.s32 $0x3  }
0xe: {  	s10 =	sadd.s32 s13, s8;
	s13 =	sshrl.u32 s15, $0x3;
	s15 =	simm.s32 $0x2000  }
.LBB2_1:
0xf: {  	[spmem:s13], [sflag:s9] =	dma.local [hbm:s7], $0x2800  }
0x10: {  	_ =	swait.ge [sflag:s14], $0x2800  }
0x11: {  	[sflag:s14] =	ssyncset.done $0x0  }
0x12: {  	[sflag:s14] =	ssyncadd.s32 $0xFFFFD800  }
0x13: {  	s21 =	simm.s32 $0x0;
	[bflag:$0x0] =	sbarrier.arrive $0xFFFF  }
.LBB2_2:
0x14: {  	s22 =	sshll.u32 s21, $0xC  }
0x15: {  	s23 =	sadd.s32 s10, s22  }
0x16: {  	s23 =	sshrl.u32 s23, $0x3  }
0x17: {  	s23 =	sadd.s32 s5, s23  }
0x18: {  	[tilespmem:s3], [sflag:$0x3] =	stream.linear.gather [hbm4b:s23+s3], $0x1000, $0x38;
	[tilespmem:$0x1E000] =	vst v63  }
0x19: {  	s22 =	sadd.s32 s8, s22;
	_ =	swait.ge [sflag:s14], $0x1000  }
0x1a: {  	s22 =	sshrl.u32 s22, $0x3;
	[sflag:s14] =	ssyncset.done $0x0  }
0x1b: {  	s30 =	sadd.s32 s6, s22;
	s22 =	simm.s32 $0x1000;
	[sflag:s14] =	ssyncadd.s32 $0xFFFFF000  }
0x1c: {  	[tilespmem:s22], [sflag:$0x3] =	stream.linear.gather [hbm4b:s30+s3], $0x1000, $0x38;
	[tilespmem:$0x1E000] =	vst v63  }
0x1d: {  	_ =	swait.ge [sflag:s14], $0x1000  }
0x1e: {  	[sflag:s14] =	ssyncset.done $0x0  }
0x1f: {  	s23 =	simm.s32 $0x80;
	[sflag:s14] =	ssyncadd.s32 $0xFFFFF000  }
0x20: {  	[tilespmem:s15], [sflag:$0x1] =	stream.indirect.gather [hbm4b:s4+s23], $0x80, s3, s23, $0xb8;
	[tilespmem:$0x1E000] =	vst v63  }
0x21: {  	_ = 	snop  }
0x22: {  	[tilespmem:s17], [sflag:$0x2] =	stream.indirect.gather [hbm4b:s4+s16], $0x80, s23, s16, $0xb8;
	[tilespmem:$0x1E000] =	vst v63  }
0x23: {  	_ =	swait.ge [sflag:s18], $0x4000  }
0x24: {  	[sflag:s18] =	ssyncset.done $0x0  }
0x25: {  	[sflag:s18] =	ssyncadd.s32 $0xFFFFC000  }
0x26: {  	[spmem:s1] =	stream.indirect.scatter.add.f32 [tilespmem:s15], [sflag:$0x3], $0x80, s22, s16, $0xb8;
	[tilespmem:$0x1E000] =	vst v63  }
0x27: {  	_ =	swait.ge [sflag:s14], $0x4000  }
0x28: {  	s24 =	simm.s32 $0x100;
	[sflag:s14] =	ssyncset.done $0x0  }
0x29: {  	s24 =	sand.u32 $0xF00, s24;
	[sflag:s14] =	ssyncadd.s32 $0xFFFFC000  }
0x2a: {  	[tilespmem:s15], [sflag:$0x1] =	stream.indirect.gather [hbm4b:s4+s16], $0x80, s24, s16, $0xb8;
	[tilespmem:$0x1E000] =	vst v63  }
0x2b: {  	_ =	swait.ge [sflag:s19], $0x4000  }
0x2c: {  	[sflag:s19] =	ssyncset.done $0x0  }
0x2d: {  	s31 =	simm.s32 $0x1080;
	[sflag:s19] =	ssyncadd.s32 $0xFFFFC000  }
0x2e: {  	[spmem:s1] =	stream.indirect.scatter.add.f32 [tilespmem:s17], [sflag:$0x3], $0x80, s31, s16, $0xb8;
	[tilespmem:$0x1E000] =	vst v63  }
0x2f: {  	_ =	swait.ge [sflag:s14], $0x4000  }
0x30: {  	s24 =	simm.s32 $0x200;
	[sflag:s14] =	ssyncset.done $0x0  }
.LBB2_3:
0x31: {  	[sflag:s14] =	ssyncadd.s32 $0xFFFFC000  }
0x32: {  	s22 =	sadd.s32 $0x100, s22;
	s23 =	sadd.s32 $0x100, s23;
	s25 =	smov.u32 s24  }
0x33: {  	[tilespmem:s17], [sflag:$0x2] =	stream.indirect.gather [hbm4b:s4+s16], $0x80, s23, s16, $0xb8;
	[tilespmem:$0x1E000] =	vst v63  }
0x34: {  	p0 =	sne.s32 s24, $0x1000;
	s24 =	sadd.s32 $0x100, s24;
	_ =	swait.ge [sflag:s18], $0x4000  }
0x35: {  	[sflag:s18] =	ssyncset.done $0x0  }
0x36: {  	[sflag:s18] =	ssyncadd.s32 $0xFFFFC000  }
0x37: {  	[spmem:s1] =	stream.indirect.scatter.add.f32 [tilespmem:s15], [sflag:$0x3], $0x80, s22, s16, $0xb8;
	[tilespmem:$0x1E000] =	vst v63  }
0x38: {  	_ =	swait.ge [sflag:s14], $0x4000  }
0x39: {  	[sflag:s14] =	ssyncset.done $0x0  }
0x3a: {  	s25 =	sand.u32 $0xF00, s25;
	[sflag:s14] =	ssyncadd.s32 $0xFFFFC000  }
0x3b: {  	[tilespmem:s15], [sflag:$0x1] =	stream.indirect.gather [hbm4b:s4+s16], $0x80, s25, s16, $0xb8;
	[tilespmem:$0x1E000] =	vst v63  }
0x3c: {  	_ =	swait.ge [sflag:s19], $0x4000  }
.Ltmp0:
0x3d: {  	[sflag:s19] =	ssyncset.done $0x0;
	(pc) =	sbr.rel @p0 .LBB2_3-.Ltmp0, $4  }
0x3e: {  	s25 =	sadd.s32 $0x80, s22;
	[sflag:s19] =	ssyncadd.s32 $0xFFFFC000  }
0x3f: {  	[spmem:s1] =	stream.indirect.scatter.add.f32 [tilespmem:s17], [sflag:$0x3], $0x80, s25, s16, $0xb8;
	[tilespmem:$0x1E000] =	vst v63  }
0x40: {  	_ =	swait.ge [sflag:s14], $0x4000  }
0x41: {  	[sflag:s14] =	ssyncset.done $0x0  }
0x42: {  	s21 =	sadd.s32 $0x1, s21  }
0x43: {  	p0 =	sne.s32 s21, $0x5  }
.Ltmp1:
0x44: {  	_ = 	snop;
	(pc) =	sbr.rel @p0 .LBB2_2-.Ltmp1, $4  }
0x45: {  	[sflag:s14] =	ssyncadd.s32 $0xFFFFC000  }
0x46: {  	_ =	swait.ge [sflag:s18], $0x4000  }
0x47: {  	[sflag:s18] =	ssyncset.done $0x0  }
0x48: {  	[sflag:s18] =	ssyncadd.s32 $0xFFFFC000  }
0x49: {  	s20 =	sadd.s32 $0x1, s20  }
0x4a: {  	p0 =	sne.s32 s20, s12  }
.Ltmp2:
0x4b: {  	[bflag:$0x0] =	sbarrier.arrive $0xFFFF;
	(pc) =	sbr.rel @p0 .LBB2_1-.Ltmp2, $4  }
0x4c: {  	[hbm:s11], [sflag:s9] =	dma.local [spmem:s13], $0x2800  }
0x4d: {  	_ =	swait.ge [sflag:s14], $0x2800  }
0x4e: {  	[sflag:s14] =	ssyncset.done $0x0  }
0x4f: {  	[sflag:s14] =	ssyncadd.s32 $0xFFFFD800  }
0x50: {  	_ =	sfence.sel $0x180000  }
0x51: {  	[bflag:$0x0] =	sbarrier.arrive $0xFFFF  }
0x52: {  	p0 =	sne.s32 s2, $0x0;
	_ =	strace $0x90000047  }
0x53: {  	s0 =	sadd.s32 @!p0 $0x100000, s0;
	[bflag:$0x2] =	sbarrier.arrive $0xFFFF  }
0x54: {  	[sflag:s0] =	ssyncadd.tile.s32 @!p0 $0x1;
	_ =	shalt  }
.Lfunc_end2:
_tile_overlayer_lowered:
.L_overlay_start_2:
0x55: {  	(tag) =	ssettag $0x2  }
0x56: {  	s0 =	rddreg [dreg:$0x0];
	s2 =	stileid.u32  }
0x57: {  	s1 =	rddreg [dreg:$0x1];
	p0 =	sne.s32 s2, $0x0  }
0x58: {  	s3 =	rddreg [dreg:$0x2];
	[bflag:$0x3] =	sbarrier.arrive $0xFFFF;
	s2 =	simm.s32 @!p0 $0x1C03  }
0x59: {  	[timem:s3], [sflag:s2] =	dma.local @!p0 [hbm:s0], s1  }
0x5a: {  	s0 =	simm.s32 @!p0 $0x3  }
0x5b: {  	_ =	swait.ge @!p0 [sflag:s0], s1  }
0x5c: {  	s1 =	ssub.s32 @!p0 $0x0, s1;
	[sflag:s0] =	ssyncset.done @!p0 $0x0  }
0x5d: {  	[sflag:s0] =	ssyncadd.s32 @!p0 s1  }
0x5e: {  	[bflag:$0x3] =	sbarrier.arrive $0xFFFF  }
0x5f: {  	_ =	shalt  }

// kernel: kernel.37.cloned.1.call-start
scs
__scs_entry_jumppad:
0x0: {  	(pc) =	sbr.rel $0x88, $3  }
0x1: {  	(tag) =	ssettag $0x0;
	lr =	simm.s32 $0x1  }
0x2: {  	[smem:$0x3F67] =	sst lr;
	_ =	strace $0xD0000000  }
0x3: {  	_ = 	snop  }
0x4: {  	_ = 	snop  }
0x5: {  	_ = 	snop  }
0x6: {  	_ = 	snop  }
0x7: {  	_ = 	snop  }
__scs_overlays_trampoline_lowered:
0x8: {  	[smem:$0x3F76] =	sst s0  }
0x9: {  	[smem:$0x3F77] =	sst s1  }
0xa: {  	[smem:$0x3F78] =	sst s2  }
0xb: {  	[smem:$0x3F79] =	sst s3  }
0xc: {  	[smem:$0x3F7A] =	sst s4  }
0xd: {  	[smem:$0x3F7B] =	sst s5  }
0xe: {  	[smem:$0x3F7C] =	sst s6  }
0xf: {  	[smem:$0x3F7D] =	sst s7  }
0x10: {  	[smem:$0x3F7E] =	sst s8  }
0x11: {  	[smem:$0x3F7F] =	sst s9;
	s0 =	simm.s32 @!p0 $0x0  }
0x12: {  	s1 =	sld [smem:$0x3F65];
	s0 =	simm.s32 @p0 $0x1  }
0x13: {  	[smem:$0x3F80] =	sst s0;
	s0 =	simm.s32 @!p1 $0x0  }
0x14: {  	s2 =	sld [smem:$0x3F64];
	s0 =	simm.s32 @p1 $0x1  }
0x15: {  	[smem:$0x3F81] =	sst s0;
	s0 =	simm.s32 @!p2 $0x0  }
0x16: {  	s3 =	sld [smem:$0x3FDB];
	s0 =	simm.s32 @p2 $0x1  }
0x17: {  	s4 =	simm.s32 $0x1BF5;
	[smem:$0x3F83] =	sst s0  }
0x18: {  	s0 =	sld [smem:$0x3F66];
	_ =	swait.ge [sflag:s4], $0x0  }
0x19: {  	s7 =	sld [smem:$0x3F67]  }
0x1a: {  	s8 =	sadd.s32 $0xFFFFE003, lr  }
0x1b: {  	s9 =	sadd.s32 $0xFFFFFEF7, lr;
	s5 =	simm.s32 $0xFFFFFFFF;
	p2 =	slt.u32 s8, $0xFFFFF086  }
0x1c: {  	p1 =	slt.u32 s9, $0xF7A;
	s5 =	simm.s32 @!p2 $0x0  }
0x1d: {  	s5 =	simm.s32 @p1 $0x1;
	p0 =	seq.s32 s7, s2  }
0x1e: {  	s7 =	smul.u32 @!p0 $0xF7A, s2;
	p2 =	seq.s32 @!p0 s5, $0x0  }
0x1f: {  	s9 =	smul.u32 $0xF7A, s1;
	s8 =	simm.s32 @!p0 $0x1BF5;
	p2 =	por !p2, p0  }
0x20: {  	[sflag:s8] =	ssyncset.s32 @!p0 $0xFFFFF086;
	s6 =	sadd.s32 @!p0 s3, s7;
	s7 =	simm.s32 @!p0 $0x108  }
0x21: {  	s3 =	sadd.s32 s3, s9;
	s6 =	sadd.s32 @!p0 $0x88, s6;
	s7 =	simm.s32 @p2 $0x1082  }
0x22: {  	[simem:s7], [sflag:s8] =	dma.local @!p0 [hbm:s6], $0xF7A  }
0x23: {  	s9 =	sor.u32 $0xD0000000, s2;
	s6 =	simm.s32 $0x108;
	_ =	swait.ge @!p0 [sflag:s8], $0x0  }
0x24: {  	s3 =	sadd.s32 $0x88, s3;
	s6 =	simm.s32 @!p1 $0x1082;
	[sflag:s4] =	ssyncset.s32 $0xFFFFF086  }
0x25: {  	[simem:s6], [sflag:s4] =	dma.local [hbm:s3], $0xF7A  }
0x26: {  	[smem:$0x3F67] =	sst s1;
	(tag) =	ssettag s2;
	_ =	strace s9  }
0x27: {  	s1 =	sld [smem:$0x3F77]  }
0x28: {  	s2 =	sld [smem:$0x3F78]  }
0x29: {  	s4 =	sld [smem:$0x3F7A]  }
0x2a: {  	p0 =	seq.s32 s5, $0x0;
	s5 =	sld [smem:$0x3F7B]  }
0x2b: {  	s6 =	sld [smem:$0x3F7C]  }
0x2c: {  	s7 =	sld [smem:$0x3F7D]  }
0x2d: {  	s3 =	simm.s32 $0x108;
	s8 =	sld [smem:$0x3F7E]  }
0x2e: {  	s3 =	simm.s32 @!p0 $0x1082;
	s9 =	sld [smem:$0x3F7F]  }
0x2f: {  	lr =	sadd.s32 s0, s3;
	s0 =	sld [smem:$0x3F76]  }
0x30: {  	s3 =	sld [smem:$0x3F79]  }
0x31: {  	[smem:$0x3F82] =	sst s10  }
0x32: {  	s10 =	sld [smem:$0x3F80];
	_ =	sdelay $0x3  }
0x33: {  	p0 =	seq.s32 s10, $0x1;
	s10 =	sld [smem:$0x3F82];
	_ =	sdelay $0x3  }
0x34: {  	[smem:$0x3F82] =	sst s10  }
0x35: {  	s10 =	sld [smem:$0x3F81];
	_ =	sdelay $0x3  }
0x36: {  	p1 =	seq.s32 s10, $0x1;
	s10 =	sld [smem:$0x3F82];
	_ =	sdelay $0x3  }
0x37: {  	[smem:$0x3F82] =	sst s10  }
0x38: {  	s10 =	sld [smem:$0x3F83]  }
0x39: {  	_ = 	snop;
	(pc) =	sbr.ind lr, $3  }
0x3a: {  	_ = 	snop  }
0x3b: {  	_ = 	snop  }
0x3c: {  	p2 =	seq.s32 s10, $0x1;
	s10 =	sld [smem:$0x3F82]  }
0x3d: {  	_ =	shalt  }
0x3e: {  	_ =	shalt  }
0x3f: {  	_ =	shalt  }
0x40: {  	_ =	shalt  }
0x41: {  	_ =	shalt  }
0x42: {  	_ =	shalt  }
0x43: {  	_ =	shalt  }
0x44: {  	_ =	shalt  }
0x45: {  	_ =	shalt  }
0x46: {  	_ =	shalt  }
0x47: {  	_ =	shalt  }
0x48: {  	_ =	shalt  }
0x49: {  	_ =	shalt  }
0x4a: {  	_ =	shalt  }
0x4b: {  	_ =	shalt  }
0x4c: {  	_ =	shalt  }
0x4d: {  	_ =	shalt  }
0x4e: {  	_ =	shalt  }
0x4f: {  	_ =	shalt  }
0x50: {  	_ =	shalt  }
0x51: {  	_ =	shalt  }
0x52: {  	_ =	shalt  }
0x53: {  	_ =	shalt  }
0x54: {  	_ =	shalt  }
0x55: {  	_ =	shalt  }
0x56: {  	_ =	shalt  }
0x57: {  	_ =	shalt  }
0x58: {  	_ =	shalt  }
0x59: {  	_ =	shalt  }
0x5a: {  	_ =	shalt  }
0x5b: {  	_ =	shalt  }
0x5c: {  	_ =	shalt  }
0x5d: {  	_ =	shalt  }
0x5e: {  	_ =	shalt  }
0x5f: {  	_ =	shalt  }
0x60: {  	_ =	shalt  }
0x61: {  	_ =	shalt  }
0x62: {  	_ =	shalt  }
0x63: {  	_ =	shalt  }
0x64: {  	_ =	shalt  }
0x65: {  	_ =	shalt  }
0x66: {  	_ =	shalt  }
0x67: {  	_ =	shalt  }
0x68: {  	_ =	shalt  }
0x69: {  	_ =	shalt  }
0x6a: {  	_ =	shalt  }
0x6b: {  	_ =	shalt  }
0x6c: {  	_ =	shalt  }
0x6d: {  	_ =	shalt  }
0x6e: {  	_ =	shalt  }
0x6f: {  	_ =	shalt  }
0x70: {  	_ =	shalt  }
0x71: {  	_ =	shalt  }
0x72: {  	_ =	shalt  }
0x73: {  	_ =	shalt  }
0x74: {  	_ =	shalt  }
0x75: {  	_ =	shalt  }
0x76: {  	_ =	shalt  }
0x77: {  	_ =	shalt  }
0x78: {  	_ =	shalt  }
0x79: {  	_ =	shalt  }
0x7a: {  	_ =	shalt  }
0x7b: {  	_ =	shalt  }
0x7c: {  	_ =	shalt  }
0x7d: {  	_ =	shalt  }
0x7e: {  	_ =	shalt  }
0x7f: {  	_ =	shalt  }
0x80: {  	_ =	shalt  }
0x81: {  	_ =	shalt  }
0x82: {  	_ =	shalt  }
0x83: {  	_ =	shalt  }
0x84: {  	_ =	shalt  }
0x85: {  	_ =	shalt  }
0x86: {  	_ =	shalt  }
0x87: {  	_ =	shalt  }
.Lfunc_end0:
.L_simem_size_0:
called_computation.1_lowered:
.L_overlay_start_0:
0x88: {  	s2 =	sld [smem:$0x3FD9]  }
0x89: {  	s3 =	sld [smem:$0x3FFE];
	_ =	sdelay $0x1  }
0x8a: {  	s1 =	srdreg.scid  }
0x8b: {  	s0 =	sand.u32 $0x1, s1  }
0x8c: {  	s16 =	sshll.u32 s0, $0xA;
	s2 =	sadd.s32 s3, s2  }
0x8d: {  	s2 =	sadd.s32 s2, s16  }
0x8e: {  	[smem:$0x3F8E] =	sst s2  }
0x8f: {  	_ = 	snop  }
0x90: {  	(tm) =	ssettm $0x1  }
0x91: {  	s17 =	sld [smem:$0x3FFB];
	_ =	sdelay $0x3  }
0x92: {  	_ =	strace s17  }
0x93: {  	s2 =	sld [smem:$0x3FFC];
	_ =	sdelay $0x3  }
0x94: {  	_ =	strace s2  }
0x95: {  	s2 =	sld [smem:$0x3FFD];
	_ =	sdelay $0x3  }
0x96: {  	_ =	strace s2  }
0x97: {  	_ =	strace $0x8FFFFFFF  }
0x98: {  	s18 =	sld [smem:$0x3FDB];
	_ =	sdelay $0x1  }
0x99: {  	s19 =	simm.s32 $_scs_section_size  }
0x9a: {  	s4 =	simm.s32 $_size__tile_overlayer_lowered;
	s5 =	simm.s32 $_tile_overlayer_lowered  }
0x9b: {  	s22 =	simm.s32 $0x1BFF;
	s21 =	sshll.u32 s5, $0x1;
	s2 =	sadd.s32 s19, s18  }
0x9c: {  	s6 =	simm.s32 $0x0;
	s20 =	sshll.u32 s4, $0x1;
	s4 =	sadd.s32 s21, s2  }
0x9d: {  	[timem:s6], [sflag:s22] =	dma.local [hbm:s4], s20  }
0x9e: {  	_ =	swait.ge [sflag:s22], s20  }
0x9f: {  	s3 =	ssub.s32 $0x0, s20;
	[sflag:s22] =	ssyncset.done $0x0  }
0xa0: {  	[sflag:s22] =	ssyncadd.s32 s3;
	_ =	sdelay $0x1  }
0xa1: {  	s23 =	simm.s32 $0x1B8B  }
0xa2: {  	_ =	swait.ge [sflag:s23], $0x1  }
0xa3: {  	[sflag:s23] =	ssyncset.done $0x0  }
0xa4: {  	s25 =	simm.s32 $0x1B8E;
	s24 =	sld [smem:$0x3FFE];
	[sflag:s23] =	ssyncadd.s32 $0xFFFFFFFF  }
0xa5: {  	s26 =	simm.s32 $execute0_lowered;
	[smem:$0x3FD2] =	sst s25  }
0xa6: {  	s4 =	sshll.u32 s26, $0x1;
	_ =	strace $0x80000049;
	[dreg:$0x1] =	wrdreg $0xFFFFFFFF  }
0xa7: {  	s28 =	simm.s32 $_size_execute0_lowered;
	s2 =	sadd.s32 s2, s4;
	[dreg:$0x0] =	wrdreg $0x0  }
0xa8: {  	s4 =	sshll.u32 s28, $0x1;
	[dreg:$0x2] =	wrdreg s2  }
0xa9: {  	[dreg:$0x3] =	wrdreg s4  }
0xaa: {  	[dreg:$0x4] =	wrdreg $0xC0  }
0xab: {  	_ =	task [dreg:s6], $0x5FFFF  }
0xac: {  	[dreg:$0x1] =	wrdreg $0xFFFFFFFF  }
0xad: {  	[dreg:$0x0] =	wrdreg $0x60  }
0xae: {  	[dreg:$0x2] =	wrdreg s24  }
0xaf: {  	[dreg:$0x3] =	wrdreg $0xA0000  }
0xb0: {  	[dreg:$0x4] =	wrdreg $0x9  }
0xb1: {  	_ =	task.clear_ibuf [dreg:s6], $0x5FFFF;
	_ =	strace $0x90000049  }
0xb2: {  	s29 =	simm.s32 $0x9;
	_ =	strace $0x8000004B  }
0xb3: {  	_ =	swait.ge [sflag:s29], $0x1  }
0xb4: {  	[sflag:s29] =	ssyncadd.s32 $0xFFFFFFFF  }
0xb5: {  	_ =	strace $0x9000004B  }
0xb6: {  	_ =	sfence  }
0xb7: {  	s30 =	sld [smem:$0x0];
	_ =	sdelay $0x2  }
0xb8: {  	s31 =	sshll.u32 s1, $0xD;
	s1 =	sshrl.u32 s1, $0x2  }
0xb9: {  	s3 =	sand.u32 $0x4000, s31;
	s1 =	sadd.s32 s1, s30  }
0xba: {  	s0 =	sor.u32 s3, s0;
	s1 =	sshll.u32 s1, $0x11  }
0xbb: {  	s0 =	sor.u32 s1, s0  }
0xbc: {  	s0 =	sadd.s32 $0x8F2B, s0  }
0xbd: {  	[sflag:s0] =	ssyncadd.remote.s32 $0x1  }
0xbe: {  	_ =	sfence.sel $0xFFFF  }
0xbf: {  	[dreg:$0x0] =	wrdreg $0xFFFFFFFF;
	(pc) =	sbr.abs _section_cstart, $3  }
0xc0: {  	[dreg:$0x1] =	wrdreg $0xFFFFFFFF  }
0xc1: {  	_ =	task.clear_ibuf [dreg:s6], $0x2FFFF;
	_ =	strace $0x9FFFFFFF  }
0xc2: {  	(tm) =	ssettm $0x7FFFFFFF  }
0xc3: {  	_ =	shalt  }
tec
execute0_lowered:
.L_overlay_start_1:
0x0: {  	(tag) =	ssettag $0x1  }
0x1: {  	s8 =	rddreg [dreg:$0x0]  }
0x2: {  	s1 =	rddreg [dreg:$0x1];
	s2 =	srdreg.scid  }
0x3: {  	s0 =	rddreg [dreg:$0x2];
	s3 =	simm.s32 $0x0;
	s16 =	simm.s32 $0x80  }
0x4: {  	s17 =	simm.s32 $0x6000;
	s18 =	simm.s32 $0x1;
	s19 =	simm.s32 $0x2  }
0x5: {  	s20 =	simm.s32 $0x0;
	s9 =	sand.u32 $0x1, s2;
	s2 =	stileid.u32  }
0x6: {  	[smem:$0x7FF] =	sst s3;
	s4 =	sadd.s32 $0x2AE00, s8;
	s7 =	smul.u32 $0x140000, s9  }
0x7: {  	s5 =	sadd.s32 $0x16E00, s8;
	s6 =	sadd.s32 $0xCE00, s8;
	s10 =	smul.u32 $0x14000, s2  }
0x8: {  	_ =	strace $0x8000004A;
	s11 =	smul.u32 $0x50000, s2;
	s29 =	ssub.s32 $0x2, s9  }
0x9: {  	s13 =	smul.u32 $0x50000, s9;
	s31 =	sshll.u32 s2, $0x6;
	s30 =	sshrl.u32 s29, $0x1  }
0xa: {  	s9 =	sor.u32 $0x1C03, s31;
	s10 =	sadd.s32 s10, s7;
	s7 =	sadd.s32 $0xF2E00, s8  }
0xb: {  	s11 =	sshrl.u32 s11, $0x2;
	s14 =	ssub.s32 s29, s30;
	s10 =	sshrl.u32 s10, $0x3  }
0xc: {  	s15 =	sadd.s32 s11, s1;
	s12 =	sadd.s32 s10, s8;
	s8 =	smul.u32 $0x5000, s2  }
0xd: {  	s11 =	sadd.s32 $0x7AE00, s12;
	s12 =	smax.u32 s14, $0x1;
	s14 =	simm.s32 $0x3  }
0xe: {  	s10 =	sadd.s32 s13, s8;
	s13 =	sshrl.u32 s15, $0x3;
	s15 =	simm.s32 $0x2000  }
.LBB2_1:
0xf: {  	[spmem:s13], [sflag:s9] =	dma.local [hbm:s7], $0x2800  }
0x10: {  	_ =	swait.ge [sflag:s14], $0x2800  }
0x11: {  	[sflag:s14] =	ssyncset.done $0x0  }
0x12: {  	[sflag:s14] =	ssyncadd.s32 $0xFFFFD800  }
0x13: {  	s21 =	simm.s32 $0x0;
	[bflag:$0x0] =	sbarrier.arrive $0xFFFF  }
.LBB2_2:
0x14: {  	s22 =	sshll.u32 s21, $0xC  }
0x15: {  	s23 =	sadd.s32 s10, s22  }
0x16: {  	s23 =	sshrl.u32 s23, $0x3  }
0x17: {  	s23 =	sadd.s32 s5, s23  }
0x18: {  	[tilespmem:s3], [sflag:$0x3] =	stream.linear.gather [hbm4b:s23+s3], $0x1000, $0x38;
	[tilespmem:$0x1E000] =	vst v63  }
0x19: {  	s22 =	sadd.s32 s8, s22;
	_ =	swait.ge [sflag:s14], $0x1000  }
0x1a: {  	s22 =	sshrl.u32 s22, $0x3;
	[sflag:s14] =	ssyncset.done $0x0  }
0x1b: {  	s30 =	sadd.s32 s6, s22;
	s22 =	simm.s32 $0x1000;
	[sflag:s14] =	ssyncadd.s32 $0xFFFFF000  }
0x1c: {  	[tilespmem:s22], [sflag:$0x3] =	stream.linear.gather [hbm4b:s30+s3], $0x1000, $0x38;
	[tilespmem:$0x1E000] =	vst v63  }
0x1d: {  	_ =	swait.ge [sflag:s14], $0x1000  }
0x1e: {  	[sflag:s14] =	ssyncset.done $0x0  }
0x1f: {  	s23 =	simm.s32 $0x80;
	[sflag:s14] =	ssyncadd.s32 $0xFFFFF000  }
0x20: {  	[tilespmem:s15], [sflag:$0x1] =	stream.indirect.gather [hbm4b:s4+s23], $0x80, s3, s23, $0xb8;
	[tilespmem:$0x1E000] =	vst v63  }
0x21: {  	_ = 	snop  }
0x22: {  	[tilespmem:s17], [sflag:$0x2] =	stream.indirect.gather [hbm4b:s4+s16], $0x80, s23, s16, $0xb8;
	[tilespmem:$0x1E000] =	vst v63  }
0x23: {  	_ =	swait.ge [sflag:s18], $0x4000  }
0x24: {  	[sflag:s18] =	ssyncset.done $0x0  }
0x25: {  	[sflag:s18] =	ssyncadd.s32 $0xFFFFC000  }
0x26: {  	[spmem:s1] =	stream.indirect.scatter.add.f32 [tilespmem:s15], [sflag:$0x3], $0x80, s22, s16, $0xb8;
	[tilespmem:$0x1E000] =	vst v63  }
0x27: {  	_ =	swait.ge [sflag:s14], $0x4000  }
0x28: {  	s24 =	simm.s32 $0x100;
	[sflag:s14] =	ssyncset.done $0x0  }
0x29: {  	s24 =	sand.u32 $0xF00, s24;
	[sflag:s14] =	ssyncadd.s32 $0xFFFFC000  }
0x2a: {  	[tilespmem:s15], [sflag:$0x1] =	stream.indirect.gather [hbm4b:s4+s16], $0x80, s24, s16, $0xb8;
	[tilespmem:$0x1E000] =	vst v63  }
0x2b: {  	_ =	swait.ge [sflag:s19], $0x4000  }
0x2c: {  	[sflag:s19] =	ssyncset.done $0x0  }
0x2d: {  	s31 =	simm.s32 $0x1080;
	[sflag:s19] =	ssyncadd.s32 $0xFFFFC000  }
0x2e: {  	[spmem:s1] =	stream.indirect.scatter.add.f32 [tilespmem:s17], [sflag:$0x3], $0x80, s31, s16, $0xb8;
	[tilespmem:$0x1E000] =	vst v63  }
0x2f: {  	_ =	swait.ge [sflag:s14], $0x4000  }
0x30: {  	s24 =	simm.s32 $0x200;
	[sflag:s14] =	ssyncset.done $0x0  }
.LBB2_3:
0x31: {  	[sflag:s14] =	ssyncadd.s32 $0xFFFFC000  }
0x32: {  	s22 =	sadd.s32 $0x100, s22;
	s23 =	sadd.s32 $0x100, s23;
	s25 =	smov.u32 s24  }
0x33: {  	[tilespmem:s17], [sflag:$0x2] =	stream.indirect.gather [hbm4b:s4+s16], $0x80, s23, s16, $0xb8;
	[tilespmem:$0x1E000] =	vst v63  }
0x34: {  	p0 =	sne.s32 s24, $0x1000;
	s24 =	sadd.s32 $0x100, s24;
	_ =	swait.ge [sflag:s18], $0x4000  }
0x35: {  	[sflag:s18] =	ssyncset.done $0x0  }
0x36: {  	[sflag:s18] =	ssyncadd.s32 $0xFFFFC000  }
0x37: {  	[spmem:s1] =	stream.indirect.scatter.add.f32 [tilespmem:s15], [sflag:$0x3], $0x80, s22, s16, $0xb8;
	[tilespmem:$0x1E000] =	vst v63  }
0x38: {  	_ =	swait.ge [sflag:s14], $0x4000  }
0x39: {  	[sflag:s14] =	ssyncset.done $0x0  }
0x3a: {  	s25 =	sand.u32 $0xF00, s25;
	[sflag:s14] =	ssyncadd.s32 $0xFFFFC000  }
0x3b: {  	[tilespmem:s15], [sflag:$0x1] =	stream.indirect.gather [hbm4b:s4+s16], $0x80, s25, s16, $0xb8;
	[tilespmem:$0x1E000] =	vst v63  }
0x3c: {  	_ =	swait.ge [sflag:s19], $0x4000  }
.Ltmp0:
0x3d: {  	[sflag:s19] =	ssyncset.done $0x0;
	(pc) =	sbr.rel @p0 .LBB2_3-.Ltmp0, $4  }
0x3e: {  	s25 =	sadd.s32 $0x80, s22;
	[sflag:s19] =	ssyncadd.s32 $0xFFFFC000  }
0x3f: {  	[spmem:s1] =	stream.indirect.scatter.add.f32 [tilespmem:s17], [sflag:$0x3], $0x80, s25, s16, $0xb8;
	[tilespmem:$0x1E000] =	vst v63  }
0x40: {  	_ =	swait.ge [sflag:s14], $0x4000  }
0x41: {  	[sflag:s14] =	ssyncset.done $0x0  }
0x42: {  	s21 =	sadd.s32 $0x1, s21  }
0x43: {  	p0 =	sne.s32 s21, $0x5  }
.Ltmp1:
0x44: {  	_ = 	snop;
	(pc) =	sbr.rel @p0 .LBB2_2-.Ltmp1, $4  }
0x45: {  	[sflag:s14] =	ssyncadd.s32 $0xFFFFC000  }
0x46: {  	_ =	swait.ge [sflag:s18], $0x4000  }
0x47: {  	[sflag:s18] =	ssyncset.done $0x0  }
0x48: {  	[sflag:s18] =	ssyncadd.s32 $0xFFFFC000  }
0x49: {  	s20 =	sadd.s32 $0x1, s20  }
0x4a: {  	p0 =	sne.s32 s20, s12  }
.Ltmp2:
0x4b: {  	[bflag:$0x0] =	sbarrier.arrive $0xFFFF;
	(pc) =	sbr.rel @p0 .LBB2_1-.Ltmp2, $4  }
0x4c: {  	[hbm:s11], [sflag:s9] =	dma.local [spmem:s13], $0x2800  }
0x4d: {  	_ =	swait.ge [sflag:s14], $0x2800  }
0x4e: {  	[sflag:s14] =	ssyncset.done $0x0  }
0x4f: {  	[sflag:s14] =	ssyncadd.s32 $0xFFFFD800  }
0x50: {  	_ =	sfence.sel $0x180000  }
0x51: {  	[bflag:$0x0] =	sbarrier.arrive $0xFFFF  }
0x52: {  	p0 =	sne.s32 s2, $0x0;
	_ =	strace $0x9000004A  }
0x53: {  	s0 =	sadd.s32 @!p0 $0x100000, s0;
	[bflag:$0x2] =	sbarrier.arrive $0xFFFF  }
0x54: {  	[sflag:s0] =	ssyncadd.tile.s32 @!p0 $0x1;
	_ =	shalt  }
.Lfunc_end2:
_tile_overlayer_lowered:
.L_overlay_start_2:
0x55: {  	(tag) =	ssettag $0x2  }
0x56: {  	s0 =	rddreg [dreg:$0x0];
	s2 =	stileid.u32  }
0x57: {  	s1 =	rddreg [dreg:$0x1];
	p0 =	sne.s32 s2, $0x0  }
0x58: {  	s3 =	rddreg [dreg:$0x2];
	[bflag:$0x3] =	sbarrier.arrive $0xFFFF;
	s2 =	simm.s32 @!p0 $0x1C03  }
0x59: {  	[timem:s3], [sflag:s2] =	dma.local @!p0 [hbm:s0], s1  }
0x5a: {  	s0 =	simm.s32 @!p0 $0x3  }
0x5b: {  	_ =	swait.ge @!p0 [sflag:s0], s1  }
0x5c: {  	s1 =	ssub.s32 @!p0 $0x0, s1;
	[sflag:s0] =	ssyncset.done @!p0 $0x0  }
0x5d: {  	[sflag:s0] =	ssyncadd.s32 @!p0 s1  }
0x5e: {  	[bflag:$0x3] =	sbarrier.arrive $0xFFFF  }
0x5f: {  	_ =	shalt  }

// kernel: kernel.40.cloned.1.call-start
scs
__scs_entry_jumppad:
0x0: {  	(pc) =	sbr.rel $0x88, $3  }
0x1: {  	(tag) =	ssettag $0x0;
	lr =	simm.s32 $0x1  }
0x2: {  	[smem:$0x3F67] =	sst lr;
	_ =	strace $0xD0000000  }
0x3: {  	_ = 	snop  }
0x4: {  	_ = 	snop  }
0x5: {  	_ = 	snop  }
0x6: {  	_ = 	snop  }
0x7: {  	_ = 	snop  }
__scs_overlays_trampoline_lowered:
0x8: {  	[smem:$0x3F76] =	sst s0  }
0x9: {  	[smem:$0x3F77] =	sst s1  }
0xa: {  	[smem:$0x3F78] =	sst s2  }
0xb: {  	[smem:$0x3F79] =	sst s3  }
0xc: {  	[smem:$0x3F7A] =	sst s4  }
0xd: {  	[smem:$0x3F7B] =	sst s5  }
0xe: {  	[smem:$0x3F7C] =	sst s6  }
0xf: {  	[smem:$0x3F7D] =	sst s7  }
0x10: {  	[smem:$0x3F7E] =	sst s8  }
0x11: {  	[smem:$0x3F7F] =	sst s9;
	s0 =	simm.s32 @!p0 $0x0  }
0x12: {  	s1 =	sld [smem:$0x3F65];
	s0 =	simm.s32 @p0 $0x1  }
0x13: {  	[smem:$0x3F80] =	sst s0;
	s0 =	simm.s32 @!p1 $0x0  }
0x14: {  	s2 =	sld [smem:$0x3F64];
	s0 =	simm.s32 @p1 $0x1  }
0x15: {  	[smem:$0x3F81] =	sst s0;
	s0 =	simm.s32 @!p2 $0x0  }
0x16: {  	s3 =	sld [smem:$0x3FDB];
	s0 =	simm.s32 @p2 $0x1  }
0x17: {  	s4 =	simm.s32 $0x1BF5;
	[smem:$0x3F83] =	sst s0  }
0x18: {  	s0 =	sld [smem:$0x3F66];
	_ =	swait.ge [sflag:s4], $0x0  }
0x19: {  	s7 =	sld [smem:$0x3F67]  }
0x1a: {  	s8 =	sadd.s32 $0xFFFFE003, lr  }
0x1b: {  	s9 =	sadd.s32 $0xFFFFFEF7, lr;
	s5 =	simm.s32 $0xFFFFFFFF;
	p2 =	slt.u32 s8, $0xFFFFF086  }
0x1c: {  	p1 =	slt.u32 s9, $0xF7A;
	s5 =	simm.s32 @!p2 $0x0  }
0x1d: {  	s5 =	simm.s32 @p1 $0x1;
	p0 =	seq.s32 s7, s2  }
0x1e: {  	s7 =	smul.u32 @!p0 $0xF7A, s2;
	p2 =	seq.s32 @!p0 s5, $0x0  }
0x1f: {  	s9 =	smul.u32 $0xF7A, s1;
	s8 =	simm.s32 @!p0 $0x1BF5;
	p2 =	por !p2, p0  }
0x20: {  	[sflag:s8] =	ssyncset.s32 @!p0 $0xFFFFF086;
	s6 =	sadd.s32 @!p0 s3, s7;
	s7 =	simm.s32 @!p0 $0x108  }
0x21: {  	s3 =	sadd.s32 s3, s9;
	s6 =	sadd.s32 @!p0 $0x88, s6;
	s7 =	simm.s32 @p2 $0x1082  }
0x22: {  	[simem:s7], [sflag:s8] =	dma.local @!p0 [hbm:s6], $0xF7A  }
0x23: {  	s9 =	sor.u32 $0xD0000000, s2;
	s6 =	simm.s32 $0x108;
	_ =	swait.ge @!p0 [sflag:s8], $0x0  }
0x24: {  	s3 =	sadd.s32 $0x88, s3;
	s6 =	simm.s32 @!p1 $0x1082;
	[sflag:s4] =	ssyncset.s32 $0xFFFFF086  }
0x25: {  	[simem:s6], [sflag:s4] =	dma.local [hbm:s3], $0xF7A  }
0x26: {  	[smem:$0x3F67] =	sst s1;
	(tag) =	ssettag s2;
	_ =	strace s9  }
0x27: {  	s1 =	sld [smem:$0x3F77]  }
0x28: {  	s2 =	sld [smem:$0x3F78]  }
0x29: {  	s4 =	sld [smem:$0x3F7A]  }
0x2a: {  	p0 =	seq.s32 s5, $0x0;
	s5 =	sld [smem:$0x3F7B]  }
0x2b: {  	s6 =	sld [smem:$0x3F7C]  }
0x2c: {  	s7 =	sld [smem:$0x3F7D]  }
0x2d: {  	s3 =	simm.s32 $0x108;
	s8 =	sld [smem:$0x3F7E]  }
0x2e: {  	s3 =	simm.s32 @!p0 $0x1082;
	s9 =	sld [smem:$0x3F7F]  }
0x2f: {  	lr =	sadd.s32 s0, s3;
	s0 =	sld [smem:$0x3F76]  }
0x30: {  	s3 =	sld [smem:$0x3F79]  }
0x31: {  	[smem:$0x3F82] =	sst s10  }
0x32: {  	s10 =	sld [smem:$0x3F80];
	_ =	sdelay $0x3  }
0x33: {  	p0 =	seq.s32 s10, $0x1;
	s10 =	sld [smem:$0x3F82];
	_ =	sdelay $0x3  }
0x34: {  	[smem:$0x3F82] =	sst s10  }
0x35: {  	s10 =	sld [smem:$0x3F81];
	_ =	sdelay $0x3  }
0x36: {  	p1 =	seq.s32 s10, $0x1;
	s10 =	sld [smem:$0x3F82];
	_ =	sdelay $0x3  }
0x37: {  	[smem:$0x3F82] =	sst s10  }
0x38: {  	s10 =	sld [smem:$0x3F83]  }
0x39: {  	_ = 	snop;
	(pc) =	sbr.ind lr, $3  }
0x3a: {  	_ = 	snop  }
0x3b: {  	_ = 	snop  }
0x3c: {  	p2 =	seq.s32 s10, $0x1;
	s10 =	sld [smem:$0x3F82]  }
0x3d: {  	_ =	shalt  }
0x3e: {  	_ =	shalt  }
0x3f: {  	_ =	shalt  }
0x40: {  	_ =	shalt  }
0x41: {  	_ =	shalt  }
0x42: {  	_ =	shalt  }
0x43: {  	_ =	shalt  }
0x44: {  	_ =	shalt  }
0x45: {  	_ =	shalt  }
0x46: {  	_ =	shalt  }
0x47: {  	_ =	shalt  }
0x48: {  	_ =	shalt  }
0x49: {  	_ =	shalt  }
0x4a: {  	_ =	shalt  }
0x4b: {  	_ =	shalt  }
0x4c: {  	_ =	shalt  }
0x4d: {  	_ =	shalt  }
0x4e: {  	_ =	shalt  }
0x4f: {  	_ =	shalt  }
0x50: {  	_ =	shalt  }
0x51: {  	_ =	shalt  }
0x52: {  	_ =	shalt  }
0x53: {  	_ =	shalt  }
0x54: {  	_ =	shalt  }
0x55: {  	_ =	shalt  }
0x56: {  	_ =	shalt  }
0x57: {  	_ =	shalt  }
0x58: {  	_ =	shalt  }
0x59: {  	_ =	shalt  }
0x5a: {  	_ =	shalt  }
0x5b: {  	_ =	shalt  }
0x5c: {  	_ =	shalt  }
0x5d: {  	_ =	shalt  }
0x5e: {  	_ =	shalt  }
0x5f: {  	_ =	shalt  }
0x60: {  	_ =	shalt  }
0x61: {  	_ =	shalt  }
0x62: {  	_ =	shalt  }
0x63: {  	_ =	shalt  }
0x64: {  	_ =	shalt  }
0x65: {  	_ =	shalt  }
0x66: {  	_ =	shalt  }
0x67: {  	_ =	shalt  }
0x68: {  	_ =	shalt  }
0x69: {  	_ =	shalt  }
0x6a: {  	_ =	shalt  }
0x6b: {  	_ =	shalt  }
0x6c: {  	_ =	shalt  }
0x6d: {  	_ =	shalt  }
0x6e: {  	_ =	shalt  }
0x6f: {  	_ =	shalt  }
0x70: {  	_ =	shalt  }
0x71: {  	_ =	shalt  }
0x72: {  	_ =	shalt  }
0x73: {  	_ =	shalt  }
0x74: {  	_ =	shalt  }
0x75: {  	_ =	shalt  }
0x76: {  	_ =	shalt  }
0x77: {  	_ =	shalt  }
0x78: {  	_ =	shalt  }
0x79: {  	_ =	shalt  }
0x7a: {  	_ =	shalt  }
0x7b: {  	_ =	shalt  }
0x7c: {  	_ =	shalt  }
0x7d: {  	_ =	shalt  }
0x7e: {  	_ =	shalt  }
0x7f: {  	_ =	shalt  }
0x80: {  	_ =	shalt  }
0x81: {  	_ =	shalt  }
0x82: {  	_ =	shalt  }
0x83: {  	_ =	shalt  }
0x84: {  	_ =	shalt  }
0x85: {  	_ =	shalt  }
0x86: {  	_ =	shalt  }
0x87: {  	_ =	shalt  }
.Lfunc_end0:
.L_simem_size_0:
called_computation.2_lowered:
.L_overlay_start_0:
0x88: {  	s2 =	sld [smem:$0x3FD9]  }
0x89: {  	s3 =	sld [smem:$0x3FFE];
	_ =	sdelay $0x1  }
0x8a: {  	s1 =	srdreg.scid  }
0x8b: {  	s0 =	sand.u32 $0x1, s1  }
0x8c: {  	s16 =	sshll.u32 s0, $0xA;
	s2 =	sadd.s32 s3, s2  }
0x8d: {  	s2 =	sadd.s32 s2, s16  }
0x8e: {  	[smem:$0x3F8E] =	sst s2  }
0x8f: {  	_ = 	snop  }
0x90: {  	(tm) =	ssettm $0x1  }
0x91: {  	s17 =	sld [smem:$0x3FFB];
	_ =	sdelay $0x3  }
0x92: {  	_ =	strace s17  }
0x93: {  	s2 =	sld [smem:$0x3FFC];
	_ =	sdelay $0x3  }
0x94: {  	_ =	strace s2  }
0x95: {  	s2 =	sld [smem:$0x3FFD];
	_ =	sdelay $0x3  }
0x96: {  	_ =	strace s2  }
0x97: {  	_ =	strace $0x8FFFFFFF  }
0x98: {  	s18 =	sld [smem:$0x3FDB];
	_ =	sdelay $0x1  }
0x99: {  	s19 =	simm.s32 $_scs_section_size  }
0x9a: {  	s4 =	simm.s32 $_size__tile_overlayer_lowered;
	s5 =	simm.s32 $_tile_overlayer_lowered  }
0x9b: {  	s22 =	simm.s32 $0x1BFF;
	s21 =	sshll.u32 s5, $0x1;
	s2 =	sadd.s32 s19, s18  }
0x9c: {  	s6 =	simm.s32 $0x0;
	s20 =	sshll.u32 s4, $0x1;
	s4 =	sadd.s32 s21, s2  }
0x9d: {  	[timem:s6], [sflag:s22] =	dma.local [hbm:s4], s20  }
0x9e: {  	_ =	swait.ge [sflag:s22], s20  }
0x9f: {  	s3 =	ssub.s32 $0x0, s20;
	[sflag:s22] =	ssyncset.done $0x0  }
0xa0: {  	[sflag:s22] =	ssyncadd.s32 s3;
	_ =	sdelay $0x1  }
0xa1: {  	s23 =	simm.s32 $0x1B8B  }
0xa2: {  	_ =	swait.ge [sflag:s23], $0x1  }
0xa3: {  	[sflag:s23] =	ssyncset.done $0x0  }
0xa4: {  	s25 =	simm.s32 $0x1B8E;
	s24 =	sld [smem:$0x3FFE];
	[sflag:s23] =	ssyncadd.s32 $0xFFFFFFFF  }
0xa5: {  	s26 =	simm.s32 $execute0_lowered;
	[smem:$0x3FD2] =	sst s25  }
0xa6: {  	s4 =	sshll.u32 s26, $0x1;
	_ =	strace $0x8000004C;
	[dreg:$0x1] =	wrdreg $0xFFFFFFFF  }
0xa7: {  	s28 =	simm.s32 $_size_execute0_lowered;
	s2 =	sadd.s32 s2, s4;
	[dreg:$0x0] =	wrdreg $0x0  }
0xa8: {  	s4 =	sshll.u32 s28, $0x1;
	[dreg:$0x2] =	wrdreg s2  }
0xa9: {  	[dreg:$0x3] =	wrdreg s4  }
0xaa: {  	[dreg:$0x4] =	wrdreg $0xC0  }
0xab: {  	_ =	task [dreg:s6], $0x5FFFF  }
0xac: {  	[dreg:$0x1] =	wrdreg $0xFFFFFFFF  }
0xad: {  	[dreg:$0x0] =	wrdreg $0x60  }
0xae: {  	[dreg:$0x2] =	wrdreg s24  }
0xaf: {  	[dreg:$0x3] =	wrdreg $0xA0000  }
0xb0: {  	[dreg:$0x4] =	wrdreg $0x9  }
0xb1: {  	_ =	task.clear_ibuf [dreg:s6], $0x5FFFF;
	_ =	strace $0x9000004C  }
0xb2: {  	s29 =	simm.s32 $0x9;
	_ =	strace $0x8000004E  }
0xb3: {  	_ =	swait.ge [sflag:s29], $0x1  }
0xb4: {  	[sflag:s29] =	ssyncadd.s32 $0xFFFFFFFF  }
0xb5: {  	_ =	strace $0x9000004E  }
0xb6: {  	_ =	sfence  }
0xb7: {  	s30 =	sld [smem:$0x0];
	_ =	sdelay $0x2  }
0xb8: {  	s31 =	sshll.u32 s1, $0xD;
	s1 =	sshrl.u32 s1, $0x2  }
0xb9: {  	s3 =	sand.u32 $0x4000, s31;
	s1 =	sadd.s32 s1, s30  }
0xba: {  	s0 =	sor.u32 s3, s0;
	s1 =	sshll.u32 s1, $0x11  }
0xbb: {  	s0 =	sor.u32 s1, s0  }
0xbc: {  	s0 =	sadd.s32 $0x8F2B, s0  }
0xbd: {  	[sflag:s0] =	ssyncadd.remote.s32 $0x1  }
0xbe: {  	_ =	sfence.sel $0xFFFF  }
0xbf: {  	[dreg:$0x0] =	wrdreg $0xFFFFFFFF;
	(pc) =	sbr.abs _section_cstart, $3  }
0xc0: {  	[dreg:$0x1] =	wrdreg $0xFFFFFFFF  }
0xc1: {  	_ =	task.clear_ibuf [dreg:s6], $0x2FFFF;
	_ =	strace $0x9FFFFFFF  }
0xc2: {  	(tm) =	ssettm $0x7FFFFFFF  }
0xc3: {  	_ =	shalt  }
tec
execute0_lowered:
.L_overlay_start_1:
0x0: {  	(tag) =	ssettag $0x1  }
0x1: {  	s8 =	rddreg [dreg:$0x0]  }
0x2: {  	s1 =	rddreg [dreg:$0x1];
	s2 =	srdreg.scid  }
0x3: {  	s0 =	rddreg [dreg:$0x2];
	s3 =	simm.s32 $0x0;
	s16 =	simm.s32 $0x80  }
0x4: {  	s17 =	simm.s32 $0x6000;
	s18 =	simm.s32 $0x1;
	s19 =	simm.s32 $0x2  }
0x5: {  	s20 =	simm.s32 $0x0;
	s9 =	sand.u32 $0x1, s2;
	s2 =	stileid.u32  }
0x6: {  	[smem:$0x7FF] =	sst s3;
	s4 =	sadd.s32 $0x2AE00, s8;
	s7 =	smul.u32 $0x140000, s9  }
0x7: {  	s5 =	sadd.s32 $0x16E00, s8;
	s6 =	sadd.s32 $0xCE00, s8;
	s10 =	smul.u32 $0x14000, s2  }
0x8: {  	_ =	strace $0x8000004D;
	s11 =	smul.u32 $0x50000, s2;
	s29 =	ssub.s32 $0x2, s9  }
0x9: {  	s13 =	smul.u32 $0x50000, s9;
	s31 =	sshll.u32 s2, $0x6;
	s30 =	sshrl.u32 s29, $0x1  }
0xa: {  	s9 =	sor.u32 $0x1C03, s31;
	s10 =	sadd.s32 s10, s7;
	s7 =	sadd.s32 $0xF2E00, s8  }
0xb: {  	s11 =	sshrl.u32 s11, $0x2;
	s14 =	ssub.s32 s29, s30;
	s10 =	sshrl.u32 s10, $0x3  }
0xc: {  	s15 =	sadd.s32 s11, s1;
	s12 =	sadd.s32 s10, s8;
	s8 =	smul.u32 $0x5000, s2  }
0xd: {  	s11 =	sadd.s32 $0x7AE00, s12;
	s12 =	smax.u32 s14, $0x1;
	s14 =	simm.s32 $0x3  }
0xe: {  	s10 =	sadd.s32 s13, s8;
	s13 =	sshrl.u32 s15, $0x3;
	s15 =	simm.s32 $0x2000  }
.LBB2_1:
0xf: {  	[spmem:s13], [sflag:s9] =	dma.local [hbm:s7], $0x2800  }
0x10: {  	_ =	swait.ge [sflag:s14], $0x2800  }
0x11: {  	[sflag:s14] =	ssyncset.done $0x0  }
0x12: {  	[sflag:s14] =	ssyncadd.s32 $0xFFFFD800  }
0x13: {  	s21 =	simm.s32 $0x0;
	[bflag:$0x0] =	sbarrier.arrive $0xFFFF  }
.LBB2_2:
0x14: {  	s22 =	sshll.u32 s21, $0xC  }
0x15: {  	s23 =	sadd.s32 s10, s22  }
0x16: {  	s23 =	sshrl.u32 s23, $0x3  }
0x17: {  	s23 =	sadd.s32 s5, s23  }
0x18: {  	[tilespmem:s3], [sflag:$0x3] =	stream.linear.gather [hbm4b:s23+s3], $0x1000, $0x38;
	[tilespmem:$0x1E000] =	vst v63  }
0x19: {  	s22 =	sadd.s32 s8, s22;
	_ =	swait.ge [sflag:s14], $0x1000  }
0x1a: {  	s22 =	sshrl.u32 s22, $0x3;
	[sflag:s14] =	ssyncset.done $0x0  }
0x1b: {  	s30 =	sadd.s32 s6, s22;
	s22 =	simm.s32 $0x1000;
	[sflag:s14] =	ssyncadd.s32 $0xFFFFF000  }
0x1c: {  	[tilespmem:s22], [sflag:$0x3] =	stream.linear.gather [hbm4b:s30+s3], $0x1000, $0x38;
	[tilespmem:$0x1E000] =	vst v63  }
0x1d: {  	_ =	swait.ge [sflag:s14], $0x1000  }
0x1e: {  	[sflag:s14] =	ssyncset.done $0x0  }
0x1f: {  	s23 =	simm.s32 $0x80;
	[sflag:s14] =	ssyncadd.s32 $0xFFFFF000  }
0x20: {  	[tilespmem:s15], [sflag:$0x1] =	stream.indirect.gather [hbm4b:s4+s23], $0x80, s3, s23, $0xb8;
	[tilespmem:$0x1E000] =	vst v63  }
0x21: {  	_ = 	snop  }
0x22: {  	[tilespmem:s17], [sflag:$0x2] =	stream.indirect.gather [hbm4b:s4+s16], $0x80, s23, s16, $0xb8;
	[tilespmem:$0x1E000] =	vst v63  }
0x23: {  	_ =	swait.ge [sflag:s18], $0x4000  }
0x24: {  	[sflag:s18] =	ssyncset.done $0x0  }
0x25: {  	[sflag:s18] =	ssyncadd.s32 $0xFFFFC000  }
0x26: {  	[spmem:s1] =	stream.indirect.scatter.add.f32 [tilespmem:s15], [sflag:$0x3], $0x80, s22, s16, $0xb8;
	[tilespmem:$0x1E000] =	vst v63  }
0x27: {  	_ =	swait.ge [sflag:s14], $0x4000  }
0x28: {  	s24 =	simm.s32 $0x100;
	[sflag:s14] =	ssyncset.done $0x0  }
0x29: {  	s24 =	sand.u32 $0xF00, s24;
	[sflag:s14] =	ssyncadd.s32 $0xFFFFC000  }
0x2a: {  	[tilespmem:s15], [sflag:$0x1] =	stream.indirect.gather [hbm4b:s4+s16], $0x80, s24, s16, $0xb8;
	[tilespmem:$0x1E000] =	vst v63  }
0x2b: {  	_ =	swait.ge [sflag:s19], $0x4000  }
0x2c: {  	[sflag:s19] =	ssyncset.done $0x0  }
0x2d: {  	s31 =	simm.s32 $0x1080;
	[sflag:s19] =	ssyncadd.s32 $0xFFFFC000  }
0x2e: {  	[spmem:s1] =	stream.indirect.scatter.add.f32 [tilespmem:s17], [sflag:$0x3], $0x80, s31, s16, $0xb8;
	[tilespmem:$0x1E000] =	vst v63  }
0x2f: {  	_ =	swait.ge [sflag:s14], $0x4000  }
0x30: {  	s24 =	simm.s32 $0x200;
	[sflag:s14] =	ssyncset.done $0x0  }
.LBB2_3:
0x31: {  	[sflag:s14] =	ssyncadd.s32 $0xFFFFC000  }
0x32: {  	s22 =	sadd.s32 $0x100, s22;
	s23 =	sadd.s32 $0x100, s23;
	s25 =	smov.u32 s24  }
0x33: {  	[tilespmem:s17], [sflag:$0x2] =	stream.indirect.gather [hbm4b:s4+s16], $0x80, s23, s16, $0xb8;
	[tilespmem:$0x1E000] =	vst v63  }
0x34: {  	p0 =	sne.s32 s24, $0x1000;
	s24 =	sadd.s32 $0x100, s24;
	_ =	swait.ge [sflag:s18], $0x4000  }
0x35: {  	[sflag:s18] =	ssyncset.done $0x0  }
0x36: {  	[sflag:s18] =	ssyncadd.s32 $0xFFFFC000  }
0x37: {  	[spmem:s1] =	stream.indirect.scatter.add.f32 [tilespmem:s15], [sflag:$0x3], $0x80, s22, s16, $0xb8;
	[tilespmem:$0x1E000] =	vst v63  }
0x38: {  	_ =	swait.ge [sflag:s14], $0x4000  }
0x39: {  	[sflag:s14] =	ssyncset.done $0x0  }
0x3a: {  	s25 =	sand.u32 $0xF00, s25;
	[sflag:s14] =	ssyncadd.s32 $0xFFFFC000  }
0x3b: {  	[tilespmem:s15], [sflag:$0x1] =	stream.indirect.gather [hbm4b:s4+s16], $0x80, s25, s16, $0xb8;
	[tilespmem:$0x1E000] =	vst v63  }
0x3c: {  	_ =	swait.ge [sflag:s19], $0x4000  }
.Ltmp0:
0x3d: {  	[sflag:s19] =	ssyncset.done $0x0;
	(pc) =	sbr.rel @p0 .LBB2_3-.Ltmp0, $4  }
0x3e: {  	s25 =	sadd.s32 $0x80, s22;
	[sflag:s19] =	ssyncadd.s32 $0xFFFFC000  }
0x3f: {  	[spmem:s1] =	stream.indirect.scatter.add.f32 [tilespmem:s17], [sflag:$0x3], $0x80, s25, s16, $0xb8;
	[tilespmem:$0x1E000] =	vst v63  }
0x40: {  	_ =	swait.ge [sflag:s14], $0x4000  }
0x41: {  	[sflag:s14] =	ssyncset.done $0x0  }
0x42: {  	s21 =	sadd.s32 $0x1, s21  }
0x43: {  	p0 =	sne.s32 s21, $0x5  }
.Ltmp1:
0x44: {  	_ = 	snop;
	(pc) =	sbr.rel @p0 .LBB2_2-.Ltmp1, $4  }
0x45: {  	[sflag:s14] =	ssyncadd.s32 $0xFFFFC000  }
0x46: {  	_ =	swait.ge [sflag:s18], $0x4000  }
0x47: {  	[sflag:s18] =	ssyncset.done $0x0  }
0x48: {  	[sflag:s18] =	ssyncadd.s32 $0xFFFFC000  }
0x49: {  	s20 =	sadd.s32 $0x1, s20  }
0x4a: {  	p0 =	sne.s32 s20, s12  }
.Ltmp2:
0x4b: {  	[bflag:$0x0] =	sbarrier.arrive $0xFFFF;
	(pc) =	sbr.rel @p0 .LBB2_1-.Ltmp2, $4  }
0x4c: {  	[hbm:s11], [sflag:s9] =	dma.local [spmem:s13], $0x2800  }
0x4d: {  	_ =	swait.ge [sflag:s14], $0x2800  }
0x4e: {  	[sflag:s14] =	ssyncset.done $0x0  }
0x4f: {  	[sflag:s14] =	ssyncadd.s32 $0xFFFFD800  }
0x50: {  	_ =	sfence.sel $0x180000  }
0x51: {  	[bflag:$0x0] =	sbarrier.arrive $0xFFFF  }
0x52: {  	p0 =	sne.s32 s2, $0x0;
	_ =	strace $0x9000004D  }
0x53: {  	s0 =	sadd.s32 @!p0 $0x100000, s0;
	[bflag:$0x2] =	sbarrier.arrive $0xFFFF  }
0x54: {  	[sflag:s0] =	ssyncadd.tile.s32 @!p0 $0x1;
	_ =	shalt  }
.Lfunc_end2:
_tile_overlayer_lowered:
.L_overlay_start_2:
0x55: {  	(tag) =	ssettag $0x2  }
0x56: {  	s0 =	rddreg [dreg:$0x0];
	s2 =	stileid.u32  }
0x57: {  	s1 =	rddreg [dreg:$0x1];
	p0 =	sne.s32 s2, $0x0  }
0x58: {  	s3 =	rddreg [dreg:$0x2];
	[bflag:$0x3] =	sbarrier.arrive $0xFFFF;
	s2 =	simm.s32 @!p0 $0x1C03  }
0x59: {  	[timem:s3], [sflag:s2] =	dma.local @!p0 [hbm:s0], s1  }
0x5a: {  	s0 =	simm.s32 @!p0 $0x3  }
0x5b: {  	_ =	swait.ge @!p0 [sflag:s0], s1  }
0x5c: {  	s1 =	ssub.s32 @!p0 $0x0, s1;
	[sflag:s0] =	ssyncset.done @!p0 $0x0  }
0x5d: {  	[sflag:s0] =	ssyncadd.s32 @!p0 s1  }
0x5e: {  	[bflag:$0x3] =	sbarrier.arrive $0xFFFF  }
0x5f: {  	_ =	shalt  }

// kernel: kernel.43.cloned.1.call-start
scs
__scs_entry_jumppad:
0x0: {  	(pc) =	sbr.rel $0x88, $3  }
0x1: {  	(tag) =	ssettag $0x0;
	lr =	simm.s32 $0x1  }
0x2: {  	[smem:$0x3F67] =	sst lr;
	_ =	strace $0xD0000000  }
0x3: {  	_ = 	snop  }
0x4: {  	_ = 	snop  }
0x5: {  	_ = 	snop  }
0x6: {  	_ = 	snop  }
0x7: {  	_ = 	snop  }
__scs_overlays_trampoline_lowered:
0x8: {  	[smem:$0x3F76] =	sst s0  }
0x9: {  	[smem:$0x3F77] =	sst s1  }
0xa: {  	[smem:$0x3F78] =	sst s2  }
0xb: {  	[smem:$0x3F79] =	sst s3  }
0xc: {  	[smem:$0x3F7A] =	sst s4  }
0xd: {  	[smem:$0x3F7B] =	sst s5  }
0xe: {  	[smem:$0x3F7C] =	sst s6  }
0xf: {  	[smem:$0x3F7D] =	sst s7  }
0x10: {  	[smem:$0x3F7E] =	sst s8  }
0x11: {  	[smem:$0x3F7F] =	sst s9;
	s0 =	simm.s32 @!p0 $0x0  }
0x12: {  	s1 =	sld [smem:$0x3F65];
	s0 =	simm.s32 @p0 $0x1  }
0x13: {  	[smem:$0x3F80] =	sst s0;
	s0 =	simm.s32 @!p1 $0x0  }
0x14: {  	s2 =	sld [smem:$0x3F64];
	s0 =	simm.s32 @p1 $0x1  }
0x15: {  	[smem:$0x3F81] =	sst s0;
	s0 =	simm.s32 @!p2 $0x0  }
0x16: {  	s3 =	sld [smem:$0x3FDB];
	s0 =	simm.s32 @p2 $0x1  }
0x17: {  	s4 =	simm.s32 $0x1BF5;
	[smem:$0x3F83] =	sst s0  }
0x18: {  	s0 =	sld [smem:$0x3F66];
	_ =	swait.ge [sflag:s4], $0x0  }
0x19: {  	s7 =	sld [smem:$0x3F67]  }
0x1a: {  	s8 =	sadd.s32 $0xFFFFE003, lr  }
0x1b: {  	s9 =	sadd.s32 $0xFFFFFEF7, lr;
	s5 =	simm.s32 $0xFFFFFFFF;
	p2 =	slt.u32 s8, $0xFFFFF086  }
0x1c: {  	p1 =	slt.u32 s9, $0xF7A;
	s5 =	simm.s32 @!p2 $0x0  }
0x1d: {  	s5 =	simm.s32 @p1 $0x1;
	p0 =	seq.s32 s7, s2  }
0x1e: {  	s7 =	smul.u32 @!p0 $0xF7A, s2;
	p2 =	seq.s32 @!p0 s5, $0x0  }
0x1f: {  	s9 =	smul.u32 $0xF7A, s1;
	s8 =	simm.s32 @!p0 $0x1BF5;
	p2 =	por !p2, p0  }
0x20: {  	[sflag:s8] =	ssyncset.s32 @!p0 $0xFFFFF086;
	s6 =	sadd.s32 @!p0 s3, s7;
	s7 =	simm.s32 @!p0 $0x108  }
0x21: {  	s3 =	sadd.s32 s3, s9;
	s6 =	sadd.s32 @!p0 $0x88, s6;
	s7 =	simm.s32 @p2 $0x1082  }
0x22: {  	[simem:s7], [sflag:s8] =	dma.local @!p0 [hbm:s6], $0xF7A  }
0x23: {  	s9 =	sor.u32 $0xD0000000, s2;
	s6 =	simm.s32 $0x108;
	_ =	swait.ge @!p0 [sflag:s8], $0x0  }
0x24: {  	s3 =	sadd.s32 $0x88, s3;
	s6 =	simm.s32 @!p1 $0x1082;
	[sflag:s4] =	ssyncset.s32 $0xFFFFF086  }
0x25: {  	[simem:s6], [sflag:s4] =	dma.local [hbm:s3], $0xF7A  }
0x26: {  	[smem:$0x3F67] =	sst s1;
	(tag) =	ssettag s2;
	_ =	strace s9  }
0x27: {  	s1 =	sld [smem:$0x3F77]  }
0x28: {  	s2 =	sld [smem:$0x3F78]  }
0x29: {  	s4 =	sld [smem:$0x3F7A]  }
0x2a: {  	p0 =	seq.s32 s5, $0x0;
	s5 =	sld [smem:$0x3F7B]  }
0x2b: {  	s6 =	sld [smem:$0x3F7C]  }
0x2c: {  	s7 =	sld [smem:$0x3F7D]  }
0x2d: {  	s3 =	simm.s32 $0x108;
	s8 =	sld [smem:$0x3F7E]  }
0x2e: {  	s3 =	simm.s32 @!p0 $0x1082;
	s9 =	sld [smem:$0x3F7F]  }
0x2f: {  	lr =	sadd.s32 s0, s3;
	s0 =	sld [smem:$0x3F76]  }
0x30: {  	s3 =	sld [smem:$0x3F79]  }
0x31: {  	[smem:$0x3F82] =	sst s10  }
0x32: {  	s10 =	sld [smem:$0x3F80];
	_ =	sdelay $0x3  }
0x33: {  	p0 =	seq.s32 s10, $0x1;
	s10 =	sld [smem:$0x3F82];
	_ =	sdelay $0x3  }
0x34: {  	[smem:$0x3F82] =	sst s10  }
0x35: {  	s10 =	sld [smem:$0x3F81];
	_ =	sdelay $0x3  }
0x36: {  	p1 =	seq.s32 s10, $0x1;
	s10 =	sld [smem:$0x3F82];
	_ =	sdelay $0x3  }
0x37: {  	[smem:$0x3F82] =	sst s10  }
0x38: {  	s10 =	sld [smem:$0x3F83]  }
0x39: {  	_ = 	snop;
	(pc) =	sbr.ind lr, $3  }
0x3a: {  	_ = 	snop  }
0x3b: {  	_ = 	snop  }
0x3c: {  	p2 =	seq.s32 s10, $0x1;
	s10 =	sld [smem:$0x3F82]  }
0x3d: {  	_ =	shalt  }
0x3e: {  	_ =	shalt  }
0x3f: {  	_ =	shalt  }
0x40: {  	_ =	shalt  }
0x41: {  	_ =	shalt  }
0x42: {  	_ =	shalt  }
0x43: {  	_ =	shalt  }
0x44: {  	_ =	shalt  }
0x45: {  	_ =	shalt  }
0x46: {  	_ =	shalt  }
0x47: {  	_ =	shalt  }
0x48: {  	_ =	shalt  }
0x49: {  	_ =	shalt  }
0x4a: {  	_ =	shalt  }
0x4b: {  	_ =	shalt  }
0x4c: {  	_ =	shalt  }
0x4d: {  	_ =	shalt  }
0x4e: {  	_ =	shalt  }
0x4f: {  	_ =	shalt  }
0x50: {  	_ =	shalt  }
0x51: {  	_ =	shalt  }
0x52: {  	_ =	shalt  }
0x53: {  	_ =	shalt  }
0x54: {  	_ =	shalt  }
0x55: {  	_ =	shalt  }
0x56: {  	_ =	shalt  }
0x57: {  	_ =	shalt  }
0x58: {  	_ =	shalt  }
0x59: {  	_ =	shalt  }
0x5a: {  	_ =	shalt  }
0x5b: {  	_ =	shalt  }
0x5c: {  	_ =	shalt  }
0x5d: {  	_ =	shalt  }
0x5e: {  	_ =	shalt  }
0x5f: {  	_ =	shalt  }
0x60: {  	_ =	shalt  }
0x61: {  	_ =	shalt  }
0x62: {  	_ =	shalt  }
0x63: {  	_ =	shalt  }
0x64: {  	_ =	shalt  }
0x65: {  	_ =	shalt  }
0x66: {  	_ =	shalt  }
0x67: {  	_ =	shalt  }
0x68: {  	_ =	shalt  }
0x69: {  	_ =	shalt  }
0x6a: {  	_ =	shalt  }
0x6b: {  	_ =	shalt  }
0x6c: {  	_ =	shalt  }
0x6d: {  	_ =	shalt  }
0x6e: {  	_ =	shalt  }
0x6f: {  	_ =	shalt  }
0x70: {  	_ =	shalt  }
0x71: {  	_ =	shalt  }
0x72: {  	_ =	shalt  }
0x73: {  	_ =	shalt  }
0x74: {  	_ =	shalt  }
0x75: {  	_ =	shalt  }
0x76: {  	_ =	shalt  }
0x77: {  	_ =	shalt  }
0x78: {  	_ =	shalt  }
0x79: {  	_ =	shalt  }
0x7a: {  	_ =	shalt  }
0x7b: {  	_ =	shalt  }
0x7c: {  	_ =	shalt  }
0x7d: {  	_ =	shalt  }
0x7e: {  	_ =	shalt  }
0x7f: {  	_ =	shalt  }
0x80: {  	_ =	shalt  }
0x81: {  	_ =	shalt  }
0x82: {  	_ =	shalt  }
0x83: {  	_ =	shalt  }
0x84: {  	_ =	shalt  }
0x85: {  	_ =	shalt  }
0x86: {  	_ =	shalt  }
0x87: {  	_ =	shalt  }
.Lfunc_end0:
.L_simem_size_0:
called_computation.3_lowered:
.L_overlay_start_0:
0x88: {  	s2 =	sld [smem:$0x3FD9]  }
0x89: {  	s3 =	sld [smem:$0x3FFE];
	_ =	sdelay $0x1  }
0x8a: {  	s1 =	srdreg.scid  }
0x8b: {  	s0 =	sand.u32 $0x1, s1  }
0x8c: {  	s16 =	sshll.u32 s0, $0xA;
	s2 =	sadd.s32 s3, s2  }
0x8d: {  	s2 =	sadd.s32 s2, s16  }
0x8e: {  	[smem:$0x3F8E] =	sst s2  }
0x8f: {  	_ = 	snop  }
0x90: {  	(tm) =	ssettm $0x1  }
0x91: {  	s17 =	sld [smem:$0x3FFB];
	_ =	sdelay $0x3  }
0x92: {  	_ =	strace s17  }
0x93: {  	s2 =	sld [smem:$0x3FFC];
	_ =	sdelay $0x3  }
0x94: {  	_ =	strace s2  }
0x95: {  	s2 =	sld [smem:$0x3FFD];
	_ =	sdelay $0x3  }
0x96: {  	_ =	strace s2  }
0x97: {  	_ =	strace $0x8FFFFFFF  }
0x98: {  	s18 =	sld [smem:$0x3FDB];
	_ =	sdelay $0x1  }
0x99: {  	s19 =	simm.s32 $_scs_section_size  }
0x9a: {  	s4 =	simm.s32 $_size__tile_overlayer_lowered;
	s5 =	simm.s32 $_tile_overlayer_lowered  }
0x9b: {  	s22 =	simm.s32 $0x1BFF;
	s21 =	sshll.u32 s5, $0x1;
	s2 =	sadd.s32 s19, s18  }
0x9c: {  	s6 =	simm.s32 $0x0;
	s20 =	sshll.u32 s4, $0x1;
	s4 =	sadd.s32 s21, s2  }
0x9d: {  	[timem:s6], [sflag:s22] =	dma.local [hbm:s4], s20  }
0x9e: {  	_ =	swait.ge [sflag:s22], s20  }
0x9f: {  	s3 =	ssub.s32 $0x0, s20;
	[sflag:s22] =	ssyncset.done $0x0  }
0xa0: {  	[sflag:s22] =	ssyncadd.s32 s3;
	_ =	sdelay $0x1  }
0xa1: {  	s23 =	simm.s32 $0x1B8B  }
0xa2: {  	_ =	swait.ge [sflag:s23], $0x1  }
0xa3: {  	[sflag:s23] =	ssyncset.done $0x0  }
0xa4: {  	s25 =	simm.s32 $0x1B8E;
	s24 =	sld [smem:$0x3FFE];
	[sflag:s23] =	ssyncadd.s32 $0xFFFFFFFF  }
0xa5: {  	s26 =	simm.s32 $execute0_lowered;
	[smem:$0x3FD2] =	sst s25  }
0xa6: {  	s4 =	sshll.u32 s26, $0x1;
	_ =	strace $0x8000004F;
	[dreg:$0x1] =	wrdreg $0xFFFFFFFF  }
0xa7: {  	s28 =	simm.s32 $_size_execute0_lowered;
	s2 =	sadd.s32 s2, s4;
	[dreg:$0x0] =	wrdreg $0x0  }
0xa8: {  	s4 =	sshll.u32 s28, $0x1;
	[dreg:$0x2] =	wrdreg s2  }
0xa9: {  	[dreg:$0x3] =	wrdreg s4  }
0xaa: {  	[dreg:$0x4] =	wrdreg $0xC0  }
0xab: {  	_ =	task [dreg:s6], $0x5FFFF  }
0xac: {  	[dreg:$0x1] =	wrdreg $0xFFFFFFFF  }
0xad: {  	[dreg:$0x0] =	wrdreg $0x60  }
0xae: {  	[dreg:$0x2] =	wrdreg s24  }
0xaf: {  	[dreg:$0x3] =	wrdreg $0xA0000  }
0xb0: {  	[dreg:$0x4] =	wrdreg $0x9  }
0xb1: {  	_ =	task.clear_ibuf [dreg:s6], $0x5FFFF;
	_ =	strace $0x9000004F  }
0xb2: {  	s29 =	simm.s32 $0x9;
	_ =	strace $0x80000051  }
0xb3: {  	_ =	swait.ge [sflag:s29], $0x1  }
0xb4: {  	[sflag:s29] =	ssyncadd.s32 $0xFFFFFFFF  }
0xb5: {  	_ =	strace $0x90000051  }
0xb6: {  	_ =	sfence  }
0xb7: {  	s30 =	sld [smem:$0x0];
	_ =	sdelay $0x2  }
0xb8: {  	s31 =	sshll.u32 s1, $0xD;
	s1 =	sshrl.u32 s1, $0x2  }
0xb9: {  	s3 =	sand.u32 $0x4000, s31;
	s1 =	sadd.s32 s1, s30  }
0xba: {  	s0 =	sor.u32 s3, s0;
	s1 =	sshll.u32 s1, $0x11  }
0xbb: {  	s0 =	sor.u32 s1, s0  }
0xbc: {  	s0 =	sadd.s32 $0x8F2B, s0  }
0xbd: {  	[sflag:s0] =	ssyncadd.remote.s32 $0x1  }
0xbe: {  	_ =	sfence.sel $0xFFFF  }
0xbf: {  	[dreg:$0x0] =	wrdreg $0xFFFFFFFF;
	(pc) =	sbr.abs _section_cstart, $3  }
0xc0: {  	[dreg:$0x1] =	wrdreg $0xFFFFFFFF  }
0xc1: {  	_ =	task.clear_ibuf [dreg:s6], $0x2FFFF;
	_ =	strace $0x9FFFFFFF  }
0xc2: {  	(tm) =	ssettm $0x7FFFFFFF  }
0xc3: {  	_ =	shalt  }
tec
execute0_lowered:
.L_overlay_start_1:
0x0: {  	(tag) =	ssettag $0x1  }
0x1: {  	s8 =	rddreg [dreg:$0x0]  }
0x2: {  	s1 =	rddreg [dreg:$0x1];
	s2 =	srdreg.scid  }
0x3: {  	s0 =	rddreg [dreg:$0x2];
	s3 =	simm.s32 $0x0;
	s16 =	simm.s32 $0x80  }
0x4: {  	s17 =	simm.s32 $0x6000;
	s18 =	simm.s32 $0x1;
	s19 =	simm.s32 $0x2  }
0x5: {  	s20 =	simm.s32 $0x0;
	s9 =	sand.u32 $0x1, s2;
	s2 =	stileid.u32  }
0x6: {  	[smem:$0x7FF] =	sst s3;
	s4 =	sadd.s32 $0x2AE00, s8;
	s7 =	smul.u32 $0x140000, s9  }
0x7: {  	s5 =	sadd.s32 $0x16E00, s8;
	s6 =	sadd.s32 $0xCE00, s8;
	s10 =	smul.u32 $0x14000, s2  }
0x8: {  	_ =	strace $0x80000050;
	s11 =	smul.u32 $0x50000, s2;
	s29 =	ssub.s32 $0x2, s9  }
0x9: {  	s13 =	smul.u32 $0x50000, s9;
	s31 =	sshll.u32 s2, $0x6;
	s30 =	sshrl.u32 s29, $0x1  }
0xa: {  	s9 =	sor.u32 $0x1C03, s31;
	s10 =	sadd.s32 s10, s7;
	s7 =	sadd.s32 $0xF2E00, s8  }
0xb: {  	s11 =	sshrl.u32 s11, $0x2;
	s14 =	ssub.s32 s29, s30;
	s10 =	sshrl.u32 s10, $0x3  }
0xc: {  	s15 =	sadd.s32 s11, s1;
	s12 =	sadd.s32 s10, s8;
	s8 =	smul.u32 $0x5000, s2  }
0xd: {  	s11 =	sadd.s32 $0x7AE00, s12;
	s12 =	smax.u32 s14, $0x1;
	s14 =	simm.s32 $0x3  }
0xe: {  	s10 =	sadd.s32 s13, s8;
	s13 =	sshrl.u32 s15, $0x3;
	s15 =	simm.s32 $0x2000  }
.LBB2_1:
0xf: {  	[spmem:s13], [sflag:s9] =	dma.local [hbm:s7], $0x2800  }
0x10: {  	_ =	swait.ge [sflag:s14], $0x2800  }
0x11: {  	[sflag:s14] =	ssyncset.done $0x0  }
0x12: {  	[sflag:s14] =	ssyncadd.s32 $0xFFFFD800  }
0x13: {  	s21 =	simm.s32 $0x0;
	[bflag:$0x0] =	sbarrier.arrive $0xFFFF  }
.LBB2_2:
0x14: {  	s22 =	sshll.u32 s21, $0xC  }
0x15: {  	s23 =	sadd.s32 s10, s22  }
0x16: {  	s23 =	sshrl.u32 s23, $0x3  }
0x17: {  	s23 =	sadd.s32 s5, s23  }
0x18: {  	[tilespmem:s3], [sflag:$0x3] =	stream.linear.gather [hbm4b:s23+s3], $0x1000, $0x38;
	[tilespmem:$0x1E000] =	vst v63  }
0x19: {  	s22 =	sadd.s32 s8, s22;
	_ =	swait.ge [sflag:s14], $0x1000  }
0x1a: {  	s22 =	sshrl.u32 s22, $0x3;
	[sflag:s14] =	ssyncset.done $0x0  }
0x1b: {  	s30 =	sadd.s32 s6, s22;
	s22 =	simm.s32 $0x1000;
	[sflag:s14] =	ssyncadd.s32 $0xFFFFF000  }
0x1c: {  	[tilespmem:s22], [sflag:$0x3] =	stream.linear.gather [hbm4b:s30+s3], $0x1000, $0x38;
	[tilespmem:$0x1E000] =	vst v63  }
0x1d: {  	_ =	swait.ge [sflag:s14], $0x1000  }
0x1e: {  	[sflag:s14] =	ssyncset.done $0x0  }
0x1f: {  	s23 =	simm.s32 $0x80;
	[sflag:s14] =	ssyncadd.s32 $0xFFFFF000  }
0x20: {  	[tilespmem:s15], [sflag:$0x1] =	stream.indirect.gather [hbm4b:s4+s23], $0x80, s3, s23, $0xb8;
	[tilespmem:$0x1E000] =	vst v63  }
0x21: {  	_ = 	snop  }
0x22: {  	[tilespmem:s17], [sflag:$0x2] =	stream.indirect.gather [hbm4b:s4+s16], $0x80, s23, s16, $0xb8;
	[tilespmem:$0x1E000] =	vst v63  }
0x23: {  	_ =	swait.ge [sflag:s18], $0x4000  }
0x24: {  	[sflag:s18] =	ssyncset.done $0x0  }
0x25: {  	[sflag:s18] =	ssyncadd.s32 $0xFFFFC000  }
0x26: {  	[spmem:s1] =	stream.indirect.scatter.add.f32 [tilespmem:s15], [sflag:$0x3], $0x80, s22, s16, $0xb8;
	[tilespmem:$0x1E000] =	vst v63  }
0x27: {  	_ =	swait.ge [sflag:s14], $0x4000  }
0x28: {  	s24 =	simm.s32 $0x100;
	[sflag:s14] =	ssyncset.done $0x0  }
0x29: {  	s24 =	sand.u32 $0xF00, s24;
	[sflag:s14] =	ssyncadd.s32 $0xFFFFC000  }
0x2a: {  	[tilespmem:s15], [sflag:$0x1] =	stream.indirect.gather [hbm4b:s4+s16], $0x80, s24, s16, $0xb8;
	[tilespmem:$0x1E000] =	vst v63  }
0x2b: {  	_ =	swait.ge [sflag:s19], $0x4000  }
0x2c: {  	[sflag:s19] =	ssyncset.done $0x0  }
0x2d: {  	s31 =	simm.s32 $0x1080;
	[sflag:s19] =	ssyncadd.s32 $0xFFFFC000  }
0x2e: {  	[spmem:s1] =	stream.indirect.scatter.add.f32 [tilespmem:s17], [sflag:$0x3], $0x80, s31, s16, $0xb8;
	[tilespmem:$0x1E000] =	vst v63  }
0x2f: {  	_ =	swait.ge [sflag:s14], $0x4000  }
0x30: {  	s24 =	simm.s32 $0x200;
	[sflag:s14] =	ssyncset.done $0x0  }
.LBB2_3:
0x31: {  	[sflag:s14] =	ssyncadd.s32 $0xFFFFC000  }
0x32: {  	s22 =	sadd.s32 $0x100, s22;
	s23 =	sadd.s32 $0x100, s23;
	s25 =	smov.u32 s24  }
0x33: {  	[tilespmem:s17], [sflag:$0x2] =	stream.indirect.gather [hbm4b:s4+s16], $0x80, s23, s16, $0xb8;
	[tilespmem:$0x1E000] =	vst v63  }
0x34: {  	p0 =	sne.s32 s24, $0x1000;
	s24 =	sadd.s32 $0x100, s24;
	_ =	swait.ge [sflag:s18], $0x4000  }
0x35: {  	[sflag:s18] =	ssyncset.done $0x0  }
0x36: {  	[sflag:s18] =	ssyncadd.s32 $0xFFFFC000  }
0x37: {  	[spmem:s1] =	stream.indirect.scatter.add.f32 [tilespmem:s15], [sflag:$0x3], $0x80, s22, s16, $0xb8;
	[tilespmem:$0x1E000] =	vst v63  }
0x38: {  	_ =	swait.ge [sflag:s14], $0x4000  }
0x39: {  	[sflag:s14] =	ssyncset.done $0x0  }
0x3a: {  	s25 =	sand.u32 $0xF00, s25;
	[sflag:s14] =	ssyncadd.s32 $0xFFFFC000  }
0x3b: {  	[tilespmem:s15], [sflag:$0x1] =	stream.indirect.gather [hbm4b:s4+s16], $0x80, s25, s16, $0xb8;
	[tilespmem:$0x1E000] =	vst v63  }
0x3c: {  	_ =	swait.ge [sflag:s19], $0x4000  }
.Ltmp0:
0x3d: {  	[sflag:s19] =	ssyncset.done $0x0;
	(pc) =	sbr.rel @p0 .LBB2_3-.Ltmp0, $4  }
0x3e: {  	s25 =	sadd.s32 $0x80, s22;
	[sflag:s19] =	ssyncadd.s32 $0xFFFFC000  }
0x3f: {  	[spmem:s1] =	stream.indirect.scatter.add.f32 [tilespmem:s17], [sflag:$0x3], $0x80, s25, s16, $0xb8;
	[tilespmem:$0x1E000] =	vst v63  }
0x40: {  	_ =	swait.ge [sflag:s14], $0x4000  }
0x41: {  	[sflag:s14] =	ssyncset.done $0x0  }
0x42: {  	s21 =	sadd.s32 $0x1, s21  }
0x43: {  	p0 =	sne.s32 s21, $0x5  }
.Ltmp1:
0x44: {  	_ = 	snop;
	(pc) =	sbr.rel @p0 .LBB2_2-.Ltmp1, $4  }
0x45: {  	[sflag:s14] =	ssyncadd.s32 $0xFFFFC000  }
0x46: {  	_ =	swait.ge [sflag:s18], $0x4000  }
0x47: {  	[sflag:s18] =	ssyncset.done $0x0  }
0x48: {  	[sflag:s18] =	ssyncadd.s32 $0xFFFFC000  }
0x49: {  	s20 =	sadd.s32 $0x1, s20  }
0x4a: {  	p0 =	sne.s32 s20, s12  }
.Ltmp2:
0x4b: {  	[bflag:$0x0] =	sbarrier.arrive $0xFFFF;
	(pc) =	sbr.rel @p0 .LBB2_1-.Ltmp2, $4  }
0x4c: {  	[hbm:s11], [sflag:s9] =	dma.local [spmem:s13], $0x2800  }
0x4d: {  	_ =	swait.ge [sflag:s14], $0x2800  }
0x4e: {  	[sflag:s14] =	ssyncset.done $0x0  }
0x4f: {  	[sflag:s14] =	ssyncadd.s32 $0xFFFFD800  }
0x50: {  	_ =	sfence.sel $0x180000  }
0x51: {  	[bflag:$0x0] =	sbarrier.arrive $0xFFFF  }
0x52: {  	p0 =	sne.s32 s2, $0x0;
	_ =	strace $0x90000050  }
0x53: {  	s0 =	sadd.s32 @!p0 $0x100000, s0;
	[bflag:$0x2] =	sbarrier.arrive $0xFFFF  }
0x54: {  	[sflag:s0] =	ssyncadd.tile.s32 @!p0 $0x1;
	_ =	shalt  }
.Lfunc_end2:
_tile_overlayer_lowered:
.L_overlay_start_2:
0x55: {  	(tag) =	ssettag $0x2  }
0x56: {  	s0 =	rddreg [dreg:$0x0];
	s2 =	stileid.u32  }
0x57: {  	s1 =	rddreg [dreg:$0x1];
	p0 =	sne.s32 s2, $0x0  }
0x58: {  	s3 =	rddreg [dreg:$0x2];
	[bflag:$0x3] =	sbarrier.arrive $0xFFFF;
	s2 =	simm.s32 @!p0 $0x1C03  }
0x59: {  	[timem:s3], [sflag:s2] =	dma.local @!p0 [hbm:s0], s1  }
0x5a: {  	s0 =	simm.s32 @!p0 $0x3  }
0x5b: {  	_ =	swait.ge @!p0 [sflag:s0], s1  }
0x5c: {  	s1 =	ssub.s32 @!p0 $0x0, s1;
	[sflag:s0] =	ssyncset.done @!p0 $0x0  }
0x5d: {  	[sflag:s0] =	ssyncadd.s32 @!p0 s1  }
0x5e: {  	[bflag:$0x3] =	sbarrier.arrive $0xFFFF  }
0x5f: {  	_ =	shalt  }

// kernel: kernel.46.cloned.1.call-start
scs
__scs_entry_jumppad:
0x0: {  	(pc) =	sbr.rel $0x88, $3  }
0x1: {  	(tag) =	ssettag $0x0;
	lr =	simm.s32 $0x1  }
0x2: {  	[smem:$0x3F67] =	sst lr;
	_ =	strace $0xD0000000  }
0x3: {  	_ = 	snop  }
0x4: {  	_ = 	snop  }
0x5: {  	_ = 	snop  }
0x6: {  	_ = 	snop  }
0x7: {  	_ = 	snop  }
__scs_overlays_trampoline_lowered:
0x8: {  	[smem:$0x3F76] =	sst s0  }
0x9: {  	[smem:$0x3F77] =	sst s1  }
0xa: {  	[smem:$0x3F78] =	sst s2  }
0xb: {  	[smem:$0x3F79] =	sst s3  }
0xc: {  	[smem:$0x3F7A] =	sst s4  }
0xd: {  	[smem:$0x3F7B] =	sst s5  }
0xe: {  	[smem:$0x3F7C] =	sst s6  }
0xf: {  	[smem:$0x3F7D] =	sst s7  }
0x10: {  	[smem:$0x3F7E] =	sst s8  }
0x11: {  	[smem:$0x3F7F] =	sst s9;
	s0 =	simm.s32 @!p0 $0x0  }
0x12: {  	s1 =	sld [smem:$0x3F65];
	s0 =	simm.s32 @p0 $0x1  }
0x13: {  	[smem:$0x3F80] =	sst s0;
	s0 =	simm.s32 @!p1 $0x0  }
0x14: {  	s2 =	sld [smem:$0x3F64];
	s0 =	simm.s32 @p1 $0x1  }
0x15: {  	[smem:$0x3F81] =	sst s0;
	s0 =	simm.s32 @!p2 $0x0  }
0x16: {  	s3 =	sld [smem:$0x3FDB];
	s0 =	simm.s32 @p2 $0x1  }
0x17: {  	s4 =	simm.s32 $0x1BF5;
	[smem:$0x3F83] =	sst s0  }
0x18: {  	s0 =	sld [smem:$0x3F66];
	_ =	swait.ge [sflag:s4], $0x0  }
0x19: {  	s7 =	sld [smem:$0x3F67]  }
0x1a: {  	s8 =	sadd.s32 $0xFFFFE003, lr  }
0x1b: {  	s9 =	sadd.s32 $0xFFFFFEF7, lr;
	s5 =	simm.s32 $0xFFFFFFFF;
	p2 =	slt.u32 s8, $0xFFFFF086  }
0x1c: {  	p1 =	slt.u32 s9, $0xF7A;
	s5 =	simm.s32 @!p2 $0x0  }
0x1d: {  	s5 =	simm.s32 @p1 $0x1;
	p0 =	seq.s32 s7, s2  }
0x1e: {  	s7 =	smul.u32 @!p0 $0xF7A, s2;
	p2 =	seq.s32 @!p0 s5, $0x0  }
0x1f: {  	s9 =	smul.u32 $0xF7A, s1;
	s8 =	simm.s32 @!p0 $0x1BF5;
	p2 =	por !p2, p0  }
0x20: {  	[sflag:s8] =	ssyncset.s32 @!p0 $0xFFFFF086;
	s6 =	sadd.s32 @!p0 s3, s7;
	s7 =	simm.s32 @!p0 $0x108  }
0x21: {  	s3 =	sadd.s32 s3, s9;
	s6 =	sadd.s32 @!p0 $0x88, s6;
	s7 =	simm.s32 @p2 $0x1082  }
0x22: {  	[simem:s7], [sflag:s8] =	dma.local @!p0 [hbm:s6], $0xF7A  }
0x23: {  	s9 =	sor.u32 $0xD0000000, s2;
	s6 =	simm.s32 $0x108;
	_ =	swait.ge @!p0 [sflag:s8], $0x0  }
0x24: {  	s3 =	sadd.s32 $0x88, s3;
	s6 =	simm.s32 @!p1 $0x1082;
	[sflag:s4] =	ssyncset.s32 $0xFFFFF086  }
0x25: {  	[simem:s6], [sflag:s4] =	dma.local [hbm:s3], $0xF7A  }
0x26: {  	[smem:$0x3F67] =	sst s1;
	(tag) =	ssettag s2;
	_ =	strace s9  }
0x27: {  	s1 =	sld [smem:$0x3F77]  }
0x28: {  	s2 =	sld [smem:$0x3F78]  }
0x29: {  	s4 =	sld [smem:$0x3F7A]  }
0x2a: {  	p0 =	seq.s32 s5, $0x0;
	s5 =	sld [smem:$0x3F7B]  }
0x2b: {  	s6 =	sld [smem:$0x3F7C]  }
0x2c: {  	s7 =	sld [smem:$0x3F7D]  }
0x2d: {  	s3 =	simm.s32 $0x108;
	s8 =	sld [smem:$0x3F7E]  }
0x2e: {  	s3 =	simm.s32 @!p0 $0x1082;
	s9 =	sld [smem:$0x3F7F]  }
0x2f: {  	lr =	sadd.s32 s0, s3;
	s0 =	sld [smem:$0x3F76]  }
0x30: {  	s3 =	sld [smem:$0x3F79]  }
0x31: {  	[smem:$0x3F82] =	sst s10  }
0x32: {  	s10 =	sld [smem:$0x3F80];
	_ =	sdelay $0x3  }
0x33: {  	p0 =	seq.s32 s10, $0x1;
	s10 =	sld [smem:$0x3F82];
	_ =	sdelay $0x3  }
0x34: {  	[smem:$0x3F82] =	sst s10  }
0x35: {  	s10 =	sld [smem:$0x3F81];
	_ =	sdelay $0x3  }
0x36: {  	p1 =	seq.s32 s10, $0x1;
	s10 =	sld [smem:$0x3F82];
	_ =	sdelay $0x3  }
0x37: {  	[smem:$0x3F82] =	sst s10  }
0x38: {  	s10 =	sld [smem:$0x3F83]  }
0x39: {  	_ = 	snop;
	(pc) =	sbr.ind lr, $3  }
0x3a: {  	_ = 	snop  }
0x3b: {  	_ = 	snop  }
0x3c: {  	p2 =	seq.s32 s10, $0x1;
	s10 =	sld [smem:$0x3F82]  }
0x3d: {  	_ =	shalt  }
0x3e: {  	_ =	shalt  }
0x3f: {  	_ =	shalt  }
0x40: {  	_ =	shalt  }
0x41: {  	_ =	shalt  }
0x42: {  	_ =	shalt  }
0x43: {  	_ =	shalt  }
0x44: {  	_ =	shalt  }
0x45: {  	_ =	shalt  }
0x46: {  	_ =	shalt  }
0x47: {  	_ =	shalt  }
0x48: {  	_ =	shalt  }
0x49: {  	_ =	shalt  }
0x4a: {  	_ =	shalt  }
0x4b: {  	_ =	shalt  }
0x4c: {  	_ =	shalt  }
0x4d: {  	_ =	shalt  }
0x4e: {  	_ =	shalt  }
0x4f: {  	_ =	shalt  }
0x50: {  	_ =	shalt  }
0x51: {  	_ =	shalt  }
0x52: {  	_ =	shalt  }
0x53: {  	_ =	shalt  }
0x54: {  	_ =	shalt  }
0x55: {  	_ =	shalt  }
0x56: {  	_ =	shalt  }
0x57: {  	_ =	shalt  }
0x58: {  	_ =	shalt  }
0x59: {  	_ =	shalt  }
0x5a: {  	_ =	shalt  }
0x5b: {  	_ =	shalt  }
0x5c: {  	_ =	shalt  }
0x5d: {  	_ =	shalt  }
0x5e: {  	_ =	shalt  }
0x5f: {  	_ =	shalt  }
0x60: {  	_ =	shalt  }
0x61: {  	_ =	shalt  }
0x62: {  	_ =	shalt  }
0x63: {  	_ =	shalt  }
0x64: {  	_ =	shalt  }
0x65: {  	_ =	shalt  }
0x66: {  	_ =	shalt  }
0x67: {  	_ =	shalt  }
0x68: {  	_ =	shalt  }
0x69: {  	_ =	shalt  }
0x6a: {  	_ =	shalt  }
0x6b: {  	_ =	shalt  }
0x6c: {  	_ =	shalt  }
0x6d: {  	_ =	shalt  }
0x6e: {  	_ =	shalt  }
0x6f: {  	_ =	shalt  }
0x70: {  	_ =	shalt  }
0x71: {  	_ =	shalt  }
0x72: {  	_ =	shalt  }
0x73: {  	_ =	shalt  }
0x74: {  	_ =	shalt  }
0x75: {  	_ =	shalt  }
0x76: {  	_ =	shalt  }
0x77: {  	_ =	shalt  }
0x78: {  	_ =	shalt  }
0x79: {  	_ =	shalt  }
0x7a: {  	_ =	shalt  }
0x7b: {  	_ =	shalt  }
0x7c: {  	_ =	shalt  }
0x7d: {  	_ =	shalt  }
0x7e: {  	_ =	shalt  }
0x7f: {  	_ =	shalt  }
0x80: {  	_ =	shalt  }
0x81: {  	_ =	shalt  }
0x82: {  	_ =	shalt  }
0x83: {  	_ =	shalt  }
0x84: {  	_ =	shalt  }
0x85: {  	_ =	shalt  }
0x86: {  	_ =	shalt  }
0x87: {  	_ =	shalt  }
.Lfunc_end0:
.L_simem_size_0:
called_computation.4_lowered:
.L_overlay_start_0:
0x88: {  	s2 =	sld [smem:$0x3FD9]  }
0x89: {  	s3 =	sld [smem:$0x3FFE];
	_ =	sdelay $0x1  }
0x8a: {  	s1 =	srdreg.scid  }
0x8b: {  	s0 =	sand.u32 $0x1, s1  }
0x8c: {  	s16 =	sshll.u32 s0, $0xA;
	s2 =	sadd.s32 s3, s2  }
0x8d: {  	s2 =	sadd.s32 s2, s16  }
0x8e: {  	[smem:$0x3F8E] =	sst s2  }
0x8f: {  	_ = 	snop  }
0x90: {  	(tm) =	ssettm $0x1  }
0x91: {  	s17 =	sld [smem:$0x3FFB];
	_ =	sdelay $0x3  }
0x92: {  	_ =	strace s17  }
0x93: {  	s2 =	sld [smem:$0x3FFC];
	_ =	sdelay $0x3  }
0x94: {  	_ =	strace s2  }
0x95: {  	s2 =	sld [smem:$0x3FFD];
	_ =	sdelay $0x3  }
0x96: {  	_ =	strace s2  }
0x97: {  	_ =	strace $0x8FFFFFFF  }
0x98: {  	s18 =	sld [smem:$0x3FDB];
	_ =	sdelay $0x1  }
0x99: {  	s19 =	simm.s32 $_scs_section_size  }
0x9a: {  	s4 =	simm.s32 $_size__tile_overlayer_lowered;
	s5 =	simm.s32 $_tile_overlayer_lowered  }
0x9b: {  	s22 =	simm.s32 $0x1BFF;
	s21 =	sshll.u32 s5, $0x1;
	s2 =	sadd.s32 s19, s18  }
0x9c: {  	s6 =	simm.s32 $0x0;
	s20 =	sshll.u32 s4, $0x1;
	s4 =	sadd.s32 s21, s2  }
0x9d: {  	[timem:s6], [sflag:s22] =	dma.local [hbm:s4], s20  }
0x9e: {  	_ =	swait.ge [sflag:s22], s20  }
0x9f: {  	s3 =	ssub.s32 $0x0, s20;
	[sflag:s22] =	ssyncset.done $0x0  }
0xa0: {  	[sflag:s22] =	ssyncadd.s32 s3;
	_ =	sdelay $0x1  }
0xa1: {  	s23 =	simm.s32 $0x1B8B  }
0xa2: {  	_ =	swait.ge [sflag:s23], $0x1  }
0xa3: {  	[sflag:s23] =	ssyncset.done $0x0  }
0xa4: {  	s25 =	simm.s32 $0x1B8E;
	s24 =	sld [smem:$0x3FFE];
	[sflag:s23] =	ssyncadd.s32 $0xFFFFFFFF  }
0xa5: {  	s26 =	simm.s32 $execute0_lowered;
	[smem:$0x3FD2] =	sst s25  }
0xa6: {  	s4 =	sshll.u32 s26, $0x1;
	_ =	strace $0x80000052;
	[dreg:$0x1] =	wrdreg $0xFFFFFFFF  }
0xa7: {  	s28 =	simm.s32 $_size_execute0_lowered;
	s2 =	sadd.s32 s2, s4;
	[dreg:$0x0] =	wrdreg $0x0  }
0xa8: {  	s4 =	sshll.u32 s28, $0x1;
	[dreg:$0x2] =	wrdreg s2  }
0xa9: {  	[dreg:$0x3] =	wrdreg s4  }
0xaa: {  	[dreg:$0x4] =	wrdreg $0xC0  }
0xab: {  	_ =	task [dreg:s6], $0x5FFFF  }
0xac: {  	[dreg:$0x1] =	wrdreg $0xFFFFFFFF  }
0xad: {  	[dreg:$0x0] =	wrdreg $0x60  }
0xae: {  	[dreg:$0x2] =	wrdreg s24  }
0xaf: {  	[dreg:$0x3] =	wrdreg $0xA0000  }
0xb0: {  	[dreg:$0x4] =	wrdreg $0x9  }
0xb1: {  	_ =	task.clear_ibuf [dreg:s6], $0x5FFFF;
	_ =	strace $0x90000052  }
0xb2: {  	s29 =	simm.s32 $0x9;
	_ =	strace $0x80000054  }
0xb3: {  	_ =	swait.ge [sflag:s29], $0x1  }
0xb4: {  	[sflag:s29] =	ssyncadd.s32 $0xFFFFFFFF  }
0xb5: {  	_ =	strace $0x90000054  }
0xb6: {  	_ =	sfence  }
0xb7: {  	s30 =	sld [smem:$0x0];
	_ =	sdelay $0x2  }
0xb8: {  	s31 =	sshll.u32 s1, $0xD;
	s1 =	sshrl.u32 s1, $0x2  }
0xb9: {  	s3 =	sand.u32 $0x4000, s31;
	s1 =	sadd.s32 s1, s30  }
0xba: {  	s0 =	sor.u32 s3, s0;
	s1 =	sshll.u32 s1, $0x11  }
0xbb: {  	s0 =	sor.u32 s1, s0  }
0xbc: {  	s0 =	sadd.s32 $0x8F2B, s0  }
0xbd: {  	[sflag:s0] =	ssyncadd.remote.s32 $0x1  }
0xbe: {  	_ =	sfence.sel $0xFFFF  }
0xbf: {  	[dreg:$0x0] =	wrdreg $0xFFFFFFFF;
	(pc) =	sbr.abs _section_cstart, $3  }
0xc0: {  	[dreg:$0x1] =	wrdreg $0xFFFFFFFF  }
0xc1: {  	_ =	task.clear_ibuf [dreg:s6], $0x2FFFF;
	_ =	strace $0x9FFFFFFF  }
0xc2: {  	(tm) =	ssettm $0x7FFFFFFF  }
0xc3: {  	_ =	shalt  }
tec
execute0_lowered:
.L_overlay_start_1:
0x0: {  	(tag) =	ssettag $0x1  }
0x1: {  	s8 =	rddreg [dreg:$0x0]  }
0x2: {  	s1 =	rddreg [dreg:$0x1];
	s2 =	srdreg.scid  }
0x3: {  	s0 =	rddreg [dreg:$0x2];
	s3 =	simm.s32 $0x0;
	s16 =	simm.s32 $0x80  }
0x4: {  	s17 =	simm.s32 $0x6000;
	s18 =	simm.s32 $0x1;
	s19 =	simm.s32 $0x2  }
0x5: {  	s20 =	simm.s32 $0x0;
	s9 =	sand.u32 $0x1, s2;
	s2 =	stileid.u32  }
0x6: {  	[smem:$0x7FF] =	sst s3;
	s4 =	sadd.s32 $0x2AE00, s8;
	s7 =	smul.u32 $0x140000, s9  }
0x7: {  	s5 =	sadd.s32 $0x16E00, s8;
	s6 =	sadd.s32 $0xCE00, s8;
	s10 =	smul.u32 $0x14000, s2  }
0x8: {  	_ =	strace $0x80000053;
	s11 =	smul.u32 $0x50000, s2;
	s29 =	ssub.s32 $0x2, s9  }
0x9: {  	s13 =	smul.u32 $0x50000, s9;
	s31 =	sshll.u32 s2, $0x6;
	s30 =	sshrl.u32 s29, $0x1  }
0xa: {  	s9 =	sor.u32 $0x1C03, s31;
	s10 =	sadd.s32 s10, s7;
	s7 =	sadd.s32 $0xF2E00, s8  }
0xb: {  	s11 =	sshrl.u32 s11, $0x2;
	s14 =	ssub.s32 s29, s30;
	s10 =	sshrl.u32 s10, $0x3  }
0xc: {  	s15 =	sadd.s32 s11, s1;
	s12 =	sadd.s32 s10, s8;
	s8 =	smul.u32 $0x5000, s2  }
0xd: {  	s11 =	sadd.s32 $0x7AE00, s12;
	s12 =	smax.u32 s14, $0x1;
	s14 =	simm.s32 $0x3  }
0xe: {  	s10 =	sadd.s32 s13, s8;
	s13 =	sshrl.u32 s15, $0x3;
	s15 =	simm.s32 $0x2000  }
.LBB2_1:
0xf: {  	[spmem:s13], [sflag:s9] =	dma.local [hbm:s7], $0x2800  }
0x10: {  	_ =	swait.ge [sflag:s14], $0x2800  }
0x11: {  	[sflag:s14] =	ssyncset.done $0x0  }
0x12: {  	[sflag:s14] =	ssyncadd.s32 $0xFFFFD800  }
0x13: {  	s21 =	simm.s32 $0x0;
	[bflag:$0x0] =	sbarrier.arrive $0xFFFF  }
.LBB2_2:
0x14: {  	s22 =	sshll.u32 s21, $0xC  }
0x15: {  	s23 =	sadd.s32 s10, s22  }
0x16: {  	s23 =	sshrl.u32 s23, $0x3  }
0x17: {  	s23 =	sadd.s32 s5, s23  }
0x18: {  	[tilespmem:s3], [sflag:$0x3] =	stream.linear.gather [hbm4b:s23+s3], $0x1000, $0x38;
	[tilespmem:$0x1E000] =	vst v63  }
0x19: {  	s22 =	sadd.s32 s8, s22;
	_ =	swait.ge [sflag:s14], $0x1000  }
0x1a: {  	s22 =	sshrl.u32 s22, $0x3;
	[sflag:s14] =	ssyncset.done $0x0  }
0x1b: {  	s30 =	sadd.s32 s6, s22;
	s22 =	simm.s32 $0x1000;
	[sflag:s14] =	ssyncadd.s32 $0xFFFFF000  }
0x1c: {  	[tilespmem:s22], [sflag:$0x3] =	stream.linear.gather [hbm4b:s30+s3], $0x1000, $0x38;
	[tilespmem:$0x1E000] =	vst v63  }
0x1d: {  	_ =	swait.ge [sflag:s14], $0x1000  }
0x1e: {  	[sflag:s14] =	ssyncset.done $0x0  }
0x1f: {  	s23 =	simm.s32 $0x80;
	[sflag:s14] =	ssyncadd.s32 $0xFFFFF000  }
0x20: {  	[tilespmem:s15], [sflag:$0x1] =	stream.indirect.gather [hbm4b:s4+s23], $0x80, s3, s23, $0xb8;
	[tilespmem:$0x1E000] =	vst v63  }
0x21: {  	_ = 	snop  }
0x22: {  	[tilespmem:s17], [sflag:$0x2] =	stream.indirect.gather [hbm4b:s4+s16], $0x80, s23, s16, $0xb8;
	[tilespmem:$0x1E000] =	vst v63  }
0x23: {  	_ =	swait.ge [sflag:s18], $0x4000  }
0x24: {  	[sflag:s18] =	ssyncset.done $0x0  }
0x25: {  	[sflag:s18] =	ssyncadd.s32 $0xFFFFC000  }
0x26: {  	[spmem:s1] =	stream.indirect.scatter.add.f32 [tilespmem:s15], [sflag:$0x3], $0x80, s22, s16, $0xb8;
	[tilespmem:$0x1E000] =	vst v63  }
0x27: {  	_ =	swait.ge [sflag:s14], $0x4000  }
0x28: {  	s24 =	simm.s32 $0x100;
	[sflag:s14] =	ssyncset.done $0x0  }
0x29: {  	s24 =	sand.u32 $0xF00, s24;
	[sflag:s14] =	ssyncadd.s32 $0xFFFFC000  }
0x2a: {  	[tilespmem:s15], [sflag:$0x1] =	stream.indirect.gather [hbm4b:s4+s16], $0x80, s24, s16, $0xb8;
	[tilespmem:$0x1E000] =	vst v63  }
0x2b: {  	_ =	swait.ge [sflag:s19], $0x4000  }
0x2c: {  	[sflag:s19] =	ssyncset.done $0x0  }
0x2d: {  	s31 =	simm.s32 $0x1080;
	[sflag:s19] =	ssyncadd.s32 $0xFFFFC000  }
0x2e: {  	[spmem:s1] =	stream.indirect.scatter.add.f32 [tilespmem:s17], [sflag:$0x3], $0x80, s31, s16, $0xb8;
	[tilespmem:$0x1E000] =	vst v63  }
0x2f: {  	_ =	swait.ge [sflag:s14], $0x4000  }
0x30: {  	s24 =	simm.s32 $0x200;
	[sflag:s14] =	ssyncset.done $0x0  }
.LBB2_3:
0x31: {  	[sflag:s14] =	ssyncadd.s32 $0xFFFFC000  }
0x32: {  	s22 =	sadd.s32 $0x100, s22;
	s23 =	sadd.s32 $0x100, s23;
	s25 =	smov.u32 s24  }
0x33: {  	[tilespmem:s17], [sflag:$0x2] =	stream.indirect.gather [hbm4b:s4+s16], $0x80, s23, s16, $0xb8;
	[tilespmem:$0x1E000] =	vst v63  }
0x34: {  	p0 =	sne.s32 s24, $0x1000;
	s24 =	sadd.s32 $0x100, s24;
	_ =	swait.ge [sflag:s18], $0x4000  }
0x35: {  	[sflag:s18] =	ssyncset.done $0x0  }
0x36: {  	[sflag:s18] =	ssyncadd.s32 $0xFFFFC000  }
0x37: {  	[spmem:s1] =	stream.indirect.scatter.add.f32 [tilespmem:s15], [sflag:$0x3], $0x80, s22, s16, $0xb8;
	[tilespmem:$0x1E000] =	vst v63  }
0x38: {  	_ =	swait.ge [sflag:s14], $0x4000  }
0x39: {  	[sflag:s14] =	ssyncset.done $0x0  }
0x3a: {  	s25 =	sand.u32 $0xF00, s25;
	[sflag:s14] =	ssyncadd.s32 $0xFFFFC000  }
0x3b: {  	[tilespmem:s15], [sflag:$0x1] =	stream.indirect.gather [hbm4b:s4+s16], $0x80, s25, s16, $0xb8;
	[tilespmem:$0x1E000] =	vst v63  }
0x3c: {  	_ =	swait.ge [sflag:s19], $0x4000  }
.Ltmp0:
0x3d: {  	[sflag:s19] =	ssyncset.done $0x0;
	(pc) =	sbr.rel @p0 .LBB2_3-.Ltmp0, $4  }
0x3e: {  	s25 =	sadd.s32 $0x80, s22;
	[sflag:s19] =	ssyncadd.s32 $0xFFFFC000  }
0x3f: {  	[spmem:s1] =	stream.indirect.scatter.add.f32 [tilespmem:s17], [sflag:$0x3], $0x80, s25, s16, $0xb8;
	[tilespmem:$0x1E000] =	vst v63  }
0x40: {  	_ =	swait.ge [sflag:s14], $0x4000  }
0x41: {  	[sflag:s14] =	ssyncset.done $0x0  }
0x42: {  	s21 =	sadd.s32 $0x1, s21  }
0x43: {  	p0 =	sne.s32 s21, $0x5  }
.Ltmp1:
0x44: {  	_ = 	snop;
	(pc) =	sbr.rel @p0 .LBB2_2-.Ltmp1, $4  }
0x45: {  	[sflag:s14] =	ssyncadd.s32 $0xFFFFC000  }
0x46: {  	_ =	swait.ge [sflag:s18], $0x4000  }
0x47: {  	[sflag:s18] =	ssyncset.done $0x0  }
0x48: {  	[sflag:s18] =	ssyncadd.s32 $0xFFFFC000  }
0x49: {  	s20 =	sadd.s32 $0x1, s20  }
0x4a: {  	p0 =	sne.s32 s20, s12  }
.Ltmp2:
0x4b: {  	[bflag:$0x0] =	sbarrier.arrive $0xFFFF;
	(pc) =	sbr.rel @p0 .LBB2_1-.Ltmp2, $4  }
0x4c: {  	[hbm:s11], [sflag:s9] =	dma.local [spmem:s13], $0x2800  }
0x4d: {  	_ =	swait.ge [sflag:s14], $0x2800  }
0x4e: {  	[sflag:s14] =	ssyncset.done $0x0  }
0x4f: {  	[sflag:s14] =	ssyncadd.s32 $0xFFFFD800  }
0x50: {  	_ =	sfence.sel $0x180000  }
0x51: {  	[bflag:$0x0] =	sbarrier.arrive $0xFFFF  }
0x52: {  	p0 =	sne.s32 s2, $0x0;
	_ =	strace $0x90000053  }
0x53: {  	s0 =	sadd.s32 @!p0 $0x100000, s0;
	[bflag:$0x2] =	sbarrier.arrive $0xFFFF  }
0x54: {  	[sflag:s0] =	ssyncadd.tile.s32 @!p0 $0x1;
	_ =	shalt  }
.Lfunc_end2:
_tile_overlayer_lowered:
.L_overlay_start_2:
0x55: {  	(tag) =	ssettag $0x2  }
0x56: {  	s0 =	rddreg [dreg:$0x0];
	s2 =	stileid.u32  }
0x57: {  	s1 =	rddreg [dreg:$0x1];
	p0 =	sne.s32 s2, $0x0  }
0x58: {  	s3 =	rddreg [dreg:$0x2];
	[bflag:$0x3] =	sbarrier.arrive $0xFFFF;
	s2 =	simm.s32 @!p0 $0x1C03  }
0x59: {  	[timem:s3], [sflag:s2] =	dma.local @!p0 [hbm:s0], s1  }
0x5a: {  	s0 =	simm.s32 @!p0 $0x3  }
0x5b: {  	_ =	swait.ge @!p0 [sflag:s0], s1  }
0x5c: {  	s1 =	ssub.s32 @!p0 $0x0, s1;
	[sflag:s0] =	ssyncset.done @!p0 $0x0  }
0x5d: {  	[sflag:s0] =	ssyncadd.s32 @!p0 s1  }
0x5e: {  	[bflag:$0x3] =	sbarrier.arrive $0xFFFF  }
0x5f: {  	_ =	shalt  }

// kernel: kernel.49.cloned.1.call-start
scs
__scs_entry_jumppad:
0x0: {  	(pc) =	sbr.rel $0x88, $3  }
0x1: {  	(tag) =	ssettag $0x0;
	lr =	simm.s32 $0x1  }
0x2: {  	[smem:$0x3F67] =	sst lr;
	_ =	strace $0xD0000000  }
0x3: {  	_ = 	snop  }
0x4: {  	_ = 	snop  }
0x5: {  	_ = 	snop  }
0x6: {  	_ = 	snop  }
0x7: {  	_ = 	snop  }
__scs_overlays_trampoline_lowered:
0x8: {  	[smem:$0x3F76] =	sst s0  }
0x9: {  	[smem:$0x3F77] =	sst s1  }
0xa: {  	[smem:$0x3F78] =	sst s2  }
0xb: {  	[smem:$0x3F79] =	sst s3  }
0xc: {  	[smem:$0x3F7A] =	sst s4  }
0xd: {  	[smem:$0x3F7B] =	sst s5  }
0xe: {  	[smem:$0x3F7C] =	sst s6  }
0xf: {  	[smem:$0x3F7D] =	sst s7  }
0x10: {  	[smem:$0x3F7E] =	sst s8  }
0x11: {  	[smem:$0x3F7F] =	sst s9;
	s0 =	simm.s32 @!p0 $0x0  }
0x12: {  	s1 =	sld [smem:$0x3F65];
	s0 =	simm.s32 @p0 $0x1  }
0x13: {  	[smem:$0x3F80] =	sst s0;
	s0 =	simm.s32 @!p1 $0x0  }
0x14: {  	s2 =	sld [smem:$0x3F64];
	s0 =	simm.s32 @p1 $0x1  }
0x15: {  	[smem:$0x3F81] =	sst s0;
	s0 =	simm.s32 @!p2 $0x0  }
0x16: {  	s3 =	sld [smem:$0x3FDB];
	s0 =	simm.s32 @p2 $0x1  }
0x17: {  	s4 =	simm.s32 $0x1BF5;
	[smem:$0x3F83] =	sst s0  }
0x18: {  	s0 =	sld [smem:$0x3F66];
	_ =	swait.ge [sflag:s4], $0x0  }
0x19: {  	s7 =	sld [smem:$0x3F67]  }
0x1a: {  	s8 =	sadd.s32 $0xFFFFE003, lr  }
0x1b: {  	s9 =	sadd.s32 $0xFFFFFEF7, lr;
	s5 =	simm.s32 $0xFFFFFFFF;
	p2 =	slt.u32 s8, $0xFFFFF086  }
0x1c: {  	p1 =	slt.u32 s9, $0xF7A;
	s5 =	simm.s32 @!p2 $0x0  }
0x1d: {  	s5 =	simm.s32 @p1 $0x1;
	p0 =	seq.s32 s7, s2  }
0x1e: {  	s7 =	smul.u32 @!p0 $0xF7A, s2;
	p2 =	seq.s32 @!p0 s5, $0x0  }
0x1f: {  	s9 =	smul.u32 $0xF7A, s1;
	s8 =	simm.s32 @!p0 $0x1BF5;
	p2 =	por !p2, p0  }
0x20: {  	[sflag:s8] =	ssyncset.s32 @!p0 $0xFFFFF086;
	s6 =	sadd.s32 @!p0 s3, s7;
	s7 =	simm.s32 @!p0 $0x108  }
0x21: {  	s3 =	sadd.s32 s3, s9;
	s6 =	sadd.s32 @!p0 $0x88, s6;
	s7 =	simm.s32 @p2 $0x1082  }
0x22: {  	[simem:s7], [sflag:s8] =	dma.local @!p0 [hbm:s6], $0xF7A  }
0x23: {  	s9 =	sor.u32 $0xD0000000, s2;
	s6 =	simm.s32 $0x108;
	_ =	swait.ge @!p0 [sflag:s8], $0x0  }
0x24: {  	s3 =	sadd.s32 $0x88, s3;
	s6 =	simm.s32 @!p1 $0x1082;
	[sflag:s4] =	ssyncset.s32 $0xFFFFF086  }
0x25: {  	[simem:s6], [sflag:s4] =	dma.local [hbm:s3], $0xF7A  }
0x26: {  	[smem:$0x3F67] =	sst s1;
	(tag) =	ssettag s2;
	_ =	strace s9  }
0x27: {  	s1 =	sld [smem:$0x3F77]  }
0x28: {  	s2 =	sld [smem:$0x3F78]  }
0x29: {  	s4 =	sld [smem:$0x3F7A]  }
0x2a: {  	p0 =	seq.s32 s5, $0x0;
	s5 =	sld [smem:$0x3F7B]  }
0x2b: {  	s6 =	sld [smem:$0x3F7C]  }
0x2c: {  	s7 =	sld [smem:$0x3F7D]  }
0x2d: {  	s3 =	simm.s32 $0x108;
	s8 =	sld [smem:$0x3F7E]  }
0x2e: {  	s3 =	simm.s32 @!p0 $0x1082;
	s9 =	sld [smem:$0x3F7F]  }
0x2f: {  	lr =	sadd.s32 s0, s3;
	s0 =	sld [smem:$0x3F76]  }
0x30: {  	s3 =	sld [smem:$0x3F79]  }
0x31: {  	[smem:$0x3F82] =	sst s10  }
0x32: {  	s10 =	sld [smem:$0x3F80];
	_ =	sdelay $0x3  }
0x33: {  	p0 =	seq.s32 s10, $0x1;
	s10 =	sld [smem:$0x3F82];
	_ =	sdelay $0x3  }
0x34: {  	[smem:$0x3F82] =	sst s10  }
0x35: {  	s10 =	sld [smem:$0x3F81];
	_ =	sdelay $0x3  }
0x36: {  	p1 =	seq.s32 s10, $0x1;
	s10 =	sld [smem:$0x3F82];
	_ =	sdelay $0x3  }
0x37: {  	[smem:$0x3F82] =	sst s10  }
0x38: {  	s10 =	sld [smem:$0x3F83]  }
0x39: {  	_ = 	snop;
	(pc) =	sbr.ind lr, $3  }
0x3a: {  	_ = 	snop  }
0x3b: {  	_ = 	snop  }
0x3c: {  	p2 =	seq.s32 s10, $0x1;
	s10 =	sld [smem:$0x3F82]  }
0x3d: {  	_ =	shalt  }
0x3e: {  	_ =	shalt  }
0x3f: {  	_ =	shalt  }
0x40: {  	_ =	shalt  }
0x41: {  	_ =	shalt  }
0x42: {  	_ =	shalt  }
0x43: {  	_ =	shalt  }
0x44: {  	_ =	shalt  }
0x45: {  	_ =	shalt  }
0x46: {  	_ =	shalt  }
0x47: {  	_ =	shalt  }
0x48: {  	_ =	shalt  }
0x49: {  	_ =	shalt  }
0x4a: {  	_ =	shalt  }
0x4b: {  	_ =	shalt  }
0x4c: {  	_ =	shalt  }
0x4d: {  	_ =	shalt  }
0x4e: {  	_ =	shalt  }
0x4f: {  	_ =	shalt  }
0x50: {  	_ =	shalt  }
0x51: {  	_ =	shalt  }
0x52: {  	_ =	shalt  }
0x53: {  	_ =	shalt  }
0x54: {  	_ =	shalt  }
0x55: {  	_ =	shalt  }
0x56: {  	_ =	shalt  }
0x57: {  	_ =	shalt  }
0x58: {  	_ =	shalt  }
0x59: {  	_ =	shalt  }
0x5a: {  	_ =	shalt  }
0x5b: {  	_ =	shalt  }
0x5c: {  	_ =	shalt  }
0x5d: {  	_ =	shalt  }
0x5e: {  	_ =	shalt  }
0x5f: {  	_ =	shalt  }
0x60: {  	_ =	shalt  }
0x61: {  	_ =	shalt  }
0x62: {  	_ =	shalt  }
0x63: {  	_ =	shalt  }
0x64: {  	_ =	shalt  }
0x65: {  	_ =	shalt  }
0x66: {  	_ =	shalt  }
0x67: {  	_ =	shalt  }
0x68: {  	_ =	shalt  }
0x69: {  	_ =	shalt  }
0x6a: {  	_ =	shalt  }
0x6b: {  	_ =	shalt  }
0x6c: {  	_ =	shalt  }
0x6d: {  	_ =	shalt  }
0x6e: {  	_ =	shalt  }
0x6f: {  	_ =	shalt  }
0x70: {  	_ =	shalt  }
0x71: {  	_ =	shalt  }
0x72: {  	_ =	shalt  }
0x73: {  	_ =	shalt  }
0x74: {  	_ =	shalt  }
0x75: {  	_ =	shalt  }
0x76: {  	_ =	shalt  }
0x77: {  	_ =	shalt  }
0x78: {  	_ =	shalt  }
0x79: {  	_ =	shalt  }
0x7a: {  	_ =	shalt  }
0x7b: {  	_ =	shalt  }
0x7c: {  	_ =	shalt  }
0x7d: {  	_ =	shalt  }
0x7e: {  	_ =	shalt  }
0x7f: {  	_ =	shalt  }
0x80: {  	_ =	shalt  }
0x81: {  	_ =	shalt  }
0x82: {  	_ =	shalt  }
0x83: {  	_ =	shalt  }
0x84: {  	_ =	shalt  }
0x85: {  	_ =	shalt  }
0x86: {  	_ =	shalt  }
0x87: {  	_ =	shalt  }
.Lfunc_end0:
.L_simem_size_0:
called_computation.5_lowered:
.L_overlay_start_0:
0x88: {  	s2 =	sld [smem:$0x3FD9]  }
0x89: {  	s3 =	sld [smem:$0x3FFE];
	_ =	sdelay $0x1  }
0x8a: {  	s1 =	srdreg.scid  }
0x8b: {  	s0 =	sand.u32 $0x1, s1  }
0x8c: {  	s16 =	sshll.u32 s0, $0xA;
	s2 =	sadd.s32 s3, s2  }
0x8d: {  	s2 =	sadd.s32 s2, s16  }
0x8e: {  	[smem:$0x3F8E] =	sst s2  }
0x8f: {  	_ = 	snop  }
0x90: {  	(tm) =	ssettm $0x1  }
0x91: {  	s17 =	sld [smem:$0x3FFB];
	_ =	sdelay $0x3  }
0x92: {  	_ =	strace s17  }
0x93: {  	s2 =	sld [smem:$0x3FFC];
	_ =	sdelay $0x3  }
0x94: {  	_ =	strace s2  }
0x95: {  	s2 =	sld [smem:$0x3FFD];
	_ =	sdelay $0x3  }
0x96: {  	_ =	strace s2  }
0x97: {  	_ =	strace $0x8FFFFFFF  }
0x98: {  	s18 =	sld [smem:$0x3FDB];
	_ =	sdelay $0x1  }
0x99: {  	s19 =	simm.s32 $_scs_section_size  }
0x9a: {  	s4 =	simm.s32 $_size__tile_overlayer_lowered;
	s5 =	simm.s32 $_tile_overlayer_lowered  }
0x9b: {  	s22 =	simm.s32 $0x1BFF;
	s21 =	sshll.u32 s5, $0x1;
	s2 =	sadd.s32 s19, s18  }
0x9c: {  	s6 =	simm.s32 $0x0;
	s20 =	sshll.u32 s4, $0x1;
	s4 =	sadd.s32 s21, s2  }
0x9d: {  	[timem:s6], [sflag:s22] =	dma.local [hbm:s4], s20  }
0x9e: {  	_ =	swait.ge [sflag:s22], s20  }
0x9f: {  	s3 =	ssub.s32 $0x0, s20;
	[sflag:s22] =	ssyncset.done $0x0  }
0xa0: {  	[sflag:s22] =	ssyncadd.s32 s3;
	_ =	sdelay $0x1  }
0xa1: {  	s23 =	simm.s32 $0x1B8B  }
0xa2: {  	_ =	swait.ge [sflag:s23], $0x1  }
0xa3: {  	[sflag:s23] =	ssyncset.done $0x0  }
0xa4: {  	s25 =	simm.s32 $0x1B8E;
	s24 =	sld [smem:$0x3FFE];
	[sflag:s23] =	ssyncadd.s32 $0xFFFFFFFF  }
0xa5: {  	s26 =	simm.s32 $execute0_lowered;
	[smem:$0x3FD2] =	sst s25  }
0xa6: {  	s4 =	sshll.u32 s26, $0x1;
	_ =	strace $0x80000055;
	[dreg:$0x1] =	wrdreg $0xFFFFFFFF  }
0xa7: {  	s28 =	simm.s32 $_size_execute0_lowered;
	s2 =	sadd.s32 s2, s4;
	[dreg:$0x0] =	wrdreg $0x0  }
0xa8: {  	s4 =	sshll.u32 s28, $0x1;
	[dreg:$0x2] =	wrdreg s2  }
0xa9: {  	[dreg:$0x3] =	wrdreg s4  }
0xaa: {  	[dreg:$0x4] =	wrdreg $0xC0  }
0xab: {  	_ =	task [dreg:s6], $0x5FFFF  }
0xac: {  	[dreg:$0x1] =	wrdreg $0xFFFFFFFF  }
0xad: {  	[dreg:$0x0] =	wrdreg $0x60  }
0xae: {  	[dreg:$0x2] =	wrdreg s24  }
0xaf: {  	[dreg:$0x3] =	wrdreg $0xA0000  }
0xb0: {  	[dreg:$0x4] =	wrdreg $0x9  }
0xb1: {  	_ =	task.clear_ibuf [dreg:s6], $0x5FFFF;
	_ =	strace $0x90000055  }
0xb2: {  	s29 =	simm.s32 $0x9;
	_ =	strace $0x80000057  }
0xb3: {  	_ =	swait.ge [sflag:s29], $0x1  }
0xb4: {  	[sflag:s29] =	ssyncadd.s32 $0xFFFFFFFF  }
0xb5: {  	_ =	strace $0x90000057  }
0xb6: {  	_ =	sfence  }
0xb7: {  	s30 =	sld [smem:$0x0];
	_ =	sdelay $0x2  }
0xb8: {  	s31 =	sshll.u32 s1, $0xD;
	s1 =	sshrl.u32 s1, $0x2  }
0xb9: {  	s3 =	sand.u32 $0x4000, s31;
	s1 =	sadd.s32 s1, s30  }
0xba: {  	s0 =	sor.u32 s3, s0;
	s1 =	sshll.u32 s1, $0x11  }
0xbb: {  	s0 =	sor.u32 s1, s0  }
0xbc: {  	s0 =	sadd.s32 $0x8F2B, s0  }
0xbd: {  	[sflag:s0] =	ssyncadd.remote.s32 $0x1  }
0xbe: {  	_ =	sfence.sel $0xFFFF  }
0xbf: {  	[dreg:$0x0] =	wrdreg $0xFFFFFFFF;
	(pc) =	sbr.abs _section_cstart, $3  }
0xc0: {  	[dreg:$0x1] =	wrdreg $0xFFFFFFFF  }
0xc1: {  	_ =	task.clear_ibuf [dreg:s6], $0x2FFFF;
	_ =	strace $0x9FFFFFFF  }
0xc2: {  	(tm) =	ssettm $0x7FFFFFFF  }
0xc3: {  	_ =	shalt  }
tec
execute0_lowered:
.L_overlay_start_1:
0x0: {  	(tag) =	ssettag $0x1  }
0x1: {  	s8 =	rddreg [dreg:$0x0]  }
0x2: {  	s1 =	rddreg [dreg:$0x1];
	s2 =	srdreg.scid  }
0x3: {  	s0 =	rddreg [dreg:$0x2];
	s3 =	simm.s32 $0x0;
	s16 =	simm.s32 $0x80  }
0x4: {  	s17 =	simm.s32 $0x6000;
	s18 =	simm.s32 $0x1;
	s19 =	simm.s32 $0x2  }
0x5: {  	s20 =	simm.s32 $0x0;
	s9 =	sand.u32 $0x1, s2;
	s2 =	stileid.u32  }
0x6: {  	[smem:$0x7FF] =	sst s3;
	s4 =	sadd.s32 $0x2AE00, s8;
	s7 =	smul.u32 $0x140000, s9  }
0x7: {  	s5 =	sadd.s32 $0x16E00, s8;
	s6 =	sadd.s32 $0xCE00, s8;
	s10 =	smul.u32 $0x14000, s2  }
0x8: {  	_ =	strace $0x80000056;
	s11 =	smul.u32 $0x50000, s2;
	s29 =	ssub.s32 $0x2, s9  }
0x9: {  	s13 =	smul.u32 $0x50000, s9;
	s31 =	sshll.u32 s2, $0x6;
	s30 =	sshrl.u32 s29, $0x1  }
0xa: {  	s9 =	sor.u32 $0x1C03, s31;
	s10 =	sadd.s32 s10, s7;
	s7 =	sadd.s32 $0xF2E00, s8  }
0xb: {  	s11 =	sshrl.u32 s11, $0x2;
	s14 =	ssub.s32 s29, s30;
	s10 =	sshrl.u32 s10, $0x3  }
0xc: {  	s15 =	sadd.s32 s11, s1;
	s12 =	sadd.s32 s10, s8;
	s8 =	smul.u32 $0x5000, s2  }
0xd: {  	s11 =	sadd.s32 $0x7AE00, s12;
	s12 =	smax.u32 s14, $0x1;
	s14 =	simm.s32 $0x3  }
0xe: {  	s10 =	sadd.s32 s13, s8;
	s13 =	sshrl.u32 s15, $0x3;
	s15 =	simm.s32 $0x2000  }
.LBB2_1:
0xf: {  	[spmem:s13], [sflag:s9] =	dma.local [hbm:s7], $0x2800  }
0x10: {  	_ =	swait.ge [sflag:s14], $0x2800  }
0x11: {  	[sflag:s14] =	ssyncset.done $0x0  }
0x12: {  	[sflag:s14] =	ssyncadd.s32 $0xFFFFD800  }
0x13: {  	s21 =	simm.s32 $0x0;
	[bflag:$0x0] =	sbarrier.arrive $0xFFFF  }
.LBB2_2:
0x14: {  	s22 =	sshll.u32 s21, $0xC  }
0x15: {  	s23 =	sadd.s32 s10, s22  }
0x16: {  	s23 =	sshrl.u32 s23, $0x3  }
0x17: {  	s23 =	sadd.s32 s5, s23  }
0x18: {  	[tilespmem:s3], [sflag:$0x3] =	stream.linear.gather [hbm4b:s23+s3], $0x1000, $0x38;
	[tilespmem:$0x1E000] =	vst v63  }
0x19: {  	s22 =	sadd.s32 s8, s22;
	_ =	swait.ge [sflag:s14], $0x1000  }
0x1a: {  	s22 =	sshrl.u32 s22, $0x3;
	[sflag:s14] =	ssyncset.done $0x0  }
0x1b: {  	s30 =	sadd.s32 s6, s22;
	s22 =	simm.s32 $0x1000;
	[sflag:s14] =	ssyncadd.s32 $0xFFFFF000  }
0x1c: {  	[tilespmem:s22], [sflag:$0x3] =	stream.linear.gather [hbm4b:s30+s3], $0x1000, $0x38;
	[tilespmem:$0x1E000] =	vst v63  }
0x1d: {  	_ =	swait.ge [sflag:s14], $0x1000  }
0x1e: {  	[sflag:s14] =	ssyncset.done $0x0  }
0x1f: {  	s23 =	simm.s32 $0x80;
	[sflag:s14] =	ssyncadd.s32 $0xFFFFF000  }
0x20: {  	[tilespmem:s15], [sflag:$0x1] =	stream.indirect.gather [hbm4b:s4+s23], $0x80, s3, s23, $0xb8;
	[tilespmem:$0x1E000] =	vst v63  }
0x21: {  	_ = 	snop  }
0x22: {  	[tilespmem:s17], [sflag:$0x2] =	stream.indirect.gather [hbm4b:s4+s16], $0x80, s23, s16, $0xb8;
	[tilespmem:$0x1E000] =	vst v63  }
0x23: {  	_ =	swait.ge [sflag:s18], $0x4000  }
0x24: {  	[sflag:s18] =	ssyncset.done $0x0  }
0x25: {  	[sflag:s18] =	ssyncadd.s32 $0xFFFFC000  }
0x26: {  	[spmem:s1] =	stream.indirect.scatter.add.f32 [tilespmem:s15], [sflag:$0x3], $0x80, s22, s16, $0xb8;
	[tilespmem:$0x1E000] =	vst v63  }
0x27: {  	_ =	swait.ge [sflag:s14], $0x4000  }
0x28: {  	s24 =	simm.s32 $0x100;
	[sflag:s14] =	ssyncset.done $0x0  }
0x29: {  	s24 =	sand.u32 $0xF00, s24;
	[sflag:s14] =	ssyncadd.s32 $0xFFFFC000  }
0x2a: {  	[tilespmem:s15], [sflag:$0x1] =	stream.indirect.gather [hbm4b:s4+s16], $0x80, s24, s16, $0xb8;
	[tilespmem:$0x1E000] =	vst v63  }
0x2b: {  	_ =	swait.ge [sflag:s19], $0x4000  }
0x2c: {  	[sflag:s19] =	ssyncset.done $0x0  }
0x2d: {  	s31 =	simm.s32 $0x1080;
	[sflag:s19] =	ssyncadd.s32 $0xFFFFC000  }
0x2e: {  	[spmem:s1] =	stream.indirect.scatter.add.f32 [tilespmem:s17], [sflag:$0x3], $0x80, s31, s16, $0xb8;
	[tilespmem:$0x1E000] =	vst v63  }
0x2f: {  	_ =	swait.ge [sflag:s14], $0x4000  }
0x30: {  	s24 =	simm.s32 $0x200;
	[sflag:s14] =	ssyncset.done $0x0  }
.LBB2_3:
0x31: {  	[sflag:s14] =	ssyncadd.s32 $0xFFFFC000  }
0x32: {  	s22 =	sadd.s32 $0x100, s22;
	s23 =	sadd.s32 $0x100, s23;
	s25 =	smov.u32 s24  }
0x33: {  	[tilespmem:s17], [sflag:$0x2] =	stream.indirect.gather [hbm4b:s4+s16], $0x80, s23, s16, $0xb8;
	[tilespmem:$0x1E000] =	vst v63  }
0x34: {  	p0 =	sne.s32 s24, $0x1000;
	s24 =	sadd.s32 $0x100, s24;
	_ =	swait.ge [sflag:s18], $0x4000  }
0x35: {  	[sflag:s18] =	ssyncset.done $0x0  }
0x36: {  	[sflag:s18] =	ssyncadd.s32 $0xFFFFC000  }
0x37: {  	[spmem:s1] =	stream.indirect.scatter.add.f32 [tilespmem:s15], [sflag:$0x3], $0x80, s22, s16, $0xb8;
	[tilespmem:$0x1E000] =	vst v63  }
0x38: {  	_ =	swait.ge [sflag:s14], $0x4000  }
0x39: {  	[sflag:s14] =	ssyncset.done $0x0  }
0x3a: {  	s25 =	sand.u32 $0xF00, s25;
	[sflag:s14] =	ssyncadd.s32 $0xFFFFC000  }
0x3b: {  	[tilespmem:s15], [sflag:$0x1] =	stream.indirect.gather [hbm4b:s4+s16], $0x80, s25, s16, $0xb8;
	[tilespmem:$0x1E000] =	vst v63  }
0x3c: {  	_ =	swait.ge [sflag:s19], $0x4000  }
.Ltmp0:
0x3d: {  	[sflag:s19] =	ssyncset.done $0x0;
	(pc) =	sbr.rel @p0 .LBB2_3-.Ltmp0, $4  }
0x3e: {  	s25 =	sadd.s32 $0x80, s22;
	[sflag:s19] =	ssyncadd.s32 $0xFFFFC000  }
0x3f: {  	[spmem:s1] =	stream.indirect.scatter.add.f32 [tilespmem:s17], [sflag:$0x3], $0x80, s25, s16, $0xb8;
	[tilespmem:$0x1E000] =	vst v63  }
0x40: {  	_ =	swait.ge [sflag:s14], $0x4000  }
0x41: {  	[sflag:s14] =	ssyncset.done $0x0  }
0x42: {  	s21 =	sadd.s32 $0x1, s21  }
0x43: {  	p0 =	sne.s32 s21, $0x5  }
.Ltmp1:
0x44: {  	_ = 	snop;
	(pc) =	sbr.rel @p0 .LBB2_2-.Ltmp1, $4  }
0x45: {  	[sflag:s14] =	ssyncadd.s32 $0xFFFFC000  }
0x46: {  	_ =	swait.ge [sflag:s18], $0x4000  }
0x47: {  	[sflag:s18] =	ssyncset.done $0x0  }
0x48: {  	[sflag:s18] =	ssyncadd.s32 $0xFFFFC000  }
0x49: {  	s20 =	sadd.s32 $0x1, s20  }
0x4a: {  	p0 =	sne.s32 s20, s12  }
.Ltmp2:
0x4b: {  	[bflag:$0x0] =	sbarrier.arrive $0xFFFF;
	(pc) =	sbr.rel @p0 .LBB2_1-.Ltmp2, $4  }
0x4c: {  	[hbm:s11], [sflag:s9] =	dma.local [spmem:s13], $0x2800  }
0x4d: {  	_ =	swait.ge [sflag:s14], $0x2800  }
0x4e: {  	[sflag:s14] =	ssyncset.done $0x0  }
0x4f: {  	[sflag:s14] =	ssyncadd.s32 $0xFFFFD800  }
0x50: {  	_ =	sfence.sel $0x180000  }
0x51: {  	[bflag:$0x0] =	sbarrier.arrive $0xFFFF  }
0x52: {  	p0 =	sne.s32 s2, $0x0;
	_ =	strace $0x90000056  }
0x53: {  	s0 =	sadd.s32 @!p0 $0x100000, s0;
	[bflag:$0x2] =	sbarrier.arrive $0xFFFF  }
0x54: {  	[sflag:s0] =	ssyncadd.tile.s32 @!p0 $0x1;
	_ =	shalt  }
.Lfunc_end2:
_tile_overlayer_lowered:
.L_overlay_start_2:
0x55: {  	(tag) =	ssettag $0x2  }
0x56: {  	s0 =	rddreg [dreg:$0x0];
	s2 =	stileid.u32  }
0x57: {  	s1 =	rddreg [dreg:$0x1];
	p0 =	sne.s32 s2, $0x0  }
0x58: {  	s3 =	rddreg [dreg:$0x2];
	[bflag:$0x3] =	sbarrier.arrive $0xFFFF;
	s2 =	simm.s32 @!p0 $0x1C03  }
0x59: {  	[timem:s3], [sflag:s2] =	dma.local @!p0 [hbm:s0], s1  }
0x5a: {  	s0 =	simm.s32 @!p0 $0x3  }
0x5b: {  	_ =	swait.ge @!p0 [sflag:s0], s1  }
0x5c: {  	s1 =	ssub.s32 @!p0 $0x0, s1;
	[sflag:s0] =	ssyncset.done @!p0 $0x0  }
0x5d: {  	[sflag:s0] =	ssyncadd.s32 @!p0 s1  }
0x5e: {  	[bflag:$0x3] =	sbarrier.arrive $0xFFFF  }
0x5f: {  	_ =	shalt  }

// kernel: kernel.52.cloned.1.call-start
scs
__scs_entry_jumppad:
0x0: {  	(pc) =	sbr.rel $0x88, $3  }
0x1: {  	(tag) =	ssettag $0x0;
	lr =	simm.s32 $0x1  }
0x2: {  	[smem:$0x3F67] =	sst lr;
	_ =	strace $0xD0000000  }
0x3: {  	_ = 	snop  }
0x4: {  	_ = 	snop  }
0x5: {  	_ = 	snop  }
0x6: {  	_ = 	snop  }
0x7: {  	_ = 	snop  }
__scs_overlays_trampoline_lowered:
0x8: {  	[smem:$0x3F76] =	sst s0  }
0x9: {  	[smem:$0x3F77] =	sst s1  }
0xa: {  	[smem:$0x3F78] =	sst s2  }
0xb: {  	[smem:$0x3F79] =	sst s3  }
0xc: {  	[smem:$0x3F7A] =	sst s4  }
0xd: {  	[smem:$0x3F7B] =	sst s5  }
0xe: {  	[smem:$0x3F7C] =	sst s6  }
0xf: {  	[smem:$0x3F7D] =	sst s7  }
0x10: {  	[smem:$0x3F7E] =	sst s8  }
0x11: {  	[smem:$0x3F7F] =	sst s9;
	s0 =	simm.s32 @!p0 $0x0  }
0x12: {  	s1 =	sld [smem:$0x3F65];
	s0 =	simm.s32 @p0 $0x1  }
0x13: {  	[smem:$0x3F80] =	sst s0;
	s0 =	simm.s32 @!p1 $0x0  }
0x14: {  	s2 =	sld [smem:$0x3F64];
	s0 =	simm.s32 @p1 $0x1  }
0x15: {  	[smem:$0x3F81] =	sst s0;
	s0 =	simm.s32 @!p2 $0x0  }
0x16: {  	s3 =	sld [smem:$0x3FDB];
	s0 =	simm.s32 @p2 $0x1  }
0x17: {  	s4 =	simm.s32 $0x1BF5;
	[smem:$0x3F83] =	sst s0  }
0x18: {  	s0 =	sld [smem:$0x3F66];
	_ =	swait.ge [sflag:s4], $0x0  }
0x19: {  	s7 =	sld [smem:$0x3F67]  }
0x1a: {  	s8 =	sadd.s32 $0xFFFFE003, lr  }
0x1b: {  	s9 =	sadd.s32 $0xFFFFFEF7, lr;
	s5 =	simm.s32 $0xFFFFFFFF;
	p2 =	slt.u32 s8, $0xFFFFF086  }
0x1c: {  	p1 =	slt.u32 s9, $0xF7A;
	s5 =	simm.s32 @!p2 $0x0  }
0x1d: {  	s5 =	simm.s32 @p1 $0x1;
	p0 =	seq.s32 s7, s2  }
0x1e: {  	s7 =	smul.u32 @!p0 $0xF7A, s2;
	p2 =	seq.s32 @!p0 s5, $0x0  }
0x1f: {  	s9 =	smul.u32 $0xF7A, s1;
	s8 =	simm.s32 @!p0 $0x1BF5;
	p2 =	por !p2, p0  }
0x20: {  	[sflag:s8] =	ssyncset.s32 @!p0 $0xFFFFF086;
	s6 =	sadd.s32 @!p0 s3, s7;
	s7 =	simm.s32 @!p0 $0x108  }
0x21: {  	s3 =	sadd.s32 s3, s9;
	s6 =	sadd.s32 @!p0 $0x88, s6;
	s7 =	simm.s32 @p2 $0x1082  }
0x22: {  	[simem:s7], [sflag:s8] =	dma.local @!p0 [hbm:s6], $0xF7A  }
0x23: {  	s9 =	sor.u32 $0xD0000000, s2;
	s6 =	simm.s32 $0x108;
	_ =	swait.ge @!p0 [sflag:s8], $0x0  }
0x24: {  	s3 =	sadd.s32 $0x88, s3;
	s6 =	simm.s32 @!p1 $0x1082;
	[sflag:s4] =	ssyncset.s32 $0xFFFFF086  }
0x25: {  	[simem:s6], [sflag:s4] =	dma.local [hbm:s3], $0xF7A  }
0x26: {  	[smem:$0x3F67] =	sst s1;
	(tag) =	ssettag s2;
	_ =	strace s9  }
0x27: {  	s1 =	sld [smem:$0x3F77]  }
0x28: {  	s2 =	sld [smem:$0x3F78]  }
0x29: {  	s4 =	sld [smem:$0x3F7A]  }
0x2a: {  	p0 =	seq.s32 s5, $0x0;
	s5 =	sld [smem:$0x3F7B]  }
0x2b: {  	s6 =	sld [smem:$0x3F7C]  }
0x2c: {  	s7 =	sld [smem:$0x3F7D]  }
0x2d: {  	s3 =	simm.s32 $0x108;
	s8 =	sld [smem:$0x3F7E]  }
0x2e: {  	s3 =	simm.s32 @!p0 $0x1082;
	s9 =	sld [smem:$0x3F7F]  }
0x2f: {  	lr =	sadd.s32 s0, s3;
	s0 =	sld [smem:$0x3F76]  }
0x30: {  	s3 =	sld [smem:$0x3F79]  }
0x31: {  	[smem:$0x3F82] =	sst s10  }
0x32: {  	s10 =	sld [smem:$0x3F80];
	_ =	sdelay $0x3  }
0x33: {  	p0 =	seq.s32 s10, $0x1;
	s10 =	sld [smem:$0x3F82];
	_ =	sdelay $0x3  }
0x34: {  	[smem:$0x3F82] =	sst s10  }
0x35: {  	s10 =	sld [smem:$0x3F81];
	_ =	sdelay $0x3  }
0x36: {  	p1 =	seq.s32 s10, $0x1;
	s10 =	sld [smem:$0x3F82];
	_ =	sdelay $0x3  }
0x37: {  	[smem:$0x3F82] =	sst s10  }
0x38: {  	s10 =	sld [smem:$0x3F83]  }
0x39: {  	_ = 	snop;
	(pc) =	sbr.ind lr, $3  }
0x3a: {  	_ = 	snop  }
0x3b: {  	_ = 	snop  }
0x3c: {  	p2 =	seq.s32 s10, $0x1;
	s10 =	sld [smem:$0x3F82]  }
0x3d: {  	_ =	shalt  }
0x3e: {  	_ =	shalt  }
0x3f: {  	_ =	shalt  }
0x40: {  	_ =	shalt  }
0x41: {  	_ =	shalt  }
0x42: {  	_ =	shalt  }
0x43: {  	_ =	shalt  }
0x44: {  	_ =	shalt  }
0x45: {  	_ =	shalt  }
0x46: {  	_ =	shalt  }
0x47: {  	_ =	shalt  }
0x48: {  	_ =	shalt  }
0x49: {  	_ =	shalt  }
0x4a: {  	_ =	shalt  }
0x4b: {  	_ =	shalt  }
0x4c: {  	_ =	shalt  }
0x4d: {  	_ =	shalt  }
0x4e: {  	_ =	shalt  }
0x4f: {  	_ =	shalt  }
0x50: {  	_ =	shalt  }
0x51: {  	_ =	shalt  }
0x52: {  	_ =	shalt  }
0x53: {  	_ =	shalt  }
0x54: {  	_ =	shalt  }
0x55: {  	_ =	shalt  }
0x56: {  	_ =	shalt  }
0x57: {  	_ =	shalt  }
0x58: {  	_ =	shalt  }
0x59: {  	_ =	shalt  }
0x5a: {  	_ =	shalt  }
0x5b: {  	_ =	shalt  }
0x5c: {  	_ =	shalt  }
0x5d: {  	_ =	shalt  }
0x5e: {  	_ =	shalt  }
0x5f: {  	_ =	shalt  }
0x60: {  	_ =	shalt  }
0x61: {  	_ =	shalt  }
0x62: {  	_ =	shalt  }
0x63: {  	_ =	shalt  }
0x64: {  	_ =	shalt  }
0x65: {  	_ =	shalt  }
0x66: {  	_ =	shalt  }
0x67: {  	_ =	shalt  }
0x68: {  	_ =	shalt  }
0x69: {  	_ =	shalt  }
0x6a: {  	_ =	shalt  }
0x6b: {  	_ =	shalt  }
0x6c: {  	_ =	shalt  }
0x6d: {  	_ =	shalt  }
0x6e: {  	_ =	shalt  }
0x6f: {  	_ =	shalt  }
0x70: {  	_ =	shalt  }
0x71: {  	_ =	shalt  }
0x72: {  	_ =	shalt  }
0x73: {  	_ =	shalt  }
0x74: {  	_ =	shalt  }
0x75: {  	_ =	shalt  }
0x76: {  	_ =	shalt  }
0x77: {  	_ =	shalt  }
0x78: {  	_ =	shalt  }
0x79: {  	_ =	shalt  }
0x7a: {  	_ =	shalt  }
0x7b: {  	_ =	shalt  }
0x7c: {  	_ =	shalt  }
0x7d: {  	_ =	shalt  }
0x7e: {  	_ =	shalt  }
0x7f: {  	_ =	shalt  }
0x80: {  	_ =	shalt  }
0x81: {  	_ =	shalt  }
0x82: {  	_ =	shalt  }
0x83: {  	_ =	shalt  }
0x84: {  	_ =	shalt  }
0x85: {  	_ =	shalt  }
0x86: {  	_ =	shalt  }
0x87: {  	_ =	shalt  }
.Lfunc_end0:
.L_simem_size_0:
called_computation.6_lowered:
.L_overlay_start_0:
0x88: {  	s2 =	sld [smem:$0x3FD9]  }
0x89: {  	s3 =	sld [smem:$0x3FFE];
	_ =	sdelay $0x1  }
0x8a: {  	s1 =	srdreg.scid  }
0x8b: {  	s0 =	sand.u32 $0x1, s1  }
0x8c: {  	s16 =	sshll.u32 s0, $0xA;
	s2 =	sadd.s32 s3, s2  }
0x8d: {  	s2 =	sadd.s32 s2, s16  }
0x8e: {  	[smem:$0x3F8E] =	sst s2  }
0x8f: {  	_ = 	snop  }
0x90: {  	(tm) =	ssettm $0x1  }
0x91: {  	s17 =	sld [smem:$0x3FFB];
	_ =	sdelay $0x3  }
0x92: {  	_ =	strace s17  }
0x93: {  	s2 =	sld [smem:$0x3FFC];
	_ =	sdelay $0x3  }
0x94: {  	_ =	strace s2  }
0x95: {  	s2 =	sld [smem:$0x3FFD];
	_ =	sdelay $0x3  }
0x96: {  	_ =	strace s2  }
0x97: {  	_ =	strace $0x8FFFFFFF  }
0x98: {  	s18 =	sld [smem:$0x3FDB];
	_ =	sdelay $0x1  }
0x99: {  	s19 =	simm.s32 $_scs_section_size  }
0x9a: {  	s4 =	simm.s32 $_size__tile_overlayer_lowered;
	s5 =	simm.s32 $_tile_overlayer_lowered  }
0x9b: {  	s22 =	simm.s32 $0x1BFF;
	s21 =	sshll.u32 s5, $0x1;
	s2 =	sadd.s32 s19, s18  }
0x9c: {  	s6 =	simm.s32 $0x0;
	s20 =	sshll.u32 s4, $0x1;
	s4 =	sadd.s32 s21, s2  }
0x9d: {  	[timem:s6], [sflag:s22] =	dma.local [hbm:s4], s20  }
0x9e: {  	_ =	swait.ge [sflag:s22], s20  }
0x9f: {  	s3 =	ssub.s32 $0x0, s20;
	[sflag:s22] =	ssyncset.done $0x0  }
0xa0: {  	[sflag:s22] =	ssyncadd.s32 s3;
	_ =	sdelay $0x1  }
0xa1: {  	s23 =	simm.s32 $0x1B8B  }
0xa2: {  	_ =	swait.ge [sflag:s23], $0x1  }
0xa3: {  	[sflag:s23] =	ssyncset.done $0x0  }
0xa4: {  	s25 =	simm.s32 $0x1B8E;
	s24 =	sld [smem:$0x3FFE];
	[sflag:s23] =	ssyncadd.s32 $0xFFFFFFFF  }
0xa5: {  	s26 =	simm.s32 $execute0_lowered;
	[smem:$0x3FD2] =	sst s25  }
0xa6: {  	s4 =	sshll.u32 s26, $0x1;
	_ =	strace $0x80000058;
	[dreg:$0x1] =	wrdreg $0xFFFFFFFF  }
0xa7: {  	s28 =	simm.s32 $_size_execute0_lowered;
	s2 =	sadd.s32 s2, s4;
	[dreg:$0x0] =	wrdreg $0x0  }
0xa8: {  	s4 =	sshll.u32 s28, $0x1;
	[dreg:$0x2] =	wrdreg s2  }
0xa9: {  	[dreg:$0x3] =	wrdreg s4  }
0xaa: {  	[dreg:$0x4] =	wrdreg $0xC0  }
0xab: {  	_ =	task [dreg:s6], $0x5FFFF  }
0xac: {  	[dreg:$0x1] =	wrdreg $0xFFFFFFFF  }
0xad: {  	[dreg:$0x0] =	wrdreg $0x60  }
0xae: {  	[dreg:$0x2] =	wrdreg s24  }
0xaf: {  	[dreg:$0x3] =	wrdreg $0xA0000  }
0xb0: {  	[dreg:$0x4] =	wrdreg $0x9  }
0xb1: {  	_ =	task.clear_ibuf [dreg:s6], $0x5FFFF;
	_ =	strace $0x90000058  }
0xb2: {  	s29 =	simm.s32 $0x9;
	_ =	strace $0x8000005A  }
0xb3: {  	_ =	swait.ge [sflag:s29], $0x1  }
0xb4: {  	[sflag:s29] =	ssyncadd.s32 $0xFFFFFFFF  }
0xb5: {  	_ =	strace $0x9000005A  }
0xb6: {  	_ =	sfence  }
0xb7: {  	s30 =	sld [smem:$0x0];
	_ =	sdelay $0x2  }
0xb8: {  	s31 =	sshll.u32 s1, $0xD;
	s1 =	sshrl.u32 s1, $0x2  }
0xb9: {  	s3 =	sand.u32 $0x4000, s31;
	s1 =	sadd.s32 s1, s30  }
0xba: {  	s0 =	sor.u32 s3, s0;
	s1 =	sshll.u32 s1, $0x11  }
0xbb: {  	s0 =	sor.u32 s1, s0  }
0xbc: {  	s0 =	sadd.s32 $0x8F2B, s0  }
0xbd: {  	[sflag:s0] =	ssyncadd.remote.s32 $0x1  }
0xbe: {  	_ =	sfence.sel $0xFFFF  }
0xbf: {  	[dreg:$0x0] =	wrdreg $0xFFFFFFFF;
	(pc) =	sbr.abs _section_cstart, $3  }
0xc0: {  	[dreg:$0x1] =	wrdreg $0xFFFFFFFF  }
0xc1: {  	_ =	task.clear_ibuf [dreg:s6], $0x2FFFF;
	_ =	strace $0x9FFFFFFF  }
0xc2: {  	(tm) =	ssettm $0x7FFFFFFF  }
0xc3: {  	_ =	shalt  }
tec
execute0_lowered:
.L_overlay_start_1:
0x0: {  	(tag) =	ssettag $0x1  }
0x1: {  	s8 =	rddreg [dreg:$0x0]  }
0x2: {  	s1 =	rddreg [dreg:$0x1];
	s2 =	srdreg.scid  }
0x3: {  	s0 =	rddreg [dreg:$0x2];
	s3 =	simm.s32 $0x0;
	s16 =	simm.s32 $0x80  }
0x4: {  	s17 =	simm.s32 $0x6000;
	s18 =	simm.s32 $0x1;
	s19 =	simm.s32 $0x2  }
0x5: {  	s20 =	simm.s32 $0x0;
	s9 =	sand.u32 $0x1, s2;
	s2 =	stileid.u32  }
0x6: {  	[smem:$0x7FF] =	sst s3;
	s4 =	sadd.s32 $0x2AE00, s8;
	s7 =	smul.u32 $0x140000, s9  }
0x7: {  	s5 =	sadd.s32 $0x16E00, s8;
	s6 =	sadd.s32 $0xCE00, s8;
	s10 =	smul.u32 $0x14000, s2  }
0x8: {  	_ =	strace $0x80000059;
	s11 =	smul.u32 $0x50000, s2;
	s29 =	ssub.s32 $0x2, s9  }
0x9: {  	s13 =	smul.u32 $0x50000, s9;
	s31 =	sshll.u32 s2, $0x6;
	s30 =	sshrl.u32 s29, $0x1  }
0xa: {  	s9 =	sor.u32 $0x1C03, s31;
	s10 =	sadd.s32 s10, s7;
	s7 =	sadd.s32 $0xF2E00, s8  }
0xb: {  	s11 =	sshrl.u32 s11, $0x2;
	s14 =	ssub.s32 s29, s30;
	s10 =	sshrl.u32 s10, $0x3  }
0xc: {  	s15 =	sadd.s32 s11, s1;
	s12 =	sadd.s32 s10, s8;
	s8 =	smul.u32 $0x5000, s2  }
0xd: {  	s11 =	sadd.s32 $0x7AE00, s12;
	s12 =	smax.u32 s14, $0x1;
	s14 =	simm.s32 $0x3  }
0xe: {  	s10 =	sadd.s32 s13, s8;
	s13 =	sshrl.u32 s15, $0x3;
	s15 =	simm.s32 $0x2000  }
.LBB2_1:
0xf: {  	[spmem:s13], [sflag:s9] =	dma.local [hbm:s7], $0x2800  }
0x10: {  	_ =	swait.ge [sflag:s14], $0x2800  }
0x11: {  	[sflag:s14] =	ssyncset.done $0x0  }
0x12: {  	[sflag:s14] =	ssyncadd.s32 $0xFFFFD800  }
0x13: {  	s21 =	simm.s32 $0x0;
	[bflag:$0x0] =	sbarrier.arrive $0xFFFF  }
.LBB2_2:
0x14: {  	s22 =	sshll.u32 s21, $0xC  }
0x15: {  	s23 =	sadd.s32 s10, s22  }
0x16: {  	s23 =	sshrl.u32 s23, $0x3  }
0x17: {  	s23 =	sadd.s32 s5, s23  }
0x18: {  	[tilespmem:s3], [sflag:$0x3] =	stream.linear.gather [hbm4b:s23+s3], $0x1000, $0x38;
	[tilespmem:$0x1E000] =	vst v63  }
0x19: {  	s22 =	sadd.s32 s8, s22;
	_ =	swait.ge [sflag:s14], $0x1000  }
0x1a: {  	s22 =	sshrl.u32 s22, $0x3;
	[sflag:s14] =	ssyncset.done $0x0  }
0x1b: {  	s30 =	sadd.s32 s6, s22;
	s22 =	simm.s32 $0x1000;
	[sflag:s14] =	ssyncadd.s32 $0xFFFFF000  }
0x1c: {  	[tilespmem:s22], [sflag:$0x3] =	stream.linear.gather [hbm4b:s30+s3], $0x1000, $0x38;
	[tilespmem:$0x1E000] =	vst v63  }
0x1d: {  	_ =	swait.ge [sflag:s14], $0x1000  }
0x1e: {  	[sflag:s14] =	ssyncset.done $0x0  }
0x1f: {  	s23 =	simm.s32 $0x80;
	[sflag:s14] =	ssyncadd.s32 $0xFFFFF000  }
0x20: {  	[tilespmem:s15], [sflag:$0x1] =	stream.indirect.gather [hbm4b:s4+s23], $0x80, s3, s23, $0xb8;
	[tilespmem:$0x1E000] =	vst v63  }
0x21: {  	_ = 	snop  }
0x22: {  	[tilespmem:s17], [sflag:$0x2] =	stream.indirect.gather [hbm4b:s4+s16], $0x80, s23, s16, $0xb8;
	[tilespmem:$0x1E000] =	vst v63  }
0x23: {  	_ =	swait.ge [sflag:s18], $0x4000  }
0x24: {  	[sflag:s18] =	ssyncset.done $0x0  }
0x25: {  	[sflag:s18] =	ssyncadd.s32 $0xFFFFC000  }
0x26: {  	[spmem:s1] =	stream.indirect.scatter.add.f32 [tilespmem:s15], [sflag:$0x3], $0x80, s22, s16, $0xb8;
	[tilespmem:$0x1E000] =	vst v63  }
0x27: {  	_ =	swait.ge [sflag:s14], $0x4000  }
0x28: {  	s24 =	simm.s32 $0x100;
	[sflag:s14] =	ssyncset.done $0x0  }
0x29: {  	s24 =	sand.u32 $0xF00, s24;
	[sflag:s14] =	ssyncadd.s32 $0xFFFFC000  }
0x2a: {  	[tilespmem:s15], [sflag:$0x1] =	stream.indirect.gather [hbm4b:s4+s16], $0x80, s24, s16, $0xb8;
	[tilespmem:$0x1E000] =	vst v63  }
0x2b: {  	_ =	swait.ge [sflag:s19], $0x4000  }
0x2c: {  	[sflag:s19] =	ssyncset.done $0x0  }
0x2d: {  	s31 =	simm.s32 $0x1080;
	[sflag:s19] =	ssyncadd.s32 $0xFFFFC000  }
0x2e: {  	[spmem:s1] =	stream.indirect.scatter.add.f32 [tilespmem:s17], [sflag:$0x3], $0x80, s31, s16, $0xb8;
	[tilespmem:$0x1E000] =	vst v63  }
0x2f: {  	_ =	swait.ge [sflag:s14], $0x4000  }
0x30: {  	s24 =	simm.s32 $0x200;
	[sflag:s14] =	ssyncset.done $0x0  }
.LBB2_3:
0x31: {  	[sflag:s14] =	ssyncadd.s32 $0xFFFFC000  }
0x32: {  	s22 =	sadd.s32 $0x100, s22;
	s23 =	sadd.s32 $0x100, s23;
	s25 =	smov.u32 s24  }
0x33: {  	[tilespmem:s17], [sflag:$0x2] =	stream.indirect.gather [hbm4b:s4+s16], $0x80, s23, s16, $0xb8;
	[tilespmem:$0x1E000] =	vst v63  }
0x34: {  	p0 =	sne.s32 s24, $0x1000;
	s24 =	sadd.s32 $0x100, s24;
	_ =	swait.ge [sflag:s18], $0x4000  }
0x35: {  	[sflag:s18] =	ssyncset.done $0x0  }
0x36: {  	[sflag:s18] =	ssyncadd.s32 $0xFFFFC000  }
0x37: {  	[spmem:s1] =	stream.indirect.scatter.add.f32 [tilespmem:s15], [sflag:$0x3], $0x80, s22, s16, $0xb8;
	[tilespmem:$0x1E000] =	vst v63  }
0x38: {  	_ =	swait.ge [sflag:s14], $0x4000  }
0x39: {  	[sflag:s14] =	ssyncset.done $0x0  }
0x3a: {  	s25 =	sand.u32 $0xF00, s25;
	[sflag:s14] =	ssyncadd.s32 $0xFFFFC000  }
0x3b: {  	[tilespmem:s15], [sflag:$0x1] =	stream.indirect.gather [hbm4b:s4+s16], $0x80, s25, s16, $0xb8;
	[tilespmem:$0x1E000] =	vst v63  }
0x3c: {  	_ =	swait.ge [sflag:s19], $0x4000  }
.Ltmp0:
0x3d: {  	[sflag:s19] =	ssyncset.done $0x0;
	(pc) =	sbr.rel @p0 .LBB2_3-.Ltmp0, $4  }
0x3e: {  	s25 =	sadd.s32 $0x80, s22;
	[sflag:s19] =	ssyncadd.s32 $0xFFFFC000  }
0x3f: {  	[spmem:s1] =	stream.indirect.scatter.add.f32 [tilespmem:s17], [sflag:$0x3], $0x80, s25, s16, $0xb8;
	[tilespmem:$0x1E000] =	vst v63  }
0x40: {  	_ =	swait.ge [sflag:s14], $0x4000  }
0x41: {  	[sflag:s14] =	ssyncset.done $0x0  }
0x42: {  	s21 =	sadd.s32 $0x1, s21  }
0x43: {  	p0 =	sne.s32 s21, $0x5  }
.Ltmp1:
0x44: {  	_ = 	snop;
	(pc) =	sbr.rel @p0 .LBB2_2-.Ltmp1, $4  }
0x45: {  	[sflag:s14] =	ssyncadd.s32 $0xFFFFC000  }
0x46: {  	_ =	swait.ge [sflag:s18], $0x4000  }
0x47: {  	[sflag:s18] =	ssyncset.done $0x0  }
0x48: {  	[sflag:s18] =	ssyncadd.s32 $0xFFFFC000  }
0x49: {  	s20 =	sadd.s32 $0x1, s20  }
0x4a: {  	p0 =	sne.s32 s20, s12  }
.Ltmp2:
0x4b: {  	[bflag:$0x0] =	sbarrier.arrive $0xFFFF;
	(pc) =	sbr.rel @p0 .LBB2_1-.Ltmp2, $4  }
0x4c: {  	[hbm:s11], [sflag:s9] =	dma.local [spmem:s13], $0x2800  }
0x4d: {  	_ =	swait.ge [sflag:s14], $0x2800  }
0x4e: {  	[sflag:s14] =	ssyncset.done $0x0  }
0x4f: {  	[sflag:s14] =	ssyncadd.s32 $0xFFFFD800  }
0x50: {  	_ =	sfence.sel $0x180000  }
0x51: {  	[bflag:$0x0] =	sbarrier.arrive $0xFFFF  }
0x52: {  	p0 =	sne.s32 s2, $0x0;
	_ =	strace $0x90000059  }
0x53: {  	s0 =	sadd.s32 @!p0 $0x100000, s0;
	[bflag:$0x2] =	sbarrier.arrive $0xFFFF  }
0x54: {  	[sflag:s0] =	ssyncadd.tile.s32 @!p0 $0x1;
	_ =	shalt  }
.Lfunc_end2:
_tile_overlayer_lowered:
.L_overlay_start_2:
0x55: {  	(tag) =	ssettag $0x2  }
0x56: {  	s0 =	rddreg [dreg:$0x0];
	s2 =	stileid.u32  }
0x57: {  	s1 =	rddreg [dreg:$0x1];
	p0 =	sne.s32 s2, $0x0  }
0x58: {  	s3 =	rddreg [dreg:$0x2];
	[bflag:$0x3] =	sbarrier.arrive $0xFFFF;
	s2 =	simm.s32 @!p0 $0x1C03  }
0x59: {  	[timem:s3], [sflag:s2] =	dma.local @!p0 [hbm:s0], s1  }
0x5a: {  	s0 =	simm.s32 @!p0 $0x3  }
0x5b: {  	_ =	swait.ge @!p0 [sflag:s0], s1  }
0x5c: {  	s1 =	ssub.s32 @!p0 $0x0, s1;
	[sflag:s0] =	ssyncset.done @!p0 $0x0  }
0x5d: {  	[sflag:s0] =	ssyncadd.s32 @!p0 s1  }
0x5e: {  	[bflag:$0x3] =	sbarrier.arrive $0xFFFF  }
0x5f: {  	_ =	shalt  }

// kernel: kernel.55.cloned.1.call-start
scs
__scs_entry_jumppad:
0x0: {  	(pc) =	sbr.rel $0x88, $3  }
0x1: {  	(tag) =	ssettag $0x0;
	lr =	simm.s32 $0x1  }
0x2: {  	[smem:$0x3F67] =	sst lr;
	_ =	strace $0xD0000000  }
0x3: {  	_ = 	snop  }
0x4: {  	_ = 	snop  }
0x5: {  	_ = 	snop  }
0x6: {  	_ = 	snop  }
0x7: {  	_ = 	snop  }
__scs_overlays_trampoline_lowered:
0x8: {  	[smem:$0x3F76] =	sst s0  }
0x9: {  	[smem:$0x3F77] =	sst s1  }
0xa: {  	[smem:$0x3F78] =	sst s2  }
0xb: {  	[smem:$0x3F79] =	sst s3  }
0xc: {  	[smem:$0x3F7A] =	sst s4  }
0xd: {  	[smem:$0x3F7B] =	sst s5  }
0xe: {  	[smem:$0x3F7C] =	sst s6  }
0xf: {  	[smem:$0x3F7D] =	sst s7  }
0x10: {  	[smem:$0x3F7E] =	sst s8  }
0x11: {  	[smem:$0x3F7F] =	sst s9;
	s0 =	simm.s32 @!p0 $0x0  }
0x12: {  	s1 =	sld [smem:$0x3F65];
	s0 =	simm.s32 @p0 $0x1  }
0x13: {  	[smem:$0x3F80] =	sst s0;
	s0 =	simm.s32 @!p1 $0x0  }
0x14: {  	s2 =	sld [smem:$0x3F64];
	s0 =	simm.s32 @p1 $0x1  }
0x15: {  	[smem:$0x3F81] =	sst s0;
	s0 =	simm.s32 @!p2 $0x0  }
0x16: {  	s3 =	sld [smem:$0x3FDB];
	s0 =	simm.s32 @p2 $0x1  }
0x17: {  	s4 =	simm.s32 $0x1BF5;
	[smem:$0x3F83] =	sst s0  }
0x18: {  	s0 =	sld [smem:$0x3F66];
	_ =	swait.ge [sflag:s4], $0x0  }
0x19: {  	s7 =	sld [smem:$0x3F67]  }
0x1a: {  	s8 =	sadd.s32 $0xFFFFE003, lr  }
0x1b: {  	s9 =	sadd.s32 $0xFFFFFEF7, lr;
	s5 =	simm.s32 $0xFFFFFFFF;
	p2 =	slt.u32 s8, $0xFFFFF086  }
0x1c: {  	p1 =	slt.u32 s9, $0xF7A;
	s5 =	simm.s32 @!p2 $0x0  }
0x1d: {  	s5 =	simm.s32 @p1 $0x1;
	p0 =	seq.s32 s7, s2  }
0x1e: {  	s7 =	smul.u32 @!p0 $0xF7A, s2;
	p2 =	seq.s32 @!p0 s5, $0x0  }
0x1f: {  	s9 =	smul.u32 $0xF7A, s1;
	s8 =	simm.s32 @!p0 $0x1BF5;
	p2 =	por !p2, p0  }
0x20: {  	[sflag:s8] =	ssyncset.s32 @!p0 $0xFFFFF086;
	s6 =	sadd.s32 @!p0 s3, s7;
	s7 =	simm.s32 @!p0 $0x108  }
0x21: {  	s3 =	sadd.s32 s3, s9;
	s6 =	sadd.s32 @!p0 $0x88, s6;
	s7 =	simm.s32 @p2 $0x1082  }
0x22: {  	[simem:s7], [sflag:s8] =	dma.local @!p0 [hbm:s6], $0xF7A  }
0x23: {  	s9 =	sor.u32 $0xD0000000, s2;
	s6 =	simm.s32 $0x108;
	_ =	swait.ge @!p0 [sflag:s8], $0x0  }
0x24: {  	s3 =	sadd.s32 $0x88, s3;
	s6 =	simm.s32 @!p1 $0x1082;
	[sflag:s4] =	ssyncset.s32 $0xFFFFF086  }
0x25: {  	[simem:s6], [sflag:s4] =	dma.local [hbm:s3], $0xF7A  }
0x26: {  	[smem:$0x3F67] =	sst s1;
	(tag) =	ssettag s2;
	_ =	strace s9  }
0x27: {  	s1 =	sld [smem:$0x3F77]  }
0x28: {  	s2 =	sld [smem:$0x3F78]  }
0x29: {  	s4 =	sld [smem:$0x3F7A]  }
0x2a: {  	p0 =	seq.s32 s5, $0x0;
	s5 =	sld [smem:$0x3F7B]  }
0x2b: {  	s6 =	sld [smem:$0x3F7C]  }
0x2c: {  	s7 =	sld [smem:$0x3F7D]  }
0x2d: {  	s3 =	simm.s32 $0x108;
	s8 =	sld [smem:$0x3F7E]  }
0x2e: {  	s3 =	simm.s32 @!p0 $0x1082;
	s9 =	sld [smem:$0x3F7F]  }
0x2f: {  	lr =	sadd.s32 s0, s3;
	s0 =	sld [smem:$0x3F76]  }
0x30: {  	s3 =	sld [smem:$0x3F79]  }
0x31: {  	[smem:$0x3F82] =	sst s10  }
0x32: {  	s10 =	sld [smem:$0x3F80];
	_ =	sdelay $0x3  }
0x33: {  	p0 =	seq.s32 s10, $0x1;
	s10 =	sld [smem:$0x3F82];
	_ =	sdelay $0x3  }
0x34: {  	[smem:$0x3F82] =	sst s10  }
0x35: {  	s10 =	sld [smem:$0x3F81];
	_ =	sdelay $0x3  }
0x36: {  	p1 =	seq.s32 s10, $0x1;
	s10 =	sld [smem:$0x3F82];
	_ =	sdelay $0x3  }
0x37: {  	[smem:$0x3F82] =	sst s10  }
0x38: {  	s10 =	sld [smem:$0x3F83]  }
0x39: {  	_ = 	snop;
	(pc) =	sbr.ind lr, $3  }
0x3a: {  	_ = 	snop  }
0x3b: {  	_ = 	snop  }
0x3c: {  	p2 =	seq.s32 s10, $0x1;
	s10 =	sld [smem:$0x3F82]  }
0x3d: {  	_ =	shalt  }
0x3e: {  	_ =	shalt  }
0x3f: {  	_ =	shalt  }
0x40: {  	_ =	shalt  }
0x41: {  	_ =	shalt  }
0x42: {  	_ =	shalt  }
0x43: {  	_ =	shalt  }
0x44: {  	_ =	shalt  }
0x45: {  	_ =	shalt  }
0x46: {  	_ =	shalt  }
0x47: {  	_ =	shalt  }
0x48: {  	_ =	shalt  }
0x49: {  	_ =	shalt  }
0x4a: {  	_ =	shalt  }
0x4b: {  	_ =	shalt  }
0x4c: {  	_ =	shalt  }
0x4d: {  	_ =	shalt  }
0x4e: {  	_ =	shalt  }
0x4f: {  	_ =	shalt  }
0x50: {  	_ =	shalt  }
0x51: {  	_ =	shalt  }
0x52: {  	_ =	shalt  }
0x53: {  	_ =	shalt  }
0x54: {  	_ =	shalt  }
0x55: {  	_ =	shalt  }
0x56: {  	_ =	shalt  }
0x57: {  	_ =	shalt  }
0x58: {  	_ =	shalt  }
0x59: {  	_ =	shalt  }
0x5a: {  	_ =	shalt  }
0x5b: {  	_ =	shalt  }
0x5c: {  	_ =	shalt  }
0x5d: {  	_ =	shalt  }
0x5e: {  	_ =	shalt  }
0x5f: {  	_ =	shalt  }
0x60: {  	_ =	shalt  }
0x61: {  	_ =	shalt  }
0x62: {  	_ =	shalt  }
0x63: {  	_ =	shalt  }
0x64: {  	_ =	shalt  }
0x65: {  	_ =	shalt  }
0x66: {  	_ =	shalt  }
0x67: {  	_ =	shalt  }
0x68: {  	_ =	shalt  }
0x69: {  	_ =	shalt  }
0x6a: {  	_ =	shalt  }
0x6b: {  	_ =	shalt  }
0x6c: {  	_ =	shalt  }
0x6d: {  	_ =	shalt  }
0x6e: {  	_ =	shalt  }
0x6f: {  	_ =	shalt  }
0x70: {  	_ =	shalt  }
0x71: {  	_ =	shalt  }
0x72: {  	_ =	shalt  }
0x73: {  	_ =	shalt  }
0x74: {  	_ =	shalt  }
0x75: {  	_ =	shalt  }
0x76: {  	_ =	shalt  }
0x77: {  	_ =	shalt  }
0x78: {  	_ =	shalt  }
0x79: {  	_ =	shalt  }
0x7a: {  	_ =	shalt  }
0x7b: {  	_ =	shalt  }
0x7c: {  	_ =	shalt  }
0x7d: {  	_ =	shalt  }
0x7e: {  	_ =	shalt  }
0x7f: {  	_ =	shalt  }
0x80: {  	_ =	shalt  }
0x81: {  	_ =	shalt  }
0x82: {  	_ =	shalt  }
0x83: {  	_ =	shalt  }
0x84: {  	_ =	shalt  }
0x85: {  	_ =	shalt  }
0x86: {  	_ =	shalt  }
0x87: {  	_ =	shalt  }
.Lfunc_end0:
.L_simem_size_0:
called_computation.7_lowered:
.L_overlay_start_0:
0x88: {  	s2 =	sld [smem:$0x3FD9]  }
0x89: {  	s3 =	sld [smem:$0x3FFE];
	_ =	sdelay $0x1  }
0x8a: {  	s1 =	srdreg.scid  }
0x8b: {  	s0 =	sand.u32 $0x1, s1  }
0x8c: {  	s16 =	sshll.u32 s0, $0xA;
	s2 =	sadd.s32 s3, s2  }
0x8d: {  	s2 =	sadd.s32 s2, s16  }
0x8e: {  	[smem:$0x3F8E] =	sst s2  }
0x8f: {  	_ = 	snop  }
0x90: {  	(tm) =	ssettm $0x1  }
0x91: {  	s17 =	sld [smem:$0x3FFB];
	_ =	sdelay $0x3  }
0x92: {  	_ =	strace s17  }
0x93: {  	s2 =	sld [smem:$0x3FFC];
	_ =	sdelay $0x3  }
0x94: {  	_ =	strace s2  }
0x95: {  	s2 =	sld [smem:$0x3FFD];
	_ =	sdelay $0x3  }
0x96: {  	_ =	strace s2  }
0x97: {  	_ =	strace $0x8FFFFFFF  }
0x98: {  	s18 =	sld [smem:$0x3FDB];
	_ =	sdelay $0x1  }
0x99: {  	s19 =	simm.s32 $_scs_section_size  }
0x9a: {  	s4 =	simm.s32 $_size__tile_overlayer_lowered;
	s5 =	simm.s32 $_tile_overlayer_lowered  }
0x9b: {  	s22 =	simm.s32 $0x1BFF;
	s21 =	sshll.u32 s5, $0x1;
	s2 =	sadd.s32 s19, s18  }
0x9c: {  	s6 =	simm.s32 $0x0;
	s20 =	sshll.u32 s4, $0x1;
	s4 =	sadd.s32 s21, s2  }
0x9d: {  	[timem:s6], [sflag:s22] =	dma.local [hbm:s4], s20  }
0x9e: {  	_ =	swait.ge [sflag:s22], s20  }
0x9f: {  	s3 =	ssub.s32 $0x0, s20;
	[sflag:s22] =	ssyncset.done $0x0  }
0xa0: {  	[sflag:s22] =	ssyncadd.s32 s3;
	_ =	sdelay $0x1  }
0xa1: {  	s23 =	simm.s32 $0x1B8B  }
0xa2: {  	_ =	swait.ge [sflag:s23], $0x1  }
0xa3: {  	[sflag:s23] =	ssyncset.done $0x0  }
0xa4: {  	s25 =	simm.s32 $0x1B8E;
	s24 =	sld [smem:$0x3FFE];
	[sflag:s23] =	ssyncadd.s32 $0xFFFFFFFF  }
0xa5: {  	s26 =	simm.s32 $execute0_lowered;
	[smem:$0x3FD2] =	sst s25  }
0xa6: {  	s4 =	sshll.u32 s26, $0x1;
	_ =	strace $0x8000005B;
	[dreg:$0x1] =	wrdreg $0xFFFFFFFF  }
0xa7: {  	s28 =	simm.s32 $_size_execute0_lowered;
	s2 =	sadd.s32 s2, s4;
	[dreg:$0x0] =	wrdreg $0x0  }
0xa8: {  	s4 =	sshll.u32 s28, $0x1;
	[dreg:$0x2] =	wrdreg s2  }
0xa9: {  	[dreg:$0x3] =	wrdreg s4  }
0xaa: {  	[dreg:$0x4] =	wrdreg $0xC0  }
0xab: {  	_ =	task [dreg:s6], $0x5FFFF  }
0xac: {  	[dreg:$0x1] =	wrdreg $0xFFFFFFFF  }
0xad: {  	[dreg:$0x0] =	wrdreg $0x60  }
0xae: {  	[dreg:$0x2] =	wrdreg s24  }
0xaf: {  	[dreg:$0x3] =	wrdreg $0xA0000  }
0xb0: {  	[dreg:$0x4] =	wrdreg $0x9  }
0xb1: {  	_ =	task.clear_ibuf [dreg:s6], $0x5FFFF;
	_ =	strace $0x9000005B  }
0xb2: {  	s29 =	simm.s32 $0x9;
	_ =	strace $0x8000005D  }
0xb3: {  	_ =	swait.ge [sflag:s29], $0x1  }
0xb4: {  	[sflag:s29] =	ssyncadd.s32 $0xFFFFFFFF  }
0xb5: {  	_ =	strace $0x9000005D  }
0xb6: {  	_ =	sfence  }
0xb7: {  	s30 =	sld [smem:$0x0];
	_ =	sdelay $0x2  }
0xb8: {  	s31 =	sshll.u32 s1, $0xD;
	s1 =	sshrl.u32 s1, $0x2  }
0xb9: {  	s3 =	sand.u32 $0x4000, s31;
	s1 =	sadd.s32 s1, s30  }
0xba: {  	s0 =	sor.u32 s3, s0;
	s1 =	sshll.u32 s1, $0x11  }
0xbb: {  	s0 =	sor.u32 s1, s0  }
0xbc: {  	s0 =	sadd.s32 $0x8F2B, s0  }
0xbd: {  	[sflag:s0] =	ssyncadd.remote.s32 $0x1  }
0xbe: {  	_ =	sfence.sel $0xFFFF  }
0xbf: {  	[dreg:$0x0] =	wrdreg $0xFFFFFFFF;
	(pc) =	sbr.abs _section_cstart, $3  }
0xc0: {  	[dreg:$0x1] =	wrdreg $0xFFFFFFFF  }
0xc1: {  	_ =	task.clear_ibuf [dreg:s6], $0x2FFFF;
	_ =	strace $0x9FFFFFFF  }
0xc2: {  	(tm) =	ssettm $0x7FFFFFFF  }
0xc3: {  	_ =	shalt  }
tec
execute0_lowered:
.L_overlay_start_1:
0x0: {  	(tag) =	ssettag $0x1  }
0x1: {  	s8 =	rddreg [dreg:$0x0]  }
0x2: {  	s1 =	rddreg [dreg:$0x1];
	s2 =	srdreg.scid  }
0x3: {  	s0 =	rddreg [dreg:$0x2];
	s3 =	simm.s32 $0x0;
	s16 =	simm.s32 $0x80  }
0x4: {  	s17 =	simm.s32 $0x6000;
	s18 =	simm.s32 $0x1;
	s19 =	simm.s32 $0x2  }
0x5: {  	s20 =	simm.s32 $0x0;
	s9 =	sand.u32 $0x1, s2;
	s2 =	stileid.u32  }
0x6: {  	[smem:$0x7FF] =	sst s3;
	s4 =	sadd.s32 $0x2AE00, s8;
	s7 =	smul.u32 $0x140000, s9  }
0x7: {  	s5 =	sadd.s32 $0x16E00, s8;
	s6 =	sadd.s32 $0xCE00, s8;
	s10 =	smul.u32 $0x14000, s2  }
0x8: {  	_ =	strace $0x8000005C;
	s11 =	smul.u32 $0x50000, s2;
	s29 =	ssub.s32 $0x2, s9  }
0x9: {  	s13 =	smul.u32 $0x50000, s9;
	s31 =	sshll.u32 s2, $0x6;
	s30 =	sshrl.u32 s29, $0x1  }
0xa: {  	s9 =	sor.u32 $0x1C03, s31;
	s10 =	sadd.s32 s10, s7;
	s7 =	sadd.s32 $0xF2E00, s8  }
0xb: {  	s11 =	sshrl.u32 s11, $0x2;
	s14 =	ssub.s32 s29, s30;
	s10 =	sshrl.u32 s10, $0x3  }
0xc: {  	s15 =	sadd.s32 s11, s1;
	s12 =	sadd.s32 s10, s8;
	s8 =	smul.u32 $0x5000, s2  }
0xd: {  	s11 =	sadd.s32 $0x7AE00, s12;
	s12 =	smax.u32 s14, $0x1;
	s14 =	simm.s32 $0x3  }
0xe: {  	s10 =	sadd.s32 s13, s8;
	s13 =	sshrl.u32 s15, $0x3;
	s15 =	simm.s32 $0x2000  }
.LBB2_1:
0xf: {  	[spmem:s13], [sflag:s9] =	dma.local [hbm:s7], $0x2800  }
0x10: {  	_ =	swait.ge [sflag:s14], $0x2800  }
0x11: {  	[sflag:s14] =	ssyncset.done $0x0  }
0x12: {  	[sflag:s14] =	ssyncadd.s32 $0xFFFFD800  }
0x13: {  	s21 =	simm.s32 $0x0;
	[bflag:$0x0] =	sbarrier.arrive $0xFFFF  }
.LBB2_2:
0x14: {  	s22 =	sshll.u32 s21, $0xC  }
0x15: {  	s23 =	sadd.s32 s10, s22  }
0x16: {  	s23 =	sshrl.u32 s23, $0x3  }
0x17: {  	s23 =	sadd.s32 s5, s23  }
0x18: {  	[tilespmem:s3], [sflag:$0x3] =	stream.linear.gather [hbm4b:s23+s3], $0x1000, $0x38;
	[tilespmem:$0x1E000] =	vst v63  }
0x19: {  	s22 =	sadd.s32 s8, s22;
	_ =	swait.ge [sflag:s14], $0x1000  }
0x1a: {  	s22 =	sshrl.u32 s22, $0x3;
	[sflag:s14] =	ssyncset.done $0x0  }
0x1b: {  	s30 =	sadd.s32 s6, s22;
	s22 =	simm.s32 $0x1000;
	[sflag:s14] =	ssyncadd.s32 $0xFFFFF000  }
0x1c: {  	[tilespmem:s22], [sflag:$0x3] =	stream.linear.gather [hbm4b:s30+s3], $0x1000, $0x38;
	[tilespmem:$0x1E000] =	vst v63  }
0x1d: {  	_ =	swait.ge [sflag:s14], $0x1000  }
0x1e: {  	[sflag:s14] =	ssyncset.done $0x0  }
0x1f: {  	s23 =	simm.s32 $0x80;
	[sflag:s14] =	ssyncadd.s32 $0xFFFFF000  }
0x20: {  	[tilespmem:s15], [sflag:$0x1] =	stream.indirect.gather [hbm4b:s4+s23], $0x80, s3, s23, $0xb8;
	[tilespmem:$0x1E000] =	vst v63  }
0x21: {  	_ = 	snop  }
0x22: {  	[tilespmem:s17], [sflag:$0x2] =	stream.indirect.gather [hbm4b:s4+s16], $0x80, s23, s16, $0xb8;
	[tilespmem:$0x1E000] =	vst v63  }
0x23: {  	_ =	swait.ge [sflag:s18], $0x4000  }
0x24: {  	[sflag:s18] =	ssyncset.done $0x0  }
0x25: {  	[sflag:s18] =	ssyncadd.s32 $0xFFFFC000  }
0x26: {  	[spmem:s1] =	stream.indirect.scatter.add.f32 [tilespmem:s15], [sflag:$0x3], $0x80, s22, s16, $0xb8;
	[tilespmem:$0x1E000] =	vst v63  }
0x27: {  	_ =	swait.ge [sflag:s14], $0x4000  }
0x28: {  	s24 =	simm.s32 $0x100;
	[sflag:s14] =	ssyncset.done $0x0  }
0x29: {  	s24 =	sand.u32 $0xF00, s24;
	[sflag:s14] =	ssyncadd.s32 $0xFFFFC000  }
0x2a: {  	[tilespmem:s15], [sflag:$0x1] =	stream.indirect.gather [hbm4b:s4+s16], $0x80, s24, s16, $0xb8;
	[tilespmem:$0x1E000] =	vst v63  }
0x2b: {  	_ =	swait.ge [sflag:s19], $0x4000  }
0x2c: {  	[sflag:s19] =	ssyncset.done $0x0  }
0x2d: {  	s31 =	simm.s32 $0x1080;
	[sflag:s19] =	ssyncadd.s32 $0xFFFFC000  }
0x2e: {  	[spmem:s1] =	stream.indirect.scatter.add.f32 [tilespmem:s17], [sflag:$0x3], $0x80, s31, s16, $0xb8;
	[tilespmem:$0x1E000] =	vst v63  }
0x2f: {  	_ =	swait.ge [sflag:s14], $0x4000  }
0x30: {  	s24 =	simm.s32 $0x200;
	[sflag:s14] =	ssyncset.done $0x0  }
.LBB2_3:
0x31: {  	[sflag:s14] =	ssyncadd.s32 $0xFFFFC000  }
0x32: {  	s22 =	sadd.s32 $0x100, s22;
	s23 =	sadd.s32 $0x100, s23;
	s25 =	smov.u32 s24  }
0x33: {  	[tilespmem:s17], [sflag:$0x2] =	stream.indirect.gather [hbm4b:s4+s16], $0x80, s23, s16, $0xb8;
	[tilespmem:$0x1E000] =	vst v63  }
0x34: {  	p0 =	sne.s32 s24, $0x1000;
	s24 =	sadd.s32 $0x100, s24;
	_ =	swait.ge [sflag:s18], $0x4000  }
0x35: {  	[sflag:s18] =	ssyncset.done $0x0  }
0x36: {  	[sflag:s18] =	ssyncadd.s32 $0xFFFFC000  }
0x37: {  	[spmem:s1] =	stream.indirect.scatter.add.f32 [tilespmem:s15], [sflag:$0x3], $0x80, s22, s16, $0xb8;
	[tilespmem:$0x1E000] =	vst v63  }
0x38: {  	_ =	swait.ge [sflag:s14], $0x4000  }
0x39: {  	[sflag:s14] =	ssyncset.done $0x0  }
0x3a: {  	s25 =	sand.u32 $0xF00, s25;
	[sflag:s14] =	ssyncadd.s32 $0xFFFFC000  }
0x3b: {  	[tilespmem:s15], [sflag:$0x1] =	stream.indirect.gather [hbm4b:s4+s16], $0x80, s25, s16, $0xb8;
	[tilespmem:$0x1E000] =	vst v63  }
0x3c: {  	_ =	swait.ge [sflag:s19], $0x4000  }
.Ltmp0:
0x3d: {  	[sflag:s19] =	ssyncset.done $0x0;
	(pc) =	sbr.rel @p0 .LBB2_3-.Ltmp0, $4  }
0x3e: {  	s25 =	sadd.s32 $0x80, s22;
	[sflag:s19] =	ssyncadd.s32 $0xFFFFC000  }
0x3f: {  	[spmem:s1] =	stream.indirect.scatter.add.f32 [tilespmem:s17], [sflag:$0x3], $0x80, s25, s16, $0xb8;
	[tilespmem:$0x1E000] =	vst v63  }
0x40: {  	_ =	swait.ge [sflag:s14], $0x4000  }
0x41: {  	[sflag:s14] =	ssyncset.done $0x0  }
0x42: {  	s21 =	sadd.s32 $0x1, s21  }
0x43: {  	p0 =	sne.s32 s21, $0x5  }
.Ltmp1:
0x44: {  	_ = 	snop;
	(pc) =	sbr.rel @p0 .LBB2_2-.Ltmp1, $4  }
0x45: {  	[sflag:s14] =	ssyncadd.s32 $0xFFFFC000  }
0x46: {  	_ =	swait.ge [sflag:s18], $0x4000  }
0x47: {  	[sflag:s18] =	ssyncset.done $0x0  }
0x48: {  	[sflag:s18] =	ssyncadd.s32 $0xFFFFC000  }
0x49: {  	s20 =	sadd.s32 $0x1, s20  }
0x4a: {  	p0 =	sne.s32 s20, s12  }
.Ltmp2:
0x4b: {  	[bflag:$0x0] =	sbarrier.arrive $0xFFFF;
	(pc) =	sbr.rel @p0 .LBB2_1-.Ltmp2, $4  }
0x4c: {  	[hbm:s11], [sflag:s9] =	dma.local [spmem:s13], $0x2800  }
0x4d: {  	_ =	swait.ge [sflag:s14], $0x2800  }
0x4e: {  	[sflag:s14] =	ssyncset.done $0x0  }
0x4f: {  	[sflag:s14] =	ssyncadd.s32 $0xFFFFD800  }
0x50: {  	_ =	sfence.sel $0x180000  }
0x51: {  	[bflag:$0x0] =	sbarrier.arrive $0xFFFF  }
0x52: {  	p0 =	sne.s32 s2, $0x0;
	_ =	strace $0x9000005C  }
0x53: {  	s0 =	sadd.s32 @!p0 $0x100000, s0;
	[bflag:$0x2] =	sbarrier.arrive $0xFFFF  }
0x54: {  	[sflag:s0] =	ssyncadd.tile.s32 @!p0 $0x1;
	_ =	shalt  }
.Lfunc_end2:
_tile_overlayer_lowered:
.L_overlay_start_2:
0x55: {  	(tag) =	ssettag $0x2  }
0x56: {  	s0 =	rddreg [dreg:$0x0];
	s2 =	stileid.u32  }
0x57: {  	s1 =	rddreg [dreg:$0x1];
	p0 =	sne.s32 s2, $0x0  }
0x58: {  	s3 =	rddreg [dreg:$0x2];
	[bflag:$0x3] =	sbarrier.arrive $0xFFFF;
	s2 =	simm.s32 @!p0 $0x1C03  }
0x59: {  	[timem:s3], [sflag:s2] =	dma.local @!p0 [hbm:s0], s1  }
0x5a: {  	s0 =	simm.s32 @!p0 $0x3  }
0x5b: {  	_ =	swait.ge @!p0 [sflag:s0], s1  }
0x5c: {  	s1 =	ssub.s32 @!p0 $0x0, s1;
	[sflag:s0] =	ssyncset.done @!p0 $0x0  }
0x5d: {  	[sflag:s0] =	ssyncadd.s32 @!p0 s1  }
0x5e: {  	[bflag:$0x3] =	sbarrier.arrive $0xFFFF  }
0x5f: {  	_ =	shalt  }

// kernel: kernel.58.cloned.1.call-start
scs
__scs_entry_jumppad:
0x0: {  	(pc) =	sbr.rel $0x88, $3  }
0x1: {  	(tag) =	ssettag $0x0;
	lr =	simm.s32 $0x1  }
0x2: {  	[smem:$0x3F67] =	sst lr;
	_ =	strace $0xD0000000  }
0x3: {  	_ = 	snop  }
0x4: {  	_ = 	snop  }
0x5: {  	_ = 	snop  }
0x6: {  	_ = 	snop  }
0x7: {  	_ = 	snop  }
__scs_overlays_trampoline_lowered:
0x8: {  	[smem:$0x3F76] =	sst s0  }
0x9: {  	[smem:$0x3F77] =	sst s1  }
0xa: {  	[smem:$0x3F78] =	sst s2  }
0xb: {  	[smem:$0x3F79] =	sst s3  }
0xc: {  	[smem:$0x3F7A] =	sst s4  }
0xd: {  	[smem:$0x3F7B] =	sst s5  }
0xe: {  	[smem:$0x3F7C] =	sst s6  }
0xf: {  	[smem:$0x3F7D] =	sst s7  }
0x10: {  	[smem:$0x3F7E] =	sst s8  }
0x11: {  	[smem:$0x3F7F] =	sst s9;
	s0 =	simm.s32 @!p0 $0x0  }
0x12: {  	s1 =	sld [smem:$0x3F65];
	s0 =	simm.s32 @p0 $0x1  }
0x13: {  	[smem:$0x3F80] =	sst s0;
	s0 =	simm.s32 @!p1 $0x0  }
0x14: {  	s2 =	sld [smem:$0x3F64];
	s0 =	simm.s32 @p1 $0x1  }
0x15: {  	[smem:$0x3F81] =	sst s0;
	s0 =	simm.s32 @!p2 $0x0  }
0x16: {  	s3 =	sld [smem:$0x3FDB];
	s0 =	simm.s32 @p2 $0x1  }
0x17: {  	s4 =	simm.s32 $0x1BF5;
	[smem:$0x3F83] =	sst s0  }
0x18: {  	s0 =	sld [smem:$0x3F66];
	_ =	swait.ge [sflag:s4], $0x0  }
0x19: {  	s7 =	sld [smem:$0x3F67]  }
0x1a: {  	s8 =	sadd.s32 $0xFFFFE003, lr  }
0x1b: {  	s9 =	sadd.s32 $0xFFFFFEF7, lr;
	s5 =	simm.s32 $0xFFFFFFFF;
	p2 =	slt.u32 s8, $0xFFFFF086  }
0x1c: {  	p1 =	slt.u32 s9, $0xF7A;
	s5 =	simm.s32 @!p2 $0x0  }
0x1d: {  	s5 =	simm.s32 @p1 $0x1;
	p0 =	seq.s32 s7, s2  }
0x1e: {  	s7 =	smul.u32 @!p0 $0xF7A, s2;
	p2 =	seq.s32 @!p0 s5, $0x0  }
0x1f: {  	s9 =	smul.u32 $0xF7A, s1;
	s8 =	simm.s32 @!p0 $0x1BF5;
	p2 =	por !p2, p0  }
0x20: {  	[sflag:s8] =	ssyncset.s32 @!p0 $0xFFFFF086;
	s6 =	sadd.s32 @!p0 s3, s7;
	s7 =	simm.s32 @!p0 $0x108  }
0x21: {  	s3 =	sadd.s32 s3, s9;
	s6 =	sadd.s32 @!p0 $0x88, s6;
	s7 =	simm.s32 @p2 $0x1082  }
0x22: {  	[simem:s7], [sflag:s8] =	dma.local @!p0 [hbm:s6], $0xF7A  }
0x23: {  	s9 =	sor.u32 $0xD0000000, s2;
	s6 =	simm.s32 $0x108;
	_ =	swait.ge @!p0 [sflag:s8], $0x0  }
0x24: {  	s3 =	sadd.s32 $0x88, s3;
	s6 =	simm.s32 @!p1 $0x1082;
	[sflag:s4] =	ssyncset.s32 $0xFFFFF086  }
0x25: {  	[simem:s6], [sflag:s4] =	dma.local [hbm:s3], $0xF7A  }
0x26: {  	[smem:$0x3F67] =	sst s1;
	(tag) =	ssettag s2;
	_ =	strace s9  }
0x27: {  	s1 =	sld [smem:$0x3F77]  }
0x28: {  	s2 =	sld [smem:$0x3F78]  }
0x29: {  	s4 =	sld [smem:$0x3F7A]  }
0x2a: {  	p0 =	seq.s32 s5, $0x0;
	s5 =	sld [smem:$0x3F7B]  }
0x2b: {  	s6 =	sld [smem:$0x3F7C]  }
0x2c: {  	s7 =	sld [smem:$0x3F7D]  }
0x2d: {  	s3 =	simm.s32 $0x108;
	s8 =	sld [smem:$0x3F7E]  }
0x2e: {  	s3 =	simm.s32 @!p0 $0x1082;
	s9 =	sld [smem:$0x3F7F]  }
0x2f: {  	lr =	sadd.s32 s0, s3;
	s0 =	sld [smem:$0x3F76]  }
0x30: {  	s3 =	sld [smem:$0x3F79]  }
0x31: {  	[smem:$0x3F82] =	sst s10  }
0x32: {  	s10 =	sld [smem:$0x3F80];
	_ =	sdelay $0x3  }
0x33: {  	p0 =	seq.s32 s10, $0x1;
	s10 =	sld [smem:$0x3F82];
	_ =	sdelay $0x3  }
0x34: {  	[smem:$0x3F82] =	sst s10  }
0x35: {  	s10 =	sld [smem:$0x3F81];
	_ =	sdelay $0x3  }
0x36: {  	p1 =	seq.s32 s10, $0x1;
	s10 =	sld [smem:$0x3F82];
	_ =	sdelay $0x3  }
0x37: {  	[smem:$0x3F82] =	sst s10  }
0x38: {  	s10 =	sld [smem:$0x3F83]  }
0x39: {  	_ = 	snop;
	(pc) =	sbr.ind lr, $3  }
0x3a: {  	_ = 	snop  }
0x3b: {  	_ = 	snop  }
0x3c: {  	p2 =	seq.s32 s10, $0x1;
	s10 =	sld [smem:$0x3F82]  }
0x3d: {  	_ =	shalt  }
0x3e: {  	_ =	shalt  }
0x3f: {  	_ =	shalt  }
0x40: {  	_ =	shalt  }
0x41: {  	_ =	shalt  }
0x42: {  	_ =	shalt  }
0x43: {  	_ =	shalt  }
0x44: {  	_ =	shalt  }
0x45: {  	_ =	shalt  }
0x46: {  	_ =	shalt  }
0x47: {  	_ =	shalt  }
0x48: {  	_ =	shalt  }
0x49: {  	_ =	shalt  }
0x4a: {  	_ =	shalt  }
0x4b: {  	_ =	shalt  }
0x4c: {  	_ =	shalt  }
0x4d: {  	_ =	shalt  }
0x4e: {  	_ =	shalt  }
0x4f: {  	_ =	shalt  }
0x50: {  	_ =	shalt  }
0x51: {  	_ =	shalt  }
0x52: {  	_ =	shalt  }
0x53: {  	_ =	shalt  }
0x54: {  	_ =	shalt  }
0x55: {  	_ =	shalt  }
0x56: {  	_ =	shalt  }
0x57: {  	_ =	shalt  }
0x58: {  	_ =	shalt  }
0x59: {  	_ =	shalt  }
0x5a: {  	_ =	shalt  }
0x5b: {  	_ =	shalt  }
0x5c: {  	_ =	shalt  }
0x5d: {  	_ =	shalt  }
0x5e: {  	_ =	shalt  }
0x5f: {  	_ =	shalt  }
0x60: {  	_ =	shalt  }
0x61: {  	_ =	shalt  }
0x62: {  	_ =	shalt  }
0x63: {  	_ =	shalt  }
0x64: {  	_ =	shalt  }
0x65: {  	_ =	shalt  }
0x66: {  	_ =	shalt  }
0x67: {  	_ =	shalt  }
0x68: {  	_ =	shalt  }
0x69: {  	_ =	shalt  }
0x6a: {  	_ =	shalt  }
0x6b: {  	_ =	shalt  }
0x6c: {  	_ =	shalt  }
0x6d: {  	_ =	shalt  }
0x6e: {  	_ =	shalt  }
0x6f: {  	_ =	shalt  }
0x70: {  	_ =	shalt  }
0x71: {  	_ =	shalt  }
0x72: {  	_ =	shalt  }
0x73: {  	_ =	shalt  }
0x74: {  	_ =	shalt  }
0x75: {  	_ =	shalt  }
0x76: {  	_ =	shalt  }
0x77: {  	_ =	shalt  }
0x78: {  	_ =	shalt  }
0x79: {  	_ =	shalt  }
0x7a: {  	_ =	shalt  }
0x7b: {  	_ =	shalt  }
0x7c: {  	_ =	shalt  }
0x7d: {  	_ =	shalt  }
0x7e: {  	_ =	shalt  }
0x7f: {  	_ =	shalt  }
0x80: {  	_ =	shalt  }
0x81: {  	_ =	shalt  }
0x82: {  	_ =	shalt  }
0x83: {  	_ =	shalt  }
0x84: {  	_ =	shalt  }
0x85: {  	_ =	shalt  }
0x86: {  	_ =	shalt  }
0x87: {  	_ =	shalt  }
.Lfunc_end0:
.L_simem_size_0:
called_computation.8_lowered:
.L_overlay_start_0:
0x88: {  	s2 =	sld [smem:$0x3FD9]  }
0x89: {  	s3 =	sld [smem:$0x3FFE];
	_ =	sdelay $0x1  }
0x8a: {  	s1 =	srdreg.scid  }
0x8b: {  	s0 =	sand.u32 $0x1, s1  }
0x8c: {  	s16 =	sshll.u32 s0, $0xA;
	s2 =	sadd.s32 s3, s2  }
0x8d: {  	s2 =	sadd.s32 s2, s16  }
0x8e: {  	[smem:$0x3F8E] =	sst s2  }
0x8f: {  	_ = 	snop  }
0x90: {  	(tm) =	ssettm $0x1  }
0x91: {  	s17 =	sld [smem:$0x3FFB];
	_ =	sdelay $0x3  }
0x92: {  	_ =	strace s17  }
0x93: {  	s2 =	sld [smem:$0x3FFC];
	_ =	sdelay $0x3  }
0x94: {  	_ =	strace s2  }
0x95: {  	s2 =	sld [smem:$0x3FFD];
	_ =	sdelay $0x3  }
0x96: {  	_ =	strace s2  }
0x97: {  	_ =	strace $0x8FFFFFFF  }
0x98: {  	s18 =	sld [smem:$0x3FDB];
	_ =	sdelay $0x1  }
0x99: {  	s19 =	simm.s32 $_scs_section_size  }
0x9a: {  	s4 =	simm.s32 $_size__tile_overlayer_lowered;
	s5 =	simm.s32 $_tile_overlayer_lowered  }
0x9b: {  	s22 =	simm.s32 $0x1BFF;
	s21 =	sshll.u32 s5, $0x1;
	s2 =	sadd.s32 s19, s18  }
0x9c: {  	s6 =	simm.s32 $0x0;
	s20 =	sshll.u32 s4, $0x1;
	s4 =	sadd.s32 s21, s2  }
0x9d: {  	[timem:s6], [sflag:s22] =	dma.local [hbm:s4], s20  }
0x9e: {  	_ =	swait.ge [sflag:s22], s20  }
0x9f: {  	s3 =	ssub.s32 $0x0, s20;
	[sflag:s22] =	ssyncset.done $0x0  }
0xa0: {  	[sflag:s22] =	ssyncadd.s32 s3;
	_ =	sdelay $0x1  }
0xa1: {  	s23 =	simm.s32 $0x1B8B  }
0xa2: {  	_ =	swait.ge [sflag:s23], $0x1  }
0xa3: {  	[sflag:s23] =	ssyncset.done $0x0  }
0xa4: {  	s25 =	simm.s32 $0x1B8E;
	s24 =	sld [smem:$0x3FFE];
	[sflag:s23] =	ssyncadd.s32 $0xFFFFFFFF  }
0xa5: {  	s26 =	simm.s32 $execute0_lowered;
	[smem:$0x3FD2] =	sst s25  }
0xa6: {  	s4 =	sshll.u32 s26, $0x1;
	_ =	strace $0x8000005E;
	[dreg:$0x1] =	wrdreg $0xFFFFFFFF  }
0xa7: {  	s28 =	simm.s32 $_size_execute0_lowered;
	s2 =	sadd.s32 s2, s4;
	[dreg:$0x0] =	wrdreg $0x0  }
0xa8: {  	s4 =	sshll.u32 s28, $0x1;
	[dreg:$0x2] =	wrdreg s2  }
0xa9: {  	[dreg:$0x3] =	wrdreg s4  }
0xaa: {  	[dreg:$0x4] =	wrdreg $0xC0  }
0xab: {  	_ =	task [dreg:s6], $0x5FFFF  }
0xac: {  	[dreg:$0x1] =	wrdreg $0xFFFFFFFF  }
0xad: {  	[dreg:$0x0] =	wrdreg $0x60  }
0xae: {  	[dreg:$0x2] =	wrdreg s24  }
0xaf: {  	[dreg:$0x3] =	wrdreg $0xA0000  }
0xb0: {  	[dreg:$0x4] =	wrdreg $0x9  }
0xb1: {  	_ =	task.clear_ibuf [dreg:s6], $0x5FFFF;
	_ =	strace $0x9000005E  }
0xb2: {  	s29 =	simm.s32 $0x9;
	_ =	strace $0x80000060  }
0xb3: {  	_ =	swait.ge [sflag:s29], $0x1  }
0xb4: {  	[sflag:s29] =	ssyncadd.s32 $0xFFFFFFFF  }
0xb5: {  	_ =	strace $0x90000060  }
0xb6: {  	_ =	sfence  }
0xb7: {  	s30 =	sld [smem:$0x0];
	_ =	sdelay $0x2  }
0xb8: {  	s31 =	sshll.u32 s1, $0xD;
	s1 =	sshrl.u32 s1, $0x2  }
0xb9: {  	s3 =	sand.u32 $0x4000, s31;
	s1 =	sadd.s32 s1, s30  }
0xba: {  	s0 =	sor.u32 s3, s0;
	s1 =	sshll.u32 s1, $0x11  }
0xbb: {  	s0 =	sor.u32 s1, s0  }
0xbc: {  	s0 =	sadd.s32 $0x8F2B, s0  }
0xbd: {  	[sflag:s0] =	ssyncadd.remote.s32 $0x1  }
0xbe: {  	_ =	sfence.sel $0xFFFF  }
0xbf: {  	[dreg:$0x0] =	wrdreg $0xFFFFFFFF;
	(pc) =	sbr.abs _section_cstart, $3  }
0xc0: {  	[dreg:$0x1] =	wrdreg $0xFFFFFFFF  }
0xc1: {  	_ =	task.clear_ibuf [dreg:s6], $0x2FFFF;
	_ =	strace $0x9FFFFFFF  }
0xc2: {  	(tm) =	ssettm $0x7FFFFFFF  }
0xc3: {  	_ =	shalt  }
tec
execute0_lowered:
.L_overlay_start_1:
0x0: {  	(tag) =	ssettag $0x1  }
0x1: {  	s8 =	rddreg [dreg:$0x0]  }
0x2: {  	s1 =	rddreg [dreg:$0x1];
	s2 =	srdreg.scid  }
0x3: {  	s0 =	rddreg [dreg:$0x2];
	s3 =	simm.s32 $0x0;
	s16 =	simm.s32 $0x80  }
0x4: {  	s17 =	simm.s32 $0x6000;
	s18 =	simm.s32 $0x1;
	s19 =	simm.s32 $0x2  }
0x5: {  	s20 =	simm.s32 $0x0;
	s9 =	sand.u32 $0x1, s2;
	s2 =	stileid.u32  }
0x6: {  	[smem:$0x7FF] =	sst s3;
	s4 =	sadd.s32 $0x2AE00, s8;
	s7 =	smul.u32 $0x140000, s9  }
0x7: {  	s5 =	sadd.s32 $0x16E00, s8;
	s6 =	sadd.s32 $0xCE00, s8;
	s10 =	smul.u32 $0x14000, s2  }
0x8: {  	_ =	strace $0x8000005F;
	s11 =	smul.u32 $0x50000, s2;
	s29 =	ssub.s32 $0x2, s9  }
0x9: {  	s13 =	smul.u32 $0x50000, s9;
	s31 =	sshll.u32 s2, $0x6;
	s30 =	sshrl.u32 s29, $0x1  }
0xa: {  	s9 =	sor.u32 $0x1C03, s31;
	s10 =	sadd.s32 s10, s7;
	s7 =	sadd.s32 $0xF2E00, s8  }
0xb: {  	s11 =	sshrl.u32 s11, $0x2;
	s14 =	ssub.s32 s29, s30;
	s10 =	sshrl.u32 s10, $0x3  }
0xc: {  	s15 =	sadd.s32 s11, s1;
	s12 =	sadd.s32 s10, s8;
	s8 =	smul.u32 $0x5000, s2  }
0xd: {  	s11 =	sadd.s32 $0x7AE00, s12;
	s12 =	smax.u32 s14, $0x1;
	s14 =	simm.s32 $0x3  }
0xe: {  	s10 =	sadd.s32 s13, s8;
	s13 =	sshrl.u32 s15, $0x3;
	s15 =	simm.s32 $0x2000  }
.LBB2_1:
0xf: {  	[spmem:s13], [sflag:s9] =	dma.local [hbm:s7], $0x2800  }
0x10: {  	_ =	swait.ge [sflag:s14], $0x2800  }
0x11: {  	[sflag:s14] =	ssyncset.done $0x0  }
0x12: {  	[sflag:s14] =	ssyncadd.s32 $0xFFFFD800  }
0x13: {  	s21 =	simm.s32 $0x0;
	[bflag:$0x0] =	sbarrier.arrive $0xFFFF  }
.LBB2_2:
0x14: {  	s22 =	sshll.u32 s21, $0xC  }
0x15: {  	s23 =	sadd.s32 s10, s22  }
0x16: {  	s23 =	sshrl.u32 s23, $0x3  }
0x17: {  	s23 =	sadd.s32 s5, s23  }
0x18: {  	[tilespmem:s3], [sflag:$0x3] =	stream.linear.gather [hbm4b:s23+s3], $0x1000, $0x38;
	[tilespmem:$0x1E000] =	vst v63  }
0x19: {  	s22 =	sadd.s32 s8, s22;
	_ =	swait.ge [sflag:s14], $0x1000  }
0x1a: {  	s22 =	sshrl.u32 s22, $0x3;
	[sflag:s14] =	ssyncset.done $0x0  }
0x1b: {  	s30 =	sadd.s32 s6, s22;
	s22 =	simm.s32 $0x1000;
	[sflag:s14] =	ssyncadd.s32 $0xFFFFF000  }
0x1c: {  	[tilespmem:s22], [sflag:$0x3] =	stream.linear.gather [hbm4b:s30+s3], $0x1000, $0x38;
	[tilespmem:$0x1E000] =	vst v63  }
0x1d: {  	_ =	swait.ge [sflag:s14], $0x1000  }
0x1e: {  	[sflag:s14] =	ssyncset.done $0x0  }
0x1f: {  	s23 =	simm.s32 $0x80;
	[sflag:s14] =	ssyncadd.s32 $0xFFFFF000  }
0x20: {  	[tilespmem:s15], [sflag:$0x1] =	stream.indirect.gather [hbm4b:s4+s23], $0x80, s3, s23, $0xb8;
	[tilespmem:$0x1E000] =	vst v63  }
0x21: {  	_ = 	snop  }
0x22: {  	[tilespmem:s17], [sflag:$0x2] =	stream.indirect.gather [hbm4b:s4+s16], $0x80, s23, s16, $0xb8;
	[tilespmem:$0x1E000] =	vst v63  }
0x23: {  	_ =	swait.ge [sflag:s18], $0x4000  }
0x24: {  	[sflag:s18] =	ssyncset.done $0x0  }
0x25: {  	[sflag:s18] =	ssyncadd.s32 $0xFFFFC000  }
0x26: {  	[spmem:s1] =	stream.indirect.scatter.add.f32 [tilespmem:s15], [sflag:$0x3], $0x80, s22, s16, $0xb8;
	[tilespmem:$0x1E000] =	vst v63  }
0x27: {  	_ =	swait.ge [sflag:s14], $0x4000  }
0x28: {  	s24 =	simm.s32 $0x100;
	[sflag:s14] =	ssyncset.done $0x0  }
0x29: {  	s24 =	sand.u32 $0xF00, s24;
	[sflag:s14] =	ssyncadd.s32 $0xFFFFC000  }
0x2a: {  	[tilespmem:s15], [sflag:$0x1] =	stream.indirect.gather [hbm4b:s4+s16], $0x80, s24, s16, $0xb8;
	[tilespmem:$0x1E000] =	vst v63  }
0x2b: {  	_ =	swait.ge [sflag:s19], $0x4000  }
0x2c: {  	[sflag:s19] =	ssyncset.done $0x0  }
0x2d: {  	s31 =	simm.s32 $0x1080;
	[sflag:s19] =	ssyncadd.s32 $0xFFFFC000  }
0x2e: {  	[spmem:s1] =	stream.indirect.scatter.add.f32 [tilespmem:s17], [sflag:$0x3], $0x80, s31, s16, $0xb8;
	[tilespmem:$0x1E000] =	vst v63  }
0x2f: {  	_ =	swait.ge [sflag:s14], $0x4000  }
0x30: {  	s24 =	simm.s32 $0x200;
	[sflag:s14] =	ssyncset.done $0x0  }
.LBB2_3:
0x31: {  	[sflag:s14] =	ssyncadd.s32 $0xFFFFC000  }
0x32: {  	s22 =	sadd.s32 $0x100, s22;
	s23 =	sadd.s32 $0x100, s23;
	s25 =	smov.u32 s24  }
0x33: {  	[tilespmem:s17], [sflag:$0x2] =	stream.indirect.gather [hbm4b:s4+s16], $0x80, s23, s16, $0xb8;
	[tilespmem:$0x1E000] =	vst v63  }
0x34: {  	p0 =	sne.s32 s24, $0x1000;
	s24 =	sadd.s32 $0x100, s24;
	_ =	swait.ge [sflag:s18], $0x4000  }
0x35: {  	[sflag:s18] =	ssyncset.done $0x0  }
0x36: {  	[sflag:s18] =	ssyncadd.s32 $0xFFFFC000  }
0x37: {  	[spmem:s1] =	stream.indirect.scatter.add.f32 [tilespmem:s15], [sflag:$0x3], $0x80, s22, s16, $0xb8;
	[tilespmem:$0x1E000] =	vst v63  }
0x38: {  	_ =	swait.ge [sflag:s14], $0x4000  }
0x39: {  	[sflag:s14] =	ssyncset.done $0x0  }
0x3a: {  	s25 =	sand.u32 $0xF00, s25;
	[sflag:s14] =	ssyncadd.s32 $0xFFFFC000  }
0x3b: {  	[tilespmem:s15], [sflag:$0x1] =	stream.indirect.gather [hbm4b:s4+s16], $0x80, s25, s16, $0xb8;
	[tilespmem:$0x1E000] =	vst v63  }
0x3c: {  	_ =	swait.ge [sflag:s19], $0x4000  }
.Ltmp0:
0x3d: {  	[sflag:s19] =	ssyncset.done $0x0;
	(pc) =	sbr.rel @p0 .LBB2_3-.Ltmp0, $4  }
0x3e: {  	s25 =	sadd.s32 $0x80, s22;
	[sflag:s19] =	ssyncadd.s32 $0xFFFFC000  }
0x3f: {  	[spmem:s1] =	stream.indirect.scatter.add.f32 [tilespmem:s17], [sflag:$0x3], $0x80, s25, s16, $0xb8;
	[tilespmem:$0x1E000] =	vst v63  }
0x40: {  	_ =	swait.ge [sflag:s14], $0x4000  }
0x41: {  	[sflag:s14] =	ssyncset.done $0x0  }
0x42: {  	s21 =	sadd.s32 $0x1, s21  }
0x43: {  	p0 =	sne.s32 s21, $0x5  }
.Ltmp1:
0x44: {  	_ = 	snop;
	(pc) =	sbr.rel @p0 .LBB2_2-.Ltmp1, $4  }
0x45: {  	[sflag:s14] =	ssyncadd.s32 $0xFFFFC000  }
0x46: {  	_ =	swait.ge [sflag:s18], $0x4000  }
0x47: {  	[sflag:s18] =	ssyncset.done $0x0  }
0x48: {  	[sflag:s18] =	ssyncadd.s32 $0xFFFFC000  }
0x49: {  	s20 =	sadd.s32 $0x1, s20  }
0x4a: {  	p0 =	sne.s32 s20, s12  }
.Ltmp2:
0x4b: {  	[bflag:$0x0] =	sbarrier.arrive $0xFFFF;
	(pc) =	sbr.rel @p0 .LBB2_1-.Ltmp2, $4  }
0x4c: {  	[hbm:s11], [sflag:s9] =	dma.local [spmem:s13], $0x2800  }
0x4d: {  	_ =	swait.ge [sflag:s14], $0x2800  }
0x4e: {  	[sflag:s14] =	ssyncset.done $0x0  }
0x4f: {  	[sflag:s14] =	ssyncadd.s32 $0xFFFFD800  }
0x50: {  	_ =	sfence.sel $0x180000  }
0x51: {  	[bflag:$0x0] =	sbarrier.arrive $0xFFFF  }
0x52: {  	p0 =	sne.s32 s2, $0x0;
	_ =	strace $0x9000005F  }
0x53: {  	s0 =	sadd.s32 @!p0 $0x100000, s0;
	[bflag:$0x2] =	sbarrier.arrive $0xFFFF  }
0x54: {  	[sflag:s0] =	ssyncadd.tile.s32 @!p0 $0x1;
	_ =	shalt  }
.Lfunc_end2:
_tile_overlayer_lowered:
.L_overlay_start_2:
0x55: {  	(tag) =	ssettag $0x2  }
0x56: {  	s0 =	rddreg [dreg:$0x0];
	s2 =	stileid.u32  }
0x57: {  	s1 =	rddreg [dreg:$0x1];
	p0 =	sne.s32 s2, $0x0  }
0x58: {  	s3 =	rddreg [dreg:$0x2];
	[bflag:$0x3] =	sbarrier.arrive $0xFFFF;
	s2 =	simm.s32 @!p0 $0x1C03  }
0x59: {  	[timem:s3], [sflag:s2] =	dma.local @!p0 [hbm:s0], s1  }
0x5a: {  	s0 =	simm.s32 @!p0 $0x3  }
0x5b: {  	_ =	swait.ge @!p0 [sflag:s0], s1  }
0x5c: {  	s1 =	ssub.s32 @!p0 $0x0, s1;
	[sflag:s0] =	ssyncset.done @!p0 $0x0  }
0x5d: {  	[sflag:s0] =	ssyncadd.s32 @!p0 s1  }
0x5e: {  	[bflag:$0x3] =	sbarrier.arrive $0xFFFF  }
0x5f: {  	_ =	shalt  }

// kernel: kernel.61.cloned.1.call-start
scs
__scs_entry_jumppad:
0x0: {  	(pc) =	sbr.rel $0x88, $3  }
0x1: {  	(tag) =	ssettag $0x0;
	lr =	simm.s32 $0x1  }
0x2: {  	[smem:$0x3F67] =	sst lr;
	_ =	strace $0xD0000000  }
0x3: {  	_ = 	snop  }
0x4: {  	_ = 	snop  }
0x5: {  	_ = 	snop  }
0x6: {  	_ = 	snop  }
0x7: {  	_ = 	snop  }
__scs_overlays_trampoline_lowered:
0x8: {  	[smem:$0x3F76] =	sst s0  }
0x9: {  	[smem:$0x3F77] =	sst s1  }
0xa: {  	[smem:$0x3F78] =	sst s2  }
0xb: {  	[smem:$0x3F79] =	sst s3  }
0xc: {  	[smem:$0x3F7A] =	sst s4  }
0xd: {  	[smem:$0x3F7B] =	sst s5  }
0xe: {  	[smem:$0x3F7C] =	sst s6  }
0xf: {  	[smem:$0x3F7D] =	sst s7  }
0x10: {  	[smem:$0x3F7E] =	sst s8  }
0x11: {  	[smem:$0x3F7F] =	sst s9;
	s0 =	simm.s32 @!p0 $0x0  }
0x12: {  	s1 =	sld [smem:$0x3F65];
	s0 =	simm.s32 @p0 $0x1  }
0x13: {  	[smem:$0x3F80] =	sst s0;
	s0 =	simm.s32 @!p1 $0x0  }
0x14: {  	s2 =	sld [smem:$0x3F64];
	s0 =	simm.s32 @p1 $0x1  }
0x15: {  	[smem:$0x3F81] =	sst s0;
	s0 =	simm.s32 @!p2 $0x0  }
0x16: {  	s3 =	sld [smem:$0x3FDB];
	s0 =	simm.s32 @p2 $0x1  }
0x17: {  	s4 =	simm.s32 $0x1BF5;
	[smem:$0x3F83] =	sst s0  }
0x18: {  	s0 =	sld [smem:$0x3F66];
	_ =	swait.ge [sflag:s4], $0x0  }
0x19: {  	s7 =	sld [smem:$0x3F67]  }
0x1a: {  	s8 =	sadd.s32 $0xFFFFE003, lr  }
0x1b: {  	s9 =	sadd.s32 $0xFFFFFEF7, lr;
	s5 =	simm.s32 $0xFFFFFFFF;
	p2 =	slt.u32 s8, $0xFFFFF086  }
0x1c: {  	p1 =	slt.u32 s9, $0xF7A;
	s5 =	simm.s32 @!p2 $0x0  }
0x1d: {  	s5 =	simm.s32 @p1 $0x1;
	p0 =	seq.s32 s7, s2  }
0x1e: {  	s7 =	smul.u32 @!p0 $0xF7A, s2;
	p2 =	seq.s32 @!p0 s5, $0x0  }
0x1f: {  	s9 =	smul.u32 $0xF7A, s1;
	s8 =	simm.s32 @!p0 $0x1BF5;
	p2 =	por !p2, p0  }
0x20: {  	[sflag:s8] =	ssyncset.s32 @!p0 $0xFFFFF086;
	s6 =	sadd.s32 @!p0 s3, s7;
	s7 =	simm.s32 @!p0 $0x108  }
0x21: {  	s3 =	sadd.s32 s3, s9;
	s6 =	sadd.s32 @!p0 $0x88, s6;
	s7 =	simm.s32 @p2 $0x1082  }
0x22: {  	[simem:s7], [sflag:s8] =	dma.local @!p0 [hbm:s6], $0xF7A  }
0x23: {  	s9 =	sor.u32 $0xD0000000, s2;
	s6 =	simm.s32 $0x108;
	_ =	swait.ge @!p0 [sflag:s8], $0x0  }
0x24: {  	s3 =	sadd.s32 $0x88, s3;
	s6 =	simm.s32 @!p1 $0x1082;
	[sflag:s4] =	ssyncset.s32 $0xFFFFF086  }
0x25: {  	[simem:s6], [sflag:s4] =	dma.local [hbm:s3], $0xF7A  }
0x26: {  	[smem:$0x3F67] =	sst s1;
	(tag) =	ssettag s2;
	_ =	strace s9  }
0x27: {  	s1 =	sld [smem:$0x3F77]  }
0x28: {  	s2 =	sld [smem:$0x3F78]  }
0x29: {  	s4 =	sld [smem:$0x3F7A]  }
0x2a: {  	p0 =	seq.s32 s5, $0x0;
	s5 =	sld [smem:$0x3F7B]  }
0x2b: {  	s6 =	sld [smem:$0x3F7C]  }
0x2c: {  	s7 =	sld [smem:$0x3F7D]  }
0x2d: {  	s3 =	simm.s32 $0x108;
	s8 =	sld [smem:$0x3F7E]  }
0x2e: {  	s3 =	simm.s32 @!p0 $0x1082;
	s9 =	sld [smem:$0x3F7F]  }
0x2f: {  	lr =	sadd.s32 s0, s3;
	s0 =	sld [smem:$0x3F76]  }
0x30: {  	s3 =	sld [smem:$0x3F79]  }
0x31: {  	[smem:$0x3F82] =	sst s10  }
0x32: {  	s10 =	sld [smem:$0x3F80];
	_ =	sdelay $0x3  }
0x33: {  	p0 =	seq.s32 s10, $0x1;
	s10 =	sld [smem:$0x3F82];
	_ =	sdelay $0x3  }
0x34: {  	[smem:$0x3F82] =	sst s10  }
0x35: {  	s10 =	sld [smem:$0x3F81];
	_ =	sdelay $0x3  }
0x36: {  	p1 =	seq.s32 s10, $0x1;
	s10 =	sld [smem:$0x3F82];
	_ =	sdelay $0x3  }
0x37: {  	[smem:$0x3F82] =	sst s10  }
0x38: {  	s10 =	sld [smem:$0x3F83]  }
0x39: {  	_ = 	snop;
	(pc) =	sbr.ind lr, $3  }
0x3a: {  	_ = 	snop  }
0x3b: {  	_ = 	snop  }
0x3c: {  	p2 =	seq.s32 s10, $0x1;
	s10 =	sld [smem:$0x3F82]  }
0x3d: {  	_ =	shalt  }
0x3e: {  	_ =	shalt  }
0x3f: {  	_ =	shalt  }
0x40: {  	_ =	shalt  }
0x41: {  	_ =	shalt  }
0x42: {  	_ =	shalt  }
0x43: {  	_ =	shalt  }
0x44: {  	_ =	shalt  }
0x45: {  	_ =	shalt  }
0x46: {  	_ =	shalt  }
0x47: {  	_ =	shalt  }
0x48: {  	_ =	shalt  }
0x49: {  	_ =	shalt  }
0x4a: {  	_ =	shalt  }
0x4b: {  	_ =	shalt  }
0x4c: {  	_ =	shalt  }
0x4d: {  	_ =	shalt  }
0x4e: {  	_ =	shalt  }
0x4f: {  	_ =	shalt  }
0x50: {  	_ =	shalt  }
0x51: {  	_ =	shalt  }
0x52: {  	_ =	shalt  }
0x53: {  	_ =	shalt  }
0x54: {  	_ =	shalt  }
0x55: {  	_ =	shalt  }
0x56: {  	_ =	shalt  }
0x57: {  	_ =	shalt  }
0x58: {  	_ =	shalt  }
0x59: {  	_ =	shalt  }
0x5a: {  	_ =	shalt  }
0x5b: {  	_ =	shalt  }
0x5c: {  	_ =	shalt  }
0x5d: {  	_ =	shalt  }
0x5e: {  	_ =	shalt  }
0x5f: {  	_ =	shalt  }
0x60: {  	_ =	shalt  }
0x61: {  	_ =	shalt  }
0x62: {  	_ =	shalt  }
0x63: {  	_ =	shalt  }
0x64: {  	_ =	shalt  }
0x65: {  	_ =	shalt  }
0x66: {  	_ =	shalt  }
0x67: {  	_ =	shalt  }
0x68: {  	_ =	shalt  }
0x69: {  	_ =	shalt  }
0x6a: {  	_ =	shalt  }
0x6b: {  	_ =	shalt  }
0x6c: {  	_ =	shalt  }
0x6d: {  	_ =	shalt  }
0x6e: {  	_ =	shalt  }
0x6f: {  	_ =	shalt  }
0x70: {  	_ =	shalt  }
0x71: {  	_ =	shalt  }
0x72: {  	_ =	shalt  }
0x73: {  	_ =	shalt  }
0x74: {  	_ =	shalt  }
0x75: {  	_ =	shalt  }
0x76: {  	_ =	shalt  }
0x77: {  	_ =	shalt  }
0x78: {  	_ =	shalt  }
0x79: {  	_ =	shalt  }
0x7a: {  	_ =	shalt  }
0x7b: {  	_ =	shalt  }
0x7c: {  	_ =	shalt  }
0x7d: {  	_ =	shalt  }
0x7e: {  	_ =	shalt  }
0x7f: {  	_ =	shalt  }
0x80: {  	_ =	shalt  }
0x81: {  	_ =	shalt  }
0x82: {  	_ =	shalt  }
0x83: {  	_ =	shalt  }
0x84: {  	_ =	shalt  }
0x85: {  	_ =	shalt  }
0x86: {  	_ =	shalt  }
0x87: {  	_ =	shalt  }
.Lfunc_end0:
.L_simem_size_0:
called_computation.9_lowered:
.L_overlay_start_0:
0x88: {  	s2 =	sld [smem:$0x3FD9]  }
0x89: {  	s3 =	sld [smem:$0x3FFE];
	_ =	sdelay $0x1  }
0x8a: {  	s1 =	srdreg.scid  }
0x8b: {  	s0 =	sand.u32 $0x1, s1  }
0x8c: {  	s16 =	sshll.u32 s0, $0xA;
	s2 =	sadd.s32 s3, s2  }
0x8d: {  	s2 =	sadd.s32 s2, s16  }
0x8e: {  	[smem:$0x3F8E] =	sst s2  }
0x8f: {  	_ = 	snop  }
0x90: {  	(tm) =	ssettm $0x1  }
0x91: {  	s17 =	sld [smem:$0x3FFB];
	_ =	sdelay $0x3  }
0x92: {  	_ =	strace s17  }
0x93: {  	s2 =	sld [smem:$0x3FFC];
	_ =	sdelay $0x3  }
0x94: {  	_ =	strace s2  }
0x95: {  	s2 =	sld [smem:$0x3FFD];
	_ =	sdelay $0x3  }
0x96: {  	_ =	strace s2  }
0x97: {  	_ =	strace $0x8FFFFFFF  }
0x98: {  	s18 =	sld [smem:$0x3FDB];
	_ =	sdelay $0x1  }
0x99: {  	s19 =	simm.s32 $_scs_section_size  }
0x9a: {  	s4 =	simm.s32 $_size__tile_overlayer_lowered;
	s5 =	simm.s32 $_tile_overlayer_lowered  }
0x9b: {  	s22 =	simm.s32 $0x1BFF;
	s21 =	sshll.u32 s5, $0x1;
	s2 =	sadd.s32 s19, s18  }
0x9c: {  	s6 =	simm.s32 $0x0;
	s20 =	sshll.u32 s4, $0x1;
	s4 =	sadd.s32 s21, s2  }
0x9d: {  	[timem:s6], [sflag:s22] =	dma.local [hbm:s4], s20  }
0x9e: {  	_ =	swait.ge [sflag:s22], s20  }
0x9f: {  	s3 =	ssub.s32 $0x0, s20;
	[sflag:s22] =	ssyncset.done $0x0  }
0xa0: {  	[sflag:s22] =	ssyncadd.s32 s3;
	_ =	sdelay $0x1  }
0xa1: {  	s23 =	simm.s32 $0x1B8B  }
0xa2: {  	_ =	swait.ge [sflag:s23], $0x1  }
0xa3: {  	[sflag:s23] =	ssyncset.done $0x0  }
0xa4: {  	s25 =	simm.s32 $0x1B8E;
	s24 =	sld [smem:$0x3FFE];
	[sflag:s23] =	ssyncadd.s32 $0xFFFFFFFF  }
0xa5: {  	s26 =	simm.s32 $execute0_lowered;
	[smem:$0x3FD2] =	sst s25  }
0xa6: {  	s4 =	sshll.u32 s26, $0x1;
	_ =	strace $0x80000061;
	[dreg:$0x1] =	wrdreg $0xFFFFFFFF  }
0xa7: {  	s28 =	simm.s32 $_size_execute0_lowered;
	s2 =	sadd.s32 s2, s4;
	[dreg:$0x0] =	wrdreg $0x0  }
0xa8: {  	s4 =	sshll.u32 s28, $0x1;
	[dreg:$0x2] =	wrdreg s2  }
0xa9: {  	[dreg:$0x3] =	wrdreg s4  }
0xaa: {  	[dreg:$0x4] =	wrdreg $0xC0  }
0xab: {  	_ =	task [dreg:s6], $0x5FFFF  }
0xac: {  	[dreg:$0x1] =	wrdreg $0xFFFFFFFF  }
0xad: {  	[dreg:$0x0] =	wrdreg $0x60  }
0xae: {  	[dreg:$0x2] =	wrdreg s24  }
0xaf: {  	[dreg:$0x3] =	wrdreg $0xA0000  }
0xb0: {  	[dreg:$0x4] =	wrdreg $0x9  }
0xb1: {  	_ =	task.clear_ibuf [dreg:s6], $0x5FFFF;
	_ =	strace $0x90000061  }
0xb2: {  	s29 =	simm.s32 $0x9;
	_ =	strace $0x80000063  }
0xb3: {  	_ =	swait.ge [sflag:s29], $0x1  }
0xb4: {  	[sflag:s29] =	ssyncadd.s32 $0xFFFFFFFF  }
0xb5: {  	_ =	strace $0x90000063  }
0xb6: {  	_ =	sfence  }
0xb7: {  	s30 =	sld [smem:$0x0];
	_ =	sdelay $0x2  }
0xb8: {  	s31 =	sshll.u32 s1, $0xD;
	s1 =	sshrl.u32 s1, $0x2  }
0xb9: {  	s3 =	sand.u32 $0x4000, s31;
	s1 =	sadd.s32 s1, s30  }
0xba: {  	s0 =	sor.u32 s3, s0;
	s1 =	sshll.u32 s1, $0x11  }
0xbb: {  	s0 =	sor.u32 s1, s0  }
0xbc: {  	s0 =	sadd.s32 $0x8F2B, s0  }
0xbd: {  	[sflag:s0] =	ssyncadd.remote.s32 $0x1  }
0xbe: {  	_ =	sfence.sel $0xFFFF  }
0xbf: {  	[dreg:$0x0] =	wrdreg $0xFFFFFFFF;
	(pc) =	sbr.abs _section_cstart, $3  }
0xc0: {  	[dreg:$0x1] =	wrdreg $0xFFFFFFFF  }
0xc1: {  	_ =	task.clear_ibuf [dreg:s6], $0x2FFFF;
	_ =	strace $0x9FFFFFFF  }
0xc2: {  	(tm) =	ssettm $0x7FFFFFFF  }
0xc3: {  	_ =	shalt  }
tec
execute0_lowered:
.L_overlay_start_1:
0x0: {  	(tag) =	ssettag $0x1  }
0x1: {  	s8 =	rddreg [dreg:$0x0]  }
0x2: {  	s1 =	rddreg [dreg:$0x1];
	s2 =	srdreg.scid  }
0x3: {  	s0 =	rddreg [dreg:$0x2];
	s3 =	simm.s32 $0x0;
	s16 =	simm.s32 $0x80  }
0x4: {  	s17 =	simm.s32 $0x6000;
	s18 =	simm.s32 $0x1;
	s19 =	simm.s32 $0x2  }
0x5: {  	s20 =	simm.s32 $0x0;
	s9 =	sand.u32 $0x1, s2;
	s2 =	stileid.u32  }
0x6: {  	[smem:$0x7FF] =	sst s3;
	s4 =	sadd.s32 $0x2AE00, s8;
	s7 =	smul.u32 $0x140000, s9  }
0x7: {  	s5 =	sadd.s32 $0x16E00, s8;
	s6 =	sadd.s32 $0xCE00, s8;
	s10 =	smul.u32 $0x14000, s2  }
0x8: {  	_ =	strace $0x80000062;
	s11 =	smul.u32 $0x50000, s2;
	s29 =	ssub.s32 $0x2, s9  }
0x9: {  	s13 =	smul.u32 $0x50000, s9;
	s31 =	sshll.u32 s2, $0x6;
	s30 =	sshrl.u32 s29, $0x1  }
0xa: {  	s9 =	sor.u32 $0x1C03, s31;
	s10 =	sadd.s32 s10, s7;
	s7 =	sadd.s32 $0xF2E00, s8  }
0xb: {  	s11 =	sshrl.u32 s11, $0x2;
	s14 =	ssub.s32 s29, s30;
	s10 =	sshrl.u32 s10, $0x3  }
0xc: {  	s15 =	sadd.s32 s11, s1;
	s12 =	sadd.s32 s10, s8;
	s8 =	smul.u32 $0x5000, s2  }
0xd: {  	s11 =	sadd.s32 $0xF5600, s12;
	s12 =	smax.u32 s14, $0x1;
	s14 =	simm.s32 $0x3  }
0xe: {  	s10 =	sadd.s32 s13, s8;
	s13 =	sshrl.u32 s15, $0x3;
	s15 =	simm.s32 $0x2000  }
.LBB2_1:
0xf: {  	[spmem:s13], [sflag:s9] =	dma.local [hbm:s7], $0x2800  }
0x10: {  	_ =	swait.ge [sflag:s14], $0x2800  }
0x11: {  	[sflag:s14] =	ssyncset.done $0x0  }
0x12: {  	[sflag:s14] =	ssyncadd.s32 $0xFFFFD800  }
0x13: {  	s21 =	simm.s32 $0x0;
	[bflag:$0x0] =	sbarrier.arrive $0xFFFF  }
.LBB2_2:
0x14: {  	s22 =	sshll.u32 s21, $0xC  }
0x15: {  	s23 =	sadd.s32 s10, s22  }
0x16: {  	s23 =	sshrl.u32 s23, $0x3  }
0x17: {  	s23 =	sadd.s32 s5, s23  }
0x18: {  	[tilespmem:s3], [sflag:$0x3] =	stream.linear.gather [hbm4b:s23+s3], $0x1000, $0x38;
	[tilespmem:$0x1E000] =	vst v63  }
0x19: {  	s22 =	sadd.s32 s8, s22;
	_ =	swait.ge [sflag:s14], $0x1000  }
0x1a: {  	s22 =	sshrl.u32 s22, $0x3;
	[sflag:s14] =	ssyncset.done $0x0  }
0x1b: {  	s30 =	sadd.s32 s6, s22;
	s22 =	simm.s32 $0x1000;
	[sflag:s14] =	ssyncadd.s32 $0xFFFFF000  }
0x1c: {  	[tilespmem:s22], [sflag:$0x3] =	stream.linear.gather [hbm4b:s30+s3], $0x1000, $0x38;
	[tilespmem:$0x1E000] =	vst v63  }
0x1d: {  	_ =	swait.ge [sflag:s14], $0x1000  }
0x1e: {  	[sflag:s14] =	ssyncset.done $0x0  }
0x1f: {  	s23 =	simm.s32 $0x80;
	[sflag:s14] =	ssyncadd.s32 $0xFFFFF000  }
0x20: {  	[tilespmem:s15], [sflag:$0x1] =	stream.indirect.gather [hbm4b:s4+s23], $0x80, s3, s23, $0xb8;
	[tilespmem:$0x1E000] =	vst v63  }
0x21: {  	_ = 	snop  }
0x22: {  	[tilespmem:s17], [sflag:$0x2] =	stream.indirect.gather [hbm4b:s4+s16], $0x80, s23, s16, $0xb8;
	[tilespmem:$0x1E000] =	vst v63  }
0x23: {  	_ =	swait.ge [sflag:s18], $0x4000  }
0x24: {  	[sflag:s18] =	ssyncset.done $0x0  }
0x25: {  	[sflag:s18] =	ssyncadd.s32 $0xFFFFC000  }
0x26: {  	[spmem:s1] =	stream.indirect.scatter.add.f32 [tilespmem:s15], [sflag:$0x3], $0x80, s22, s16, $0xb8;
	[tilespmem:$0x1E000] =	vst v63  }
0x27: {  	_ =	swait.ge [sflag:s14], $0x4000  }
0x28: {  	s24 =	simm.s32 $0x100;
	[sflag:s14] =	ssyncset.done $0x0  }
0x29: {  	s24 =	sand.u32 $0xF00, s24;
	[sflag:s14] =	ssyncadd.s32 $0xFFFFC000  }
0x2a: {  	[tilespmem:s15], [sflag:$0x1] =	stream.indirect.gather [hbm4b:s4+s16], $0x80, s24, s16, $0xb8;
	[tilespmem:$0x1E000] =	vst v63  }
0x2b: {  	_ =	swait.ge [sflag:s19], $0x4000  }
0x2c: {  	[sflag:s19] =	ssyncset.done $0x0  }
0x2d: {  	s31 =	simm.s32 $0x1080;
	[sflag:s19] =	ssyncadd.s32 $0xFFFFC000  }
0x2e: {  	[spmem:s1] =	stream.indirect.scatter.add.f32 [tilespmem:s17], [sflag:$0x3], $0x80, s31, s16, $0xb8;
	[tilespmem:$0x1E000] =	vst v63  }
0x2f: {  	_ =	swait.ge [sflag:s14], $0x4000  }
0x30: {  	s24 =	simm.s32 $0x200;
	[sflag:s14] =	ssyncset.done $0x0  }
.LBB2_3:
0x31: {  	[sflag:s14] =	ssyncadd.s32 $0xFFFFC000  }
0x32: {  	s22 =	sadd.s32 $0x100, s22;
	s23 =	sadd.s32 $0x100, s23;
	s25 =	smov.u32 s24  }
0x33: {  	[tilespmem:s17], [sflag:$0x2] =	stream.indirect.gather [hbm4b:s4+s16], $0x80, s23, s16, $0xb8;
	[tilespmem:$0x1E000] =	vst v63  }
0x34: {  	p0 =	sne.s32 s24, $0x1000;
	s24 =	sadd.s32 $0x100, s24;
	_ =	swait.ge [sflag:s18], $0x4000  }
0x35: {  	[sflag:s18] =	ssyncset.done $0x0  }
0x36: {  	[sflag:s18] =	ssyncadd.s32 $0xFFFFC000  }
0x37: {  	[spmem:s1] =	stream.indirect.scatter.add.f32 [tilespmem:s15], [sflag:$0x3], $0x80, s22, s16, $0xb8;
	[tilespmem:$0x1E000] =	vst v63  }
0x38: {  	_ =	swait.ge [sflag:s14], $0x4000  }
0x39: {  	[sflag:s14] =	ssyncset.done $0x0  }
0x3a: {  	s25 =	sand.u32 $0xF00, s25;
	[sflag:s14] =	ssyncadd.s32 $0xFFFFC000  }
0x3b: {  	[tilespmem:s15], [sflag:$0x1] =	stream.indirect.gather [hbm4b:s4+s16], $0x80, s25, s16, $0xb8;
	[tilespmem:$0x1E000] =	vst v63  }
0x3c: {  	_ =	swait.ge [sflag:s19], $0x4000  }
.Ltmp0:
0x3d: {  	[sflag:s19] =	ssyncset.done $0x0;
	(pc) =	sbr.rel @p0 .LBB2_3-.Ltmp0, $4  }
0x3e: {  	s25 =	sadd.s32 $0x80, s22;
	[sflag:s19] =	ssyncadd.s32 $0xFFFFC000  }
0x3f: {  	[spmem:s1] =	stream.indirect.scatter.add.f32 [tilespmem:s17], [sflag:$0x3], $0x80, s25, s16, $0xb8;
	[tilespmem:$0x1E000] =	vst v63  }
0x40: {  	_ =	swait.ge [sflag:s14], $0x4000  }
0x41: {  	[sflag:s14] =	ssyncset.done $0x0  }
0x42: {  	s21 =	sadd.s32 $0x1, s21  }
0x43: {  	p0 =	sne.s32 s21, $0x5  }
.Ltmp1:
0x44: {  	_ = 	snop;
	(pc) =	sbr.rel @p0 .LBB2_2-.Ltmp1, $4  }
0x45: {  	[sflag:s14] =	ssyncadd.s32 $0xFFFFC000  }
0x46: {  	_ =	swait.ge [sflag:s18], $0x4000  }
0x47: {  	[sflag:s18] =	ssyncset.done $0x0  }
0x48: {  	[sflag:s18] =	ssyncadd.s32 $0xFFFFC000  }
0x49: {  	s20 =	sadd.s32 $0x1, s20  }
0x4a: {  	p0 =	sne.s32 s20, s12  }
.Ltmp2:
0x4b: {  	[bflag:$0x0] =	sbarrier.arrive $0xFFFF;
	(pc) =	sbr.rel @p0 .LBB2_1-.Ltmp2, $4  }
0x4c: {  	[hbm:s11], [sflag:s9] =	dma.local [spmem:s13], $0x2800  }
0x4d: {  	_ =	swait.ge [sflag:s14], $0x2800  }
0x4e: {  	[sflag:s14] =	ssyncset.done $0x0  }
0x4f: {  	[sflag:s14] =	ssyncadd.s32 $0xFFFFD800  }
0x50: {  	_ =	sfence.sel $0x180000  }
0x51: {  	[bflag:$0x0] =	sbarrier.arrive $0xFFFF  }
0x52: {  	p0 =	sne.s32 s2, $0x0;
	_ =	strace $0x90000062  }
0x53: {  	s0 =	sadd.s32 @!p0 $0x100000, s0;
	[bflag:$0x2] =	sbarrier.arrive $0xFFFF  }
0x54: {  	[sflag:s0] =	ssyncadd.tile.s32 @!p0 $0x1;
	_ =	shalt  }
.Lfunc_end2:
_tile_overlayer_lowered:
.L_overlay_start_2:
0x55: {  	(tag) =	ssettag $0x2  }
0x56: {  	s0 =	rddreg [dreg:$0x0];
	s2 =	stileid.u32  }
0x57: {  	s1 =	rddreg [dreg:$0x1];
	p0 =	sne.s32 s2, $0x0  }
0x58: {  	s3 =	rddreg [dreg:$0x2];
	[bflag:$0x3] =	sbarrier.arrive $0xFFFF;
	s2 =	simm.s32 @!p0 $0x1C03  }
0x59: {  	[timem:s3], [sflag:s2] =	dma.local @!p0 [hbm:s0], s1  }
0x5a: {  	s0 =	simm.s32 @!p0 $0x3  }
0x5b: {  	_ =	swait.ge @!p0 [sflag:s0], s1  }
0x5c: {  	s1 =	ssub.s32 @!p0 $0x0, s1;
	[sflag:s0] =	ssyncset.done @!p0 $0x0  }
0x5d: {  	[sflag:s0] =	ssyncadd.s32 @!p0 s1  }
0x5e: {  	[bflag:$0x3] =	sbarrier.arrive $0xFFFF  }
0x5f: {  	_ =	shalt  }

</sc_bundles>
